<compile_context>
chip_gen: v7x
topology: tpu7x:2x2x1
jax: 0.10.2.dev20260603
libtpu: 0.0.44.dev20260713+nightly
codegen_flags: <defaults>
</compile_context>

<pallas_src>
import jax
import jax.numpy as jnp
from jax import lax
from jax.experimental import pallas as pl
from jax.experimental.pallas import tpu as pltpu
from jax.experimental.pallas import tpu_sc as plsc

N = 10000
D_IN = 128
HID = 8
HEADS = 8
D_OUT = 128

NPAD = 10240
NC, NS = 2, 16
NW = NC * NS
RPT = NPAD // NS
B = 128
B2 = 64
PBLK1 = 40
PBLK2 = 20
NBLK1 = 2 * PBLK1
NBLK2 = 8 * PBLK2

W1ROW = 96
A1ROW = 16


def _tc_a(x_ref, w_ref, wa_ref, w1_ref, w1as_ref, r8_ref,
          hs_ref, ad_ref, init_ref):
    x = x_ref[...]
    hs_ref[...] = jnp.dot(
        x, w_ref[...], preferred_element_type=jnp.float32
    ).astype(jnp.bfloat16)
    ad = jnp.dot(x, wa_ref[...], preferred_element_type=jnp.float32)
    ad_ref[...] = ad
    h1 = jnp.dot(x, w1_ref[...], preferred_element_type=jnp.float32)
    ev = (jnp.dot(x, w1as_ref[...], preferred_element_type=jnp.float32)
          + ad[:, 0:8])
    ev = jnp.maximum(ev, 0.2 * ev)
    exs = 0.5 * jnp.exp(ev)
    exrep = jnp.dot(exs, r8_ref[...], preferred_element_type=jnp.float32)
    init_ref[:, 0:64] = h1 * exrep
    init_ref[:, 64:72] = exs


def _tc_b(m0_ref, m1_ref, r8_ref, w2p_ref, w2_ref, waa_ref, b1_ref,
          hs2_ref, aa_ref, init_ref):
    acc = m0_ref[...] + m1_ref[...]
    srep = jnp.dot(acc[:, 64:72], r8_ref[...],
                   preferred_element_type=jnp.float32)
    g = acc[:, 0:64] / (srep + 1e-16) + b1_ref[...]
    g = jnp.where(g > 0, g, jnp.exp(g) - 1.0)
    hs2_ref[...] = jnp.dot(
        g, w2p_ref[...], preferred_element_type=jnp.float32
    ).astype(jnp.bfloat16)
    aav = jnp.dot(g, waa_ref[...], preferred_element_type=jnp.float32)
    ev = aav[:, 0:1] + aav[:, 1:2]
    ev = jnp.maximum(ev, 0.2 * ev)
    exs2 = jnp.exp(ev)
    aa_ref[...] = jnp.concatenate(
        [aav[:, 0:2], exs2, aav[:, 3:16]], axis=1)
    h2n = jnp.dot(g, w2_ref[...], preferred_element_type=jnp.float32)
    init_ref[...] = h2n * (0.5 * exs2)


def _tc_c(m0_ref, m1_ref, sp_ref, ones_ref, aa_ref, b2_ref, out_ref):
    s = lax.dot_general(sp_ref[...], ones_ref[...],
                        (((0,), (0,)), ((), ())),
                        preferred_element_type=jnp.float32)
    s = s + aa_ref[:, 2:3]
    v = (m0_ref[...] + m1_ref[...]) / (s + 1e-16) + b2_ref[...]
    m = jnp.max(v, axis=1, keepdims=True)
    u = v - m
    lse = jnp.log(jnp.sum(jnp.exp(u), axis=1, keepdims=True))
    out_ref[...] = u - lse


def _sc_edge1(src_h, dst_h, hs_h, ad_h, zm_h, msg_o,
              sidxa, didxa, hsr0, hsr1, adr0, adr1, outr0, outr1,
              exbuf, accm, gs0, gs1):
    cid = lax.axis_index("c")
    sid = lax.axis_index("s")
    wid = sid * NC + cid
    pltpu.sync_copy(zm_h.at[pl.ds(sid * RPT, RPT)],
                    accm.at[pl.ds(sid * RPT, RPT)])
    plsc.subcore_barrier()
    lane = lax.broadcasted_iota(jnp.int32, (16,), 0)
    half = lane // 8
    zero16 = lane // 16
    cols = [half + 2 * k for k in range(4)]
    lane7 = jnp.bitwise_and(lane, 7)
    m8 = lane < 8

    def gathers(i, hsr, adr, gsem):
        a = pltpu.async_copy(hs_h.at[sidxa.at[i]], hsr, gsem)
        b = pltpu.async_copy(ad_h.at[didxa.at[i]], adr, gsem)
        return a, b

    def drain(i, hsr, adr, gsem):
        pltpu.make_async_copy(hs_h.at[sidxa.at[i]], hsr, gsem).wait()
        pltpu.make_async_copy(ad_h.at[didxa.at[i]], adr, gsem).wait()

    def compute(hsr, adr, outr):
        def edge(e, c2):
            as32 = hsr[e, pl.ds(64, 32)]
            asv, _ = plsc.unpack(as32, format=plsc.PackFormat.INTERLEAVED)
            adv = adr[e, :]
            ev = asv + adv
            ev = jnp.maximum(ev, 0.2 * ev)
            ex = jnp.exp(ev)
            exbuf[...] = ex
            rowi = zero16 + e
            plsc.store_scatter(outr, [rowi, 64 + lane7], ex, mask=m8)
            for k in range(2):
                hv = hsr[e, pl.ds(32 * k, 32)]
                av, bv = plsc.unpack(hv, format=plsc.PackFormat.INTERLEAVED)
                exba = plsc.load_gather(exbuf, [cols[2 * k]])
                exbb = plsc.load_gather(exbuf, [cols[2 * k + 1]])
                outr[e, pl.ds(32 * k, 16)] = av * exba
                outr[e, pl.ds(32 * k + 16, 16)] = bv * exbb
            return c2

        lax.fori_loop(0, B, edge, 0, unroll=2)

    def scatter(i, outr):
        pltpu.sync_copy(outr, accm.at[didxa.at[i]], add=True)

    def phase(p, pcarry):
        row0 = wid * NBLK1 + p * PBLK1
        pltpu.sync_copy(src_h.at[pl.ds(row0, PBLK1)], sidxa)
        pltpu.sync_copy(dst_h.at[pl.ds(row0, PBLK1)], didxa)
        gathers(0, hsr0, adr0, gs0)

        def body(j, carry):
            i0 = 2 * j
            i1 = i0 + 1
            c1a, c1b = gathers(i1, hsr1, adr1, gs1)
            drain(i0, hsr0, adr0, gs0)
            compute(hsr0, adr0, outr0)

            @pl.when(i0 + 2 < PBLK1)
            def _():
                gathers(i0 + 2, hsr0, adr0, gs0)

            scatter(i0, outr0)
            c1a.wait()
            c1b.wait()
            compute(hsr1, adr1, outr1)

            @pl.when(i1 + 2 < PBLK1)
            def _():
                gathers(i1 + 2, hsr1, adr1, gs1)

            scatter(i1, outr1)
            return carry

        lax.fori_loop(0, PBLK1 // 2, body, 0)
        return pcarry

    lax.fori_loop(0, NBLK1 // PBLK1, phase, 0)
    plsc.subcore_barrier()
    pltpu.sync_copy(accm.at[pl.ds(sid * RPT, RPT)],
                    msg_o.at[cid].at[pl.ds(sid * RPT, RPT)])


def _sc_edge2(src_h, dst_h, hs2_h, aspk_h, zm_h, zs_h, msg_o, s_o,
              sidxa, didxa, h2r0, h2r1, outr0, outr1, aspk, exbuf,
              s2loc, accm, gs0, gs1):
    cid = lax.axis_index("c")
    sid = lax.axis_index("s")
    wid = sid * NC + cid
    pltpu.sync_copy(aspk_h, aspk)
    pltpu.sync_copy(zs_h, s2loc)
    pltpu.sync_copy(zm_h.at[pl.ds(sid * RPT, RPT)],
                    accm.at[pl.ds(sid * RPT, RPT)])
    plsc.subcore_barrier()
    lane = lax.broadcasted_iota(jnp.int32, (16,), 0)
    zero16 = lane // 16
    jcols = [zero16 + j for j in range(16)]
    m1 = lane < 1

    def gathers(i, h2r, gsem):
        pltpu.async_copy(hs2_h.at[sidxa.at[i]], h2r, gsem)

    def drain(i, h2r, gsem):
        pltpu.make_async_copy(hs2_h.at[sidxa.at[i]], h2r, gsem).wait()

    def compute(i, h2r, outr):
        def grp(g, c2):
            s16 = sidxa[i, pl.ds(g * 16, 16)]
            d16 = didxa[i, pl.ds(g * 16, 16)]
            asg, _ = plsc.unpack(
                plsc.bitcast(plsc.load_gather(aspk, [s16]), jnp.bfloat16),
                format=plsc.PackFormat.INTERLEAVED)
            _, adg = plsc.unpack(
                plsc.bitcast(plsc.load_gather(aspk, [d16]), jnp.bfloat16),
                format=plsc.PackFormat.INTERLEAVED)
            ev = asg + adg
            ev = jnp.maximum(ev, 0.2 * ev)
            ex16 = jnp.exp(ev)
            exbuf[...] = ex16
            for j in range(16):
                e = g * 16 + j
                exb = plsc.load_gather(exbuf, [jcols[j]])
                dv = plsc.load_gather(didxa, [zero16 + i, zero16 + e])
                plsc.addupdate_scatter(s2loc, [dv], exb, mask=m1)
                for k in range(4):
                    hv = h2r[e, pl.ds(32 * k, 32)]
                    av, bv = plsc.unpack(
                        hv, format=plsc.PackFormat.INTERLEAVED)
                    outr[e, pl.ds(32 * k, 16)] = av * exb
                    outr[e, pl.ds(32 * k + 16, 16)] = bv * exb
            return c2

        lax.fori_loop(0, B2 // 16, grp, 0)

    def scatter(i, outr):
        pltpu.sync_copy(outr, accm.at[didxa.at[i]], add=True)

    def phase(p, pcarry):
        row0 = wid * NBLK2 + p * PBLK2
        pltpu.sync_copy(src_h.at[pl.ds(row0, PBLK2)], sidxa)
        pltpu.sync_copy(dst_h.at[pl.ds(row0, PBLK2)], didxa)
        gathers(0, h2r0, gs0)

        def body(j, carry):
            i0 = 2 * j
            i1 = i0 + 1
            gathers(i1, h2r1, gs1)
            drain(i0, h2r0, gs0)
            compute(i0, h2r0, outr0)

            @pl.when(i0 + 2 < PBLK2)
            def _():
                gathers(i0 + 2, h2r0, gs0)

            scatter(i0, outr0)
            drain(i1, h2r1, gs1)
            compute(i1, h2r1, outr1)

            @pl.when(i1 + 2 < PBLK2)
            def _():
                gathers(i1 + 2, h2r1, gs1)

            scatter(i1, outr1)
            return carry

        lax.fori_loop(0, PBLK2 // 2, body, 0)
        return pcarry

    lax.fori_loop(0, NBLK2 // PBLK2, phase, 0)
    plsc.subcore_barrier()
    pltpu.sync_copy(accm.at[pl.ds(sid * RPT, RPT)],
                    msg_o.at[cid].at[pl.ds(sid * RPT, RPT)])
    pltpu.sync_copy(s2loc, s_o.at[cid].at[sid])


def kernel(x, edge_index, W1, a_src1, a_dst1, b1, W2, a_src2, a_dst2, b2):
    f32 = jnp.float32
    i32 = jnp.int32

    e_real = edge_index.shape[1]
    e_pad = NW * NBLK1 * B
    assert e_pad >= e_real and NBLK1 * B == NBLK2 * B2
    pad = jnp.full((e_pad - e_real,), N, dtype=i32)
    src = jnp.concatenate([edge_index[0].astype(i32), pad])
    dst = jnp.concatenate([edge_index[1].astype(i32), pad])
    src2d = src.reshape(NW * NBLK1, B)
    dst2d = dst.reshape(NW * NBLK1, B)
    src2d64 = src.reshape(NW * NBLK2, B2)
    dst2d64 = dst.reshape(NW * NBLK2, B2)

    k64 = jnp.arange(HEADS * HID)
    as64 = jnp.zeros((HEADS * HID, HEADS), f32).at[k64, k64 // HID].set(
        a_src1.reshape(-1))
    ad64 = jnp.zeros((HEADS * HID, HEADS), f32).at[k64, k64 // HID].set(
        a_dst1.reshape(-1))
    r8 = jnp.zeros((HEADS, HEADS * HID), f32).at[k64 // HID, k64].set(1.0)
    j64 = jnp.arange(64)
    perm = 32 * (j64 // 32) + (j64 % 2) * 16 + (j64 % 32) // 2
    asport = jnp.zeros((D_IN, 32), f32).at[:, 2 * jnp.arange(8)].set(
        W1 @ as64)
    w1cat = jnp.concatenate([W1[:, perm], asport], axis=1)
    w1ad = jnp.concatenate(
        [W1 @ ad64, jnp.zeros((D_IN, 8), f32)], axis=1)
    waa = jnp.concatenate(
        [W2 @ a_src2.reshape(-1, 1), W2 @ a_dst2.reshape(-1, 1),
         jnp.zeros((HEADS * HID, 14), f32)], axis=1)
    ones32 = jnp.ones((NW, 1), f32)
    j128 = jnp.arange(128)
    perm128 = 32 * (j128 // 32) + (j128 % 2) * 16 + (j128 % 32) // 2
    w2p = W2[:, perm128]

    x_pad = jnp.zeros((NPAD, D_IN), f32).at[:N].set(x)

    hs1, ad1, init1 = pl.pallas_call(
        _tc_a,
        out_shape=(jax.ShapeDtypeStruct((NPAD, W1ROW), jnp.bfloat16),
                   jax.ShapeDtypeStruct((NPAD, A1ROW), f32),
                   jax.ShapeDtypeStruct((NPAD, 72), f32)),
    )(x_pad, w1cat, w1ad, W1, W1 @ as64, r8)

    mesh = plsc.VectorSubcoreMesh(core_axis_name="c", subcore_axis_name="s")
    sc_params = pltpu.CompilerParams(
        use_tc_tiling_on_sc=False, needs_layout_passes=False)
    msg1 = pl.kernel(
        _sc_edge1,
        out_type=jax.ShapeDtypeStruct((NC, NPAD, 72), f32),
        mesh=mesh,
        compiler_params=sc_params,
        scratch_types=[
            pltpu.VMEM((PBLK1, B), i32),
            pltpu.VMEM((PBLK1, B), i32),
            pltpu.VMEM((B, W1ROW), jnp.bfloat16),
            pltpu.VMEM((B, W1ROW), jnp.bfloat16),
            pltpu.VMEM((B, A1ROW), f32),
            pltpu.VMEM((B, A1ROW), f32),
            pltpu.VMEM((B, 72), f32),
            pltpu.VMEM((B, 72), f32),
            pltpu.VMEM((16,), f32),
            pltpu.VMEM_SHARED((NPAD, 72), f32),
            pltpu.SemaphoreType.DMA,
            pltpu.SemaphoreType.DMA,
        ],
    )(src2d, dst2d, hs1, ad1, init1)

    hs2, aa, init2 = pl.pallas_call(
        _tc_b,
        out_shape=(jax.ShapeDtypeStruct((NPAD, D_OUT), jnp.bfloat16),
                   jax.ShapeDtypeStruct((NPAD, 16), f32),
                   jax.ShapeDtypeStruct((NPAD, D_OUT), f32)),
    )(msg1[0], msg1[1], r8, w2p, W2, waa, b1.reshape(1, -1))

    as2u = lax.bitcast_convert_type(
        aa[:, 0].astype(jnp.bfloat16), jnp.uint16).astype(jnp.uint32)
    ad2u = lax.bitcast_convert_type(
        aa[:, 1].astype(jnp.bfloat16), jnp.uint16).astype(jnp.uint32)
    aspk = lax.bitcast_convert_type(
        (ad2u << 16) | as2u, jnp.int32).reshape(NPAD)

    zs2 = jnp.zeros((NPAD,), f32)
    msg2, s2 = pl.kernel(
        _sc_edge2,
        out_type=(jax.ShapeDtypeStruct((NC, NPAD, D_OUT), f32),
                  jax.ShapeDtypeStruct((NC, NS, NPAD), f32)),
        mesh=mesh,
        compiler_params=sc_params,
        scratch_types=[
            pltpu.VMEM((PBLK2, B2), i32),
            pltpu.VMEM((PBLK2, B2), i32),
            pltpu.VMEM((B2, D_OUT), jnp.bfloat16),
            pltpu.VMEM((B2, D_OUT), jnp.bfloat16),
            pltpu.VMEM((B2, D_OUT), f32),
            pltpu.VMEM((B2, D_OUT), f32),
            pltpu.VMEM((NPAD,), i32),
            pltpu.VMEM((16,), f32),
            pltpu.VMEM((NPAD,), f32),
            pltpu.VMEM_SHARED((NPAD, D_OUT), f32),
            pltpu.SemaphoreType.DMA,
            pltpu.SemaphoreType.DMA,
        ],
    )(src2d64, dst2d64, hs2, aspk, init2, zs2)

    out = pl.pallas_call(
        _tc_c,
        out_shape=jax.ShapeDtypeStruct((NPAD, D_OUT), f32),
    )(msg2[0], msg2[1], s2.reshape(NW, NPAD), ones32, aa,
      b2.reshape(1, -1))
    return out[:N]

# --- scband reference (transcript-rebuilt; emitter-appended) ---
"""Pipeline reference for scband-gat-22308060136206 (READ-ONLY COPY).

The authoritative reference and input builder live on the scoring server;
editing this copy changes nothing except your own understanding.
"""

import jax, jax.numpy as jnp
import numpy as np

N = 10000
E = 320000
D_IN = 128
HID = 8
IN_HEADS = 8
D_OUT = 128


def setup_inputs(seed: int = 0) -> dict:
    key = jax.random.key(seed)
    ks = jax.random.split(key, 10)
    x = jax.random.normal(ks[0], (N, D_IN), dtype=jnp.float32)
    edge_index = jax.random.randint(ks[1], (2, E), 0, N, dtype=jnp.int32)
    s_in = 1.0 / np.sqrt(D_IN)
    s_hid = 1.0 / np.sqrt(HID)
    s_h1 = 1.0 / np.sqrt(IN_HEADS * HID)
    s_out = 1.0 / np.sqrt(D_OUT)
    W1 = jax.random.normal(ks[2], (D_IN, IN_HEADS * HID), dtype=jnp.float32) * s_in
    a_src1 = jax.random.normal(ks[3], (IN_HEADS, HID), dtype=jnp.float32) * s_hid
    a_dst1 = jax.random.normal(ks[4], (IN_HEADS, HID), dtype=jnp.float32) * s_hid
    b1 = jnp.zeros((IN_HEADS * HID,), dtype=jnp.float32)
    W2 = jax.random.normal(ks[5], (IN_HEADS * HID, 1 * D_OUT), dtype=jnp.float32) * s_h1
    a_src2 = jax.random.normal(ks[6], (1, D_OUT), dtype=jnp.float32) * s_out
    a_dst2 = jax.random.normal(ks[7], (1, D_OUT), dtype=jnp.float32) * s_out
    b2 = jnp.zeros((D_OUT,), dtype=jnp.float32)
    return {"x": x, "edge_index": edge_index, "W1": W1, "a_src1": a_src1, "a_dst1": a_dst1, "b1": b1, "W2": W2, "a_src2": a_src2, "a_dst2": a_dst2, "b2": b2}


def gat_conv(x, src, dst, W, a_s, a_d, b, heads, out_dim, concat):
    n = x.shape[0]
    h = (x @ W).reshape(n, heads, out_dim)
    alpha_s = (h * a_s[None, :, :]).sum(-1)  # [N, heads]
    alpha_d = (h * a_d[None, :, :]).sum(-1)  # [N, heads]
    e = alpha_s[src] + alpha_d[dst]          # [E, heads]
    e = jax.nn.leaky_relu(e, 0.2)
    m = jax.ops.segment_max(e, dst, num_segments=n)
    m = jnp.where(jnp.isfinite(m), m, 0.0)
    ex = jnp.exp(e - m[dst])
    s = jax.ops.segment_sum(ex, dst, num_segments=n)
    alpha = ex / (s[dst] + 1e-16)            # [E, heads] edge softmax over incoming edges
    msg = h[src] * alpha[:, :, None]         # [E, heads, out_dim]
    out = jax.ops.segment_sum(msg, dst, num_segments=n)
    if concat:
        out = out.reshape(n, heads * out_dim)
    else:
        out = out.mean(axis=1)
    return out + b


def reference(x, edge_index, W1, a_src1, a_dst1, b1, W2, a_src2, a_dst2, b2):
    n = x.shape[0]
    loop = jnp.arange(n, dtype=edge_index.dtype)
    ei = jnp.concatenate([edge_index, jnp.stack([loop, loop])], axis=1)
    src, dst = ei[0], ei[1]
    # dropout layers are identity in eval mode
    h = gat_conv(x, src, dst, W1, a_src1, a_dst1, b1, IN_HEADS, HID, True)
    h = jax.nn.elu(h)
    h = gat_conv(h, src, dst, W2, a_src2, a_dst2, b2, 1, D_OUT, False)
    return jax.nn.log_softmax(h, axis=1)

if __name__ == "__main__":
    import jax
    _d = setup_inputs()
    print(jax.jit(kernel)(*tuple(_d.values())))

</pallas_src>

<mosaic_0001>
#map = affine_map<(d0, d1) -> (0, 0)>
#map1 = affine_map<(d0, d1) -> (0, 0, 0)>
module attributes {stable_mosaic.version = 14 : i64} {
  func.func @_sc_edge1(%arg0: i32, %arg1: i32, %arg2: memref<2560x128xi32, #tpu.memory_space<hbm>>, %arg3: memref<2560x128xi32, #tpu.memory_space<hbm>>, %arg4: memref<10240x96xbf16, #tpu.memory_space<hbm>>, %arg5: memref<10240x16xf32, #tpu.memory_space<hbm>>, %arg6: memref<10240x72xf32, #tpu.memory_space<hbm>>, %arg7: memref<2x10240x72xf32, #tpu.memory_space<hbm>>, %arg8: memref<40x128xi32, #tpu.memory_space<vmem>>, %arg9: memref<40x128xi32, #tpu.memory_space<vmem>>, %arg10: memref<128x96xbf16, #tpu.memory_space<vmem>>, %arg11: memref<128x96xbf16, #tpu.memory_space<vmem>>, %arg12: memref<128x16xf32, #tpu.memory_space<vmem>>, %arg13: memref<128x16xf32, #tpu.memory_space<vmem>>, %arg14: memref<128x72xf32, #tpu.memory_space<vmem>>, %arg15: memref<128x72xf32, #tpu.memory_space<vmem>>, %arg16: memref<16xf32, #tpu.memory_space<vmem>>, %arg17: memref<10240x72xf32, #tpu.memory_space<vmem_shared>>, %arg18: memref<!tpu.dma_semaphore, #tpu.memory_space<semaphore_mem>>, %arg19: memref<!tpu.dma_semaphore, #tpu.memory_space<semaphore_mem>>) attributes {dimension_semantics = [#tpu.dimension_semantics<core_parallel>, #tpu.dimension_semantics<subcore_parallel>], iteration_bounds = array<i64: 2, 16>, scalar_prefetch = 0 : i64, scratch_operands = 12 : i64, tpu.core_type = #tpu.core_type<sc_vector_subcore>, window_params = [{transform_indices = #map}, {transform_indices = #map}, {transform_indices = #map}, {transform_indices = #map}, {transform_indices = #map}, {transform_indices = #map1}]} {
    %mul3A = arith.constant 2 : i32
    %mul3A_0 = arith.muli %arg1, %mul3A : i32
    %add3A = arith.addi %mul3A_0, %arg0 : i32
    %mul3A_1 = arith.constant 640 : i32
    %mul3A_2 = arith.muli %arg1, %mul3A_1 : i32
    %mul3A_3 = arith.constant 640 : i32
    %mul3A_4 = arith.muli %arg1, %mul3A_3 : i32
    "tpu.region"() ({
      %run_scoped3A = tpu.sem_alloc : memref<!tpu.dma_semaphore, #tpu.memory_space<semaphore_mem>>
      %dma_start3A = arith.constant 0 : i32
      %dma_start3A_86 = tpu.memref_slice %arg17[%mul3A_4, %dma_start3A] : memref<10240x72xf32, #tpu.memory_space<vmem_shared>> -> memref<640x72xf32, #tpu.memory_space<vmem_shared>>
      %dma_start3A_87 = arith.constant 0 : i32
      %dma_start3A_88 = tpu.memref_slice %arg6[%mul3A_2, %dma_start3A_87] : memref<10240x72xf32, #tpu.memory_space<hbm>> -> memref<640x72xf32, #tpu.memory_space<hbm>>
      tpu.enqueue_dma source(%dma_start3A_88 : memref<640x72xf32, #tpu.memory_space<hbm>>) target(%dma_start3A_86 : memref<640x72xf32, #tpu.memory_space<vmem_shared>>) target_semaphore(%run_scoped3A : memref<!tpu.dma_semaphore, #tpu.memory_space<semaphore_mem>>)
      %dma_wait3A = arith.constant 0 : i32
      %dma_wait3A_89 = tpu.memref_slice %arg17[%mul3A_4, %dma_wait3A] : memref<10240x72xf32, #tpu.memory_space<vmem_shared>> -> memref<640x72xf32, #tpu.memory_space<vmem_shared>>
      %dma_wait3A_90 = arith.constant 0 : i32
      %dma_wait3A_91 = tpu.memref_slice %arg6[%mul3A_2, %dma_wait3A_90] : memref<10240x72xf32, #tpu.memory_space<hbm>> -> memref<640x72xf32, #tpu.memory_space<hbm>>
      tpu.wait_dma2 semaphore(%run_scoped3A : memref<!tpu.dma_semaphore, #tpu.memory_space<semaphore_mem>>) src(%dma_wait3A_91 : memref<640x72xf32, #tpu.memory_space<hbm>>) dst(%dma_wait3A_89 : memref<640x72xf32, #tpu.memory_space<vmem_shared>>)
      tpu.yield
    }) : () -> ()
    %barrier3A = arith.constant 0 : index
    tpu.barrier barrier_id(%barrier3A)
    %iota3A = tpu.iota {dimensions = array<i32: 0>} : vector<16xi32>
    %jit3A = arith.constant 8 : i32
    %div3A = vector.broadcast %jit3A : i32 to vector<16xi32>
    %div3A_5 = arith.divsi %iota3A, %div3A : vector<16xi32>
    %sign3A = arith.constant 0 : i32
    %sign3A_6 = vector.broadcast %sign3A : i32 to vector<16xi32>
    %sign3A_7 = arith.cmpi sgt, %iota3A, %sign3A_6 : vector<16xi32>
    %sign3A_8 = arith.extui %sign3A_7 : vector<16xi1> to vector<16xi32>
    %sign3A_9 = arith.constant 0 : i32
    %sign3A_10 = vector.broadcast %sign3A_9 : i32 to vector<16xi32>
    %sign3A_11 = arith.cmpi slt, %iota3A, %sign3A_10 : vector<16xi32>
    %sign3A_12 = arith.extui %sign3A_11 : vector<16xi1> to vector<16xi32>
    %sign3A_13 = arith.subi %sign3A_8, %sign3A_12 : vector<16xi32>
    %sign3A_14 = arith.constant 0 : i32
    %sign3A_15 = arith.cmpi sgt, %jit3A, %sign3A_14 : i32
    %sign3A_16 = arith.extui %sign3A_15 : i1 to i32
    %sign3A_17 = arith.constant 0 : i32
    %sign3A_18 = arith.cmpi slt, %jit3A, %sign3A_17 : i32
    %sign3A_19 = arith.extui %sign3A_18 : i1 to i32
    %sign3A_20 = arith.subi %sign3A_16, %sign3A_19 : i32
    %ne3A = vector.broadcast %sign3A_20 : i32 to vector<16xi32>
    %ne3A_21 = arith.cmpi ne, %sign3A_13, %ne3A : vector<16xi32>
    %rem3A = vector.broadcast %jit3A : i32 to vector<16xi32>
    %rem3A_22 = arith.remsi %iota3A, %rem3A : vector<16xi32>
    %ne3A_23 = arith.constant 0 : i32
    %ne3A_24 = vector.broadcast %ne3A_23 : i32 to vector<16xi32>
    %ne3A_25 = arith.cmpi ne, %rem3A_22, %ne3A_24 : vector<16xi32>
    %and3A = arith.andi %ne3A_21, %ne3A_25 : vector<16xi1>
    %sub3A = arith.constant 1 : i32
    %sub3A_26 = vector.broadcast %sub3A : i32 to vector<16xi32>
    %sub3A_27 = arith.subi %div3A_5, %sub3A_26 : vector<16xi32>
    %select_n3A = arith.select %and3A, %sub3A_27, %div3A_5 : vector<16xi1>, vector<16xi32>
    %jit3A_28 = arith.constant 16 : i32
    %div3A_29 = vector.broadcast %jit3A_28 : i32 to vector<16xi32>
    %div3A_30 = arith.divsi %iota3A, %div3A_29 : vector<16xi32>
    %sign3A_31 = arith.constant 0 : i32
    %sign3A_32 = vector.broadcast %sign3A_31 : i32 to vector<16xi32>
    %sign3A_33 = arith.cmpi sgt, %iota3A, %sign3A_32 : vector<16xi32>
    %sign3A_34 = arith.extui %sign3A_33 : vector<16xi1> to vector<16xi32>
    %sign3A_35 = arith.constant 0 : i32
    %sign3A_36 = vector.broadcast %sign3A_35 : i32 to vector<16xi32>
    %sign3A_37 = arith.cmpi slt, %iota3A, %sign3A_36 : vector<16xi32>
    %sign3A_38 = arith.extui %sign3A_37 : vector<16xi1> to vector<16xi32>
    %sign3A_39 = arith.subi %sign3A_34, %sign3A_38 : vector<16xi32>
    %sign3A_40 = arith.constant 0 : i32
    %sign3A_41 = arith.cmpi sgt, %jit3A_28, %sign3A_40 : i32
    %sign3A_42 = arith.extui %sign3A_41 : i1 to i32
    %sign3A_43 = arith.constant 0 : i32
    %sign3A_44 = arith.cmpi slt, %jit3A_28, %sign3A_43 : i32
    %sign3A_45 = arith.extui %sign3A_44 : i1 to i32
    %sign3A_46 = arith.subi %sign3A_42, %sign3A_45 : i32
    %ne3A_47 = vector.broadcast %sign3A_46 : i32 to vector<16xi32>
    %ne3A_48 = arith.cmpi ne, %sign3A_39, %ne3A_47 : vector<16xi32>
    %rem3A_49 = vector.broadcast %jit3A_28 : i32 to vector<16xi32>
    %rem3A_50 = arith.remsi %iota3A, %rem3A_49 : vector<16xi32>
    %ne3A_51 = arith.constant 0 : i32
    %ne3A_52 = vector.broadcast %ne3A_51 : i32 to vector<16xi32>
    %ne3A_53 = arith.cmpi ne, %rem3A_50, %ne3A_52 : vector<16xi32>
    %and3A_54 = arith.andi %ne3A_48, %ne3A_53 : vector<16xi1>
    %sub3A_55 = arith.constant 1 : i32
    %sub3A_56 = vector.broadcast %sub3A_55 : i32 to vector<16xi32>
    %sub3A_57 = arith.subi %div3A_30, %sub3A_56 : vector<16xi32>
    %select_n3A_58 = arith.select %and3A_54, %sub3A_57, %div3A_30 : vector<16xi1>, vector<16xi32>
    %add3A_59 = arith.constant 0 : i32
    %add3A_60 = vector.broadcast %add3A_59 : i32 to vector<16xi32>
    %add3A_61 = arith.addi %select_n3A, %add3A_60 : vector<16xi32>
    %add3A_62 = arith.constant 2 : i32
    %add3A_63 = vector.broadcast %add3A_62 : i32 to vector<16xi32>
    %add3A_64 = arith.addi %select_n3A, %add3A_63 : vector<16xi32>
    %add3A_65 = arith.constant 4 : i32
    %add3A_66 = vector.broadcast %add3A_65 : i32 to vector<16xi32>
    %add3A_67 = arith.addi %select_n3A, %add3A_66 : vector<16xi32>
    %add3A_68 = arith.constant 6 : i32
    %add3A_69 = vector.broadcast %add3A_68 : i32 to vector<16xi32>
    %add3A_70 = arith.addi %select_n3A, %add3A_69 : vector<16xi32>
    %and3A_71 = arith.constant 7 : i32
    %and3A_72 = vector.broadcast %and3A_71 : i32 to vector<16xi32>
    %and3A_73 = arith.andi %iota3A, %and3A_72 : vector<16xi32>
    %lt3A = arith.constant 8 : i32
    %lt3A_74 = vector.broadcast %lt3A : i32 to vector<16xi32>
    %lt3A_75 = arith.cmpi slt, %iota3A, %lt3A_74 : vector<16xi32>
    %scan3A = arith.constant 0 : i32
    %scan3A_76 = arith.constant 0 : i32
    %scan3A_77 = arith.constant 2 : i32
    %scan3A_78 = arith.addi %scan3A_76, %scan3A_77 : i32
    %scan3A_79 = arith.constant 1 : i32
    scf.for %scan3A_86 = %scan3A_76 to %scan3A_78 step %scan3A_79  : i32 {
      %mul3A_87 = arith.constant 80 : i32
      %mul3A_88 = arith.muli %add3A, %mul3A_87 : i32
      %mul3A_89 = arith.constant 40 : i32
      %mul3A_90 = arith.muli %scan3A_86, %mul3A_89 : i32
      %add3A_91 = arith.addi %mul3A_88, %mul3A_90 : i32
      "tpu.region"() ({
        %run_scoped3A = tpu.sem_alloc : memref<!tpu.dma_semaphore, #tpu.memory_space<semaphore_mem>>
        %dma_start3A_111 = arith.constant 0 : i32
        %dma_start3A_112 = tpu.memref_slice %arg2[%add3A_91, %dma_start3A_111] : memref<2560x128xi32, #tpu.memory_space<hbm>> -> memref<40x128xi32, #tpu.memory_space<hbm>>
        %dma_start3A_113 = arith.constant 0 : i32
        %dma_start3A_114 = tpu.memref_slice %arg2[%add3A_91, %dma_start3A_113] : memref<2560x128xi32, #tpu.memory_space<hbm>> -> memref<40x128xi32, #tpu.memory_space<hbm>>
        tpu.enqueue_dma source(%dma_start3A_114 : memref<40x128xi32, #tpu.memory_space<hbm>>) target(%arg8 : memref<40x128xi32, #tpu.memory_space<vmem>>) target_semaphore(%run_scoped3A : memref<!tpu.dma_semaphore, #tpu.memory_space<semaphore_mem>>)
        %dma_wait3A = arith.constant 0 : i32
        %dma_wait3A_115 = tpu.memref_slice %arg2[%add3A_91, %dma_wait3A] : memref<2560x128xi32, #tpu.memory_space<hbm>> -> memref<40x128xi32, #tpu.memory_space<hbm>>
        %dma_wait3A_116 = arith.constant 0 : i32
        %dma_wait3A_117 = tpu.memref_slice %arg2[%add3A_91, %dma_wait3A_116] : memref<2560x128xi32, #tpu.memory_space<hbm>> -> memref<40x128xi32, #tpu.memory_space<hbm>>
        tpu.wait_dma2 semaphore(%run_scoped3A : memref<!tpu.dma_semaphore, #tpu.memory_space<semaphore_mem>>) src(%dma_wait3A_117 : memref<40x128xi32, #tpu.memory_space<hbm>>) dst(%arg8 : memref<40x128xi32, #tpu.memory_space<vmem>>)
        tpu.yield
      }) : () -> ()
      "tpu.region"() ({
        %run_scoped3A = tpu.sem_alloc : memref<!tpu.dma_semaphore, #tpu.memory_space<semaphore_mem>>
        %dma_start3A_111 = arith.constant 0 : i32
        %dma_start3A_112 = tpu.memref_slice %arg3[%add3A_91, %dma_start3A_111] : memref<2560x128xi32, #tpu.memory_space<hbm>> -> memref<40x128xi32, #tpu.memory_space<hbm>>
        %dma_start3A_113 = arith.constant 0 : i32
        %dma_start3A_114 = tpu.memref_slice %arg3[%add3A_91, %dma_start3A_113] : memref<2560x128xi32, #tpu.memory_space<hbm>> -> memref<40x128xi32, #tpu.memory_space<hbm>>
        tpu.enqueue_dma source(%dma_start3A_114 : memref<40x128xi32, #tpu.memory_space<hbm>>) target(%arg9 : memref<40x128xi32, #tpu.memory_space<vmem>>) target_semaphore(%run_scoped3A : memref<!tpu.dma_semaphore, #tpu.memory_space<semaphore_mem>>)
        %dma_wait3A = arith.constant 0 : i32
        %dma_wait3A_115 = tpu.memref_slice %arg3[%add3A_91, %dma_wait3A] : memref<2560x128xi32, #tpu.memory_space<hbm>> -> memref<40x128xi32, #tpu.memory_space<hbm>>
        %dma_wait3A_116 = arith.constant 0 : i32
        %dma_wait3A_117 = tpu.memref_slice %arg3[%add3A_91, %dma_wait3A_116] : memref<2560x128xi32, #tpu.memory_space<hbm>> -> memref<40x128xi32, #tpu.memory_space<hbm>>
        tpu.wait_dma2 semaphore(%run_scoped3A : memref<!tpu.dma_semaphore, #tpu.memory_space<semaphore_mem>>) src(%dma_wait3A_117 : memref<40x128xi32, #tpu.memory_space<hbm>>) dst(%arg9 : memref<40x128xi32, #tpu.memory_space<vmem>>)
        tpu.yield
      }) : () -> ()
      %dma_start3A = arith.constant 0 : i32
      %dma_start3A_92 = arith.constant 0 : i32
      %dma_start3A_93 = tpu.memref_slice %arg8[%dma_start3A, %dma_start3A_92] : memref<40x128xi32, #tpu.memory_space<vmem>> -> memref<1x128xi32, #tpu.memory_space<vmem>>
      %dma_start3A_94 = tpu.memref_squeeze %dma_start3A_93 : memref<1x128xi32, #tpu.memory_space<vmem>> -> memref<128xi32, #tpu.memory_space<vmem>>
      %dma_start3A_95 = arith.constant 0 : i32
      %dma_start3A_96 = arith.constant 0 : i32
      %dma_start3A_97 = tpu.memref_slice %arg4[%dma_start3A_95, %dma_start3A_96] : memref<10240x96xbf16, #tpu.memory_space<hbm>> -> memref<10240x96xbf16, #tpu.memory_space<hbm>>
      tpu.enqueue_indirect_dma source(%dma_start3A_97 : memref<10240x96xbf16, #tpu.memory_space<hbm>>) target(%arg10 : memref<128x96xbf16, #tpu.memory_space<vmem>>) offsets(%dma_start3A_94 : memref<128xi32, #tpu.memory_space<vmem>>) semaphore(%arg18 : memref<!tpu.dma_semaphore, #tpu.memory_space<semaphore_mem>>)
      %dma_start3A_98 = arith.constant 0 : i32
      %dma_start3A_99 = arith.constant 0 : i32
      %dma_start3A_100 = tpu.memref_slice %arg9[%dma_start3A_98, %dma_start3A_99] : memref<40x128xi32, #tpu.memory_space<vmem>> -> memref<1x128xi32, #tpu.memory_space<vmem>>
      %dma_start3A_101 = tpu.memref_squeeze %dma_start3A_100 : memref<1x128xi32, #tpu.memory_space<vmem>> -> memref<128xi32, #tpu.memory_space<vmem>>
      %dma_start3A_102 = arith.constant 0 : i32
      %dma_start3A_103 = arith.constant 0 : i32
      %dma_start3A_104 = tpu.memref_slice %arg5[%dma_start3A_102, %dma_start3A_103] : memref<10240x16xf32, #tpu.memory_space<hbm>> -> memref<10240x16xf32, #tpu.memory_space<hbm>>
      tpu.enqueue_indirect_dma source(%dma_start3A_104 : memref<10240x16xf32, #tpu.memory_space<hbm>>) target(%arg12 : memref<128x16xf32, #tpu.memory_space<vmem>>) offsets(%dma_start3A_101 : memref<128xi32, #tpu.memory_space<vmem>>) semaphore(%arg18 : memref<!tpu.dma_semaphore, #tpu.memory_space<semaphore_mem>>)
      %scan3A_105 = arith.constant 0 : i32
      %scan3A_106 = arith.constant 0 : i32
      %scan3A_107 = arith.constant 20 : i32
      %scan3A_108 = arith.addi %scan3A_106, %scan3A_107 : i32
      %scan3A_109 = arith.constant 1 : i32
      scf.for %scan3A_111 = %scan3A_106 to %scan3A_108 step %scan3A_109  : i32 {
        %mul3A_112 = arith.constant 2 : i32
        %mul3A_113 = arith.muli %mul3A_112, %scan3A_111 : i32
        %add3A_114 = arith.constant 1 : i32
        %add3A_115 = arith.addi %mul3A_113, %add3A_114 : i32
        %dma_start3A_116 = arith.constant 0 : i32
        %dma_start3A_117 = tpu.memref_slice %arg8[%add3A_115, %dma_start3A_116] : memref<40x128xi32, #tpu.memory_space<vmem>> -> memref<1x128xi32, #tpu.memory_space<vmem>>
        %dma_start3A_118 = tpu.memref_squeeze %dma_start3A_117 : memref<1x128xi32, #tpu.memory_space<vmem>> -> memref<128xi32, #tpu.memory_space<vmem>>
        %dma_start3A_119 = arith.constant 0 : i32
        %dma_start3A_120 = arith.constant 0 : i32
        %dma_start3A_121 = tpu.memref_slice %arg4[%dma_start3A_119, %dma_start3A_120] : memref<10240x96xbf16, #tpu.memory_space<hbm>> -> memref<10240x96xbf16, #tpu.memory_space<hbm>>
        tpu.enqueue_indirect_dma source(%dma_start3A_121 : memref<10240x96xbf16, #tpu.memory_space<hbm>>) target(%arg11 : memref<128x96xbf16, #tpu.memory_space<vmem>>) offsets(%dma_start3A_118 : memref<128xi32, #tpu.memory_space<vmem>>) semaphore(%arg19 : memref<!tpu.dma_semaphore, #tpu.memory_space<semaphore_mem>>)
        %dma_start3A_122 = arith.constant 0 : i32
        %dma_start3A_123 = tpu.memref_slice %arg9[%add3A_115, %dma_start3A_122] : memref<40x128xi32, #tpu.memory_space<vmem>> -> memref<1x128xi32, #tpu.memory_space<vmem>>
        %dma_start3A_124 = tpu.memref_squeeze %dma_start3A_123 : memref<1x128xi32, #tpu.memory_space<vmem>> -> memref<128xi32, #tpu.memory_space<vmem>>
        %dma_start3A_125 = arith.constant 0 : i32
        %dma_start3A_126 = arith.constant 0 : i32
        %dma_start3A_127 = tpu.memref_slice %arg5[%dma_start3A_125, %dma_start3A_126] : memref<10240x16xf32, #tpu.memory_space<hbm>> -> memref<10240x16xf32, #tpu.memory_space<hbm>>
        tpu.enqueue_indirect_dma source(%dma_start3A_127 : memref<10240x16xf32, #tpu.memory_space<hbm>>) target(%arg13 : memref<128x16xf32, #tpu.memory_space<vmem>>) offsets(%dma_start3A_124 : memref<128xi32, #tpu.memory_space<vmem>>) semaphore(%arg19 : memref<!tpu.dma_semaphore, #tpu.memory_space<semaphore_mem>>)
        %dma_wait3A = arith.constant 0 : i32
        %dma_wait3A_128 = tpu.memref_slice %arg8[%mul3A_113, %dma_wait3A] : memref<40x128xi32, #tpu.memory_space<vmem>> -> memref<1x128xi32, #tpu.memory_space<vmem>>
        %dma_wait3A_129 = tpu.memref_squeeze %dma_wait3A_128 : memref<1x128xi32, #tpu.memory_space<vmem>> -> memref<128xi32, #tpu.memory_space<vmem>>
        %dma_wait3A_130 = arith.constant 0 : i32
        %dma_wait3A_131 = arith.constant 0 : i32
        %dma_wait3A_132 = tpu.memref_slice %arg4[%dma_wait3A_130, %dma_wait3A_131] : memref<10240x96xbf16, #tpu.memory_space<hbm>> -> memref<10240x96xbf16, #tpu.memory_space<hbm>>
        tpu.wait_indirect_dma semaphore(%arg18 : memref<!tpu.dma_semaphore, #tpu.memory_space<semaphore_mem>>) src(%dma_wait3A_132 : memref<10240x96xbf16, #tpu.memory_space<hbm>>) dst(%arg10 : memref<128x96xbf16, #tpu.memory_space<vmem>>)
        %dma_wait3A_133 = arith.constant 0 : i32
        %dma_wait3A_134 = tpu.memref_slice %arg9[%mul3A_113, %dma_wait3A_133] : memref<40x128xi32, #tpu.memory_space<vmem>> -> memref<1x128xi32, #tpu.memory_space<vmem>>
        %dma_wait3A_135 = tpu.memref_squeeze %dma_wait3A_134 : memref<1x128xi32, #tpu.memory_space<vmem>> -> memref<128xi32, #tpu.memory_space<vmem>>
        %dma_wait3A_136 = arith.constant 0 : i32
        %dma_wait3A_137 = arith.constant 0 : i32
        %dma_wait3A_138 = tpu.memref_slice %arg5[%dma_wait3A_136, %dma_wait3A_137] : memref<10240x16xf32, #tpu.memory_space<hbm>> -> memref<10240x16xf32, #tpu.memory_space<hbm>>
        tpu.wait_indirect_dma semaphore(%arg18 : memref<!tpu.dma_semaphore, #tpu.memory_space<semaphore_mem>>) src(%dma_wait3A_138 : memref<10240x16xf32, #tpu.memory_space<hbm>>) dst(%arg12 : memref<128x16xf32, #tpu.memory_space<vmem>>)
        %scan3A_139 = arith.constant 0 : i32
        %scan3A_140 = arith.constant 0 : i32
        %scan3A_141 = arith.constant 128 : i32
        %scan3A_142 = arith.addi %scan3A_140, %scan3A_141 : i32
        %scan3A_143 = arith.constant 2 : i32
        scf.for %scan3A_175 = %scan3A_140 to %scan3A_142 step %scan3A_143  : i32 {
          %get3A = arith.index_cast %scan3A_175 : i32 to index
          %get3A_176 = arith.constant 64 : index
          %get3A_177 = tpu.vector_load %arg10[%get3A, %get3A_176] {strides = array<i32>} : memref<128x96xbf16, #tpu.memory_space<vmem>>, vector<32xbf16>,
          %unpack3A = tpu.unpack_subelements %get3A_177, 0 {pack_format = #tpu.pack_format<interleaved>} : vector<32xbf16> -> vector<16xf32>
          %unpack3A_178 = tpu.unpack_subelements %get3A_177, 1 {pack_format = #tpu.pack_format<interleaved>} : vector<32xbf16> -> vector<16xf32>
          %get3A_179 = arith.index_cast %scan3A_175 : i32 to index
          %get3A_180 = arith.constant 0 : index
          %get3A_181 = tpu.vector_load %arg12[%get3A_179, %get3A_180] {strides = array<i32>} : memref<128x16xf32, #tpu.memory_space<vmem>>, vector<16xf32>,
          %add3A_182 = arith.addf %unpack3A, %get3A_181 : vector<16xf32>
          %mul3A_183 = arith.constant 2.000000e-01 : f32
          %mul3A_184 = vector.broadcast %mul3A_183 : f32 to vector<16xf32>
          %mul3A_185 = arith.mulf %mul3A_184, %add3A_182 : vector<16xf32>
          %max3A = arith.maximumf %add3A_182, %mul3A_185 : vector<16xf32>
          %exp3A = math.exp %max3A : vector<16xf32>
          %swap3A = arith.constant 0 : index
          %swap3A_186 = tpu.vector_load %arg16[%swap3A] {strides = array<i32>} : memref<16xf32, #tpu.memory_space<vmem>>, vector<16xf32>,
          tpu.vector_store %arg16[%swap3A], %exp3A {strides = array<i32>} : memref<16xf32, #tpu.memory_space<vmem>>, vector<16xf32>,
          %add3A_187 = vector.broadcast %scan3A_175 : i32 to vector<16xi32>
          %add3A_188 = arith.addi %select_n3A_58, %add3A_187 : vector<16xi32>
          %add3A_189 = arith.constant 64 : i32
          %add3A_190 = vector.broadcast %add3A_189 : i32 to vector<16xi32>
          %add3A_191 = arith.addi %add3A_190, %and3A_73 : vector<16xi32>
          tpu.vector_store_idx %arg14[%add3A_188, %add3A_191], %exp3A masked %lt3A_75 : memref<128x72xf32, #tpu.memory_space<vmem>>[vector<16xi32>, vector<16xi32>], vector<16xf32>, vector<16xi1>
          %get3A_192 = arith.index_cast %scan3A_175 : i32 to index
          %get3A_193 = arith.constant 0 : index
          %get3A_194 = tpu.vector_load %arg10[%get3A_192, %get3A_193] {strides = array<i32>} : memref<128x96xbf16, #tpu.memory_space<vmem>>, vector<32xbf16>,
          %unpack3A_195 = tpu.unpack_subelements %get3A_194, 0 {pack_format = #tpu.pack_format<interleaved>} : vector<32xbf16> -> vector<16xf32>
          %unpack3A_196 = tpu.unpack_subelements %get3A_194, 1 {pack_format = #tpu.pack_format<interleaved>} : vector<32xbf16> -> vector<16xf32>
          %gather3A = tpu.vector_load_idx %arg16[%add3A_61] : memref<16xf32, #tpu.memory_space<vmem>>[vector<16xi32>], vector<16xf32>,
          %gather3A_197 = tpu.vector_load_idx %arg16[%add3A_64] : memref<16xf32, #tpu.memory_space<vmem>>[vector<16xi32>], vector<16xf32>,
          %mul3A_198 = arith.mulf %unpack3A_195, %gather3A : vector<16xf32>
          %swap3A_199 = arith.index_cast %scan3A_175 : i32 to index
          %swap3A_200 = arith.constant 0 : index
          %swap3A_201 = tpu.vector_load %arg14[%swap3A_199, %swap3A_200] {strides = array<i32>} : memref<128x72xf32, #tpu.memory_space<vmem>>, vector<16xf32>,
          tpu.vector_store %arg14[%swap3A_199, %swap3A_200], %mul3A_198 {strides = array<i32>} : memref<128x72xf32, #tpu.memory_space<vmem>>, vector<16xf32>,
          %mul3A_202 = arith.mulf %unpack3A_196, %gather3A_197 : vector<16xf32>
          %swap3A_203 = arith.index_cast %scan3A_175 : i32 to index
          %swap3A_204 = arith.constant 16 : index
          %swap3A_205 = tpu.vector_load %arg14[%swap3A_203, %swap3A_204] {strides = array<i32>} : memref<128x72xf32, #tpu.memory_space<vmem>>, vector<16xf32>,
          tpu.vector_store %arg14[%swap3A_203, %swap3A_204], %mul3A_202 {strides = array<i32>} : memref<128x72xf32, #tpu.memory_space<vmem>>, vector<16xf32>,
          %get3A_206 = arith.index_cast %scan3A_175 : i32 to index
          %get3A_207 = arith.constant 32 : index
          %get3A_208 = tpu.vector_load %arg10[%get3A_206, %get3A_207] {strides = array<i32>} : memref<128x96xbf16, #tpu.memory_space<vmem>>, vector<32xbf16>,
          %unpack3A_209 = tpu.unpack_subelements %get3A_208, 0 {pack_format = #tpu.pack_format<interleaved>} : vector<32xbf16> -> vector<16xf32>
          %unpack3A_210 = tpu.unpack_subelements %get3A_208, 1 {pack_format = #tpu.pack_format<interleaved>} : vector<32xbf16> -> vector<16xf32>
          %gather3A_211 = tpu.vector_load_idx %arg16[%add3A_67] : memref<16xf32, #tpu.memory_space<vmem>>[vector<16xi32>], vector<16xf32>,
          %gather3A_212 = tpu.vector_load_idx %arg16[%add3A_70] : memref<16xf32, #tpu.memory_space<vmem>>[vector<16xi32>], vector<16xf32>,
          %mul3A_213 = arith.mulf %unpack3A_209, %gather3A_211 : vector<16xf32>
          %swap3A_214 = arith.index_cast %scan3A_175 : i32 to index
          %swap3A_215 = arith.constant 32 : index
          %swap3A_216 = tpu.vector_load %arg14[%swap3A_214, %swap3A_215] {strides = array<i32>} : memref<128x72xf32, #tpu.memory_space<vmem>>, vector<16xf32>,
          tpu.vector_store %arg14[%swap3A_214, %swap3A_215], %mul3A_213 {strides = array<i32>} : memref<128x72xf32, #tpu.memory_space<vmem>>, vector<16xf32>,
          %mul3A_217 = arith.mulf %unpack3A_210, %gather3A_212 : vector<16xf32>
          %swap3A_218 = arith.index_cast %scan3A_175 : i32 to index
          %swap3A_219 = arith.constant 48 : index
          %swap3A_220 = tpu.vector_load %arg14[%swap3A_218, %swap3A_219] {strides = array<i32>} : memref<128x72xf32, #tpu.memory_space<vmem>>, vector<16xf32>,
          tpu.vector_store %arg14[%swap3A_218, %swap3A_219], %mul3A_217 {strides = array<i32>} : memref<128x72xf32, #tpu.memory_space<vmem>>, vector<16xf32>,
          %scan3A_221 = arith.constant 1 : i32
          %scan3A_222 = arith.addi %scan3A_175, %scan3A_221 : i32
          %get3A_223 = arith.index_cast %scan3A_222 : i32 to index
          %get3A_224 = arith.constant 64 : index
          %get3A_225 = tpu.vector_load %arg10[%get3A_223, %get3A_224] {strides = array<i32>} : memref<128x96xbf16, #tpu.memory_space<vmem>>, vector<32xbf16>,
          %unpack3A_226 = tpu.unpack_subelements %get3A_225, 0 {pack_format = #tpu.pack_format<interleaved>} : vector<32xbf16> -> vector<16xf32>
          %unpack3A_227 = tpu.unpack_subelements %get3A_225, 1 {pack_format = #tpu.pack_format<interleaved>} : vector<32xbf16> -> vector<16xf32>
          %get3A_228 = arith.index_cast %scan3A_222 : i32 to index
          %get3A_229 = arith.constant 0 : index
          %get3A_230 = tpu.vector_load %arg12[%get3A_228, %get3A_229] {strides = array<i32>} : memref<128x16xf32, #tpu.memory_space<vmem>>, vector<16xf32>,
          %add3A_231 = arith.addf %unpack3A_226, %get3A_230 : vector<16xf32>
          %mul3A_232 = arith.constant 2.000000e-01 : f32
          %mul3A_233 = vector.broadcast %mul3A_232 : f32 to vector<16xf32>
          %mul3A_234 = arith.mulf %mul3A_233, %add3A_231 : vector<16xf32>
          %max3A_235 = arith.maximumf %add3A_231, %mul3A_234 : vector<16xf32>
          %exp3A_236 = math.exp %max3A_235 : vector<16xf32>
          %swap3A_237 = arith.constant 0 : index
          %swap3A_238 = tpu.vector_load %arg16[%swap3A_237] {strides = array<i32>} : memref<16xf32, #tpu.memory_space<vmem>>, vector<16xf32>,
          tpu.vector_store %arg16[%swap3A_237], %exp3A_236 {strides = array<i32>} : memref<16xf32, #tpu.memory_space<vmem>>, vector<16xf32>,
          %add3A_239 = vector.broadcast %scan3A_222 : i32 to vector<16xi32>
          %add3A_240 = arith.addi %select_n3A_58, %add3A_239 : vector<16xi32>
          %add3A_241 = arith.constant 64 : i32
          %add3A_242 = vector.broadcast %add3A_241 : i32 to vector<16xi32>
          %add3A_243 = arith.addi %add3A_242, %and3A_73 : vector<16xi32>
          tpu.vector_store_idx %arg14[%add3A_240, %add3A_243], %exp3A_236 masked %lt3A_75 : memref<128x72xf32, #tpu.memory_space<vmem>>[vector<16xi32>, vector<16xi32>], vector<16xf32>, vector<16xi1>
          %get3A_244 = arith.index_cast %scan3A_222 : i32 to index
          %get3A_245 = arith.constant 0 : index
          %get3A_246 = tpu.vector_load %arg10[%get3A_244, %get3A_245] {strides = array<i32>} : memref<128x96xbf16, #tpu.memory_space<vmem>>, vector<32xbf16>,
          %unpack3A_247 = tpu.unpack_subelements %get3A_246, 0 {pack_format = #tpu.pack_format<interleaved>} : vector<32xbf16> -> vector<16xf32>
          %unpack3A_248 = tpu.unpack_subelements %get3A_246, 1 {pack_format = #tpu.pack_format<interleaved>} : vector<32xbf16> -> vector<16xf32>
          %gather3A_249 = tpu.vector_load_idx %arg16[%add3A_61] : memref<16xf32, #tpu.memory_space<vmem>>[vector<16xi32>], vector<16xf32>,
          %gather3A_250 = tpu.vector_load_idx %arg16[%add3A_64] : memref<16xf32, #tpu.memory_space<vmem>>[vector<16xi32>], vector<16xf32>,
          %mul3A_251 = arith.mulf %unpack3A_247, %gather3A_249 : vector<16xf32>
          %swap3A_252 = arith.index_cast %scan3A_222 : i32 to index
          %swap3A_253 = arith.constant 0 : index
          %swap3A_254 = tpu.vector_load %arg14[%swap3A_252, %swap3A_253] {strides = array<i32>} : memref<128x72xf32, #tpu.memory_space<vmem>>, vector<16xf32>,
          tpu.vector_store %arg14[%swap3A_252, %swap3A_253], %mul3A_251 {strides = array<i32>} : memref<128x72xf32, #tpu.memory_space<vmem>>, vector<16xf32>,
          %mul3A_255 = arith.mulf %unpack3A_248, %gather3A_250 : vector<16xf32>
          %swap3A_256 = arith.index_cast %scan3A_222 : i32 to index
          %swap3A_257 = arith.constant 16 : index
          %swap3A_258 = tpu.vector_load %arg14[%swap3A_256, %swap3A_257] {strides = array<i32>} : memref<128x72xf32, #tpu.memory_space<vmem>>, vector<16xf32>,
          tpu.vector_store %arg14[%swap3A_256, %swap3A_257], %mul3A_255 {strides = array<i32>} : memref<128x72xf32, #tpu.memory_space<vmem>>, vector<16xf32>,
          %get3A_259 = arith.index_cast %scan3A_222 : i32 to index
          %get3A_260 = arith.constant 32 : index
          %get3A_261 = tpu.vector_load %arg10[%get3A_259, %get3A_260] {strides = array<i32>} : memref<128x96xbf16, #tpu.memory_space<vmem>>, vector<32xbf16>,
          %unpack3A_262 = tpu.unpack_subelements %get3A_261, 0 {pack_format = #tpu.pack_format<interleaved>} : vector<32xbf16> -> vector<16xf32>
          %unpack3A_263 = tpu.unpack_subelements %get3A_261, 1 {pack_format = #tpu.pack_format<interleaved>} : vector<32xbf16> -> vector<16xf32>
          %gather3A_264 = tpu.vector_load_idx %arg16[%add3A_67] : memref<16xf32, #tpu.memory_space<vmem>>[vector<16xi32>], vector<16xf32>,
          %gather3A_265 = tpu.vector_load_idx %arg16[%add3A_70] : memref<16xf32, #tpu.memory_space<vmem>>[vector<16xi32>], vector<16xf32>,
          %mul3A_266 = arith.mulf %unpack3A_262, %gather3A_264 : vector<16xf32>
          %swap3A_267 = arith.index_cast %scan3A_222 : i32 to index
          %swap3A_268 = arith.constant 32 : index
          %swap3A_269 = tpu.vector_load %arg14[%swap3A_267, %swap3A_268] {strides = array<i32>} : memref<128x72xf32, #tpu.memory_space<vmem>>, vector<16xf32>,
          tpu.vector_store %arg14[%swap3A_267, %swap3A_268], %mul3A_266 {strides = array<i32>} : memref<128x72xf32, #tpu.memory_space<vmem>>, vector<16xf32>,
          %mul3A_270 = arith.mulf %unpack3A_263, %gather3A_265 : vector<16xf32>
          %swap3A_271 = arith.index_cast %scan3A_222 : i32 to index
          %swap3A_272 = arith.constant 48 : index
          %swap3A_273 = tpu.vector_load %arg14[%swap3A_271, %swap3A_272] {strides = array<i32>} : memref<128x72xf32, #tpu.memory_space<vmem>>, vector<16xf32>,
          tpu.vector_store %arg14[%swap3A_271, %swap3A_272], %mul3A_270 {strides = array<i32>} : memref<128x72xf32, #tpu.memory_space<vmem>>, vector<16xf32>,
        }
        %scan3A_144 = arith.constant 128 : i32
        %add3A_145 = arith.constant 2 : i32
        %add3A_146 = arith.addi %mul3A_113, %add3A_145 : i32
        %lt3A_147 = arith.constant 40 : i32
        %lt3A_148 = arith.cmpi slt, %add3A_146, %lt3A_147 : i32
        %convert_element_type3A = arith.extui %lt3A_148 : i1 to i32
        %cond3A = arith.constant 0 : i32
        %cond3A_149 = arith.cmpi ne, %convert_element_type3A, %cond3A : i32
        scf.if %cond3A_149 {
          %add3A_175 = arith.constant 2 : i32
          %add3A_176 = arith.addi %mul3A_113, %add3A_175 : i32
          %dma_start3A_177 = arith.constant 0 : i32
          %dma_start3A_178 = tpu.memref_slice %arg8[%add3A_176, %dma_start3A_177] : memref<40x128xi32, #tpu.memory_space<vmem>> -> memref<1x128xi32, #tpu.memory_space<vmem>>
          %dma_start3A_179 = tpu.memref_squeeze %dma_start3A_178 : memref<1x128xi32, #tpu.memory_space<vmem>> -> memref<128xi32, #tpu.memory_space<vmem>>
          %dma_start3A_180 = arith.constant 0 : i32
          %dma_start3A_181 = arith.constant 0 : i32
          %dma_start3A_182 = tpu.memref_slice %arg4[%dma_start3A_180, %dma_start3A_181] : memref<10240x96xbf16, #tpu.memory_space<hbm>> -> memref<10240x96xbf16, #tpu.memory_space<hbm>>
          tpu.enqueue_indirect_dma source(%dma_start3A_182 : memref<10240x96xbf16, #tpu.memory_space<hbm>>) target(%arg10 : memref<128x96xbf16, #tpu.memory_space<vmem>>) offsets(%dma_start3A_179 : memref<128xi32, #tpu.memory_space<vmem>>) semaphore(%arg18 : memref<!tpu.dma_semaphore, #tpu.memory_space<semaphore_mem>>)
          %dma_start3A_183 = arith.constant 0 : i32
          %dma_start3A_184 = tpu.memref_slice %arg9[%add3A_176, %dma_start3A_183] : memref<40x128xi32, #tpu.memory_space<vmem>> -> memref<1x128xi32, #tpu.memory_space<vmem>>
          %dma_start3A_185 = tpu.memref_squeeze %dma_start3A_184 : memref<1x128xi32, #tpu.memory_space<vmem>> -> memref<128xi32, #tpu.memory_space<vmem>>
          %dma_start3A_186 = arith.constant 0 : i32
          %dma_start3A_187 = arith.constant 0 : i32
          %dma_start3A_188 = tpu.memref_slice %arg5[%dma_start3A_186, %dma_start3A_187] : memref<10240x16xf32, #tpu.memory_space<hbm>> -> memref<10240x16xf32, #tpu.memory_space<hbm>>
          tpu.enqueue_indirect_dma source(%dma_start3A_188 : memref<10240x16xf32, #tpu.memory_space<hbm>>) target(%arg12 : memref<128x16xf32, #tpu.memory_space<vmem>>) offsets(%dma_start3A_185 : memref<128xi32, #tpu.memory_space<vmem>>) semaphore(%arg18 : memref<!tpu.dma_semaphore, #tpu.memory_space<semaphore_mem>>)
        } else {
        }
        "tpu.region"() ({
          %run_scoped3A = tpu.sem_alloc : memref<!tpu.dma_semaphore, #tpu.memory_space<semaphore_mem>>
          %dma_start3A_175 = arith.constant 0 : i32
          %dma_start3A_176 = tpu.memref_slice %arg9[%mul3A_113, %dma_start3A_175] : memref<40x128xi32, #tpu.memory_space<vmem>> -> memref<1x128xi32, #tpu.memory_space<vmem>>
          %dma_start3A_177 = tpu.memref_squeeze %dma_start3A_176 : memref<1x128xi32, #tpu.memory_space<vmem>> -> memref<128xi32, #tpu.memory_space<vmem>>
          %dma_start3A_178 = arith.constant 0 : i32
          %dma_start3A_179 = arith.constant 0 : i32
          %dma_start3A_180 = tpu.memref_slice %arg17[%dma_start3A_178, %dma_start3A_179] : memref<10240x72xf32, #tpu.memory_space<vmem_shared>> -> memref<10240x72xf32, #tpu.memory_space<vmem_shared>>
          tpu.enqueue_indirect_dma source(%arg14 : memref<128x72xf32, #tpu.memory_space<vmem>>) target(%dma_start3A_180 : memref<10240x72xf32, #tpu.memory_space<vmem_shared>>) offsets(%dma_start3A_177 : memref<128xi32, #tpu.memory_space<vmem>>) semaphore(%run_scoped3A : memref<!tpu.dma_semaphore, #tpu.memory_space<semaphore_mem>>) {add = true}
          %dma_wait3A_181 = arith.constant 0 : i32
          %dma_wait3A_182 = tpu.memref_slice %arg9[%mul3A_113, %dma_wait3A_181] : memref<40x128xi32, #tpu.memory_space<vmem>> -> memref<1x128xi32, #tpu.memory_space<vmem>>
          %dma_wait3A_183 = tpu.memref_squeeze %dma_wait3A_182 : memref<1x128xi32, #tpu.memory_space<vmem>> -> memref<128xi32, #tpu.memory_space<vmem>>
          %dma_wait3A_184 = arith.constant 0 : i32
          %dma_wait3A_185 = arith.constant 0 : i32
          %dma_wait3A_186 = tpu.memref_slice %arg17[%dma_wait3A_184, %dma_wait3A_185] : memref<10240x72xf32, #tpu.memory_space<vmem_shared>> -> memref<10240x72xf32, #tpu.memory_space<vmem_shared>>
          tpu.wait_indirect_dma semaphore(%run_scoped3A : memref<!tpu.dma_semaphore, #tpu.memory_space<semaphore_mem>>) src(%arg14 : memref<128x72xf32, #tpu.memory_space<vmem>>) dst(%dma_wait3A_186 : memref<10240x72xf32, #tpu.memory_space<vmem_shared>>)
          tpu.yield
        }) : () -> ()
        %dma_wait3A_150 = arith.constant 0 : i32
        %dma_wait3A_151 = tpu.memref_slice %arg8[%add3A_115, %dma_wait3A_150] : memref<40x128xi32, #tpu.memory_space<vmem>> -> memref<1x128xi32, #tpu.memory_space<vmem>>
        %dma_wait3A_152 = tpu.memref_squeeze %dma_wait3A_151 : memref<1x128xi32, #tpu.memory_space<vmem>> -> memref<128xi32, #tpu.memory_space<vmem>>
        %dma_wait3A_153 = arith.constant 0 : i32
        %dma_wait3A_154 = arith.constant 0 : i32
        %dma_wait3A_155 = tpu.memref_slice %arg4[%dma_wait3A_153, %dma_wait3A_154] : memref<10240x96xbf16, #tpu.memory_space<hbm>> -> memref<10240x96xbf16, #tpu.memory_space<hbm>>
        tpu.wait_indirect_dma semaphore(%arg19 : memref<!tpu.dma_semaphore, #tpu.memory_space<semaphore_mem>>) src(%dma_wait3A_155 : memref<10240x96xbf16, #tpu.memory_space<hbm>>) dst(%arg11 : memref<128x96xbf16, #tpu.memory_space<vmem>>)
        %dma_wait3A_156 = arith.constant 0 : i32
        %dma_wait3A_157 = tpu.memref_slice %arg9[%add3A_115, %dma_wait3A_156] : memref<40x128xi32, #tpu.memory_space<vmem>> -> memref<1x128xi32, #tpu.memory_space<vmem>>
        %dma_wait3A_158 = tpu.memref_squeeze %dma_wait3A_157 : memref<1x128xi32, #tpu.memory_space<vmem>> -> memref<128xi32, #tpu.memory_space<vmem>>
        %dma_wait3A_159 = arith.constant 0 : i32
        %dma_wait3A_160 = arith.constant 0 : i32
        %dma_wait3A_161 = tpu.memref_slice %arg5[%dma_wait3A_159, %dma_wait3A_160] : memref<10240x16xf32, #tpu.memory_space<hbm>> -> memref<10240x16xf32, #tpu.memory_space<hbm>>
        tpu.wait_indirect_dma semaphore(%arg19 : memref<!tpu.dma_semaphore, #tpu.memory_space<semaphore_mem>>) src(%dma_wait3A_161 : memref<10240x16xf32, #tpu.memory_space<hbm>>) dst(%arg13 : memref<128x16xf32, #tpu.memory_space<vmem>>)
        %scan3A_162 = arith.constant 0 : i32
        %scan3A_163 = arith.constant 0 : i32
        %scan3A_164 = arith.constant 128 : i32
        %scan3A_165 = arith.addi %scan3A_163, %scan3A_164 : i32
        %scan3A_166 = arith.constant 2 : i32
        scf.for %scan3A_175 = %scan3A_163 to %scan3A_165 step %scan3A_166  : i32 {
          %get3A = arith.index_cast %scan3A_175 : i32 to index
          %get3A_176 = arith.constant 64 : index
          %get3A_177 = tpu.vector_load %arg11[%get3A, %get3A_176] {strides = array<i32>} : memref<128x96xbf16, #tpu.memory_space<vmem>>, vector<32xbf16>,
          %unpack3A = tpu.unpack_subelements %get3A_177, 0 {pack_format = #tpu.pack_format<interleaved>} : vector<32xbf16> -> vector<16xf32>
          %unpack3A_178 = tpu.unpack_subelements %get3A_177, 1 {pack_format = #tpu.pack_format<interleaved>} : vector<32xbf16> -> vector<16xf32>
          %get3A_179 = arith.index_cast %scan3A_175 : i32 to index
          %get3A_180 = arith.constant 0 : index
          %get3A_181 = tpu.vector_load %arg13[%get3A_179, %get3A_180] {strides = array<i32>} : memref<128x16xf32, #tpu.memory_space<vmem>>, vector<16xf32>,
          %add3A_182 = arith.addf %unpack3A, %get3A_181 : vector<16xf32>
          %mul3A_183 = arith.constant 2.000000e-01 : f32
          %mul3A_184 = vector.broadcast %mul3A_183 : f32 to vector<16xf32>
          %mul3A_185 = arith.mulf %mul3A_184, %add3A_182 : vector<16xf32>
          %max3A = arith.maximumf %add3A_182, %mul3A_185 : vector<16xf32>
          %exp3A = math.exp %max3A : vector<16xf32>
          %swap3A = arith.constant 0 : index
          %swap3A_186 = tpu.vector_load %arg16[%swap3A] {strides = array<i32>} : memref<16xf32, #tpu.memory_space<vmem>>, vector<16xf32>,
          tpu.vector_store %arg16[%swap3A], %exp3A {strides = array<i32>} : memref<16xf32, #tpu.memory_space<vmem>>, vector<16xf32>,
          %add3A_187 = vector.broadcast %scan3A_175 : i32 to vector<16xi32>
          %add3A_188 = arith.addi %select_n3A_58, %add3A_187 : vector<16xi32>
          %add3A_189 = arith.constant 64 : i32
          %add3A_190 = vector.broadcast %add3A_189 : i32 to vector<16xi32>
          %add3A_191 = arith.addi %add3A_190, %and3A_73 : vector<16xi32>
          tpu.vector_store_idx %arg15[%add3A_188, %add3A_191], %exp3A masked %lt3A_75 : memref<128x72xf32, #tpu.memory_space<vmem>>[vector<16xi32>, vector<16xi32>], vector<16xf32>, vector<16xi1>
          %get3A_192 = arith.index_cast %scan3A_175 : i32 to index
          %get3A_193 = arith.constant 0 : index
          %get3A_194 = tpu.vector_load %arg11[%get3A_192, %get3A_193] {strides = array<i32>} : memref<128x96xbf16, #tpu.memory_space<vmem>>, vector<32xbf16>,
          %unpack3A_195 = tpu.unpack_subelements %get3A_194, 0 {pack_format = #tpu.pack_format<interleaved>} : vector<32xbf16> -> vector<16xf32>
          %unpack3A_196 = tpu.unpack_subelements %get3A_194, 1 {pack_format = #tpu.pack_format<interleaved>} : vector<32xbf16> -> vector<16xf32>
          %gather3A = tpu.vector_load_idx %arg16[%add3A_61] : memref<16xf32, #tpu.memory_space<vmem>>[vector<16xi32>], vector<16xf32>,
          %gather3A_197 = tpu.vector_load_idx %arg16[%add3A_64] : memref<16xf32, #tpu.memory_space<vmem>>[vector<16xi32>], vector<16xf32>,
          %mul3A_198 = arith.mulf %unpack3A_195, %gather3A : vector<16xf32>
          %swap3A_199 = arith.index_cast %scan3A_175 : i32 to index
          %swap3A_200 = arith.constant 0 : index
          %swap3A_201 = tpu.vector_load %arg15[%swap3A_199, %swap3A_200] {strides = array<i32>} : memref<128x72xf32, #tpu.memory_space<vmem>>, vector<16xf32>,
          tpu.vector_store %arg15[%swap3A_199, %swap3A_200], %mul3A_198 {strides = array<i32>} : memref<128x72xf32, #tpu.memory_space<vmem>>, vector<16xf32>,
          %mul3A_202 = arith.mulf %unpack3A_196, %gather3A_197 : vector<16xf32>
          %swap3A_203 = arith.index_cast %scan3A_175 : i32 to index
          %swap3A_204 = arith.constant 16 : index
          %swap3A_205 = tpu.vector_load %arg15[%swap3A_203, %swap3A_204] {strides = array<i32>} : memref<128x72xf32, #tpu.memory_space<vmem>>, vector<16xf32>,
          tpu.vector_store %arg15[%swap3A_203, %swap3A_204], %mul3A_202 {strides = array<i32>} : memref<128x72xf32, #tpu.memory_space<vmem>>, vector<16xf32>,
          %get3A_206 = arith.index_cast %scan3A_175 : i32 to index
          %get3A_207 = arith.constant 32 : index
          %get3A_208 = tpu.vector_load %arg11[%get3A_206, %get3A_207] {strides = array<i32>} : memref<128x96xbf16, #tpu.memory_space<vmem>>, vector<32xbf16>,
          %unpack3A_209 = tpu.unpack_subelements %get3A_208, 0 {pack_format = #tpu.pack_format<interleaved>} : vector<32xbf16> -> vector<16xf32>
          %unpack3A_210 = tpu.unpack_subelements %get3A_208, 1 {pack_format = #tpu.pack_format<interleaved>} : vector<32xbf16> -> vector<16xf32>
          %gather3A_211 = tpu.vector_load_idx %arg16[%add3A_67] : memref<16xf32, #tpu.memory_space<vmem>>[vector<16xi32>], vector<16xf32>,
          %gather3A_212 = tpu.vector_load_idx %arg16[%add3A_70] : memref<16xf32, #tpu.memory_space<vmem>>[vector<16xi32>], vector<16xf32>,
          %mul3A_213 = arith.mulf %unpack3A_209, %gather3A_211 : vector<16xf32>
          %swap3A_214 = arith.index_cast %scan3A_175 : i32 to index
          %swap3A_215 = arith.constant 32 : index
          %swap3A_216 = tpu.vector_load %arg15[%swap3A_214, %swap3A_215] {strides = array<i32>} : memref<128x72xf32, #tpu.memory_space<vmem>>, vector<16xf32>,
          tpu.vector_store %arg15[%swap3A_214, %swap3A_215], %mul3A_213 {strides = array<i32>} : memref<128x72xf32, #tpu.memory_space<vmem>>, vector<16xf32>,
          %mul3A_217 = arith.mulf %unpack3A_210, %gather3A_212 : vector<16xf32>
          %swap3A_218 = arith.index_cast %scan3A_175 : i32 to index
          %swap3A_219 = arith.constant 48 : index
          %swap3A_220 = tpu.vector_load %arg15[%swap3A_218, %swap3A_219] {strides = array<i32>} : memref<128x72xf32, #tpu.memory_space<vmem>>, vector<16xf32>,
          tpu.vector_store %arg15[%swap3A_218, %swap3A_219], %mul3A_217 {strides = array<i32>} : memref<128x72xf32, #tpu.memory_space<vmem>>, vector<16xf32>,
          %scan3A_221 = arith.constant 1 : i32
          %scan3A_222 = arith.addi %scan3A_175, %scan3A_221 : i32
          %get3A_223 = arith.index_cast %scan3A_222 : i32 to index
          %get3A_224 = arith.constant 64 : index
          %get3A_225 = tpu.vector_load %arg11[%get3A_223, %get3A_224] {strides = array<i32>} : memref<128x96xbf16, #tpu.memory_space<vmem>>, vector<32xbf16>,
          %unpack3A_226 = tpu.unpack_subelements %get3A_225, 0 {pack_format = #tpu.pack_format<interleaved>} : vector<32xbf16> -> vector<16xf32>
          %unpack3A_227 = tpu.unpack_subelements %get3A_225, 1 {pack_format = #tpu.pack_format<interleaved>} : vector<32xbf16> -> vector<16xf32>
          %get3A_228 = arith.index_cast %scan3A_222 : i32 to index
          %get3A_229 = arith.constant 0 : index
          %get3A_230 = tpu.vector_load %arg13[%get3A_228, %get3A_229] {strides = array<i32>} : memref<128x16xf32, #tpu.memory_space<vmem>>, vector<16xf32>,
          %add3A_231 = arith.addf %unpack3A_226, %get3A_230 : vector<16xf32>
          %mul3A_232 = arith.constant 2.000000e-01 : f32
          %mul3A_233 = vector.broadcast %mul3A_232 : f32 to vector<16xf32>
          %mul3A_234 = arith.mulf %mul3A_233, %add3A_231 : vector<16xf32>
          %max3A_235 = arith.maximumf %add3A_231, %mul3A_234 : vector<16xf32>
          %exp3A_236 = math.exp %max3A_235 : vector<16xf32>
          %swap3A_237 = arith.constant 0 : index
          %swap3A_238 = tpu.vector_load %arg16[%swap3A_237] {strides = array<i32>} : memref<16xf32, #tpu.memory_space<vmem>>, vector<16xf32>,
          tpu.vector_store %arg16[%swap3A_237], %exp3A_236 {strides = array<i32>} : memref<16xf32, #tpu.memory_space<vmem>>, vector<16xf32>,
          %add3A_239 = vector.broadcast %scan3A_222 : i32 to vector<16xi32>
          %add3A_240 = arith.addi %select_n3A_58, %add3A_239 : vector<16xi32>
          %add3A_241 = arith.constant 64 : i32
          %add3A_242 = vector.broadcast %add3A_241 : i32 to vector<16xi32>
          %add3A_243 = arith.addi %add3A_242, %and3A_73 : vector<16xi32>
          tpu.vector_store_idx %arg15[%add3A_240, %add3A_243], %exp3A_236 masked %lt3A_75 : memref<128x72xf32, #tpu.memory_space<vmem>>[vector<16xi32>, vector<16xi32>], vector<16xf32>, vector<16xi1>
          %get3A_244 = arith.index_cast %scan3A_222 : i32 to index
          %get3A_245 = arith.constant 0 : index
          %get3A_246 = tpu.vector_load %arg11[%get3A_244, %get3A_245] {strides = array<i32>} : memref<128x96xbf16, #tpu.memory_space<vmem>>, vector<32xbf16>,
          %unpack3A_247 = tpu.unpack_subelements %get3A_246, 0 {pack_format = #tpu.pack_format<interleaved>} : vector<32xbf16> -> vector<16xf32>
          %unpack3A_248 = tpu.unpack_subelements %get3A_246, 1 {pack_format = #tpu.pack_format<interleaved>} : vector<32xbf16> -> vector<16xf32>
          %gather3A_249 = tpu.vector_load_idx %arg16[%add3A_61] : memref<16xf32, #tpu.memory_space<vmem>>[vector<16xi32>], vector<16xf32>,
          %gather3A_250 = tpu.vector_load_idx %arg16[%add3A_64] : memref<16xf32, #tpu.memory_space<vmem>>[vector<16xi32>], vector<16xf32>,
          %mul3A_251 = arith.mulf %unpack3A_247, %gather3A_249 : vector<16xf32>
          %swap3A_252 = arith.index_cast %scan3A_222 : i32 to index
          %swap3A_253 = arith.constant 0 : index
          %swap3A_254 = tpu.vector_load %arg15[%swap3A_252, %swap3A_253] {strides = array<i32>} : memref<128x72xf32, #tpu.memory_space<vmem>>, vector<16xf32>,
          tpu.vector_store %arg15[%swap3A_252, %swap3A_253], %mul3A_251 {strides = array<i32>} : memref<128x72xf32, #tpu.memory_space<vmem>>, vector<16xf32>,
          %mul3A_255 = arith.mulf %unpack3A_248, %gather3A_250 : vector<16xf32>
          %swap3A_256 = arith.index_cast %scan3A_222 : i32 to index
          %swap3A_257 = arith.constant 16 : index
          %swap3A_258 = tpu.vector_load %arg15[%swap3A_256, %swap3A_257] {strides = array<i32>} : memref<128x72xf32, #tpu.memory_space<vmem>>, vector<16xf32>,
          tpu.vector_store %arg15[%swap3A_256, %swap3A_257], %mul3A_255 {strides = array<i32>} : memref<128x72xf32, #tpu.memory_space<vmem>>, vector<16xf32>,
          %get3A_259 = arith.index_cast %scan3A_222 : i32 to index
          %get3A_260 = arith.constant 32 : index
          %get3A_261 = tpu.vector_load %arg11[%get3A_259, %get3A_260] {strides = array<i32>} : memref<128x96xbf16, #tpu.memory_space<vmem>>, vector<32xbf16>,
          %unpack3A_262 = tpu.unpack_subelements %get3A_261, 0 {pack_format = #tpu.pack_format<interleaved>} : vector<32xbf16> -> vector<16xf32>
          %unpack3A_263 = tpu.unpack_subelements %get3A_261, 1 {pack_format = #tpu.pack_format<interleaved>} : vector<32xbf16> -> vector<16xf32>
          %gather3A_264 = tpu.vector_load_idx %arg16[%add3A_67] : memref<16xf32, #tpu.memory_space<vmem>>[vector<16xi32>], vector<16xf32>,
          %gather3A_265 = tpu.vector_load_idx %arg16[%add3A_70] : memref<16xf32, #tpu.memory_space<vmem>>[vector<16xi32>], vector<16xf32>,
          %mul3A_266 = arith.mulf %unpack3A_262, %gather3A_264 : vector<16xf32>
          %swap3A_267 = arith.index_cast %scan3A_222 : i32 to index
          %swap3A_268 = arith.constant 32 : index
          %swap3A_269 = tpu.vector_load %arg15[%swap3A_267, %swap3A_268] {strides = array<i32>} : memref<128x72xf32, #tpu.memory_space<vmem>>, vector<16xf32>,
          tpu.vector_store %arg15[%swap3A_267, %swap3A_268], %mul3A_266 {strides = array<i32>} : memref<128x72xf32, #tpu.memory_space<vmem>>, vector<16xf32>,
          %mul3A_270 = arith.mulf %unpack3A_263, %gather3A_265 : vector<16xf32>
          %swap3A_271 = arith.index_cast %scan3A_222 : i32 to index
          %swap3A_272 = arith.constant 48 : index
          %swap3A_273 = tpu.vector_load %arg15[%swap3A_271, %swap3A_272] {strides = array<i32>} : memref<128x72xf32, #tpu.memory_space<vmem>>, vector<16xf32>,
          tpu.vector_store %arg15[%swap3A_271, %swap3A_272], %mul3A_270 {strides = array<i32>} : memref<128x72xf32, #tpu.memory_space<vmem>>, vector<16xf32>,
        }
        %scan3A_167 = arith.constant 128 : i32
        %add3A_168 = arith.constant 2 : i32
        %add3A_169 = arith.addi %add3A_115, %add3A_168 : i32
        %lt3A_170 = arith.constant 40 : i32
        %lt3A_171 = arith.cmpi slt, %add3A_169, %lt3A_170 : i32
        %convert_element_type3A_172 = arith.extui %lt3A_171 : i1 to i32
        %cond3A_173 = arith.constant 0 : i32
        %cond3A_174 = arith.cmpi ne, %convert_element_type3A_172, %cond3A_173 : i32
        scf.if %cond3A_174 {
          %add3A_175 = arith.constant 2 : i32
          %add3A_176 = arith.addi %add3A_115, %add3A_175 : i32
          %dma_start3A_177 = arith.constant 0 : i32
          %dma_start3A_178 = tpu.memref_slice %arg8[%add3A_176, %dma_start3A_177] : memref<40x128xi32, #tpu.memory_space<vmem>> -> memref<1x128xi32, #tpu.memory_space<vmem>>
          %dma_start3A_179 = tpu.memref_squeeze %dma_start3A_178 : memref<1x128xi32, #tpu.memory_space<vmem>> -> memref<128xi32, #tpu.memory_space<vmem>>
          %dma_start3A_180 = arith.constant 0 : i32
          %dma_start3A_181 = arith.constant 0 : i32
          %dma_start3A_182 = tpu.memref_slice %arg4[%dma_start3A_180, %dma_start3A_181] : memref<10240x96xbf16, #tpu.memory_space<hbm>> -> memref<10240x96xbf16, #tpu.memory_space<hbm>>
          tpu.enqueue_indirect_dma source(%dma_start3A_182 : memref<10240x96xbf16, #tpu.memory_space<hbm>>) target(%arg11 : memref<128x96xbf16, #tpu.memory_space<vmem>>) offsets(%dma_start3A_179 : memref<128xi32, #tpu.memory_space<vmem>>) semaphore(%arg19 : memref<!tpu.dma_semaphore, #tpu.memory_space<semaphore_mem>>)
          %dma_start3A_183 = arith.constant 0 : i32
          %dma_start3A_184 = tpu.memref_slice %arg9[%add3A_176, %dma_start3A_183] : memref<40x128xi32, #tpu.memory_space<vmem>> -> memref<1x128xi32, #tpu.memory_space<vmem>>
          %dma_start3A_185 = tpu.memref_squeeze %dma_start3A_184 : memref<1x128xi32, #tpu.memory_space<vmem>> -> memref<128xi32, #tpu.memory_space<vmem>>
          %dma_start3A_186 = arith.constant 0 : i32
          %dma_start3A_187 = arith.constant 0 : i32
          %dma_start3A_188 = tpu.memref_slice %arg5[%dma_start3A_186, %dma_start3A_187] : memref<10240x16xf32, #tpu.memory_space<hbm>> -> memref<10240x16xf32, #tpu.memory_space<hbm>>
          tpu.enqueue_indirect_dma source(%dma_start3A_188 : memref<10240x16xf32, #tpu.memory_space<hbm>>) target(%arg13 : memref<128x16xf32, #tpu.memory_space<vmem>>) offsets(%dma_start3A_185 : memref<128xi32, #tpu.memory_space<vmem>>) semaphore(%arg19 : memref<!tpu.dma_semaphore, #tpu.memory_space<semaphore_mem>>)
        } else {
        }
        "tpu.region"() ({
          %run_scoped3A = tpu.sem_alloc : memref<!tpu.dma_semaphore, #tpu.memory_space<semaphore_mem>>
          %dma_start3A_175 = arith.constant 0 : i32
          %dma_start3A_176 = tpu.memref_slice %arg9[%add3A_115, %dma_start3A_175] : memref<40x128xi32, #tpu.memory_space<vmem>> -> memref<1x128xi32, #tpu.memory_space<vmem>>
          %dma_start3A_177 = tpu.memref_squeeze %dma_start3A_176 : memref<1x128xi32, #tpu.memory_space<vmem>> -> memref<128xi32, #tpu.memory_space<vmem>>
          %dma_start3A_178 = arith.constant 0 : i32
          %dma_start3A_179 = arith.constant 0 : i32
          %dma_start3A_180 = tpu.memref_slice %arg17[%dma_start3A_178, %dma_start3A_179] : memref<10240x72xf32, #tpu.memory_space<vmem_shared>> -> memref<10240x72xf32, #tpu.memory_space<vmem_shared>>
          tpu.enqueue_indirect_dma source(%arg15 : memref<128x72xf32, #tpu.memory_space<vmem>>) target(%dma_start3A_180 : memref<10240x72xf32, #tpu.memory_space<vmem_shared>>) offsets(%dma_start3A_177 : memref<128xi32, #tpu.memory_space<vmem>>) semaphore(%run_scoped3A : memref<!tpu.dma_semaphore, #tpu.memory_space<semaphore_mem>>) {add = true}
          %dma_wait3A_181 = arith.constant 0 : i32
          %dma_wait3A_182 = tpu.memref_slice %arg9[%add3A_115, %dma_wait3A_181] : memref<40x128xi32, #tpu.memory_space<vmem>> -> memref<1x128xi32, #tpu.memory_space<vmem>>
          %dma_wait3A_183 = tpu.memref_squeeze %dma_wait3A_182 : memref<1x128xi32, #tpu.memory_space<vmem>> -> memref<128xi32, #tpu.memory_space<vmem>>
          %dma_wait3A_184 = arith.constant 0 : i32
          %dma_wait3A_185 = arith.constant 0 : i32
          %dma_wait3A_186 = tpu.memref_slice %arg17[%dma_wait3A_184, %dma_wait3A_185] : memref<10240x72xf32, #tpu.memory_space<vmem_shared>> -> memref<10240x72xf32, #tpu.memory_space<vmem_shared>>
          tpu.wait_indirect_dma semaphore(%run_scoped3A : memref<!tpu.dma_semaphore, #tpu.memory_space<semaphore_mem>>) src(%arg15 : memref<128x72xf32, #tpu.memory_space<vmem>>) dst(%dma_wait3A_186 : memref<10240x72xf32, #tpu.memory_space<vmem_shared>>)
          tpu.yield
        }) : () -> ()
      }
      %scan3A_110 = arith.constant 20 : i32
    }
    %scan3A_80 = arith.constant 2 : i32
    %barrier3A_81 = arith.constant 0 : index
    tpu.barrier barrier_id(%barrier3A_81)
    %mul3A_82 = arith.constant 640 : i32
    %mul3A_83 = arith.muli %arg1, %mul3A_82 : i32
    %mul3A_84 = arith.constant 640 : i32
    %mul3A_85 = arith.muli %arg1, %mul3A_84 : i32
    "tpu.region"() ({
      %run_scoped3A = tpu.sem_alloc : memref<!tpu.dma_semaphore, #tpu.memory_space<semaphore_mem>>
      %dma_start3A = arith.constant 0 : i32
      %dma_start3A_86 = arith.constant 0 : i32
      %dma_start3A_87 = tpu.memref_slice %arg7[%arg0, %dma_start3A, %dma_start3A_86] : memref<2x10240x72xf32, #tpu.memory_space<hbm>> -> memref<1x10240x72xf32, #tpu.memory_space<hbm>>
      %dma_start3A_88 = tpu.memref_squeeze %dma_start3A_87 : memref<1x10240x72xf32, #tpu.memory_space<hbm>> -> memref<10240x72xf32, #tpu.memory_space<hbm>>
      %dma_start3A_89 = arith.constant 0 : i32
      %dma_start3A_90 = tpu.memref_slice %dma_start3A_88[%mul3A_85, %dma_start3A_89] : memref<10240x72xf32, #tpu.memory_space<hbm>> -> memref<640x72xf32, #tpu.memory_space<hbm>>
      %dma_start3A_91 = arith.constant 0 : i32
      %dma_start3A_92 = tpu.memref_slice %arg17[%mul3A_83, %dma_start3A_91] : memref<10240x72xf32, #tpu.memory_space<vmem_shared>> -> memref<640x72xf32, #tpu.memory_space<vmem_shared>>
      tpu.enqueue_dma source(%dma_start3A_92 : memref<640x72xf32, #tpu.memory_space<vmem_shared>>) target(%dma_start3A_90 : memref<640x72xf32, #tpu.memory_space<hbm>>) target_semaphore(%run_scoped3A : memref<!tpu.dma_semaphore, #tpu.memory_space<semaphore_mem>>)
      %dma_wait3A = arith.constant 0 : i32
      %dma_wait3A_93 = arith.constant 0 : i32
      %dma_wait3A_94 = tpu.memref_slice %arg7[%arg0, %dma_wait3A, %dma_wait3A_93] : memref<2x10240x72xf32, #tpu.memory_space<hbm>> -> memref<1x10240x72xf32, #tpu.memory_space<hbm>>
      %dma_wait3A_95 = tpu.memref_squeeze %dma_wait3A_94 : memref<1x10240x72xf32, #tpu.memory_space<hbm>> -> memref<10240x72xf32, #tpu.memory_space<hbm>>
      %dma_wait3A_96 = arith.constant 0 : i32
      %dma_wait3A_97 = tpu.memref_slice %dma_wait3A_95[%mul3A_85, %dma_wait3A_96] : memref<10240x72xf32, #tpu.memory_space<hbm>> -> memref<640x72xf32, #tpu.memory_space<hbm>>
      %dma_wait3A_98 = arith.constant 0 : i32
      %dma_wait3A_99 = tpu.memref_slice %arg17[%mul3A_83, %dma_wait3A_98] : memref<10240x72xf32, #tpu.memory_space<vmem_shared>> -> memref<640x72xf32, #tpu.memory_space<vmem_shared>>
      tpu.wait_dma2 semaphore(%run_scoped3A : memref<!tpu.dma_semaphore, #tpu.memory_space<semaphore_mem>>) src(%dma_wait3A_99 : memref<640x72xf32, #tpu.memory_space<vmem_shared>>) dst(%dma_wait3A_97 : memref<640x72xf32, #tpu.memory_space<hbm>>)
      tpu.yield
    }) : () -> ()
    return
  }
}

#map = affine_map<(d0, d1) -> (0, 0)>
#map1 = affine_map<(d0, d1) -> (0)>
#map2 = affine_map<(d0, d1) -> (0, 0, 0)>
module attributes {stable_mosaic.version = 14 : i64} {
  func.func @_sc_edge2(%arg0: i32, %arg1: i32, %arg2: memref<5120x64xi32, #tpu.memory_space<hbm>>, %arg3: memref<5120x64xi32, #tpu.memory_space<hbm>>, %arg4: memref<10240x128xbf16, #tpu.memory_space<hbm>>, %arg5: memref<10240xi32, #tpu.memory_space<hbm>>, %arg6: memref<10240x128xf32, #tpu.memory_space<hbm>>, %arg7: memref<10240xf32, #tpu.memory_space<hbm>>, %arg8: memref<2x10240x128xf32, #tpu.memory_space<hbm>>, %arg9: memref<2x16x10240xf32, #tpu.memory_space<hbm>>, %arg10: memref<20x64xi32, #tpu.memory_space<vmem>>, %arg11: memref<20x64xi32, #tpu.memory_space<vmem>>, %arg12: memref<64x128xbf16, #tpu.memory_space<vmem>>, %arg13: memref<64x128xbf16, #tpu.memory_space<vmem>>, %arg14: memref<64x128xf32, #tpu.memory_space<vmem>>, %arg15: memref<64x128xf32, #tpu.memory_space<vmem>>, %arg16: memref<10240xi32, #tpu.memory_space<vmem>>, %arg17: memref<16xf32, #tpu.memory_space<vmem>>, %arg18: memref<10240xf32, #tpu.memory_space<vmem>>, %arg19: memref<10240x128xf32, #tpu.memory_space<vmem_shared>>, %arg20: memref<!tpu.dma_semaphore, #tpu.memory_space<semaphore_mem>>, %arg21: memref<!tpu.dma_semaphore, #tpu.memory_space<semaphore_mem>>) attributes {dimension_semantics = [#tpu.dimension_semantics<core_parallel>, #tpu.dimension_semantics<subcore_parallel>], iteration_bounds = array<i64: 2, 16>, scalar_prefetch = 0 : i64, scratch_operands = 12 : i64, tpu.core_type = #tpu.core_type<sc_vector_subcore>, window_params = [{transform_indices = #map}, {transform_indices = #map}, {transform_indices = #map}, {transform_indices = #map1}, {transform_indices = #map}, {transform_indices = #map1}, {transform_indices = #map2}, {transform_indices = #map2}]} {
    %mul3A = arith.constant 2 : i32
    %mul3A_0 = arith.muli %arg1, %mul3A : i32
    %add3A = arith.addi %mul3A_0, %arg0 : i32
    "tpu.region"() ({
      %run_scoped3A = tpu.sem_alloc : memref<!tpu.dma_semaphore, #tpu.memory_space<semaphore_mem>>
      tpu.enqueue_dma source(%arg5 : memref<10240xi32, #tpu.memory_space<hbm>>) target(%arg16 : memref<10240xi32, #tpu.memory_space<vmem>>) target_semaphore(%run_scoped3A : memref<!tpu.dma_semaphore, #tpu.memory_space<semaphore_mem>>)
      tpu.wait_dma2 semaphore(%run_scoped3A : memref<!tpu.dma_semaphore, #tpu.memory_space<semaphore_mem>>) src(%arg5 : memref<10240xi32, #tpu.memory_space<hbm>>) dst(%arg16 : memref<10240xi32, #tpu.memory_space<vmem>>)
      tpu.yield
    }) : () -> ()
    "tpu.region"() ({
      %run_scoped3A = tpu.sem_alloc : memref<!tpu.dma_semaphore, #tpu.memory_space<semaphore_mem>>
      tpu.enqueue_dma source(%arg7 : memref<10240xf32, #tpu.memory_space<hbm>>) target(%arg18 : memref<10240xf32, #tpu.memory_space<vmem>>) target_semaphore(%run_scoped3A : memref<!tpu.dma_semaphore, #tpu.memory_space<semaphore_mem>>)
      tpu.wait_dma2 semaphore(%run_scoped3A : memref<!tpu.dma_semaphore, #tpu.memory_space<semaphore_mem>>) src(%arg7 : memref<10240xf32, #tpu.memory_space<hbm>>) dst(%arg18 : memref<10240xf32, #tpu.memory_space<vmem>>)
      tpu.yield
    }) : () -> ()
    %mul3A_1 = arith.constant 640 : i32
    %mul3A_2 = arith.muli %arg1, %mul3A_1 : i32
    %mul3A_3 = arith.constant 640 : i32
    %mul3A_4 = arith.muli %arg1, %mul3A_3 : i32
    "tpu.region"() ({
      %run_scoped3A = tpu.sem_alloc : memref<!tpu.dma_semaphore, #tpu.memory_space<semaphore_mem>>
      %dma_start3A = arith.constant 0 : i32
      %dma_start3A_88 = tpu.memref_slice %arg19[%mul3A_4, %dma_start3A] : memref<10240x128xf32, #tpu.memory_space<vmem_shared>> -> memref<640x128xf32, #tpu.memory_space<vmem_shared>>
      %dma_start3A_89 = arith.constant 0 : i32
      %dma_start3A_90 = tpu.memref_slice %arg6[%mul3A_2, %dma_start3A_89] : memref<10240x128xf32, #tpu.memory_space<hbm>> -> memref<640x128xf32, #tpu.memory_space<hbm>>
      tpu.enqueue_dma source(%dma_start3A_90 : memref<640x128xf32, #tpu.memory_space<hbm>>) target(%dma_start3A_88 : memref<640x128xf32, #tpu.memory_space<vmem_shared>>) target_semaphore(%run_scoped3A : memref<!tpu.dma_semaphore, #tpu.memory_space<semaphore_mem>>)
      %dma_wait3A = arith.constant 0 : i32
      %dma_wait3A_91 = tpu.memref_slice %arg19[%mul3A_4, %dma_wait3A] : memref<10240x128xf32, #tpu.memory_space<vmem_shared>> -> memref<640x128xf32, #tpu.memory_space<vmem_shared>>
      %dma_wait3A_92 = arith.constant 0 : i32
      %dma_wait3A_93 = tpu.memref_slice %arg6[%mul3A_2, %dma_wait3A_92] : memref<10240x128xf32, #tpu.memory_space<hbm>> -> memref<640x128xf32, #tpu.memory_space<hbm>>
      tpu.wait_dma2 semaphore(%run_scoped3A : memref<!tpu.dma_semaphore, #tpu.memory_space<semaphore_mem>>) src(%dma_wait3A_93 : memref<640x128xf32, #tpu.memory_space<hbm>>) dst(%dma_wait3A_91 : memref<640x128xf32, #tpu.memory_space<vmem_shared>>)
      tpu.yield
    }) : () -> ()
    %barrier3A = arith.constant 0 : index
    tpu.barrier barrier_id(%barrier3A)
    %iota3A = tpu.iota {dimensions = array<i32: 0>} : vector<16xi32>
    %jit3A = arith.constant 16 : i32
    %div3A = vector.broadcast %jit3A : i32 to vector<16xi32>
    %div3A_5 = arith.divsi %iota3A, %div3A : vector<16xi32>
    %sign3A = arith.constant 0 : i32
    %sign3A_6 = vector.broadcast %sign3A : i32 to vector<16xi32>
    %sign3A_7 = arith.cmpi sgt, %iota3A, %sign3A_6 : vector<16xi32>
    %sign3A_8 = arith.extui %sign3A_7 : vector<16xi1> to vector<16xi32>
    %sign3A_9 = arith.constant 0 : i32
    %sign3A_10 = vector.broadcast %sign3A_9 : i32 to vector<16xi32>
    %sign3A_11 = arith.cmpi slt, %iota3A, %sign3A_10 : vector<16xi32>
    %sign3A_12 = arith.extui %sign3A_11 : vector<16xi1> to vector<16xi32>
    %sign3A_13 = arith.subi %sign3A_8, %sign3A_12 : vector<16xi32>
    %sign3A_14 = arith.constant 0 : i32
    %sign3A_15 = arith.cmpi sgt, %jit3A, %sign3A_14 : i32
    %sign3A_16 = arith.extui %sign3A_15 : i1 to i32
    %sign3A_17 = arith.constant 0 : i32
    %sign3A_18 = arith.cmpi slt, %jit3A, %sign3A_17 : i32
    %sign3A_19 = arith.extui %sign3A_18 : i1 to i32
    %sign3A_20 = arith.subi %sign3A_16, %sign3A_19 : i32
    %ne3A = vector.broadcast %sign3A_20 : i32 to vector<16xi32>
    %ne3A_21 = arith.cmpi ne, %sign3A_13, %ne3A : vector<16xi32>
    %rem3A = vector.broadcast %jit3A : i32 to vector<16xi32>
    %rem3A_22 = arith.remsi %iota3A, %rem3A : vector<16xi32>
    %ne3A_23 = arith.constant 0 : i32
    %ne3A_24 = vector.broadcast %ne3A_23 : i32 to vector<16xi32>
    %ne3A_25 = arith.cmpi ne, %rem3A_22, %ne3A_24 : vector<16xi32>
    %and3A = arith.andi %ne3A_21, %ne3A_25 : vector<16xi1>
    %sub3A = arith.constant 1 : i32
    %sub3A_26 = vector.broadcast %sub3A : i32 to vector<16xi32>
    %sub3A_27 = arith.subi %div3A_5, %sub3A_26 : vector<16xi32>
    %select_n3A = arith.select %and3A, %sub3A_27, %div3A_5 : vector<16xi1>, vector<16xi32>
    %add3A_28 = arith.constant 0 : i32
    %add3A_29 = vector.broadcast %add3A_28 : i32 to vector<16xi32>
    %add3A_30 = arith.addi %select_n3A, %add3A_29 : vector<16xi32>
    %add3A_31 = arith.constant 1 : i32
    %add3A_32 = vector.broadcast %add3A_31 : i32 to vector<16xi32>
    %add3A_33 = arith.addi %select_n3A, %add3A_32 : vector<16xi32>
    %add3A_34 = arith.constant 2 : i32
    %add3A_35 = vector.broadcast %add3A_34 : i32 to vector<16xi32>
    %add3A_36 = arith.addi %select_n3A, %add3A_35 : vector<16xi32>
    %add3A_37 = arith.constant 3 : i32
    %add3A_38 = vector.broadcast %add3A_37 : i32 to vector<16xi32>
    %add3A_39 = arith.addi %select_n3A, %add3A_38 : vector<16xi32>
    %add3A_40 = arith.constant 4 : i32
    %add3A_41 = vector.broadcast %add3A_40 : i32 to vector<16xi32>
    %add3A_42 = arith.addi %select_n3A, %add3A_41 : vector<16xi32>
    %add3A_43 = arith.constant 5 : i32
    %add3A_44 = vector.broadcast %add3A_43 : i32 to vector<16xi32>
    %add3A_45 = arith.addi %select_n3A, %add3A_44 : vector<16xi32>
    %add3A_46 = arith.constant 6 : i32
    %add3A_47 = vector.broadcast %add3A_46 : i32 to vector<16xi32>
    %add3A_48 = arith.addi %select_n3A, %add3A_47 : vector<16xi32>
    %add3A_49 = arith.constant 7 : i32
    %add3A_50 = vector.broadcast %add3A_49 : i32 to vector<16xi32>
    %add3A_51 = arith.addi %select_n3A, %add3A_50 : vector<16xi32>
    %add3A_52 = arith.constant 8 : i32
    %add3A_53 = vector.broadcast %add3A_52 : i32 to vector<16xi32>
    %add3A_54 = arith.addi %select_n3A, %add3A_53 : vector<16xi32>
    %add3A_55 = arith.constant 9 : i32
    %add3A_56 = vector.broadcast %add3A_55 : i32 to vector<16xi32>
    %add3A_57 = arith.addi %select_n3A, %add3A_56 : vector<16xi32>
    %add3A_58 = arith.constant 10 : i32
    %add3A_59 = vector.broadcast %add3A_58 : i32 to vector<16xi32>
    %add3A_60 = arith.addi %select_n3A, %add3A_59 : vector<16xi32>
    %add3A_61 = arith.constant 11 : i32
    %add3A_62 = vector.broadcast %add3A_61 : i32 to vector<16xi32>
    %add3A_63 = arith.addi %select_n3A, %add3A_62 : vector<16xi32>
    %add3A_64 = arith.constant 12 : i32
    %add3A_65 = vector.broadcast %add3A_64 : i32 to vector<16xi32>
    %add3A_66 = arith.addi %select_n3A, %add3A_65 : vector<16xi32>
    %add3A_67 = arith.constant 13 : i32
    %add3A_68 = vector.broadcast %add3A_67 : i32 to vector<16xi32>
    %add3A_69 = arith.addi %select_n3A, %add3A_68 : vector<16xi32>
    %add3A_70 = arith.constant 14 : i32
    %add3A_71 = vector.broadcast %add3A_70 : i32 to vector<16xi32>
    %add3A_72 = arith.addi %select_n3A, %add3A_71 : vector<16xi32>
    %add3A_73 = arith.constant 15 : i32
    %add3A_74 = vector.broadcast %add3A_73 : i32 to vector<16xi32>
    %add3A_75 = arith.addi %select_n3A, %add3A_74 : vector<16xi32>
    %lt3A = arith.constant 1 : i32
    %lt3A_76 = vector.broadcast %lt3A : i32 to vector<16xi32>
    %lt3A_77 = arith.cmpi slt, %iota3A, %lt3A_76 : vector<16xi32>
    %scan3A = arith.constant 0 : i32
    %scan3A_78 = arith.constant 0 : i32
    %scan3A_79 = arith.constant 8 : i32
    %scan3A_80 = arith.addi %scan3A_78, %scan3A_79 : i32
    %scan3A_81 = arith.constant 1 : i32
    scf.for %scan3A_88 = %scan3A_78 to %scan3A_80 step %scan3A_81  : i32 {
      %mul3A_89 = arith.constant 160 : i32
      %mul3A_90 = arith.muli %add3A, %mul3A_89 : i32
      %mul3A_91 = arith.constant 20 : i32
      %mul3A_92 = arith.muli %scan3A_88, %mul3A_91 : i32
      %add3A_93 = arith.addi %mul3A_90, %mul3A_92 : i32
      "tpu.region"() ({
        %run_scoped3A = tpu.sem_alloc : memref<!tpu.dma_semaphore, #tpu.memory_space<semaphore_mem>>
        %dma_start3A_106 = arith.constant 0 : i32
        %dma_start3A_107 = tpu.memref_slice %arg2[%add3A_93, %dma_start3A_106] : memref<5120x64xi32, #tpu.memory_space<hbm>> -> memref<20x64xi32, #tpu.memory_space<hbm>>
        %dma_start3A_108 = arith.constant 0 : i32
        %dma_start3A_109 = tpu.memref_slice %arg2[%add3A_93, %dma_start3A_108] : memref<5120x64xi32, #tpu.memory_space<hbm>> -> memref<20x64xi32, #tpu.memory_space<hbm>>
        tpu.enqueue_dma source(%dma_start3A_109 : memref<20x64xi32, #tpu.memory_space<hbm>>) target(%arg10 : memref<20x64xi32, #tpu.memory_space<vmem>>) target_semaphore(%run_scoped3A : memref<!tpu.dma_semaphore, #tpu.memory_space<semaphore_mem>>)
        %dma_wait3A = arith.constant 0 : i32
        %dma_wait3A_110 = tpu.memref_slice %arg2[%add3A_93, %dma_wait3A] : memref<5120x64xi32, #tpu.memory_space<hbm>> -> memref<20x64xi32, #tpu.memory_space<hbm>>
        %dma_wait3A_111 = arith.constant 0 : i32
        %dma_wait3A_112 = tpu.memref_slice %arg2[%add3A_93, %dma_wait3A_111] : memref<5120x64xi32, #tpu.memory_space<hbm>> -> memref<20x64xi32, #tpu.memory_space<hbm>>
        tpu.wait_dma2 semaphore(%run_scoped3A : memref<!tpu.dma_semaphore, #tpu.memory_space<semaphore_mem>>) src(%dma_wait3A_112 : memref<20x64xi32, #tpu.memory_space<hbm>>) dst(%arg10 : memref<20x64xi32, #tpu.memory_space<vmem>>)
        tpu.yield
      }) : () -> ()
      "tpu.region"() ({
        %run_scoped3A = tpu.sem_alloc : memref<!tpu.dma_semaphore, #tpu.memory_space<semaphore_mem>>
        %dma_start3A_106 = arith.constant 0 : i32
        %dma_start3A_107 = tpu.memref_slice %arg3[%add3A_93, %dma_start3A_106] : memref<5120x64xi32, #tpu.memory_space<hbm>> -> memref<20x64xi32, #tpu.memory_space<hbm>>
        %dma_start3A_108 = arith.constant 0 : i32
        %dma_start3A_109 = tpu.memref_slice %arg3[%add3A_93, %dma_start3A_108] : memref<5120x64xi32, #tpu.memory_space<hbm>> -> memref<20x64xi32, #tpu.memory_space<hbm>>
        tpu.enqueue_dma source(%dma_start3A_109 : memref<20x64xi32, #tpu.memory_space<hbm>>) target(%arg11 : memref<20x64xi32, #tpu.memory_space<vmem>>) target_semaphore(%run_scoped3A : memref<!tpu.dma_semaphore, #tpu.memory_space<semaphore_mem>>)
        %dma_wait3A = arith.constant 0 : i32
        %dma_wait3A_110 = tpu.memref_slice %arg3[%add3A_93, %dma_wait3A] : memref<5120x64xi32, #tpu.memory_space<hbm>> -> memref<20x64xi32, #tpu.memory_space<hbm>>
        %dma_wait3A_111 = arith.constant 0 : i32
        %dma_wait3A_112 = tpu.memref_slice %arg3[%add3A_93, %dma_wait3A_111] : memref<5120x64xi32, #tpu.memory_space<hbm>> -> memref<20x64xi32, #tpu.memory_space<hbm>>
        tpu.wait_dma2 semaphore(%run_scoped3A : memref<!tpu.dma_semaphore, #tpu.memory_space<semaphore_mem>>) src(%dma_wait3A_112 : memref<20x64xi32, #tpu.memory_space<hbm>>) dst(%arg11 : memref<20x64xi32, #tpu.memory_space<vmem>>)
        tpu.yield
      }) : () -> ()
      %dma_start3A = arith.constant 0 : i32
      %dma_start3A_94 = arith.constant 0 : i32
      %dma_start3A_95 = tpu.memref_slice %arg10[%dma_start3A, %dma_start3A_94] : memref<20x64xi32, #tpu.memory_space<vmem>> -> memref<1x64xi32, #tpu.memory_space<vmem>>
      %dma_start3A_96 = tpu.memref_squeeze %dma_start3A_95 : memref<1x64xi32, #tpu.memory_space<vmem>> -> memref<64xi32, #tpu.memory_space<vmem>>
      %dma_start3A_97 = arith.constant 0 : i32
      %dma_start3A_98 = arith.constant 0 : i32
      %dma_start3A_99 = tpu.memref_slice %arg4[%dma_start3A_97, %dma_start3A_98] : memref<10240x128xbf16, #tpu.memory_space<hbm>> -> memref<10240x128xbf16, #tpu.memory_space<hbm>>
      tpu.enqueue_indirect_dma source(%dma_start3A_99 : memref<10240x128xbf16, #tpu.memory_space<hbm>>) target(%arg12 : memref<64x128xbf16, #tpu.memory_space<vmem>>) offsets(%dma_start3A_96 : memref<64xi32, #tpu.memory_space<vmem>>) semaphore(%arg20 : memref<!tpu.dma_semaphore, #tpu.memory_space<semaphore_mem>>)
      %scan3A_100 = arith.constant 0 : i32
      %scan3A_101 = arith.constant 0 : i32
      %scan3A_102 = arith.constant 10 : i32
      %scan3A_103 = arith.addi %scan3A_101, %scan3A_102 : i32
      %scan3A_104 = arith.constant 1 : i32
      scf.for %scan3A_106 = %scan3A_101 to %scan3A_103 step %scan3A_104  : i32 {
        %mul3A_107 = arith.constant 2 : i32
        %mul3A_108 = arith.muli %mul3A_107, %scan3A_106 : i32
        %add3A_109 = arith.constant 1 : i32
        %add3A_110 = arith.addi %mul3A_108, %add3A_109 : i32
        %dma_start3A_111 = arith.constant 0 : i32
        %dma_start3A_112 = tpu.memref_slice %arg10[%add3A_110, %dma_start3A_111] : memref<20x64xi32, #tpu.memory_space<vmem>> -> memref<1x64xi32, #tpu.memory_space<vmem>>
        %dma_start3A_113 = tpu.memref_squeeze %dma_start3A_112 : memref<1x64xi32, #tpu.memory_space<vmem>> -> memref<64xi32, #tpu.memory_space<vmem>>
        %dma_start3A_114 = arith.constant 0 : i32
        %dma_start3A_115 = arith.constant 0 : i32
        %dma_start3A_116 = tpu.memref_slice %arg4[%dma_start3A_114, %dma_start3A_115] : memref<10240x128xbf16, #tpu.memory_space<hbm>> -> memref<10240x128xbf16, #tpu.memory_space<hbm>>
        tpu.enqueue_indirect_dma source(%dma_start3A_116 : memref<10240x128xbf16, #tpu.memory_space<hbm>>) target(%arg13 : memref<64x128xbf16, #tpu.memory_space<vmem>>) offsets(%dma_start3A_113 : memref<64xi32, #tpu.memory_space<vmem>>) semaphore(%arg21 : memref<!tpu.dma_semaphore, #tpu.memory_space<semaphore_mem>>)
        %dma_wait3A = arith.constant 0 : i32
        %dma_wait3A_117 = tpu.memref_slice %arg10[%mul3A_108, %dma_wait3A] : memref<20x64xi32, #tpu.memory_space<vmem>> -> memref<1x64xi32, #tpu.memory_space<vmem>>
        %dma_wait3A_118 = tpu.memref_squeeze %dma_wait3A_117 : memref<1x64xi32, #tpu.memory_space<vmem>> -> memref<64xi32, #tpu.memory_space<vmem>>
        %dma_wait3A_119 = arith.constant 0 : i32
        %dma_wait3A_120 = arith.constant 0 : i32
        %dma_wait3A_121 = tpu.memref_slice %arg4[%dma_wait3A_119, %dma_wait3A_120] : memref<10240x128xbf16, #tpu.memory_space<hbm>> -> memref<10240x128xbf16, #tpu.memory_space<hbm>>
        tpu.wait_indirect_dma semaphore(%arg20 : memref<!tpu.dma_semaphore, #tpu.memory_space<semaphore_mem>>) src(%dma_wait3A_121 : memref<10240x128xbf16, #tpu.memory_space<hbm>>) dst(%arg12 : memref<64x128xbf16, #tpu.memory_space<vmem>>)
        %scan3A_122 = arith.constant 0 : i32
        %scan3A_123 = arith.constant 0 : i32
        %scan3A_124 = arith.constant 4 : i32
        %scan3A_125 = arith.addi %scan3A_123, %scan3A_124 : i32
        %scan3A_126 = arith.constant 1 : i32
        scf.for %scan3A_152 = %scan3A_123 to %scan3A_125 step %scan3A_126  : i32 {
          %mul3A_153 = arith.constant 16 : i32
          %mul3A_154 = arith.muli %scan3A_152, %mul3A_153 : i32
          %get3A = arith.index_cast %mul3A_108 : i32 to index
          %get3A_155 = arith.index_cast %mul3A_154 : i32 to index
          %get3A_156 = tpu.vector_load %arg10[%get3A, %get3A_155] {strides = array<i32>} : memref<20x64xi32, #tpu.memory_space<vmem>>, vector<16xi32>,
          %mul3A_157 = arith.constant 16 : i32
          %mul3A_158 = arith.muli %scan3A_152, %mul3A_157 : i32
          %get3A_159 = arith.index_cast %mul3A_108 : i32 to index
          %get3A_160 = arith.index_cast %mul3A_158 : i32 to index
          %get3A_161 = tpu.vector_load %arg11[%get3A_159, %get3A_160] {strides = array<i32>} : memref<20x64xi32, #tpu.memory_space<vmem>>, vector<16xi32>,
          %gather3A = tpu.vector_load_idx %arg16[%get3A_156] : memref<10240xi32, #tpu.memory_space<vmem>>[vector<16xi32>], vector<16xi32>,
          %bitcast3A = vector.bitcast %gather3A : vector<16xi32> to vector<32xbf16>
          %unpack3A = tpu.unpack_subelements %bitcast3A, 0 {pack_format = #tpu.pack_format<interleaved>} : vector<32xbf16> -> vector<16xf32>
          %unpack3A_162 = tpu.unpack_subelements %bitcast3A, 1 {pack_format = #tpu.pack_format<interleaved>} : vector<32xbf16> -> vector<16xf32>
          %gather3A_163 = tpu.vector_load_idx %arg16[%get3A_161] : memref<10240xi32, #tpu.memory_space<vmem>>[vector<16xi32>], vector<16xi32>,
          %bitcast3A_164 = vector.bitcast %gather3A_163 : vector<16xi32> to vector<32xbf16>
          %unpack3A_165 = tpu.unpack_subelements %bitcast3A_164, 0 {pack_format = #tpu.pack_format<interleaved>} : vector<32xbf16> -> vector<16xf32>
          %unpack3A_166 = tpu.unpack_subelements %bitcast3A_164, 1 {pack_format = #tpu.pack_format<interleaved>} : vector<32xbf16> -> vector<16xf32>
          %add3A_167 = arith.addf %unpack3A, %unpack3A_166 : vector<16xf32>
          %mul3A_168 = arith.constant 2.000000e-01 : f32
          %mul3A_169 = vector.broadcast %mul3A_168 : f32 to vector<16xf32>
          %mul3A_170 = arith.mulf %mul3A_169, %add3A_167 : vector<16xf32>
          %max3A = arith.maximumf %add3A_167, %mul3A_170 : vector<16xf32>
          %exp3A = math.exp %max3A : vector<16xf32>
          %swap3A = arith.constant 0 : index
          %swap3A_171 = tpu.vector_load %arg17[%swap3A] {strides = array<i32>} : memref<16xf32, #tpu.memory_space<vmem>>, vector<16xf32>,
          tpu.vector_store %arg17[%swap3A], %exp3A {strides = array<i32>} : memref<16xf32, #tpu.memory_space<vmem>>, vector<16xf32>,
          %mul3A_172 = arith.constant 16 : i32
          %mul3A_173 = arith.muli %scan3A_152, %mul3A_172 : i32
          %add3A_174 = arith.constant 0 : i32
          %add3A_175 = arith.addi %mul3A_173, %add3A_174 : i32
          %gather3A_176 = tpu.vector_load_idx %arg17[%add3A_30] : memref<16xf32, #tpu.memory_space<vmem>>[vector<16xi32>], vector<16xf32>,
          %add3A_177 = vector.broadcast %mul3A_108 : i32 to vector<16xi32>
          %add3A_178 = arith.addi %select_n3A, %add3A_177 : vector<16xi32>
          %add3A_179 = vector.broadcast %add3A_175 : i32 to vector<16xi32>
          %add3A_180 = arith.addi %select_n3A, %add3A_179 : vector<16xi32>
          %gather3A_181 = tpu.vector_load_idx %arg11[%add3A_178, %add3A_180] : memref<20x64xi32, #tpu.memory_space<vmem>>[vector<16xi32>, vector<16xi32>], vector<16xi32>,
          tpu.vector_store_idx %arg18[%gather3A_181], %gather3A_176 masked %lt3A_77 {add = true} : memref<10240xf32, #tpu.memory_space<vmem>>[vector<16xi32>], vector<16xf32>, vector<16xi1>
          %get3A_182 = arith.index_cast %add3A_175 : i32 to index
          %get3A_183 = arith.constant 0 : index
          %get3A_184 = tpu.vector_load %arg12[%get3A_182, %get3A_183] {strides = array<i32>} : memref<64x128xbf16, #tpu.memory_space<vmem>>, vector<32xbf16>,
          %unpack3A_185 = tpu.unpack_subelements %get3A_184, 0 {pack_format = #tpu.pack_format<interleaved>} : vector<32xbf16> -> vector<16xf32>
          %unpack3A_186 = tpu.unpack_subelements %get3A_184, 1 {pack_format = #tpu.pack_format<interleaved>} : vector<32xbf16> -> vector<16xf32>
          %mul3A_187 = arith.mulf %unpack3A_185, %gather3A_176 : vector<16xf32>
          %swap3A_188 = arith.index_cast %add3A_175 : i32 to index
          %swap3A_189 = arith.constant 0 : index
          %swap3A_190 = tpu.vector_load %arg14[%swap3A_188, %swap3A_189] {strides = array<i32>} : memref<64x128xf32, #tpu.memory_space<vmem>>, vector<16xf32>,
          tpu.vector_store %arg14[%swap3A_188, %swap3A_189], %mul3A_187 {strides = array<i32>} : memref<64x128xf32, #tpu.memory_space<vmem>>, vector<16xf32>,
          %mul3A_191 = arith.mulf %unpack3A_186, %gather3A_176 : vector<16xf32>
          %swap3A_192 = arith.index_cast %add3A_175 : i32 to index
          %swap3A_193 = arith.constant 16 : index
          %swap3A_194 = tpu.vector_load %arg14[%swap3A_192, %swap3A_193] {strides = array<i32>} : memref<64x128xf32, #tpu.memory_space<vmem>>, vector<16xf32>,
          tpu.vector_store %arg14[%swap3A_192, %swap3A_193], %mul3A_191 {strides = array<i32>} : memref<64x128xf32, #tpu.memory_space<vmem>>, vector<16xf32>,
          %get3A_195 = arith.index_cast %add3A_175 : i32 to index
          %get3A_196 = arith.constant 32 : index
          %get3A_197 = tpu.vector_load %arg12[%get3A_195, %get3A_196] {strides = array<i32>} : memref<64x128xbf16, #tpu.memory_space<vmem>>, vector<32xbf16>,
          %unpack3A_198 = tpu.unpack_subelements %get3A_197, 0 {pack_format = #tpu.pack_format<interleaved>} : vector<32xbf16> -> vector<16xf32>
          %unpack3A_199 = tpu.unpack_subelements %get3A_197, 1 {pack_format = #tpu.pack_format<interleaved>} : vector<32xbf16> -> vector<16xf32>
          %mul3A_200 = arith.mulf %unpack3A_198, %gather3A_176 : vector<16xf32>
          %swap3A_201 = arith.index_cast %add3A_175 : i32 to index
          %swap3A_202 = arith.constant 32 : index
          %swap3A_203 = tpu.vector_load %arg14[%swap3A_201, %swap3A_202] {strides = array<i32>} : memref<64x128xf32, #tpu.memory_space<vmem>>, vector<16xf32>,
          tpu.vector_store %arg14[%swap3A_201, %swap3A_202], %mul3A_200 {strides = array<i32>} : memref<64x128xf32, #tpu.memory_space<vmem>>, vector<16xf32>,
          %mul3A_204 = arith.mulf %unpack3A_199, %gather3A_176 : vector<16xf32>
          %swap3A_205 = arith.index_cast %add3A_175 : i32 to index
          %swap3A_206 = arith.constant 48 : index
          %swap3A_207 = tpu.vector_load %arg14[%swap3A_205, %swap3A_206] {strides = array<i32>} : memref<64x128xf32, #tpu.memory_space<vmem>>, vector<16xf32>,
          tpu.vector_store %arg14[%swap3A_205, %swap3A_206], %mul3A_204 {strides = array<i32>} : memref<64x128xf32, #tpu.memory_space<vmem>>, vector<16xf32>,
          %get3A_208 = arith.index_cast %add3A_175 : i32 to index
          %get3A_209 = arith.constant 64 : index
          %get3A_210 = tpu.vector_load %arg12[%get3A_208, %get3A_209] {strides = array<i32>} : memref<64x128xbf16, #tpu.memory_space<vmem>>, vector<32xbf16>,
          %unpack3A_211 = tpu.unpack_subelements %get3A_210, 0 {pack_format = #tpu.pack_format<interleaved>} : vector<32xbf16> -> vector<16xf32>
          %unpack3A_212 = tpu.unpack_subelements %get3A_210, 1 {pack_format = #tpu.pack_format<interleaved>} : vector<32xbf16> -> vector<16xf32>
          %mul3A_213 = arith.mulf %unpack3A_211, %gather3A_176 : vector<16xf32>
          %swap3A_214 = arith.index_cast %add3A_175 : i32 to index
          %swap3A_215 = arith.constant 64 : index
          %swap3A_216 = tpu.vector_load %arg14[%swap3A_214, %swap3A_215] {strides = array<i32>} : memref<64x128xf32, #tpu.memory_space<vmem>>, vector<16xf32>,
          tpu.vector_store %arg14[%swap3A_214, %swap3A_215], %mul3A_213 {strides = array<i32>} : memref<64x128xf32, #tpu.memory_space<vmem>>, vector<16xf32>,
          %mul3A_217 = arith.mulf %unpack3A_212, %gather3A_176 : vector<16xf32>
          %swap3A_218 = arith.index_cast %add3A_175 : i32 to index
          %swap3A_219 = arith.constant 80 : index
          %swap3A_220 = tpu.vector_load %arg14[%swap3A_218, %swap3A_219] {strides = array<i32>} : memref<64x128xf32, #tpu.memory_space<vmem>>, vector<16xf32>,
          tpu.vector_store %arg14[%swap3A_218, %swap3A_219], %mul3A_217 {strides = array<i32>} : memref<64x128xf32, #tpu.memory_space<vmem>>, vector<16xf32>,
          %get3A_221 = arith.index_cast %add3A_175 : i32 to index
          %get3A_222 = arith.constant 96 : index
          %get3A_223 = tpu.vector_load %arg12[%get3A_221, %get3A_222] {strides = array<i32>} : memref<64x128xbf16, #tpu.memory_space<vmem>>, vector<32xbf16>,
          %unpack3A_224 = tpu.unpack_subelements %get3A_223, 0 {pack_format = #tpu.pack_format<interleaved>} : vector<32xbf16> -> vector<16xf32>
          %unpack3A_225 = tpu.unpack_subelements %get3A_223, 1 {pack_format = #tpu.pack_format<interleaved>} : vector<32xbf16> -> vector<16xf32>
          %mul3A_226 = arith.mulf %unpack3A_224, %gather3A_176 : vector<16xf32>
          %swap3A_227 = arith.index_cast %add3A_175 : i32 to index
          %swap3A_228 = arith.constant 96 : index
          %swap3A_229 = tpu.vector_load %arg14[%swap3A_227, %swap3A_228] {strides = array<i32>} : memref<64x128xf32, #tpu.memory_space<vmem>>, vector<16xf32>,
          tpu.vector_store %arg14[%swap3A_227, %swap3A_228], %mul3A_226 {strides = array<i32>} : memref<64x128xf32, #tpu.memory_space<vmem>>, vector<16xf32>,
          %mul3A_230 = arith.mulf %unpack3A_225, %gather3A_176 : vector<16xf32>
          %swap3A_231 = arith.index_cast %add3A_175 : i32 to index
          %swap3A_232 = arith.constant 112 : index
          %swap3A_233 = tpu.vector_load %arg14[%swap3A_231, %swap3A_232] {strides = array<i32>} : memref<64x128xf32, #tpu.memory_space<vmem>>, vector<16xf32>,
          tpu.vector_store %arg14[%swap3A_231, %swap3A_232], %mul3A_230 {strides = array<i32>} : memref<64x128xf32, #tpu.memory_space<vmem>>, vector<16xf32>,
          %mul3A_234 = arith.constant 16 : i32
          %mul3A_235 = arith.muli %scan3A_152, %mul3A_234 : i32
          %add3A_236 = arith.constant 1 : i32
          %add3A_237 = arith.addi %mul3A_235, %add3A_236 : i32
          %gather3A_238 = tpu.vector_load_idx %arg17[%add3A_33] : memref<16xf32, #tpu.memory_space<vmem>>[vector<16xi32>], vector<16xf32>,
          %add3A_239 = vector.broadcast %mul3A_108 : i32 to vector<16xi32>
          %add3A_240 = arith.addi %select_n3A, %add3A_239 : vector<16xi32>
          %add3A_241 = vector.broadcast %add3A_237 : i32 to vector<16xi32>
          %add3A_242 = arith.addi %select_n3A, %add3A_241 : vector<16xi32>
          %gather3A_243 = tpu.vector_load_idx %arg11[%add3A_240, %add3A_242] : memref<20x64xi32, #tpu.memory_space<vmem>>[vector<16xi32>, vector<16xi32>], vector<16xi32>,
          tpu.vector_store_idx %arg18[%gather3A_243], %gather3A_238 masked %lt3A_77 {add = true} : memref<10240xf32, #tpu.memory_space<vmem>>[vector<16xi32>], vector<16xf32>, vector<16xi1>
          %get3A_244 = arith.index_cast %add3A_237 : i32 to index
          %get3A_245 = arith.constant 0 : index
          %get3A_246 = tpu.vector_load %arg12[%get3A_244, %get3A_245] {strides = array<i32>} : memref<64x128xbf16, #tpu.memory_space<vmem>>, vector<32xbf16>,
          %unpack3A_247 = tpu.unpack_subelements %get3A_246, 0 {pack_format = #tpu.pack_format<interleaved>} : vector<32xbf16> -> vector<16xf32>
          %unpack3A_248 = tpu.unpack_subelements %get3A_246, 1 {pack_format = #tpu.pack_format<interleaved>} : vector<32xbf16> -> vector<16xf32>
          %mul3A_249 = arith.mulf %unpack3A_247, %gather3A_238 : vector<16xf32>
          %swap3A_250 = arith.index_cast %add3A_237 : i32 to index
          %swap3A_251 = arith.constant 0 : index
          %swap3A_252 = tpu.vector_load %arg14[%swap3A_250, %swap3A_251] {strides = array<i32>} : memref<64x128xf32, #tpu.memory_space<vmem>>, vector<16xf32>,
          tpu.vector_store %arg14[%swap3A_250, %swap3A_251], %mul3A_249 {strides = array<i32>} : memref<64x128xf32, #tpu.memory_space<vmem>>, vector<16xf32>,
          %mul3A_253 = arith.mulf %unpack3A_248, %gather3A_238 : vector<16xf32>
          %swap3A_254 = arith.index_cast %add3A_237 : i32 to index
          %swap3A_255 = arith.constant 16 : index
          %swap3A_256 = tpu.vector_load %arg14[%swap3A_254, %swap3A_255] {strides = array<i32>} : memref<64x128xf32, #tpu.memory_space<vmem>>, vector<16xf32>,
          tpu.vector_store %arg14[%swap3A_254, %swap3A_255], %mul3A_253 {strides = array<i32>} : memref<64x128xf32, #tpu.memory_space<vmem>>, vector<16xf32>,
          %get3A_257 = arith.index_cast %add3A_237 : i32 to index
          %get3A_258 = arith.constant 32 : index
          %get3A_259 = tpu.vector_load %arg12[%get3A_257, %get3A_258] {strides = array<i32>} : memref<64x128xbf16, #tpu.memory_space<vmem>>, vector<32xbf16>,
          %unpack3A_260 = tpu.unpack_subelements %get3A_259, 0 {pack_format = #tpu.pack_format<interleaved>} : vector<32xbf16> -> vector<16xf32>
          %unpack3A_261 = tpu.unpack_subelements %get3A_259, 1 {pack_format = #tpu.pack_format<interleaved>} : vector<32xbf16> -> vector<16xf32>
          %mul3A_262 = arith.mulf %unpack3A_260, %gather3A_238 : vector<16xf32>
          %swap3A_263 = arith.index_cast %add3A_237 : i32 to index
          %swap3A_264 = arith.constant 32 : index
          %swap3A_265 = tpu.vector_load %arg14[%swap3A_263, %swap3A_264] {strides = array<i32>} : memref<64x128xf32, #tpu.memory_space<vmem>>, vector<16xf32>,
          tpu.vector_store %arg14[%swap3A_263, %swap3A_264], %mul3A_262 {strides = array<i32>} : memref<64x128xf32, #tpu.memory_space<vmem>>, vector<16xf32>,
          %mul3A_266 = arith.mulf %unpack3A_261, %gather3A_238 : vector<16xf32>
          %swap3A_267 = arith.index_cast %add3A_237 : i32 to index
          %swap3A_268 = arith.constant 48 : index
          %swap3A_269 = tpu.vector_load %arg14[%swap3A_267, %swap3A_268] {strides = array<i32>} : memref<64x128xf32, #tpu.memory_space<vmem>>, vector<16xf32>,
          tpu.vector_store %arg14[%swap3A_267, %swap3A_268], %mul3A_266 {strides = array<i32>} : memref<64x128xf32, #tpu.memory_space<vmem>>, vector<16xf32>,
          %get3A_270 = arith.index_cast %add3A_237 : i32 to index
          %get3A_271 = arith.constant 64 : index
          %get3A_272 = tpu.vector_load %arg12[%get3A_270, %get3A_271] {strides = array<i32>} : memref<64x128xbf16, #tpu.memory_space<vmem>>, vector<32xbf16>,
          %unpack3A_273 = tpu.unpack_subelements %get3A_272, 0 {pack_format = #tpu.pack_format<interleaved>} : vector<32xbf16> -> vector<16xf32>
          %unpack3A_274 = tpu.unpack_subelements %get3A_272, 1 {pack_format = #tpu.pack_format<interleaved>} : vector<32xbf16> -> vector<16xf32>
          %mul3A_275 = arith.mulf %unpack3A_273, %gather3A_238 : vector<16xf32>
          %swap3A_276 = arith.index_cast %add3A_237 : i32 to index
          %swap3A_277 = arith.constant 64 : index
          %swap3A_278 = tpu.vector_load %arg14[%swap3A_276, %swap3A_277] {strides = array<i32>} : memref<64x128xf32, #tpu.memory_space<vmem>>, vector<16xf32>,
          tpu.vector_store %arg14[%swap3A_276, %swap3A_277], %mul3A_275 {strides = array<i32>} : memref<64x128xf32, #tpu.memory_space<vmem>>, vector<16xf32>,
          %mul3A_279 = arith.mulf %unpack3A_274, %gather3A_238 : vector<16xf32>
          %swap3A_280 = arith.index_cast %add3A_237 : i32 to index
          %swap3A_281 = arith.constant 80 : index
          %swap3A_282 = tpu.vector_load %arg14[%swap3A_280, %swap3A_281] {strides = array<i32>} : memref<64x128xf32, #tpu.memory_space<vmem>>, vector<16xf32>,
          tpu.vector_store %arg14[%swap3A_280, %swap3A_281], %mul3A_279 {strides = array<i32>} : memref<64x128xf32, #tpu.memory_space<vmem>>, vector<16xf32>,
          %get3A_283 = arith.index_cast %add3A_237 : i32 to index
          %get3A_284 = arith.constant 96 : index
          %get3A_285 = tpu.vector_load %arg12[%get3A_283, %get3A_284] {strides = array<i32>} : memref<64x128xbf16, #tpu.memory_space<vmem>>, vector<32xbf16>,
          %unpack3A_286 = tpu.unpack_subelements %get3A_285, 0 {pack_format = #tpu.pack_format<interleaved>} : vector<32xbf16> -> vector<16xf32>
          %unpack3A_287 = tpu.unpack_subelements %get3A_285, 1 {pack_format = #tpu.pack_format<interleaved>} : vector<32xbf16> -> vector<16xf32>
          %mul3A_288 = arith.mulf %unpack3A_286, %gather3A_238 : vector<16xf32>
          %swap3A_289 = arith.index_cast %add3A_237 : i32 to index
          %swap3A_290 = arith.constant 96 : index
          %swap3A_291 = tpu.vector_load %arg14[%swap3A_289, %swap3A_290] {strides = array<i32>} : memref<64x128xf32, #tpu.memory_space<vmem>>, vector<16xf32>,
          tpu.vector_store %arg14[%swap3A_289, %swap3A_290], %mul3A_288 {strides = array<i32>} : memref<64x128xf32, #tpu.memory_space<vmem>>, vector<16xf32>,
          %mul3A_292 = arith.mulf %unpack3A_287, %gather3A_238 : vector<16xf32>
          %swap3A_293 = arith.index_cast %add3A_237 : i32 to index
          %swap3A_294 = arith.constant 112 : index
          %swap3A_295 = tpu.vector_load %arg14[%swap3A_293, %swap3A_294] {strides = array<i32>} : memref<64x128xf32, #tpu.memory_space<vmem>>, vector<16xf32>,
          tpu.vector_store %arg14[%swap3A_293, %swap3A_294], %mul3A_292 {strides = array<i32>} : memref<64x128xf32, #tpu.memory_space<vmem>>, vector<16xf32>,
          %mul3A_296 = arith.constant 16 : i32
          %mul3A_297 = arith.muli %scan3A_152, %mul3A_296 : i32
          %add3A_298 = arith.constant 2 : i32
          %add3A_299 = arith.addi %mul3A_297, %add3A_298 : i32
          %gather3A_300 = tpu.vector_load_idx %arg17[%add3A_36] : memref<16xf32, #tpu.memory_space<vmem>>[vector<16xi32>], vector<16xf32>,
          %add3A_301 = vector.broadcast %mul3A_108 : i32 to vector<16xi32>
          %add3A_302 = arith.addi %select_n3A, %add3A_301 : vector<16xi32>
          %add3A_303 = vector.broadcast %add3A_299 : i32 to vector<16xi32>
          %add3A_304 = arith.addi %select_n3A, %add3A_303 : vector<16xi32>
          %gather3A_305 = tpu.vector_load_idx %arg11[%add3A_302, %add3A_304] : memref<20x64xi32, #tpu.memory_space<vmem>>[vector<16xi32>, vector<16xi32>], vector<16xi32>,
          tpu.vector_store_idx %arg18[%gather3A_305], %gather3A_300 masked %lt3A_77 {add = true} : memref<10240xf32, #tpu.memory_space<vmem>>[vector<16xi32>], vector<16xf32>, vector<16xi1>
          %get3A_306 = arith.index_cast %add3A_299 : i32 to index
          %get3A_307 = arith.constant 0 : index
          %get3A_308 = tpu.vector_load %arg12[%get3A_306, %get3A_307] {strides = array<i32>} : memref<64x128xbf16, #tpu.memory_space<vmem>>, vector<32xbf16>,
          %unpack3A_309 = tpu.unpack_subelements %get3A_308, 0 {pack_format = #tpu.pack_format<interleaved>} : vector<32xbf16> -> vector<16xf32>
          %unpack3A_310 = tpu.unpack_subelements %get3A_308, 1 {pack_format = #tpu.pack_format<interleaved>} : vector<32xbf16> -> vector<16xf32>
          %mul3A_311 = arith.mulf %unpack3A_309, %gather3A_300 : vector<16xf32>
          %swap3A_312 = arith.index_cast %add3A_299 : i32 to index
          %swap3A_313 = arith.constant 0 : index
          %swap3A_314 = tpu.vector_load %arg14[%swap3A_312, %swap3A_313] {strides = array<i32>} : memref<64x128xf32, #tpu.memory_space<vmem>>, vector<16xf32>,
          tpu.vector_store %arg14[%swap3A_312, %swap3A_313], %mul3A_311 {strides = array<i32>} : memref<64x128xf32, #tpu.memory_space<vmem>>, vector<16xf32>,
          %mul3A_315 = arith.mulf %unpack3A_310, %gather3A_300 : vector<16xf32>
          %swap3A_316 = arith.index_cast %add3A_299 : i32 to index
          %swap3A_317 = arith.constant 16 : index
          %swap3A_318 = tpu.vector_load %arg14[%swap3A_316, %swap3A_317] {strides = array<i32>} : memref<64x128xf32, #tpu.memory_space<vmem>>, vector<16xf32>,
          tpu.vector_store %arg14[%swap3A_316, %swap3A_317], %mul3A_315 {strides = array<i32>} : memref<64x128xf32, #tpu.memory_space<vmem>>, vector<16xf32>,
          %get3A_319 = arith.index_cast %add3A_299 : i32 to index
          %get3A_320 = arith.constant 32 : index
          %get3A_321 = tpu.vector_load %arg12[%get3A_319, %get3A_320] {strides = array<i32>} : memref<64x128xbf16, #tpu.memory_space<vmem>>, vector<32xbf16>,
          %unpack3A_322 = tpu.unpack_subelements %get3A_321, 0 {pack_format = #tpu.pack_format<interleaved>} : vector<32xbf16> -> vector<16xf32>
          %unpack3A_323 = tpu.unpack_subelements %get3A_321, 1 {pack_format = #tpu.pack_format<interleaved>} : vector<32xbf16> -> vector<16xf32>
          %mul3A_324 = arith.mulf %unpack3A_322, %gather3A_300 : vector<16xf32>
          %swap3A_325 = arith.index_cast %add3A_299 : i32 to index
          %swap3A_326 = arith.constant 32 : index
          %swap3A_327 = tpu.vector_load %arg14[%swap3A_325, %swap3A_326] {strides = array<i32>} : memref<64x128xf32, #tpu.memory_space<vmem>>, vector<16xf32>,
          tpu.vector_store %arg14[%swap3A_325, %swap3A_326], %mul3A_324 {strides = array<i32>} : memref<64x128xf32, #tpu.memory_space<vmem>>, vector<16xf32>,
          %mul3A_328 = arith.mulf %unpack3A_323, %gather3A_300 : vector<16xf32>
          %swap3A_329 = arith.index_cast %add3A_299 : i32 to index
          %swap3A_330 = arith.constant 48 : index
          %swap3A_331 = tpu.vector_load %arg14[%swap3A_329, %swap3A_330] {strides = array<i32>} : memref<64x128xf32, #tpu.memory_space<vmem>>, vector<16xf32>,
          tpu.vector_store %arg14[%swap3A_329, %swap3A_330], %mul3A_328 {strides = array<i32>} : memref<64x128xf32, #tpu.memory_space<vmem>>, vector<16xf32>,
          %get3A_332 = arith.index_cast %add3A_299 : i32 to index
          %get3A_333 = arith.constant 64 : index
          %get3A_334 = tpu.vector_load %arg12[%get3A_332, %get3A_333] {strides = array<i32>} : memref<64x128xbf16, #tpu.memory_space<vmem>>, vector<32xbf16>,
          %unpack3A_335 = tpu.unpack_subelements %get3A_334, 0 {pack_format = #tpu.pack_format<interleaved>} : vector<32xbf16> -> vector<16xf32>
          %unpack3A_336 = tpu.unpack_subelements %get3A_334, 1 {pack_format = #tpu.pack_format<interleaved>} : vector<32xbf16> -> vector<16xf32>
          %mul3A_337 = arith.mulf %unpack3A_335, %gather3A_300 : vector<16xf32>
          %swap3A_338 = arith.index_cast %add3A_299 : i32 to index
          %swap3A_339 = arith.constant 64 : index
          %swap3A_340 = tpu.vector_load %arg14[%swap3A_338, %swap3A_339] {strides = array<i32>} : memref<64x128xf32, #tpu.memory_space<vmem>>, vector<16xf32>,
          tpu.vector_store %arg14[%swap3A_338, %swap3A_339], %mul3A_337 {strides = array<i32>} : memref<64x128xf32, #tpu.memory_space<vmem>>, vector<16xf32>,
          %mul3A_341 = arith.mulf %unpack3A_336, %gather3A_300 : vector<16xf32>
          %swap3A_342 = arith.index_cast %add3A_299 : i32 to index
          %swap3A_343 = arith.constant 80 : index
          %swap3A_344 = tpu.vector_load %arg14[%swap3A_342, %swap3A_343] {strides = array<i32>} : memref<64x128xf32, #tpu.memory_space<vmem>>, vector<16xf32>,
          tpu.vector_store %arg14[%swap3A_342, %swap3A_343], %mul3A_341 {strides = array<i32>} : memref<64x128xf32, #tpu.memory_space<vmem>>, vector<16xf32>,
          %get3A_345 = arith.index_cast %add3A_299 : i32 to index
          %get3A_346 = arith.constant 96 : index
          %get3A_347 = tpu.vector_load %arg12[%get3A_345, %get3A_346] {strides = array<i32>} : memref<64x128xbf16, #tpu.memory_space<vmem>>, vector<32xbf16>,
          %unpack3A_348 = tpu.unpack_subelements %get3A_347, 0 {pack_format = #tpu.pack_format<interleaved>} : vector<32xbf16> -> vector<16xf32>
          %unpack3A_349 = tpu.unpack_subelements %get3A_347, 1 {pack_format = #tpu.pack_format<interleaved>} : vector<32xbf16> -> vector<16xf32>
          %mul3A_350 = arith.mulf %unpack3A_348, %gather3A_300 : vector<16xf32>
          %swap3A_351 = arith.index_cast %add3A_299 : i32 to index
          %swap3A_352 = arith.constant 96 : index
          %swap3A_353 = tpu.vector_load %arg14[%swap3A_351, %swap3A_352] {strides = array<i32>} : memref<64x128xf32, #tpu.memory_space<vmem>>, vector<16xf32>,
          tpu.vector_store %arg14[%swap3A_351, %swap3A_352], %mul3A_350 {strides = array<i32>} : memref<64x128xf32, #tpu.memory_space<vmem>>, vector<16xf32>,
          %mul3A_354 = arith.mulf %unpack3A_349, %gather3A_300 : vector<16xf32>
          %swap3A_355 = arith.index_cast %add3A_299 : i32 to index
          %swap3A_356 = arith.constant 112 : index
          %swap3A_357 = tpu.vector_load %arg14[%swap3A_355, %swap3A_356] {strides = array<i32>} : memref<64x128xf32, #tpu.memory_space<vmem>>, vector<16xf32>,
          tpu.vector_store %arg14[%swap3A_355, %swap3A_356], %mul3A_354 {strides = array<i32>} : memref<64x128xf32, #tpu.memory_space<vmem>>, vector<16xf32>,
          %mul3A_358 = arith.constant 16 : i32
          %mul3A_359 = arith.muli %scan3A_152, %mul3A_358 : i32
          %add3A_360 = arith.constant 3 : i32
          %add3A_361 = arith.addi %mul3A_359, %add3A_360 : i32
          %gather3A_362 = tpu.vector_load_idx %arg17[%add3A_39] : memref<16xf32, #tpu.memory_space<vmem>>[vector<16xi32>], vector<16xf32>,
          %add3A_363 = vector.broadcast %mul3A_108 : i32 to vector<16xi32>
          %add3A_364 = arith.addi %select_n3A, %add3A_363 : vector<16xi32>
          %add3A_365 = vector.broadcast %add3A_361 : i32 to vector<16xi32>
          %add3A_366 = arith.addi %select_n3A, %add3A_365 : vector<16xi32>
          %gather3A_367 = tpu.vector_load_idx %arg11[%add3A_364, %add3A_366] : memref<20x64xi32, #tpu.memory_space<vmem>>[vector<16xi32>, vector<16xi32>], vector<16xi32>,
          tpu.vector_store_idx %arg18[%gather3A_367], %gather3A_362 masked %lt3A_77 {add = true} : memref<10240xf32, #tpu.memory_space<vmem>>[vector<16xi32>], vector<16xf32>, vector<16xi1>
          %get3A_368 = arith.index_cast %add3A_361 : i32 to index
          %get3A_369 = arith.constant 0 : index
          %get3A_370 = tpu.vector_load %arg12[%get3A_368, %get3A_369] {strides = array<i32>} : memref<64x128xbf16, #tpu.memory_space<vmem>>, vector<32xbf16>,
          %unpack3A_371 = tpu.unpack_subelements %get3A_370, 0 {pack_format = #tpu.pack_format<interleaved>} : vector<32xbf16> -> vector<16xf32>
          %unpack3A_372 = tpu.unpack_subelements %get3A_370, 1 {pack_format = #tpu.pack_format<interleaved>} : vector<32xbf16> -> vector<16xf32>
          %mul3A_373 = arith.mulf %unpack3A_371, %gather3A_362 : vector<16xf32>
          %swap3A_374 = arith.index_cast %add3A_361 : i32 to index
          %swap3A_375 = arith.constant 0 : index
          %swap3A_376 = tpu.vector_load %arg14[%swap3A_374, %swap3A_375] {strides = array<i32>} : memref<64x128xf32, #tpu.memory_space<vmem>>, vector<16xf32>,
          tpu.vector_store %arg14[%swap3A_374, %swap3A_375], %mul3A_373 {strides = array<i32>} : memref<64x128xf32, #tpu.memory_space<vmem>>, vector<16xf32>,
          %mul3A_377 = arith.mulf %unpack3A_372, %gather3A_362 : vector<16xf32>
          %swap3A_378 = arith.index_cast %add3A_361 : i32 to index
          %swap3A_379 = arith.constant 16 : index
          %swap3A_380 = tpu.vector_load %arg14[%swap3A_378, %swap3A_379] {strides = array<i32>} : memref<64x128xf32, #tpu.memory_space<vmem>>, vector<16xf32>,
          tpu.vector_store %arg14[%swap3A_378, %swap3A_379], %mul3A_377 {strides = array<i32>} : memref<64x128xf32, #tpu.memory_space<vmem>>, vector<16xf32>,
          %get3A_381 = arith.index_cast %add3A_361 : i32 to index
          %get3A_382 = arith.constant 32 : index
          %get3A_383 = tpu.vector_load %arg12[%get3A_381, %get3A_382] {strides = array<i32>} : memref<64x128xbf16, #tpu.memory_space<vmem>>, vector<32xbf16>,
          %unpack3A_384 = tpu.unpack_subelements %get3A_383, 0 {pack_format = #tpu.pack_format<interleaved>} : vector<32xbf16> -> vector<16xf32>
          %unpack3A_385 = tpu.unpack_subelements %get3A_383, 1 {pack_format = #tpu.pack_format<interleaved>} : vector<32xbf16> -> vector<16xf32>
          %mul3A_386 = arith.mulf %unpack3A_384, %gather3A_362 : vector<16xf32>
          %swap3A_387 = arith.index_cast %add3A_361 : i32 to index
          %swap3A_388 = arith.constant 32 : index
          %swap3A_389 = tpu.vector_load %arg14[%swap3A_387, %swap3A_388] {strides = array<i32>} : memref<64x128xf32, #tpu.memory_space<vmem>>, vector<16xf32>,
          tpu.vector_store %arg14[%swap3A_387, %swap3A_388], %mul3A_386 {strides = array<i32>} : memref<64x128xf32, #tpu.memory_space<vmem>>, vector<16xf32>,
          %mul3A_390 = arith.mulf %unpack3A_385, %gather3A_362 : vector<16xf32>
          %swap3A_391 = arith.index_cast %add3A_361 : i32 to index
          %swap3A_392 = arith.constant 48 : index
          %swap3A_393 = tpu.vector_load %arg14[%swap3A_391, %swap3A_392] {strides = array<i32>} : memref<64x128xf32, #tpu.memory_space<vmem>>, vector<16xf32>,
          tpu.vector_store %arg14[%swap3A_391, %swap3A_392], %mul3A_390 {strides = array<i32>} : memref<64x128xf32, #tpu.memory_space<vmem>>, vector<16xf32>,
          %get3A_394 = arith.index_cast %add3A_361 : i32 to index
          %get3A_395 = arith.constant 64 : index
          %get3A_396 = tpu.vector_load %arg12[%get3A_394, %get3A_395] {strides = array<i32>} : memref<64x128xbf16, #tpu.memory_space<vmem>>, vector<32xbf16>,
          %unpack3A_397 = tpu.unpack_subelements %get3A_396, 0 {pack_format = #tpu.pack_format<interleaved>} : vector<32xbf16> -> vector<16xf32>
          %unpack3A_398 = tpu.unpack_subelements %get3A_396, 1 {pack_format = #tpu.pack_format<interleaved>} : vector<32xbf16> -> vector<16xf32>
          %mul3A_399 = arith.mulf %unpack3A_397, %gather3A_362 : vector<16xf32>
          %swap3A_400 = arith.index_cast %add3A_361 : i32 to index
          %swap3A_401 = arith.constant 64 : index
          %swap3A_402 = tpu.vector_load %arg14[%swap3A_400, %swap3A_401] {strides = array<i32>} : memref<64x128xf32, #tpu.memory_space<vmem>>, vector<16xf32>,
          tpu.vector_store %arg14[%swap3A_400, %swap3A_401], %mul3A_399 {strides = array<i32>} : memref<64x128xf32, #tpu.memory_space<vmem>>, vector<16xf32>,
          %mul3A_403 = arith.mulf %unpack3A_398, %gather3A_362 : vector<16xf32>
          %swap3A_404 = arith.index_cast %add3A_361 : i32 to index
          %swap3A_405 = arith.constant 80 : index
          %swap3A_406 = tpu.vector_load %arg14[%swap3A_404, %swap3A_405] {strides = array<i32>} : memref<64x128xf32, #tpu.memory_space<vmem>>, vector<16xf32>,
          tpu.vector_store %arg14[%swap3A_404, %swap3A_405], %mul3A_403 {strides = array<i32>} : memref<64x128xf32, #tpu.memory_space<vmem>>, vector<16xf32>,
          %get3A_407 = arith.index_cast %add3A_361 : i32 to index
          %get3A_408 = arith.constant 96 : index
          %get3A_409 = tpu.vector_load %arg12[%get3A_407, %get3A_408] {strides = array<i32>} : memref<64x128xbf16, #tpu.memory_space<vmem>>, vector<32xbf16>,
          %unpack3A_410 = tpu.unpack_subelements %get3A_409, 0 {pack_format = #tpu.pack_format<interleaved>} : vector<32xbf16> -> vector<16xf32>
          %unpack3A_411 = tpu.unpack_subelements %get3A_409, 1 {pack_format = #tpu.pack_format<interleaved>} : vector<32xbf16> -> vector<16xf32>
          %mul3A_412 = arith.mulf %unpack3A_410, %gather3A_362 : vector<16xf32>
          %swap3A_413 = arith.index_cast %add3A_361 : i32 to index
          %swap3A_414 = arith.constant 96 : index
          %swap3A_415 = tpu.vector_load %arg14[%swap3A_413, %swap3A_414] {strides = array<i32>} : memref<64x128xf32, #tpu.memory_space<vmem>>, vector<16xf32>,
          tpu.vector_store %arg14[%swap3A_413, %swap3A_414], %mul3A_412 {strides = array<i32>} : memref<64x128xf32, #tpu.memory_space<vmem>>, vector<16xf32>,
          %mul3A_416 = arith.mulf %unpack3A_411, %gather3A_362 : vector<16xf32>
          %swap3A_417 = arith.index_cast %add3A_361 : i32 to index
          %swap3A_418 = arith.constant 112 : index
          %swap3A_419 = tpu.vector_load %arg14[%swap3A_417, %swap3A_418] {strides = array<i32>} : memref<64x128xf32, #tpu.memory_space<vmem>>, vector<16xf32>,
          tpu.vector_store %arg14[%swap3A_417, %swap3A_418], %mul3A_416 {strides = array<i32>} : memref<64x128xf32, #tpu.memory_space<vmem>>, vector<16xf32>,
          %mul3A_420 = arith.constant 16 : i32
          %mul3A_421 = arith.muli %scan3A_152, %mul3A_420 : i32
          %add3A_422 = arith.constant 4 : i32
          %add3A_423 = arith.addi %mul3A_421, %add3A_422 : i32
          %gather3A_424 = tpu.vector_load_idx %arg17[%add3A_42] : memref<16xf32, #tpu.memory_space<vmem>>[vector<16xi32>], vector<16xf32>,
          %add3A_425 = vector.broadcast %mul3A_108 : i32 to vector<16xi32>
          %add3A_426 = arith.addi %select_n3A, %add3A_425 : vector<16xi32>
          %add3A_427 = vector.broadcast %add3A_423 : i32 to vector<16xi32>
          %add3A_428 = arith.addi %select_n3A, %add3A_427 : vector<16xi32>
          %gather3A_429 = tpu.vector_load_idx %arg11[%add3A_426, %add3A_428] : memref<20x64xi32, #tpu.memory_space<vmem>>[vector<16xi32>, vector<16xi32>], vector<16xi32>,
          tpu.vector_store_idx %arg18[%gather3A_429], %gather3A_424 masked %lt3A_77 {add = true} : memref<10240xf32, #tpu.memory_space<vmem>>[vector<16xi32>], vector<16xf32>, vector<16xi1>
          %get3A_430 = arith.index_cast %add3A_423 : i32 to index
          %get3A_431 = arith.constant 0 : index
          %get3A_432 = tpu.vector_load %arg12[%get3A_430, %get3A_431] {strides = array<i32>} : memref<64x128xbf16, #tpu.memory_space<vmem>>, vector<32xbf16>,
          %unpack3A_433 = tpu.unpack_subelements %get3A_432, 0 {pack_format = #tpu.pack_format<interleaved>} : vector<32xbf16> -> vector<16xf32>
          %unpack3A_434 = tpu.unpack_subelements %get3A_432, 1 {pack_format = #tpu.pack_format<interleaved>} : vector<32xbf16> -> vector<16xf32>
          %mul3A_435 = arith.mulf %unpack3A_433, %gather3A_424 : vector<16xf32>
          %swap3A_436 = arith.index_cast %add3A_423 : i32 to index
          %swap3A_437 = arith.constant 0 : index
          %swap3A_438 = tpu.vector_load %arg14[%swap3A_436, %swap3A_437] {strides = array<i32>} : memref<64x128xf32, #tpu.memory_space<vmem>>, vector<16xf32>,
          tpu.vector_store %arg14[%swap3A_436, %swap3A_437], %mul3A_435 {strides = array<i32>} : memref<64x128xf32, #tpu.memory_space<vmem>>, vector<16xf32>,
          %mul3A_439 = arith.mulf %unpack3A_434, %gather3A_424 : vector<16xf32>
          %swap3A_440 = arith.index_cast %add3A_423 : i32 to index
          %swap3A_441 = arith.constant 16 : index
          %swap3A_442 = tpu.vector_load %arg14[%swap3A_440, %swap3A_441] {strides = array<i32>} : memref<64x128xf32, #tpu.memory_space<vmem>>, vector<16xf32>,
          tpu.vector_store %arg14[%swap3A_440, %swap3A_441], %mul3A_439 {strides = array<i32>} : memref<64x128xf32, #tpu.memory_space<vmem>>, vector<16xf32>,
          %get3A_443 = arith.index_cast %add3A_423 : i32 to index
          %get3A_444 = arith.constant 32 : index
          %get3A_445 = tpu.vector_load %arg12[%get3A_443, %get3A_444] {strides = array<i32>} : memref<64x128xbf16, #tpu.memory_space<vmem>>, vector<32xbf16>,
          %unpack3A_446 = tpu.unpack_subelements %get3A_445, 0 {pack_format = #tpu.pack_format<interleaved>} : vector<32xbf16> -> vector<16xf32>
          %unpack3A_447 = tpu.unpack_subelements %get3A_445, 1 {pack_format = #tpu.pack_format<interleaved>} : vector<32xbf16> -> vector<16xf32>
          %mul3A_448 = arith.mulf %unpack3A_446, %gather3A_424 : vector<16xf32>
          %swap3A_449 = arith.index_cast %add3A_423 : i32 to index
          %swap3A_450 = arith.constant 32 : index
          %swap3A_451 = tpu.vector_load %arg14[%swap3A_449, %swap3A_450] {strides = array<i32>} : memref<64x128xf32, #tpu.memory_space<vmem>>, vector<16xf32>,
          tpu.vector_store %arg14[%swap3A_449, %swap3A_450], %mul3A_448 {strides = array<i32>} : memref<64x128xf32, #tpu.memory_space<vmem>>, vector<16xf32>,
          %mul3A_452 = arith.mulf %unpack3A_447, %gather3A_424 : vector<16xf32>
          %swap3A_453 = arith.index_cast %add3A_423 : i32 to index
          %swap3A_454 = arith.constant 48 : index
          %swap3A_455 = tpu.vector_load %arg14[%swap3A_453, %swap3A_454] {strides = array<i32>} : memref<64x128xf32, #tpu.memory_space<vmem>>, vector<16xf32>,
          tpu.vector_store %arg14[%swap3A_453, %swap3A_454], %mul3A_452 {strides = array<i32>} : memref<64x128xf32, #tpu.memory_space<vmem>>, vector<16xf32>,
          %get3A_456 = arith.index_cast %add3A_423 : i32 to index
          %get3A_457 = arith.constant 64 : index
          %get3A_458 = tpu.vector_load %arg12[%get3A_456, %get3A_457] {strides = array<i32>} : memref<64x128xbf16, #tpu.memory_space<vmem>>, vector<32xbf16>,
          %unpack3A_459 = tpu.unpack_subelements %get3A_458, 0 {pack_format = #tpu.pack_format<interleaved>} : vector<32xbf16> -> vector<16xf32>
          %unpack3A_460 = tpu.unpack_subelements %get3A_458, 1 {pack_format = #tpu.pack_format<interleaved>} : vector<32xbf16> -> vector<16xf32>
          %mul3A_461 = arith.mulf %unpack3A_459, %gather3A_424 : vector<16xf32>
          %swap3A_462 = arith.index_cast %add3A_423 : i32 to index
          %swap3A_463 = arith.constant 64 : index
          %swap3A_464 = tpu.vector_load %arg14[%swap3A_462, %swap3A_463] {strides = array<i32>} : memref<64x128xf32, #tpu.memory_space<vmem>>, vector<16xf32>,
          tpu.vector_store %arg14[%swap3A_462, %swap3A_463], %mul3A_461 {strides = array<i32>} : memref<64x128xf32, #tpu.memory_space<vmem>>, vector<16xf32>,
          %mul3A_465 = arith.mulf %unpack3A_460, %gather3A_424 : vector<16xf32>
          %swap3A_466 = arith.index_cast %add3A_423 : i32 to index
          %swap3A_467 = arith.constant 80 : index
          %swap3A_468 = tpu.vector_load %arg14[%swap3A_466, %swap3A_467] {strides = array<i32>} : memref<64x128xf32, #tpu.memory_space<vmem>>, vector<16xf32>,
          tpu.vector_store %arg14[%swap3A_466, %swap3A_467], %mul3A_465 {strides = array<i32>} : memref<64x128xf32, #tpu.memory_space<vmem>>, vector<16xf32>,
          %get3A_469 = arith.index_cast %add3A_423 : i32 to index
          %get3A_470 = arith.constant 96 : index
          %get3A_471 = tpu.vector_load %arg12[%get3A_469, %get3A_470] {strides = array<i32>} : memref<64x128xbf16, #tpu.memory_space<vmem>>, vector<32xbf16>,
          %unpack3A_472 = tpu.unpack_subelements %get3A_471, 0 {pack_format = #tpu.pack_format<interleaved>} : vector<32xbf16> -> vector<16xf32>
          %unpack3A_473 = tpu.unpack_subelements %get3A_471, 1 {pack_format = #tpu.pack_format<interleaved>} : vector<32xbf16> -> vector<16xf32>
          %mul3A_474 = arith.mulf %unpack3A_472, %gather3A_424 : vector<16xf32>
          %swap3A_475 = arith.index_cast %add3A_423 : i32 to index
          %swap3A_476 = arith.constant 96 : index
          %swap3A_477 = tpu.vector_load %arg14[%swap3A_475, %swap3A_476] {strides = array<i32>} : memref<64x128xf32, #tpu.memory_space<vmem>>, vector<16xf32>,
          tpu.vector_store %arg14[%swap3A_475, %swap3A_476], %mul3A_474 {strides = array<i32>} : memref<64x128xf32, #tpu.memory_space<vmem>>, vector<16xf32>,
          %mul3A_478 = arith.mulf %unpack3A_473, %gather3A_424 : vector<16xf32>
          %swap3A_479 = arith.index_cast %add3A_423 : i32 to index
          %swap3A_480 = arith.constant 112 : index
          %swap3A_481 = tpu.vector_load %arg14[%swap3A_479, %swap3A_480] {strides = array<i32>} : memref<64x128xf32, #tpu.memory_space<vmem>>, vector<16xf32>,
          tpu.vector_store %arg14[%swap3A_479, %swap3A_480], %mul3A_478 {strides = array<i32>} : memref<64x128xf32, #tpu.memory_space<vmem>>, vector<16xf32>,
          %mul3A_482 = arith.constant 16 : i32
          %mul3A_483 = arith.muli %scan3A_152, %mul3A_482 : i32
          %add3A_484 = arith.constant 5 : i32
          %add3A_485 = arith.addi %mul3A_483, %add3A_484 : i32
          %gather3A_486 = tpu.vector_load_idx %arg17[%add3A_45] : memref<16xf32, #tpu.memory_space<vmem>>[vector<16xi32>], vector<16xf32>,
          %add3A_487 = vector.broadcast %mul3A_108 : i32 to vector<16xi32>
          %add3A_488 = arith.addi %select_n3A, %add3A_487 : vector<16xi32>
          %add3A_489 = vector.broadcast %add3A_485 : i32 to vector<16xi32>
          %add3A_490 = arith.addi %select_n3A, %add3A_489 : vector<16xi32>
          %gather3A_491 = tpu.vector_load_idx %arg11[%add3A_488, %add3A_490] : memref<20x64xi32, #tpu.memory_space<vmem>>[vector<16xi32>, vector<16xi32>], vector<16xi32>,
          tpu.vector_store_idx %arg18[%gather3A_491], %gather3A_486 masked %lt3A_77 {add = true} : memref<10240xf32, #tpu.memory_space<vmem>>[vector<16xi32>], vector<16xf32>, vector<16xi1>
          %get3A_492 = arith.index_cast %add3A_485 : i32 to index
          %get3A_493 = arith.constant 0 : index
          %get3A_494 = tpu.vector_load %arg12[%get3A_492, %get3A_493] {strides = array<i32>} : memref<64x128xbf16, #tpu.memory_space<vmem>>, vector<32xbf16>,
          %unpack3A_495 = tpu.unpack_subelements %get3A_494, 0 {pack_format = #tpu.pack_format<interleaved>} : vector<32xbf16> -> vector<16xf32>
          %unpack3A_496 = tpu.unpack_subelements %get3A_494, 1 {pack_format = #tpu.pack_format<interleaved>} : vector<32xbf16> -> vector<16xf32>
          %mul3A_497 = arith.mulf %unpack3A_495, %gather3A_486 : vector<16xf32>
          %swap3A_498 = arith.index_cast %add3A_485 : i32 to index
          %swap3A_499 = arith.constant 0 : index
          %swap3A_500 = tpu.vector_load %arg14[%swap3A_498, %swap3A_499] {strides = array<i32>} : memref<64x128xf32, #tpu.memory_space<vmem>>, vector<16xf32>,
          tpu.vector_store %arg14[%swap3A_498, %swap3A_499], %mul3A_497 {strides = array<i32>} : memref<64x128xf32, #tpu.memory_space<vmem>>, vector<16xf32>,
          %mul3A_501 = arith.mulf %unpack3A_496, %gather3A_486 : vector<16xf32>
          %swap3A_502 = arith.index_cast %add3A_485 : i32 to index
          %swap3A_503 = arith.constant 16 : index
          %swap3A_504 = tpu.vector_load %arg14[%swap3A_502, %swap3A_503] {strides = array<i32>} : memref<64x128xf32, #tpu.memory_space<vmem>>, vector<16xf32>,
          tpu.vector_store %arg14[%swap3A_502, %swap3A_503], %mul3A_501 {strides = array<i32>} : memref<64x128xf32, #tpu.memory_space<vmem>>, vector<16xf32>,
          %get3A_505 = arith.index_cast %add3A_485 : i32 to index
          %get3A_506 = arith.constant 32 : index
          %get3A_507 = tpu.vector_load %arg12[%get3A_505, %get3A_506] {strides = array<i32>} : memref<64x128xbf16, #tpu.memory_space<vmem>>, vector<32xbf16>,
          %unpack3A_508 = tpu.unpack_subelements %get3A_507, 0 {pack_format = #tpu.pack_format<interleaved>} : vector<32xbf16> -> vector<16xf32>
          %unpack3A_509 = tpu.unpack_subelements %get3A_507, 1 {pack_format = #tpu.pack_format<interleaved>} : vector<32xbf16> -> vector<16xf32>
          %mul3A_510 = arith.mulf %unpack3A_508, %gather3A_486 : vector<16xf32>
          %swap3A_511 = arith.index_cast %add3A_485 : i32 to index
          %swap3A_512 = arith.constant 32 : index
          %swap3A_513 = tpu.vector_load %arg14[%swap3A_511, %swap3A_512] {strides = array<i32>} : memref<64x128xf32, #tpu.memory_space<vmem>>, vector<16xf32>,
          tpu.vector_store %arg14[%swap3A_511, %swap3A_512], %mul3A_510 {strides = array<i32>} : memref<64x128xf32, #tpu.memory_space<vmem>>, vector<16xf32>,
          %mul3A_514 = arith.mulf %unpack3A_509, %gather3A_486 : vector<16xf32>
          %swap3A_515 = arith.index_cast %add3A_485 : i32 to index
          %swap3A_516 = arith.constant 48 : index
          %swap3A_517 = tpu.vector_load %arg14[%swap3A_515, %swap3A_516] {strides = array<i32>} : memref<64x128xf32, #tpu.memory_space<vmem>>, vector<16xf32>,
          tpu.vector_store %arg14[%swap3A_515, %swap3A_516], %mul3A_514 {strides = array<i32>} : memref<64x128xf32, #tpu.memory_space<vmem>>, vector<16xf32>,
          %get3A_518 = arith.index_cast %add3A_485 : i32 to index
          %get3A_519 = arith.constant 64 : index
          %get3A_520 = tpu.vector_load %arg12[%get3A_518, %get3A_519] {strides = array<i32>} : memref<64x128xbf16, #tpu.memory_space<vmem>>, vector<32xbf16>,
          %unpack3A_521 = tpu.unpack_subelements %get3A_520, 0 {pack_format = #tpu.pack_format<interleaved>} : vector<32xbf16> -> vector<16xf32>
          %unpack3A_522 = tpu.unpack_subelements %get3A_520, 1 {pack_format = #tpu.pack_format<interleaved>} : vector<32xbf16> -> vector<16xf32>
          %mul3A_523 = arith.mulf %unpack3A_521, %gather3A_486 : vector<16xf32>
          %swap3A_524 = arith.index_cast %add3A_485 : i32 to index
          %swap3A_525 = arith.constant 64 : index
          %swap3A_526 = tpu.vector_load %arg14[%swap3A_524, %swap3A_525] {strides = array<i32>} : memref<64x128xf32, #tpu.memory_space<vmem>>, vector<16xf32>,
          tpu.vector_store %arg14[%swap3A_524, %swap3A_525], %mul3A_523 {strides = array<i32>} : memref<64x128xf32, #tpu.memory_space<vmem>>, vector<16xf32>,
          %mul3A_527 = arith.mulf %unpack3A_522, %gather3A_486 : vector<16xf32>
          %swap3A_528 = arith.index_cast %add3A_485 : i32 to index
          %swap3A_529 = arith.constant 80 : index
          %swap3A_530 = tpu.vector_load %arg14[%swap3A_528, %swap3A_529] {strides = array<i32>} : memref<64x128xf32, #tpu.memory_space<vmem>>, vector<16xf32>,
          tpu.vector_store %arg14[%swap3A_528, %swap3A_529], %mul3A_527 {strides = array<i32>} : memref<64x128xf32, #tpu.memory_space<vmem>>, vector<16xf32>,
          %get3A_531 = arith.index_cast %add3A_485 : i32 to index
          %get3A_532 = arith.constant 96 : index
          %get3A_533 = tpu.vector_load %arg12[%get3A_531, %get3A_532] {strides = array<i32>} : memref<64x128xbf16, #tpu.memory_space<vmem>>, vector<32xbf16>,
          %unpack3A_534 = tpu.unpack_subelements %get3A_533, 0 {pack_format = #tpu.pack_format<interleaved>} : vector<32xbf16> -> vector<16xf32>
          %unpack3A_535 = tpu.unpack_subelements %get3A_533, 1 {pack_format = #tpu.pack_format<interleaved>} : vector<32xbf16> -> vector<16xf32>
          %mul3A_536 = arith.mulf %unpack3A_534, %gather3A_486 : vector<16xf32>
          %swap3A_537 = arith.index_cast %add3A_485 : i32 to index
          %swap3A_538 = arith.constant 96 : index
          %swap3A_539 = tpu.vector_load %arg14[%swap3A_537, %swap3A_538] {strides = array<i32>} : memref<64x128xf32, #tpu.memory_space<vmem>>, vector<16xf32>,
          tpu.vector_store %arg14[%swap3A_537, %swap3A_538], %mul3A_536 {strides = array<i32>} : memref<64x128xf32, #tpu.memory_space<vmem>>, vector<16xf32>,
          %mul3A_540 = arith.mulf %unpack3A_535, %gather3A_486 : vector<16xf32>
          %swap3A_541 = arith.index_cast %add3A_485 : i32 to index
          %swap3A_542 = arith.constant 112 : index
          %swap3A_543 = tpu.vector_load %arg14[%swap3A_541, %swap3A_542] {strides = array<i32>} : memref<64x128xf32, #tpu.memory_space<vmem>>, vector<16xf32>,
          tpu.vector_store %arg14[%swap3A_541, %swap3A_542], %mul3A_540 {strides = array<i32>} : memref<64x128xf32, #tpu.memory_space<vmem>>, vector<16xf32>,
          %mul3A_544 = arith.constant 16 : i32
          %mul3A_545 = arith.muli %scan3A_152, %mul3A_544 : i32
          %add3A_546 = arith.constant 6 : i32
          %add3A_547 = arith.addi %mul3A_545, %add3A_546 : i32
          %gather3A_548 = tpu.vector_load_idx %arg17[%add3A_48] : memref<16xf32, #tpu.memory_space<vmem>>[vector<16xi32>], vector<16xf32>,
          %add3A_549 = vector.broadcast %mul3A_108 : i32 to vector<16xi32>
          %add3A_550 = arith.addi %select_n3A, %add3A_549 : vector<16xi32>
          %add3A_551 = vector.broadcast %add3A_547 : i32 to vector<16xi32>
          %add3A_552 = arith.addi %select_n3A, %add3A_551 : vector<16xi32>
          %gather3A_553 = tpu.vector_load_idx %arg11[%add3A_550, %add3A_552] : memref<20x64xi32, #tpu.memory_space<vmem>>[vector<16xi32>, vector<16xi32>], vector<16xi32>,
          tpu.vector_store_idx %arg18[%gather3A_553], %gather3A_548 masked %lt3A_77 {add = true} : memref<10240xf32, #tpu.memory_space<vmem>>[vector<16xi32>], vector<16xf32>, vector<16xi1>
          %get3A_554 = arith.index_cast %add3A_547 : i32 to index
          %get3A_555 = arith.constant 0 : index
          %get3A_556 = tpu.vector_load %arg12[%get3A_554, %get3A_555] {strides = array<i32>} : memref<64x128xbf16, #tpu.memory_space<vmem>>, vector<32xbf16>,
          %unpack3A_557 = tpu.unpack_subelements %get3A_556, 0 {pack_format = #tpu.pack_format<interleaved>} : vector<32xbf16> -> vector<16xf32>
          %unpack3A_558 = tpu.unpack_subelements %get3A_556, 1 {pack_format = #tpu.pack_format<interleaved>} : vector<32xbf16> -> vector<16xf32>
          %mul3A_559 = arith.mulf %unpack3A_557, %gather3A_548 : vector<16xf32>
          %swap3A_560 = arith.index_cast %add3A_547 : i32 to index
          %swap3A_561 = arith.constant 0 : index
          %swap3A_562 = tpu.vector_load %arg14[%swap3A_560, %swap3A_561] {strides = array<i32>} : memref<64x128xf32, #tpu.memory_space<vmem>>, vector<16xf32>,
          tpu.vector_store %arg14[%swap3A_560, %swap3A_561], %mul3A_559 {strides = array<i32>} : memref<64x128xf32, #tpu.memory_space<vmem>>, vector<16xf32>,
          %mul3A_563 = arith.mulf %unpack3A_558, %gather3A_548 : vector<16xf32>
          %swap3A_564 = arith.index_cast %add3A_547 : i32 to index
          %swap3A_565 = arith.constant 16 : index
          %swap3A_566 = tpu.vector_load %arg14[%swap3A_564, %swap3A_565] {strides = array<i32>} : memref<64x128xf32, #tpu.memory_space<vmem>>, vector<16xf32>,
          tpu.vector_store %arg14[%swap3A_564, %swap3A_565], %mul3A_563 {strides = array<i32>} : memref<64x128xf32, #tpu.memory_space<vmem>>, vector<16xf32>,
          %get3A_567 = arith.index_cast %add3A_547 : i32 to index
          %get3A_568 = arith.constant 32 : index
          %get3A_569 = tpu.vector_load %arg12[%get3A_567, %get3A_568] {strides = array<i32>} : memref<64x128xbf16, #tpu.memory_space<vmem>>, vector<32xbf16>,
          %unpack3A_570 = tpu.unpack_subelements %get3A_569, 0 {pack_format = #tpu.pack_format<interleaved>} : vector<32xbf16> -> vector<16xf32>
          %unpack3A_571 = tpu.unpack_subelements %get3A_569, 1 {pack_format = #tpu.pack_format<interleaved>} : vector<32xbf16> -> vector<16xf32>
          %mul3A_572 = arith.mulf %unpack3A_570, %gather3A_548 : vector<16xf32>
          %swap3A_573 = arith.index_cast %add3A_547 : i32 to index
          %swap3A_574 = arith.constant 32 : index
          %swap3A_575 = tpu.vector_load %arg14[%swap3A_573, %swap3A_574] {strides = array<i32>} : memref<64x128xf32, #tpu.memory_space<vmem>>, vector<16xf32>,
          tpu.vector_store %arg14[%swap3A_573, %swap3A_574], %mul3A_572 {strides = array<i32>} : memref<64x128xf32, #tpu.memory_space<vmem>>, vector<16xf32>,
          %mul3A_576 = arith.mulf %unpack3A_571, %gather3A_548 : vector<16xf32>
          %swap3A_577 = arith.index_cast %add3A_547 : i32 to index
          %swap3A_578 = arith.constant 48 : index
          %swap3A_579 = tpu.vector_load %arg14[%swap3A_577, %swap3A_578] {strides = array<i32>} : memref<64x128xf32, #tpu.memory_space<vmem>>, vector<16xf32>,
          tpu.vector_store %arg14[%swap3A_577, %swap3A_578], %mul3A_576 {strides = array<i32>} : memref<64x128xf32, #tpu.memory_space<vmem>>, vector<16xf32>,
          %get3A_580 = arith.index_cast %add3A_547 : i32 to index
          %get3A_581 = arith.constant 64 : index
          %get3A_582 = tpu.vector_load %arg12[%get3A_580, %get3A_581] {strides = array<i32>} : memref<64x128xbf16, #tpu.memory_space<vmem>>, vector<32xbf16>,
          %unpack3A_583 = tpu.unpack_subelements %get3A_582, 0 {pack_format = #tpu.pack_format<interleaved>} : vector<32xbf16> -> vector<16xf32>
          %unpack3A_584 = tpu.unpack_subelements %get3A_582, 1 {pack_format = #tpu.pack_format<interleaved>} : vector<32xbf16> -> vector<16xf32>
          %mul3A_585 = arith.mulf %unpack3A_583, %gather3A_548 : vector<16xf32>
          %swap3A_586 = arith.index_cast %add3A_547 : i32 to index
          %swap3A_587 = arith.constant 64 : index
          %swap3A_588 = tpu.vector_load %arg14[%swap3A_586, %swap3A_587] {strides = array<i32>} : memref<64x128xf32, #tpu.memory_space<vmem>>, vector<16xf32>,
          tpu.vector_store %arg14[%swap3A_586, %swap3A_587], %mul3A_585 {strides = array<i32>} : memref<64x128xf32, #tpu.memory_space<vmem>>, vector<16xf32>,
          %mul3A_589 = arith.mulf %unpack3A_584, %gather3A_548 : vector<16xf32>
          %swap3A_590 = arith.index_cast %add3A_547 : i32 to index
          %swap3A_591 = arith.constant 80 : index
          %swap3A_592 = tpu.vector_load %arg14[%swap3A_590, %swap3A_591] {strides = array<i32>} : memref<64x128xf32, #tpu.memory_space<vmem>>, vector<16xf32>,
          tpu.vector_store %arg14[%swap3A_590, %swap3A_591], %mul3A_589 {strides = array<i32>} : memref<64x128xf32, #tpu.memory_space<vmem>>, vector<16xf32>,
          %get3A_593 = arith.index_cast %add3A_547 : i32 to index
          %get3A_594 = arith.constant 96 : index
          %get3A_595 = tpu.vector_load %arg12[%get3A_593, %get3A_594] {strides = array<i32>} : memref<64x128xbf16, #tpu.memory_space<vmem>>, vector<32xbf16>,
          %unpack3A_596 = tpu.unpack_subelements %get3A_595, 0 {pack_format = #tpu.pack_format<interleaved>} : vector<32xbf16> -> vector<16xf32>
          %unpack3A_597 = tpu.unpack_subelements %get3A_595, 1 {pack_format = #tpu.pack_format<interleaved>} : vector<32xbf16> -> vector<16xf32>
          %mul3A_598 = arith.mulf %unpack3A_596, %gather3A_548 : vector<16xf32>
          %swap3A_599 = arith.index_cast %add3A_547 : i32 to index
          %swap3A_600 = arith.constant 96 : index
          %swap3A_601 = tpu.vector_load %arg14[%swap3A_599, %swap3A_600] {strides = array<i32>} : memref<64x128xf32, #tpu.memory_space<vmem>>, vector<16xf32>,
          tpu.vector_store %arg14[%swap3A_599, %swap3A_600], %mul3A_598 {strides = array<i32>} : memref<64x128xf32, #tpu.memory_space<vmem>>, vector<16xf32>,
          %mul3A_602 = arith.mulf %unpack3A_597, %gather3A_548 : vector<16xf32>
          %swap3A_603 = arith.index_cast %add3A_547 : i32 to index
          %swap3A_604 = arith.constant 112 : index
          %swap3A_605 = tpu.vector_load %arg14[%swap3A_603, %swap3A_604] {strides = array<i32>} : memref<64x128xf32, #tpu.memory_space<vmem>>, vector<16xf32>,
          tpu.vector_store %arg14[%swap3A_603, %swap3A_604], %mul3A_602 {strides = array<i32>} : memref<64x128xf32, #tpu.memory_space<vmem>>, vector<16xf32>,
          %mul3A_606 = arith.constant 16 : i32
          %mul3A_607 = arith.muli %scan3A_152, %mul3A_606 : i32
          %add3A_608 = arith.constant 7 : i32
          %add3A_609 = arith.addi %mul3A_607, %add3A_608 : i32
          %gather3A_610 = tpu.vector_load_idx %arg17[%add3A_51] : memref<16xf32, #tpu.memory_space<vmem>>[vector<16xi32>], vector<16xf32>,
          %add3A_611 = vector.broadcast %mul3A_108 : i32 to vector<16xi32>
          %add3A_612 = arith.addi %select_n3A, %add3A_611 : vector<16xi32>
          %add3A_613 = vector.broadcast %add3A_609 : i32 to vector<16xi32>
          %add3A_614 = arith.addi %select_n3A, %add3A_613 : vector<16xi32>
          %gather3A_615 = tpu.vector_load_idx %arg11[%add3A_612, %add3A_614] : memref<20x64xi32, #tpu.memory_space<vmem>>[vector<16xi32>, vector<16xi32>], vector<16xi32>,
          tpu.vector_store_idx %arg18[%gather3A_615], %gather3A_610 masked %lt3A_77 {add = true} : memref<10240xf32, #tpu.memory_space<vmem>>[vector<16xi32>], vector<16xf32>, vector<16xi1>
          %get3A_616 = arith.index_cast %add3A_609 : i32 to index
          %get3A_617 = arith.constant 0 : index
          %get3A_618 = tpu.vector_load %arg12[%get3A_616, %get3A_617] {strides = array<i32>} : memref<64x128xbf16, #tpu.memory_space<vmem>>, vector<32xbf16>,
          %unpack3A_619 = tpu.unpack_subelements %get3A_618, 0 {pack_format = #tpu.pack_format<interleaved>} : vector<32xbf16> -> vector<16xf32>
          %unpack3A_620 = tpu.unpack_subelements %get3A_618, 1 {pack_format = #tpu.pack_format<interleaved>} : vector<32xbf16> -> vector<16xf32>
          %mul3A_621 = arith.mulf %unpack3A_619, %gather3A_610 : vector<16xf32>
          %swap3A_622 = arith.index_cast %add3A_609 : i32 to index
          %swap3A_623 = arith.constant 0 : index
          %swap3A_624 = tpu.vector_load %arg14[%swap3A_622, %swap3A_623] {strides = array<i32>} : memref<64x128xf32, #tpu.memory_space<vmem>>, vector<16xf32>,
          tpu.vector_store %arg14[%swap3A_622, %swap3A_623], %mul3A_621 {strides = array<i32>} : memref<64x128xf32, #tpu.memory_space<vmem>>, vector<16xf32>,
          %mul3A_625 = arith.mulf %unpack3A_620, %gather3A_610 : vector<16xf32>
          %swap3A_626 = arith.index_cast %add3A_609 : i32 to index
          %swap3A_627 = arith.constant 16 : index
          %swap3A_628 = tpu.vector_load %arg14[%swap3A_626, %swap3A_627] {strides = array<i32>} : memref<64x128xf32, #tpu.memory_space<vmem>>, vector<16xf32>,
          tpu.vector_store %arg14[%swap3A_626, %swap3A_627], %mul3A_625 {strides = array<i32>} : memref<64x128xf32, #tpu.memory_space<vmem>>, vector<16xf32>,
          %get3A_629 = arith.index_cast %add3A_609 : i32 to index
          %get3A_630 = arith.constant 32 : index
          %get3A_631 = tpu.vector_load %arg12[%get3A_629, %get3A_630] {strides = array<i32>} : memref<64x128xbf16, #tpu.memory_space<vmem>>, vector<32xbf16>,
          %unpack3A_632 = tpu.unpack_subelements %get3A_631, 0 {pack_format = #tpu.pack_format<interleaved>} : vector<32xbf16> -> vector<16xf32>
          %unpack3A_633 = tpu.unpack_subelements %get3A_631, 1 {pack_format = #tpu.pack_format<interleaved>} : vector<32xbf16> -> vector<16xf32>
          %mul3A_634 = arith.mulf %unpack3A_632, %gather3A_610 : vector<16xf32>
          %swap3A_635 = arith.index_cast %add3A_609 : i32 to index
          %swap3A_636 = arith.constant 32 : index
          %swap3A_637 = tpu.vector_load %arg14[%swap3A_635, %swap3A_636] {strides = array<i32>} : memref<64x128xf32, #tpu.memory_space<vmem>>, vector<16xf32>,
          tpu.vector_store %arg14[%swap3A_635, %swap3A_636], %mul3A_634 {strides = array<i32>} : memref<64x128xf32, #tpu.memory_space<vmem>>, vector<16xf32>,
          %mul3A_638 = arith.mulf %unpack3A_633, %gather3A_610 : vector<16xf32>
          %swap3A_639 = arith.index_cast %add3A_609 : i32 to index
          %swap3A_640 = arith.constant 48 : index
          %swap3A_641 = tpu.vector_load %arg14[%swap3A_639, %swap3A_640] {strides = array<i32>} : memref<64x128xf32, #tpu.memory_space<vmem>>, vector<16xf32>,
          tpu.vector_store %arg14[%swap3A_639, %swap3A_640], %mul3A_638 {strides = array<i32>} : memref<64x128xf32, #tpu.memory_space<vmem>>, vector<16xf32>,
          %get3A_642 = arith.index_cast %add3A_609 : i32 to index
          %get3A_643 = arith.constant 64 : index
          %get3A_644 = tpu.vector_load %arg12[%get3A_642, %get3A_643] {strides = array<i32>} : memref<64x128xbf16, #tpu.memory_space<vmem>>, vector<32xbf16>,
          %unpack3A_645 = tpu.unpack_subelements %get3A_644, 0 {pack_format = #tpu.pack_format<interleaved>} : vector<32xbf16> -> vector<16xf32>
          %unpack3A_646 = tpu.unpack_subelements %get3A_644, 1 {pack_format = #tpu.pack_format<interleaved>} : vector<32xbf16> -> vector<16xf32>
          %mul3A_647 = arith.mulf %unpack3A_645, %gather3A_610 : vector<16xf32>
          %swap3A_648 = arith.index_cast %add3A_609 : i32 to index
          %swap3A_649 = arith.constant 64 : index
          %swap3A_650 = tpu.vector_load %arg14[%swap3A_648, %swap3A_649] {strides = array<i32>} : memref<64x128xf32, #tpu.memory_space<vmem>>, vector<16xf32>,
          tpu.vector_store %arg14[%swap3A_648, %swap3A_649], %mul3A_647 {strides = array<i32>} : memref<64x128xf32, #tpu.memory_space<vmem>>, vector<16xf32>,
          %mul3A_651 = arith.mulf %unpack3A_646, %gather3A_610 : vector<16xf32>
          %swap3A_652 = arith.index_cast %add3A_609 : i32 to index
          %swap3A_653 = arith.constant 80 : index
          %swap3A_654 = tpu.vector_load %arg14[%swap3A_652, %swap3A_653] {strides = array<i32>} : memref<64x128xf32, #tpu.memory_space<vmem>>, vector<16xf32>,
          tpu.vector_store %arg14[%swap3A_652, %swap3A_653], %mul3A_651 {strides = array<i32>} : memref<64x128xf32, #tpu.memory_space<vmem>>, vector<16xf32>,
          %get3A_655 = arith.index_cast %add3A_609 : i32 to index
          %get3A_656 = arith.constant 96 : index
          %get3A_657 = tpu.vector_load %arg12[%get3A_655, %get3A_656] {strides = array<i32>} : memref<64x128xbf16, #tpu.memory_space<vmem>>, vector<32xbf16>,
          %unpack3A_658 = tpu.unpack_subelements %get3A_657, 0 {pack_format = #tpu.pack_format<interleaved>} : vector<32xbf16> -> vector<16xf32>
          %unpack3A_659 = tpu.unpack_subelements %get3A_657, 1 {pack_format = #tpu.pack_format<interleaved>} : vector<32xbf16> -> vector<16xf32>
          %mul3A_660 = arith.mulf %unpack3A_658, %gather3A_610 : vector<16xf32>
          %swap3A_661 = arith.index_cast %add3A_609 : i32 to index
          %swap3A_662 = arith.constant 96 : index
          %swap3A_663 = tpu.vector_load %arg14[%swap3A_661, %swap3A_662] {strides = array<i32>} : memref<64x128xf32, #tpu.memory_space<vmem>>, vector<16xf32>,
          tpu.vector_store %arg14[%swap3A_661, %swap3A_662], %mul3A_660 {strides = array<i32>} : memref<64x128xf32, #tpu.memory_space<vmem>>, vector<16xf32>,
          %mul3A_664 = arith.mulf %unpack3A_659, %gather3A_610 : vector<16xf32>
          %swap3A_665 = arith.index_cast %add3A_609 : i32 to index
          %swap3A_666 = arith.constant 112 : index
          %swap3A_667 = tpu.vector_load %arg14[%swap3A_665, %swap3A_666] {strides = array<i32>} : memref<64x128xf32, #tpu.memory_space<vmem>>, vector<16xf32>,
          tpu.vector_store %arg14[%swap3A_665, %swap3A_666], %mul3A_664 {strides = array<i32>} : memref<64x128xf32, #tpu.memory_space<vmem>>, vector<16xf32>,
          %mul3A_668 = arith.constant 16 : i32
          %mul3A_669 = arith.muli %scan3A_152, %mul3A_668 : i32
          %add3A_670 = arith.constant 8 : i32
          %add3A_671 = arith.addi %mul3A_669, %add3A_670 : i32
          %gather3A_672 = tpu.vector_load_idx %arg17[%add3A_54] : memref<16xf32, #tpu.memory_space<vmem>>[vector<16xi32>], vector<16xf32>,
          %add3A_673 = vector.broadcast %mul3A_108 : i32 to vector<16xi32>
          %add3A_674 = arith.addi %select_n3A, %add3A_673 : vector<16xi32>
          %add3A_675 = vector.broadcast %add3A_671 : i32 to vector<16xi32>
          %add3A_676 = arith.addi %select_n3A, %add3A_675 : vector<16xi32>
          %gather3A_677 = tpu.vector_load_idx %arg11[%add3A_674, %add3A_676] : memref<20x64xi32, #tpu.memory_space<vmem>>[vector<16xi32>, vector<16xi32>], vector<16xi32>,
          tpu.vector_store_idx %arg18[%gather3A_677], %gather3A_672 masked %lt3A_77 {add = true} : memref<10240xf32, #tpu.memory_space<vmem>>[vector<16xi32>], vector<16xf32>, vector<16xi1>
          %get3A_678 = arith.index_cast %add3A_671 : i32 to index
          %get3A_679 = arith.constant 0 : index
          %get3A_680 = tpu.vector_load %arg12[%get3A_678, %get3A_679] {strides = array<i32>} : memref<64x128xbf16, #tpu.memory_space<vmem>>, vector<32xbf16>,
          %unpack3A_681 = tpu.unpack_subelements %get3A_680, 0 {pack_format = #tpu.pack_format<interleaved>} : vector<32xbf16> -> vector<16xf32>
          %unpack3A_682 = tpu.unpack_subelements %get3A_680, 1 {pack_format = #tpu.pack_format<interleaved>} : vector<32xbf16> -> vector<16xf32>
          %mul3A_683 = arith.mulf %unpack3A_681, %gather3A_672 : vector<16xf32>
          %swap3A_684 = arith.index_cast %add3A_671 : i32 to index
          %swap3A_685 = arith.constant 0 : index
          %swap3A_686 = tpu.vector_load %arg14[%swap3A_684, %swap3A_685] {strides = array<i32>} : memref<64x128xf32, #tpu.memory_space<vmem>>, vector<16xf32>,
          tpu.vector_store %arg14[%swap3A_684, %swap3A_685], %mul3A_683 {strides = array<i32>} : memref<64x128xf32, #tpu.memory_space<vmem>>, vector<16xf32>,
          %mul3A_687 = arith.mulf %unpack3A_682, %gather3A_672 : vector<16xf32>
          %swap3A_688 = arith.index_cast %add3A_671 : i32 to index
          %swap3A_689 = arith.constant 16 : index
          %swap3A_690 = tpu.vector_load %arg14[%swap3A_688, %swap3A_689] {strides = array<i32>} : memref<64x128xf32, #tpu.memory_space<vmem>>, vector<16xf32>,
          tpu.vector_store %arg14[%swap3A_688, %swap3A_689], %mul3A_687 {strides = array<i32>} : memref<64x128xf32, #tpu.memory_space<vmem>>, vector<16xf32>,
          %get3A_691 = arith.index_cast %add3A_671 : i32 to index
          %get3A_692 = arith.constant 32 : index
          %get3A_693 = tpu.vector_load %arg12[%get3A_691, %get3A_692] {strides = array<i32>} : memref<64x128xbf16, #tpu.memory_space<vmem>>, vector<32xbf16>,
          %unpack3A_694 = tpu.unpack_subelements %get3A_693, 0 {pack_format = #tpu.pack_format<interleaved>} : vector<32xbf16> -> vector<16xf32>
          %unpack3A_695 = tpu.unpack_subelements %get3A_693, 1 {pack_format = #tpu.pack_format<interleaved>} : vector<32xbf16> -> vector<16xf32>
          %mul3A_696 = arith.mulf %unpack3A_694, %gather3A_672 : vector<16xf32>
          %swap3A_697 = arith.index_cast %add3A_671 : i32 to index
          %swap3A_698 = arith.constant 32 : index
          %swap3A_699 = tpu.vector_load %arg14[%swap3A_697, %swap3A_698] {strides = array<i32>} : memref<64x128xf32, #tpu.memory_space<vmem>>, vector<16xf32>,
          tpu.vector_store %arg14[%swap3A_697, %swap3A_698], %mul3A_696 {strides = array<i32>} : memref<64x128xf32, #tpu.memory_space<vmem>>, vector<16xf32>,
          %mul3A_700 = arith.mulf %unpack3A_695, %gather3A_672 : vector<16xf32>
          %swap3A_701 = arith.index_cast %add3A_671 : i32 to index
          %swap3A_702 = arith.constant 48 : index
          %swap3A_703 = tpu.vector_load %arg14[%swap3A_701, %swap3A_702] {strides = array<i32>} : memref<64x128xf32, #tpu.memory_space<vmem>>, vector<16xf32>,
          tpu.vector_store %arg14[%swap3A_701, %swap3A_702], %mul3A_700 {strides = array<i32>} : memref<64x128xf32, #tpu.memory_space<vmem>>, vector<16xf32>,
          %get3A_704 = arith.index_cast %add3A_671 : i32 to index
          %get3A_705 = arith.constant 64 : index
          %get3A_706 = tpu.vector_load %arg12[%get3A_704, %get3A_705] {strides = array<i32>} : memref<64x128xbf16, #tpu.memory_space<vmem>>, vector<32xbf16>,
          %unpack3A_707 = tpu.unpack_subelements %get3A_706, 0 {pack_format = #tpu.pack_format<interleaved>} : vector<32xbf16> -> vector<16xf32>
          %unpack3A_708 = tpu.unpack_subelements %get3A_706, 1 {pack_format = #tpu.pack_format<interleaved>} : vector<32xbf16> -> vector<16xf32>
          %mul3A_709 = arith.mulf %unpack3A_707, %gather3A_672 : vector<16xf32>
          %swap3A_710 = arith.index_cast %add3A_671 : i32 to index
          %swap3A_711 = arith.constant 64 : index
          %swap3A_712 = tpu.vector_load %arg14[%swap3A_710, %swap3A_711] {strides = array<i32>} : memref<64x128xf32, #tpu.memory_space<vmem>>, vector<16xf32>,
          tpu.vector_store %arg14[%swap3A_710, %swap3A_711], %mul3A_709 {strides = array<i32>} : memref<64x128xf32, #tpu.memory_space<vmem>>, vector<16xf32>,
          %mul3A_713 = arith.mulf %unpack3A_708, %gather3A_672 : vector<16xf32>
          %swap3A_714 = arith.index_cast %add3A_671 : i32 to index
          %swap3A_715 = arith.constant 80 : index
          %swap3A_716 = tpu.vector_load %arg14[%swap3A_714, %swap3A_715] {strides = array<i32>} : memref<64x128xf32, #tpu.memory_space<vmem>>, vector<16xf32>,
          tpu.vector_store %arg14[%swap3A_714, %swap3A_715], %mul3A_713 {strides = array<i32>} : memref<64x128xf32, #tpu.memory_space<vmem>>, vector<16xf32>,
          %get3A_717 = arith.index_cast %add3A_671 : i32 to index
          %get3A_718 = arith.constant 96 : index
          %get3A_719 = tpu.vector_load %arg12[%get3A_717, %get3A_718] {strides = array<i32>} : memref<64x128xbf16, #tpu.memory_space<vmem>>, vector<32xbf16>,
          %unpack3A_720 = tpu.unpack_subelements %get3A_719, 0 {pack_format = #tpu.pack_format<interleaved>} : vector<32xbf16> -> vector<16xf32>
          %unpack3A_721 = tpu.unpack_subelements %get3A_719, 1 {pack_format = #tpu.pack_format<interleaved>} : vector<32xbf16> -> vector<16xf32>
          %mul3A_722 = arith.mulf %unpack3A_720, %gather3A_672 : vector<16xf32>
          %swap3A_723 = arith.index_cast %add3A_671 : i32 to index
          %swap3A_724 = arith.constant 96 : index
          %swap3A_725 = tpu.vector_load %arg14[%swap3A_723, %swap3A_724] {strides = array<i32>} : memref<64x128xf32, #tpu.memory_space<vmem>>, vector<16xf32>,
          tpu.vector_store %arg14[%swap3A_723, %swap3A_724], %mul3A_722 {strides = array<i32>} : memref<64x128xf32, #tpu.memory_space<vmem>>, vector<16xf32>,
          %mul3A_726 = arith.mulf %unpack3A_721, %gather3A_672 : vector<16xf32>
          %swap3A_727 = arith.index_cast %add3A_671 : i32 to index
          %swap3A_728 = arith.constant 112 : index
          %swap3A_729 = tpu.vector_load %arg14[%swap3A_727, %swap3A_728] {strides = array<i32>} : memref<64x128xf32, #tpu.memory_space<vmem>>, vector<16xf32>,
          tpu.vector_store %arg14[%swap3A_727, %swap3A_728], %mul3A_726 {strides = array<i32>} : memref<64x128xf32, #tpu.memory_space<vmem>>, vector<16xf32>,
          %mul3A_730 = arith.constant 16 : i32
          %mul3A_731 = arith.muli %scan3A_152, %mul3A_730 : i32
          %add3A_732 = arith.constant 9 : i32
          %add3A_733 = arith.addi %mul3A_731, %add3A_732 : i32
          %gather3A_734 = tpu.vector_load_idx %arg17[%add3A_57] : memref<16xf32, #tpu.memory_space<vmem>>[vector<16xi32>], vector<16xf32>,
          %add3A_735 = vector.broadcast %mul3A_108 : i32 to vector<16xi32>
          %add3A_736 = arith.addi %select_n3A, %add3A_735 : vector<16xi32>
          %add3A_737 = vector.broadcast %add3A_733 : i32 to vector<16xi32>
          %add3A_738 = arith.addi %select_n3A, %add3A_737 : vector<16xi32>
          %gather3A_739 = tpu.vector_load_idx %arg11[%add3A_736, %add3A_738] : memref<20x64xi32, #tpu.memory_space<vmem>>[vector<16xi32>, vector<16xi32>], vector<16xi32>,
          tpu.vector_store_idx %arg18[%gather3A_739], %gather3A_734 masked %lt3A_77 {add = true} : memref<10240xf32, #tpu.memory_space<vmem>>[vector<16xi32>], vector<16xf32>, vector<16xi1>
          %get3A_740 = arith.index_cast %add3A_733 : i32 to index
          %get3A_741 = arith.constant 0 : index
          %get3A_742 = tpu.vector_load %arg12[%get3A_740, %get3A_741] {strides = array<i32>} : memref<64x128xbf16, #tpu.memory_space<vmem>>, vector<32xbf16>,
          %unpack3A_743 = tpu.unpack_subelements %get3A_742, 0 {pack_format = #tpu.pack_format<interleaved>} : vector<32xbf16> -> vector<16xf32>
          %unpack3A_744 = tpu.unpack_subelements %get3A_742, 1 {pack_format = #tpu.pack_format<interleaved>} : vector<32xbf16> -> vector<16xf32>
          %mul3A_745 = arith.mulf %unpack3A_743, %gather3A_734 : vector<16xf32>
          %swap3A_746 = arith.index_cast %add3A_733 : i32 to index
          %swap3A_747 = arith.constant 0 : index
          %swap3A_748 = tpu.vector_load %arg14[%swap3A_746, %swap3A_747] {strides = array<i32>} : memref<64x128xf32, #tpu.memory_space<vmem>>, vector<16xf32>,
          tpu.vector_store %arg14[%swap3A_746, %swap3A_747], %mul3A_745 {strides = array<i32>} : memref<64x128xf32, #tpu.memory_space<vmem>>, vector<16xf32>,
          %mul3A_749 = arith.mulf %unpack3A_744, %gather3A_734 : vector<16xf32>
          %swap3A_750 = arith.index_cast %add3A_733 : i32 to index
          %swap3A_751 = arith.constant 16 : index
          %swap3A_752 = tpu.vector_load %arg14[%swap3A_750, %swap3A_751] {strides = array<i32>} : memref<64x128xf32, #tpu.memory_space<vmem>>, vector<16xf32>,
          tpu.vector_store %arg14[%swap3A_750, %swap3A_751], %mul3A_749 {strides = array<i32>} : memref<64x128xf32, #tpu.memory_space<vmem>>, vector<16xf32>,
          %get3A_753 = arith.index_cast %add3A_733 : i32 to index
          %get3A_754 = arith.constant 32 : index
          %get3A_755 = tpu.vector_load %arg12[%get3A_753, %get3A_754] {strides = array<i32>} : memref<64x128xbf16, #tpu.memory_space<vmem>>, vector<32xbf16>,
          %unpack3A_756 = tpu.unpack_subelements %get3A_755, 0 {pack_format = #tpu.pack_format<interleaved>} : vector<32xbf16> -> vector<16xf32>
          %unpack3A_757 = tpu.unpack_subelements %get3A_755, 1 {pack_format = #tpu.pack_format<interleaved>} : vector<32xbf16> -> vector<16xf32>
          %mul3A_758 = arith.mulf %unpack3A_756, %gather3A_734 : vector<16xf32>
          %swap3A_759 = arith.index_cast %add3A_733 : i32 to index
          %swap3A_760 = arith.constant 32 : index
          %swap3A_761 = tpu.vector_load %arg14[%swap3A_759, %swap3A_760] {strides = array<i32>} : memref<64x128xf32, #tpu.memory_space<vmem>>, vector<16xf32>,
          tpu.vector_store %arg14[%swap3A_759, %swap3A_760], %mul3A_758 {strides = array<i32>} : memref<64x128xf32, #tpu.memory_space<vmem>>, vector<16xf32>,
          %mul3A_762 = arith.mulf %unpack3A_757, %gather3A_734 : vector<16xf32>
          %swap3A_763 = arith.index_cast %add3A_733 : i32 to index
          %swap3A_764 = arith.constant 48 : index
          %swap3A_765 = tpu.vector_load %arg14[%swap3A_763, %swap3A_764] {strides = array<i32>} : memref<64x128xf32, #tpu.memory_space<vmem>>, vector<16xf32>,
          tpu.vector_store %arg14[%swap3A_763, %swap3A_764], %mul3A_762 {strides = array<i32>} : memref<64x128xf32, #tpu.memory_space<vmem>>, vector<16xf32>,
          %get3A_766 = arith.index_cast %add3A_733 : i32 to index
          %get3A_767 = arith.constant 64 : index
          %get3A_768 = tpu.vector_load %arg12[%get3A_766, %get3A_767] {strides = array<i32>} : memref<64x128xbf16, #tpu.memory_space<vmem>>, vector<32xbf16>,
          %unpack3A_769 = tpu.unpack_subelements %get3A_768, 0 {pack_format = #tpu.pack_format<interleaved>} : vector<32xbf16> -> vector<16xf32>
          %unpack3A_770 = tpu.unpack_subelements %get3A_768, 1 {pack_format = #tpu.pack_format<interleaved>} : vector<32xbf16> -> vector<16xf32>
          %mul3A_771 = arith.mulf %unpack3A_769, %gather3A_734 : vector<16xf32>
          %swap3A_772 = arith.index_cast %add3A_733 : i32 to index
          %swap3A_773 = arith.constant 64 : index
          %swap3A_774 = tpu.vector_load %arg14[%swap3A_772, %swap3A_773] {strides = array<i32>} : memref<64x128xf32, #tpu.memory_space<vmem>>, vector<16xf32>,
          tpu.vector_store %arg14[%swap3A_772, %swap3A_773], %mul3A_771 {strides = array<i32>} : memref<64x128xf32, #tpu.memory_space<vmem>>, vector<16xf32>,
          %mul3A_775 = arith.mulf %unpack3A_770, %gather3A_734 : vector<16xf32>
          %swap3A_776 = arith.index_cast %add3A_733 : i32 to index
          %swap3A_777 = arith.constant 80 : index
          %swap3A_778 = tpu.vector_load %arg14[%swap3A_776, %swap3A_777] {strides = array<i32>} : memref<64x128xf32, #tpu.memory_space<vmem>>, vector<16xf32>,
          tpu.vector_store %arg14[%swap3A_776, %swap3A_777], %mul3A_775 {strides = array<i32>} : memref<64x128xf32, #tpu.memory_space<vmem>>, vector<16xf32>,
          %get3A_779 = arith.index_cast %add3A_733 : i32 to index
          %get3A_780 = arith.constant 96 : index
          %get3A_781 = tpu.vector_load %arg12[%get3A_779, %get3A_780] {strides = array<i32>} : memref<64x128xbf16, #tpu.memory_space<vmem>>, vector<32xbf16>,
          %unpack3A_782 = tpu.unpack_subelements %get3A_781, 0 {pack_format = #tpu.pack_format<interleaved>} : vector<32xbf16> -> vector<16xf32>
          %unpack3A_783 = tpu.unpack_subelements %get3A_781, 1 {pack_format = #tpu.pack_format<interleaved>} : vector<32xbf16> -> vector<16xf32>
          %mul3A_784 = arith.mulf %unpack3A_782, %gather3A_734 : vector<16xf32>
          %swap3A_785 = arith.index_cast %add3A_733 : i32 to index
          %swap3A_786 = arith.constant 96 : index
          %swap3A_787 = tpu.vector_load %arg14[%swap3A_785, %swap3A_786] {strides = array<i32>} : memref<64x128xf32, #tpu.memory_space<vmem>>, vector<16xf32>,
          tpu.vector_store %arg14[%swap3A_785, %swap3A_786], %mul3A_784 {strides = array<i32>} : memref<64x128xf32, #tpu.memory_space<vmem>>, vector<16xf32>,
          %mul3A_788 = arith.mulf %unpack3A_783, %gather3A_734 : vector<16xf32>
          %swap3A_789 = arith.index_cast %add3A_733 : i32 to index
          %swap3A_790 = arith.constant 112 : index
          %swap3A_791 = tpu.vector_load %arg14[%swap3A_789, %swap3A_790] {strides = array<i32>} : memref<64x128xf32, #tpu.memory_space<vmem>>, vector<16xf32>,
          tpu.vector_store %arg14[%swap3A_789, %swap3A_790], %mul3A_788 {strides = array<i32>} : memref<64x128xf32, #tpu.memory_space<vmem>>, vector<16xf32>,
          %mul3A_792 = arith.constant 16 : i32
          %mul3A_793 = arith.muli %scan3A_152, %mul3A_792 : i32
          %add3A_794 = arith.constant 10 : i32
          %add3A_795 = arith.addi %mul3A_793, %add3A_794 : i32
          %gather3A_796 = tpu.vector_load_idx %arg17[%add3A_60] : memref<16xf32, #tpu.memory_space<vmem>>[vector<16xi32>], vector<16xf32>,
          %add3A_797 = vector.broadcast %mul3A_108 : i32 to vector<16xi32>
          %add3A_798 = arith.addi %select_n3A, %add3A_797 : vector<16xi32>
          %add3A_799 = vector.broadcast %add3A_795 : i32 to vector<16xi32>
          %add3A_800 = arith.addi %select_n3A, %add3A_799 : vector<16xi32>
          %gather3A_801 = tpu.vector_load_idx %arg11[%add3A_798, %add3A_800] : memref<20x64xi32, #tpu.memory_space<vmem>>[vector<16xi32>, vector<16xi32>], vector<16xi32>,
          tpu.vector_store_idx %arg18[%gather3A_801], %gather3A_796 masked %lt3A_77 {add = true} : memref<10240xf32, #tpu.memory_space<vmem>>[vector<16xi32>], vector<16xf32>, vector<16xi1>
          %get3A_802 = arith.index_cast %add3A_795 : i32 to index
          %get3A_803 = arith.constant 0 : index
          %get3A_804 = tpu.vector_load %arg12[%get3A_802, %get3A_803] {strides = array<i32>} : memref<64x128xbf16, #tpu.memory_space<vmem>>, vector<32xbf16>,
          %unpack3A_805 = tpu.unpack_subelements %get3A_804, 0 {pack_format = #tpu.pack_format<interleaved>} : vector<32xbf16> -> vector<16xf32>
          %unpack3A_806 = tpu.unpack_subelements %get3A_804, 1 {pack_format = #tpu.pack_format<interleaved>} : vector<32xbf16> -> vector<16xf32>
          %mul3A_807 = arith.mulf %unpack3A_805, %gather3A_796 : vector<16xf32>
          %swap3A_808 = arith.index_cast %add3A_795 : i32 to index
          %swap3A_809 = arith.constant 0 : index
          %swap3A_810 = tpu.vector_load %arg14[%swap3A_808, %swap3A_809] {strides = array<i32>} : memref<64x128xf32, #tpu.memory_space<vmem>>, vector<16xf32>,
          tpu.vector_store %arg14[%swap3A_808, %swap3A_809], %mul3A_807 {strides = array<i32>} : memref<64x128xf32, #tpu.memory_space<vmem>>, vector<16xf32>,
          %mul3A_811 = arith.mulf %unpack3A_806, %gather3A_796 : vector<16xf32>
          %swap3A_812 = arith.index_cast %add3A_795 : i32 to index
          %swap3A_813 = arith.constant 16 : index
          %swap3A_814 = tpu.vector_load %arg14[%swap3A_812, %swap3A_813] {strides = array<i32>} : memref<64x128xf32, #tpu.memory_space<vmem>>, vector<16xf32>,
          tpu.vector_store %arg14[%swap3A_812, %swap3A_813], %mul3A_811 {strides = array<i32>} : memref<64x128xf32, #tpu.memory_space<vmem>>, vector<16xf32>,
          %get3A_815 = arith.index_cast %add3A_795 : i32 to index
          %get3A_816 = arith.constant 32 : index
          %get3A_817 = tpu.vector_load %arg12[%get3A_815, %get3A_816] {strides = array<i32>} : memref<64x128xbf16, #tpu.memory_space<vmem>>, vector<32xbf16>,
          %unpack3A_818 = tpu.unpack_subelements %get3A_817, 0 {pack_format = #tpu.pack_format<interleaved>} : vector<32xbf16> -> vector<16xf32>
          %unpack3A_819 = tpu.unpack_subelements %get3A_817, 1 {pack_format = #tpu.pack_format<interleaved>} : vector<32xbf16> -> vector<16xf32>
          %mul3A_820 = arith.mulf %unpack3A_818, %gather3A_796 : vector<16xf32>
          %swap3A_821 = arith.index_cast %add3A_795 : i32 to index
          %swap3A_822 = arith.constant 32 : index
          %swap3A_823 = tpu.vector_load %arg14[%swap3A_821, %swap3A_822] {strides = array<i32>} : memref<64x128xf32, #tpu.memory_space<vmem>>, vector<16xf32>,
          tpu.vector_store %arg14[%swap3A_821, %swap3A_822], %mul3A_820 {strides = array<i32>} : memref<64x128xf32, #tpu.memory_space<vmem>>, vector<16xf32>,
          %mul3A_824 = arith.mulf %unpack3A_819, %gather3A_796 : vector<16xf32>
          %swap3A_825 = arith.index_cast %add3A_795 : i32 to index
          %swap3A_826 = arith.constant 48 : index
          %swap3A_827 = tpu.vector_load %arg14[%swap3A_825, %swap3A_826] {strides = array<i32>} : memref<64x128xf32, #tpu.memory_space<vmem>>, vector<16xf32>,
          tpu.vector_store %arg14[%swap3A_825, %swap3A_826], %mul3A_824 {strides = array<i32>} : memref<64x128xf32, #tpu.memory_space<vmem>>, vector<16xf32>,
          %get3A_828 = arith.index_cast %add3A_795 : i32 to index
          %get3A_829 = arith.constant 64 : index
          %get3A_830 = tpu.vector_load %arg12[%get3A_828, %get3A_829] {strides = array<i32>} : memref<64x128xbf16, #tpu.memory_space<vmem>>, vector<32xbf16>,
          %unpack3A_831 = tpu.unpack_subelements %get3A_830, 0 {pack_format = #tpu.pack_format<interleaved>} : vector<32xbf16> -> vector<16xf32>
          %unpack3A_832 = tpu.unpack_subelements %get3A_830, 1 {pack_format = #tpu.pack_format<interleaved>} : vector<32xbf16> -> vector<16xf32>
          %mul3A_833 = arith.mulf %unpack3A_831, %gather3A_796 : vector<16xf32>
          %swap3A_834 = arith.index_cast %add3A_795 : i32 to index
          %swap3A_835 = arith.constant 64 : index
          %swap3A_836 = tpu.vector_load %arg14[%swap3A_834, %swap3A_835] {strides = array<i32>} : memref<64x128xf32, #tpu.memory_space<vmem>>, vector<16xf32>,
          tpu.vector_store %arg14[%swap3A_834, %swap3A_835], %mul3A_833 {strides = array<i32>} : memref<64x128xf32, #tpu.memory_space<vmem>>, vector<16xf32>,
          %mul3A_837 = arith.mulf %unpack3A_832, %gather3A_796 : vector<16xf32>
          %swap3A_838 = arith.index_cast %add3A_795 : i32 to index
          %swap3A_839 = arith.constant 80 : index
          %swap3A_840 = tpu.vector_load %arg14[%swap3A_838, %swap3A_839] {strides = array<i32>} : memref<64x128xf32, #tpu.memory_space<vmem>>, vector<16xf32>,
          tpu.vector_store %arg14[%swap3A_838, %swap3A_839], %mul3A_837 {strides = array<i32>} : memref<64x128xf32, #tpu.memory_space<vmem>>, vector<16xf32>,
          %get3A_841 = arith.index_cast %add3A_795 : i32 to index
          %get3A_842 = arith.constant 96 : index
          %get3A_843 = tpu.vector_load %arg12[%get3A_841, %get3A_842] {strides = array<i32>} : memref<64x128xbf16, #tpu.memory_space<vmem>>, vector<32xbf16>,
          %unpack3A_844 = tpu.unpack_subelements %get3A_843, 0 {pack_format = #tpu.pack_format<interleaved>} : vector<32xbf16> -> vector<16xf32>
          %unpack3A_845 = tpu.unpack_subelements %get3A_843, 1 {pack_format = #tpu.pack_format<interleaved>} : vector<32xbf16> -> vector<16xf32>
          %mul3A_846 = arith.mulf %unpack3A_844, %gather3A_796 : vector<16xf32>
          %swap3A_847 = arith.index_cast %add3A_795 : i32 to index
          %swap3A_848 = arith.constant 96 : index
          %swap3A_849 = tpu.vector_load %arg14[%swap3A_847, %swap3A_848] {strides = array<i32>} : memref<64x128xf32, #tpu.memory_space<vmem>>, vector<16xf32>,
          tpu.vector_store %arg14[%swap3A_847, %swap3A_848], %mul3A_846 {strides = array<i32>} : memref<64x128xf32, #tpu.memory_space<vmem>>, vector<16xf32>,
          %mul3A_850 = arith.mulf %unpack3A_845, %gather3A_796 : vector<16xf32>
          %swap3A_851 = arith.index_cast %add3A_795 : i32 to index
          %swap3A_852 = arith.constant 112 : index
          %swap3A_853 = tpu.vector_load %arg14[%swap3A_851, %swap3A_852] {strides = array<i32>} : memref<64x128xf32, #tpu.memory_space<vmem>>, vector<16xf32>,
          tpu.vector_store %arg14[%swap3A_851, %swap3A_852], %mul3A_850 {strides = array<i32>} : memref<64x128xf32, #tpu.memory_space<vmem>>, vector<16xf32>,
          %mul3A_854 = arith.constant 16 : i32
          %mul3A_855 = arith.muli %scan3A_152, %mul3A_854 : i32
          %add3A_856 = arith.constant 11 : i32
          %add3A_857 = arith.addi %mul3A_855, %add3A_856 : i32
          %gather3A_858 = tpu.vector_load_idx %arg17[%add3A_63] : memref<16xf32, #tpu.memory_space<vmem>>[vector<16xi32>], vector<16xf32>,
          %add3A_859 = vector.broadcast %mul3A_108 : i32 to vector<16xi32>
          %add3A_860 = arith.addi %select_n3A, %add3A_859 : vector<16xi32>
          %add3A_861 = vector.broadcast %add3A_857 : i32 to vector<16xi32>
          %add3A_862 = arith.addi %select_n3A, %add3A_861 : vector<16xi32>
          %gather3A_863 = tpu.vector_load_idx %arg11[%add3A_860, %add3A_862] : memref<20x64xi32, #tpu.memory_space<vmem>>[vector<16xi32>, vector<16xi32>], vector<16xi32>,
          tpu.vector_store_idx %arg18[%gather3A_863], %gather3A_858 masked %lt3A_77 {add = true} : memref<10240xf32, #tpu.memory_space<vmem>>[vector<16xi32>], vector<16xf32>, vector<16xi1>
          %get3A_864 = arith.index_cast %add3A_857 : i32 to index
          %get3A_865 = arith.constant 0 : index
          %get3A_866 = tpu.vector_load %arg12[%get3A_864, %get3A_865] {strides = array<i32>} : memref<64x128xbf16, #tpu.memory_space<vmem>>, vector<32xbf16>,
          %unpack3A_867 = tpu.unpack_subelements %get3A_866, 0 {pack_format = #tpu.pack_format<interleaved>} : vector<32xbf16> -> vector<16xf32>
          %unpack3A_868 = tpu.unpack_subelements %get3A_866, 1 {pack_format = #tpu.pack_format<interleaved>} : vector<32xbf16> -> vector<16xf32>
          %mul3A_869 = arith.mulf %unpack3A_867, %gather3A_858 : vector<16xf32>
          %swap3A_870 = arith.index_cast %add3A_857 : i32 to index
          %swap3A_871 = arith.constant 0 : index
          %swap3A_872 = tpu.vector_load %arg14[%swap3A_870, %swap3A_871] {strides = array<i32>} : memref<64x128xf32, #tpu.memory_space<vmem>>, vector<16xf32>,
          tpu.vector_store %arg14[%swap3A_870, %swap3A_871], %mul3A_869 {strides = array<i32>} : memref<64x128xf32, #tpu.memory_space<vmem>>, vector<16xf32>,
          %mul3A_873 = arith.mulf %unpack3A_868, %gather3A_858 : vector<16xf32>
          %swap3A_874 = arith.index_cast %add3A_857 : i32 to index
          %swap3A_875 = arith.constant 16 : index
          %swap3A_876 = tpu.vector_load %arg14[%swap3A_874, %swap3A_875] {strides = array<i32>} : memref<64x128xf32, #tpu.memory_space<vmem>>, vector<16xf32>,
          tpu.vector_store %arg14[%swap3A_874, %swap3A_875], %mul3A_873 {strides = array<i32>} : memref<64x128xf32, #tpu.memory_space<vmem>>, vector<16xf32>,
          %get3A_877 = arith.index_cast %add3A_857 : i32 to index
          %get3A_878 = arith.constant 32 : index
          %get3A_879 = tpu.vector_load %arg12[%get3A_877, %get3A_878] {strides = array<i32>} : memref<64x128xbf16, #tpu.memory_space<vmem>>, vector<32xbf16>,
          %unpack3A_880 = tpu.unpack_subelements %get3A_879, 0 {pack_format = #tpu.pack_format<interleaved>} : vector<32xbf16> -> vector<16xf32>
          %unpack3A_881 = tpu.unpack_subelements %get3A_879, 1 {pack_format = #tpu.pack_format<interleaved>} : vector<32xbf16> -> vector<16xf32>
          %mul3A_882 = arith.mulf %unpack3A_880, %gather3A_858 : vector<16xf32>
          %swap3A_883 = arith.index_cast %add3A_857 : i32 to index
          %swap3A_884 = arith.constant 32 : index
          %swap3A_885 = tpu.vector_load %arg14[%swap3A_883, %swap3A_884] {strides = array<i32>} : memref<64x128xf32, #tpu.memory_space<vmem>>, vector<16xf32>,
          tpu.vector_store %arg14[%swap3A_883, %swap3A_884], %mul3A_882 {strides = array<i32>} : memref<64x128xf32, #tpu.memory_space<vmem>>, vector<16xf32>,
          %mul3A_886 = arith.mulf %unpack3A_881, %gather3A_858 : vector<16xf32>
          %swap3A_887 = arith.index_cast %add3A_857 : i32 to index
          %swap3A_888 = arith.constant 48 : index
          %swap3A_889 = tpu.vector_load %arg14[%swap3A_887, %swap3A_888] {strides = array<i32>} : memref<64x128xf32, #tpu.memory_space<vmem>>, vector<16xf32>,
          tpu.vector_store %arg14[%swap3A_887, %swap3A_888], %mul3A_886 {strides = array<i32>} : memref<64x128xf32, #tpu.memory_space<vmem>>, vector<16xf32>,
          %get3A_890 = arith.index_cast %add3A_857 : i32 to index
          %get3A_891 = arith.constant 64 : index
          %get3A_892 = tpu.vector_load %arg12[%get3A_890, %get3A_891] {strides = array<i32>} : memref<64x128xbf16, #tpu.memory_space<vmem>>, vector<32xbf16>,
          %unpack3A_893 = tpu.unpack_subelements %get3A_892, 0 {pack_format = #tpu.pack_format<interleaved>} : vector<32xbf16> -> vector<16xf32>
          %unpack3A_894 = tpu.unpack_subelements %get3A_892, 1 {pack_format = #tpu.pack_format<interleaved>} : vector<32xbf16> -> vector<16xf32>
          %mul3A_895 = arith.mulf %unpack3A_893, %gather3A_858 : vector<16xf32>
          %swap3A_896 = arith.index_cast %add3A_857 : i32 to index
          %swap3A_897 = arith.constant 64 : index
          %swap3A_898 = tpu.vector_load %arg14[%swap3A_896, %swap3A_897] {strides = array<i32>} : memref<64x128xf32, #tpu.memory_space<vmem>>, vector<16xf32>,
          tpu.vector_store %arg14[%swap3A_896, %swap3A_897], %mul3A_895 {strides = array<i32>} : memref<64x128xf32, #tpu.memory_space<vmem>>, vector<16xf32>,
          %mul3A_899 = arith.mulf %unpack3A_894, %gather3A_858 : vector<16xf32>
          %swap3A_900 = arith.index_cast %add3A_857 : i32 to index
          %swap3A_901 = arith.constant 80 : index
          %swap3A_902 = tpu.vector_load %arg14[%swap3A_900, %swap3A_901] {strides = array<i32>} : memref<64x128xf32, #tpu.memory_space<vmem>>, vector<16xf32>,
          tpu.vector_store %arg14[%swap3A_900, %swap3A_901], %mul3A_899 {strides = array<i32>} : memref<64x128xf32, #tpu.memory_space<vmem>>, vector<16xf32>,
          %get3A_903 = arith.index_cast %add3A_857 : i32 to index
          %get3A_904 = arith.constant 96 : index
          %get3A_905 = tpu.vector_load %arg12[%get3A_903, %get3A_904] {strides = array<i32>} : memref<64x128xbf16, #tpu.memory_space<vmem>>, vector<32xbf16>,
          %unpack3A_906 = tpu.unpack_subelements %get3A_905, 0 {pack_format = #tpu.pack_format<interleaved>} : vector<32xbf16> -> vector<16xf32>
          %unpack3A_907 = tpu.unpack_subelements %get3A_905, 1 {pack_format = #tpu.pack_format<interleaved>} : vector<32xbf16> -> vector<16xf32>
          %mul3A_908 = arith.mulf %unpack3A_906, %gather3A_858 : vector<16xf32>
          %swap3A_909 = arith.index_cast %add3A_857 : i32 to index
          %swap3A_910 = arith.constant 96 : index
          %swap3A_911 = tpu.vector_load %arg14[%swap3A_909, %swap3A_910] {strides = array<i32>} : memref<64x128xf32, #tpu.memory_space<vmem>>, vector<16xf32>,
          tpu.vector_store %arg14[%swap3A_909, %swap3A_910], %mul3A_908 {strides = array<i32>} : memref<64x128xf32, #tpu.memory_space<vmem>>, vector<16xf32>,
          %mul3A_912 = arith.mulf %unpack3A_907, %gather3A_858 : vector<16xf32>
          %swap3A_913 = arith.index_cast %add3A_857 : i32 to index
          %swap3A_914 = arith.constant 112 : index
          %swap3A_915 = tpu.vector_load %arg14[%swap3A_913, %swap3A_914] {strides = array<i32>} : memref<64x128xf32, #tpu.memory_space<vmem>>, vector<16xf32>,
          tpu.vector_store %arg14[%swap3A_913, %swap3A_914], %mul3A_912 {strides = array<i32>} : memref<64x128xf32, #tpu.memory_space<vmem>>, vector<16xf32>,
          %mul3A_916 = arith.constant 16 : i32
          %mul3A_917 = arith.muli %scan3A_152, %mul3A_916 : i32
          %add3A_918 = arith.constant 12 : i32
          %add3A_919 = arith.addi %mul3A_917, %add3A_918 : i32
          %gather3A_920 = tpu.vector_load_idx %arg17[%add3A_66] : memref<16xf32, #tpu.memory_space<vmem>>[vector<16xi32>], vector<16xf32>,
          %add3A_921 = vector.broadcast %mul3A_108 : i32 to vector<16xi32>
          %add3A_922 = arith.addi %select_n3A, %add3A_921 : vector<16xi32>
          %add3A_923 = vector.broadcast %add3A_919 : i32 to vector<16xi32>
          %add3A_924 = arith.addi %select_n3A, %add3A_923 : vector<16xi32>
          %gather3A_925 = tpu.vector_load_idx %arg11[%add3A_922, %add3A_924] : memref<20x64xi32, #tpu.memory_space<vmem>>[vector<16xi32>, vector<16xi32>], vector<16xi32>,
          tpu.vector_store_idx %arg18[%gather3A_925], %gather3A_920 masked %lt3A_77 {add = true} : memref<10240xf32, #tpu.memory_space<vmem>>[vector<16xi32>], vector<16xf32>, vector<16xi1>
          %get3A_926 = arith.index_cast %add3A_919 : i32 to index
          %get3A_927 = arith.constant 0 : index
          %get3A_928 = tpu.vector_load %arg12[%get3A_926, %get3A_927] {strides = array<i32>} : memref<64x128xbf16, #tpu.memory_space<vmem>>, vector<32xbf16>,
          %unpack3A_929 = tpu.unpack_subelements %get3A_928, 0 {pack_format = #tpu.pack_format<interleaved>} : vector<32xbf16> -> vector<16xf32>
          %unpack3A_930 = tpu.unpack_subelements %get3A_928, 1 {pack_format = #tpu.pack_format<interleaved>} : vector<32xbf16> -> vector<16xf32>
          %mul3A_931 = arith.mulf %unpack3A_929, %gather3A_920 : vector<16xf32>
          %swap3A_932 = arith.index_cast %add3A_919 : i32 to index
          %swap3A_933 = arith.constant 0 : index
          %swap3A_934 = tpu.vector_load %arg14[%swap3A_932, %swap3A_933] {strides = array<i32>} : memref<64x128xf32, #tpu.memory_space<vmem>>, vector<16xf32>,
          tpu.vector_store %arg14[%swap3A_932, %swap3A_933], %mul3A_931 {strides = array<i32>} : memref<64x128xf32, #tpu.memory_space<vmem>>, vector<16xf32>,
          %mul3A_935 = arith.mulf %unpack3A_930, %gather3A_920 : vector<16xf32>
          %swap3A_936 = arith.index_cast %add3A_919 : i32 to index
          %swap3A_937 = arith.constant 16 : index
          %swap3A_938 = tpu.vector_load %arg14[%swap3A_936, %swap3A_937] {strides = array<i32>} : memref<64x128xf32, #tpu.memory_space<vmem>>, vector<16xf32>,
          tpu.vector_store %arg14[%swap3A_936, %swap3A_937], %mul3A_935 {strides = array<i32>} : memref<64x128xf32, #tpu.memory_space<vmem>>, vector<16xf32>,
          %get3A_939 = arith.index_cast %add3A_919 : i32 to index
          %get3A_940 = arith.constant 32 : index
          %get3A_941 = tpu.vector_load %arg12[%get3A_939, %get3A_940] {strides = array<i32>} : memref<64x128xbf16, #tpu.memory_space<vmem>>, vector<32xbf16>,
          %unpack3A_942 = tpu.unpack_subelements %get3A_941, 0 {pack_format = #tpu.pack_format<interleaved>} : vector<32xbf16> -> vector<16xf32>
          %unpack3A_943 = tpu.unpack_subelements %get3A_941, 1 {pack_format = #tpu.pack_format<interleaved>} : vector<32xbf16> -> vector<16xf32>
          %mul3A_944 = arith.mulf %unpack3A_942, %gather3A_920 : vector<16xf32>
          %swap3A_945 = arith.index_cast %add3A_919 : i32 to index
          %swap3A_946 = arith.constant 32 : index
          %swap3A_947 = tpu.vector_load %arg14[%swap3A_945, %swap3A_946] {strides = array<i32>} : memref<64x128xf32, #tpu.memory_space<vmem>>, vector<16xf32>,
          tpu.vector_store %arg14[%swap3A_945, %swap3A_946], %mul3A_944 {strides = array<i32>} : memref<64x128xf32, #tpu.memory_space<vmem>>, vector<16xf32>,
          %mul3A_948 = arith.mulf %unpack3A_943, %gather3A_920 : vector<16xf32>
          %swap3A_949 = arith.index_cast %add3A_919 : i32 to index
          %swap3A_950 = arith.constant 48 : index
          %swap3A_951 = tpu.vector_load %arg14[%swap3A_949, %swap3A_950] {strides = array<i32>} : memref<64x128xf32, #tpu.memory_space<vmem>>, vector<16xf32>,
          tpu.vector_store %arg14[%swap3A_949, %swap3A_950], %mul3A_948 {strides = array<i32>} : memref<64x128xf32, #tpu.memory_space<vmem>>, vector<16xf32>,
          %get3A_952 = arith.index_cast %add3A_919 : i32 to index
          %get3A_953 = arith.constant 64 : index
          %get3A_954 = tpu.vector_load %arg12[%get3A_952, %get3A_953] {strides = array<i32>} : memref<64x128xbf16, #tpu.memory_space<vmem>>, vector<32xbf16>,
          %unpack3A_955 = tpu.unpack_subelements %get3A_954, 0 {pack_format = #tpu.pack_format<interleaved>} : vector<32xbf16> -> vector<16xf32>
          %unpack3A_956 = tpu.unpack_subelements %get3A_954, 1 {pack_format = #tpu.pack_format<interleaved>} : vector<32xbf16> -> vector<16xf32>
          %mul3A_957 = arith.mulf %unpack3A_955, %gather3A_920 : vector<16xf32>
          %swap3A_958 = arith.index_cast %add3A_919 : i32 to index
          %swap3A_959 = arith.constant 64 : index
          %swap3A_960 = tpu.vector_load %arg14[%swap3A_958, %swap3A_959] {strides = array<i32>} : memref<64x128xf32, #tpu.memory_space<vmem>>, vector<16xf32>,
          tpu.vector_store %arg14[%swap3A_958, %swap3A_959], %mul3A_957 {strides = array<i32>} : memref<64x128xf32, #tpu.memory_space<vmem>>, vector<16xf32>,
          %mul3A_961 = arith.mulf %unpack3A_956, %gather3A_920 : vector<16xf32>
          %swap3A_962 = arith.index_cast %add3A_919 : i32 to index
          %swap3A_963 = arith.constant 80 : index
          %swap3A_964 = tpu.vector_load %arg14[%swap3A_962, %swap3A_963] {strides = array<i32>} : memref<64x128xf32, #tpu.memory_space<vmem>>, vector<16xf32>,
          tpu.vector_store %arg14[%swap3A_962, %swap3A_963], %mul3A_961 {strides = array<i32>} : memref<64x128xf32, #tpu.memory_space<vmem>>, vector<16xf32>,
          %get3A_965 = arith.index_cast %add3A_919 : i32 to index
          %get3A_966 = arith.constant 96 : index
          %get3A_967 = tpu.vector_load %arg12[%get3A_965, %get3A_966] {strides = array<i32>} : memref<64x128xbf16, #tpu.memory_space<vmem>>, vector<32xbf16>,
          %unpack3A_968 = tpu.unpack_subelements %get3A_967, 0 {pack_format = #tpu.pack_format<interleaved>} : vector<32xbf16> -> vector<16xf32>
          %unpack3A_969 = tpu.unpack_subelements %get3A_967, 1 {pack_format = #tpu.pack_format<interleaved>} : vector<32xbf16> -> vector<16xf32>
          %mul3A_970 = arith.mulf %unpack3A_968, %gather3A_920 : vector<16xf32>
          %swap3A_971 = arith.index_cast %add3A_919 : i32 to index
          %swap3A_972 = arith.constant 96 : index
          %swap3A_973 = tpu.vector_load %arg14[%swap3A_971, %swap3A_972] {strides = array<i32>} : memref<64x128xf32, #tpu.memory_space<vmem>>, vector<16xf32>,
          tpu.vector_store %arg14[%swap3A_971, %swap3A_972], %mul3A_970 {strides = array<i32>} : memref<64x128xf32, #tpu.memory_space<vmem>>, vector<16xf32>,
          %mul3A_974 = arith.mulf %unpack3A_969, %gather3A_920 : vector<16xf32>
          %swap3A_975 = arith.index_cast %add3A_919 : i32 to index
          %swap3A_976 = arith.constant 112 : index
          %swap3A_977 = tpu.vector_load %arg14[%swap3A_975, %swap3A_976] {strides = array<i32>} : memref<64x128xf32, #tpu.memory_space<vmem>>, vector<16xf32>,
          tpu.vector_store %arg14[%swap3A_975, %swap3A_976], %mul3A_974 {strides = array<i32>} : memref<64x128xf32, #tpu.memory_space<vmem>>, vector<16xf32>,
          %mul3A_978 = arith.constant 16 : i32
          %mul3A_979 = arith.muli %scan3A_152, %mul3A_978 : i32
          %add3A_980 = arith.constant 13 : i32
          %add3A_981 = arith.addi %mul3A_979, %add3A_980 : i32
          %gather3A_982 = tpu.vector_load_idx %arg17[%add3A_69] : memref<16xf32, #tpu.memory_space<vmem>>[vector<16xi32>], vector<16xf32>,
          %add3A_983 = vector.broadcast %mul3A_108 : i32 to vector<16xi32>
          %add3A_984 = arith.addi %select_n3A, %add3A_983 : vector<16xi32>
          %add3A_985 = vector.broadcast %add3A_981 : i32 to vector<16xi32>
          %add3A_986 = arith.addi %select_n3A, %add3A_985 : vector<16xi32>
          %gather3A_987 = tpu.vector_load_idx %arg11[%add3A_984, %add3A_986] : memref<20x64xi32, #tpu.memory_space<vmem>>[vector<16xi32>, vector<16xi32>], vector<16xi32>,
          tpu.vector_store_idx %arg18[%gather3A_987], %gather3A_982 masked %lt3A_77 {add = true} : memref<10240xf32, #tpu.memory_space<vmem>>[vector<16xi32>], vector<16xf32>, vector<16xi1>
          %get3A_988 = arith.index_cast %add3A_981 : i32 to index
          %get3A_989 = arith.constant 0 : index
          %get3A_990 = tpu.vector_load %arg12[%get3A_988, %get3A_989] {strides = array<i32>} : memref<64x128xbf16, #tpu.memory_space<vmem>>, vector<32xbf16>,
          %unpack3A_991 = tpu.unpack_subelements %get3A_990, 0 {pack_format = #tpu.pack_format<interleaved>} : vector<32xbf16> -> vector<16xf32>
          %unpack3A_992 = tpu.unpack_subelements %get3A_990, 1 {pack_format = #tpu.pack_format<interleaved>} : vector<32xbf16> -> vector<16xf32>
          %mul3A_993 = arith.mulf %unpack3A_991, %gather3A_982 : vector<16xf32>
          %swap3A_994 = arith.index_cast %add3A_981 : i32 to index
          %swap3A_995 = arith.constant 0 : index
          %swap3A_996 = tpu.vector_load %arg14[%swap3A_994, %swap3A_995] {strides = array<i32>} : memref<64x128xf32, #tpu.memory_space<vmem>>, vector<16xf32>,
          tpu.vector_store %arg14[%swap3A_994, %swap3A_995], %mul3A_993 {strides = array<i32>} : memref<64x128xf32, #tpu.memory_space<vmem>>, vector<16xf32>,
          %mul3A_997 = arith.mulf %unpack3A_992, %gather3A_982 : vector<16xf32>
          %swap3A_998 = arith.index_cast %add3A_981 : i32 to index
          %swap3A_999 = arith.constant 16 : index
          %swap3A_1000 = tpu.vector_load %arg14[%swap3A_998, %swap3A_999] {strides = array<i32>} : memref<64x128xf32, #tpu.memory_space<vmem>>, vector<16xf32>,
          tpu.vector_store %arg14[%swap3A_998, %swap3A_999], %mul3A_997 {strides = array<i32>} : memref<64x128xf32, #tpu.memory_space<vmem>>, vector<16xf32>,
          %get3A_1001 = arith.index_cast %add3A_981 : i32 to index
          %get3A_1002 = arith.constant 32 : index
          %get3A_1003 = tpu.vector_load %arg12[%get3A_1001, %get3A_1002] {strides = array<i32>} : memref<64x128xbf16, #tpu.memory_space<vmem>>, vector<32xbf16>,
          %unpack3A_1004 = tpu.unpack_subelements %get3A_1003, 0 {pack_format = #tpu.pack_format<interleaved>} : vector<32xbf16> -> vector<16xf32>
          %unpack3A_1005 = tpu.unpack_subelements %get3A_1003, 1 {pack_format = #tpu.pack_format<interleaved>} : vector<32xbf16> -> vector<16xf32>
          %mul3A_1006 = arith.mulf %unpack3A_1004, %gather3A_982 : vector<16xf32>
          %swap3A_1007 = arith.index_cast %add3A_981 : i32 to index
          %swap3A_1008 = arith.constant 32 : index
          %swap3A_1009 = tpu.vector_load %arg14[%swap3A_1007, %swap3A_1008] {strides = array<i32>} : memref<64x128xf32, #tpu.memory_space<vmem>>, vector<16xf32>,
          tpu.vector_store %arg14[%swap3A_1007, %swap3A_1008], %mul3A_1006 {strides = array<i32>} : memref<64x128xf32, #tpu.memory_space<vmem>>, vector<16xf32>,
          %mul3A_1010 = arith.mulf %unpack3A_1005, %gather3A_982 : vector<16xf32>
          %swap3A_1011 = arith.index_cast %add3A_981 : i32 to index
          %swap3A_1012 = arith.constant 48 : index
          %swap3A_1013 = tpu.vector_load %arg14[%swap3A_1011, %swap3A_1012] {strides = array<i32>} : memref<64x128xf32, #tpu.memory_space<vmem>>, vector<16xf32>,
          tpu.vector_store %arg14[%swap3A_1011, %swap3A_1012], %mul3A_1010 {strides = array<i32>} : memref<64x128xf32, #tpu.memory_space<vmem>>, vector<16xf32>,
          %get3A_1014 = arith.index_cast %add3A_981 : i32 to index
          %get3A_1015 = arith.constant 64 : index
          %get3A_1016 = tpu.vector_load %arg12[%get3A_1014, %get3A_1015] {strides = array<i32>} : memref<64x128xbf16, #tpu.memory_space<vmem>>, vector<32xbf16>,
          %unpack3A_1017 = tpu.unpack_subelements %get3A_1016, 0 {pack_format = #tpu.pack_format<interleaved>} : vector<32xbf16> -> vector<16xf32>
          %unpack3A_1018 = tpu.unpack_subelements %get3A_1016, 1 {pack_format = #tpu.pack_format<interleaved>} : vector<32xbf16> -> vector<16xf32>
          %mul3A_1019 = arith.mulf %unpack3A_1017, %gather3A_982 : vector<16xf32>
          %swap3A_1020 = arith.index_cast %add3A_981 : i32 to index
          %swap3A_1021 = arith.constant 64 : index
          %swap3A_1022 = tpu.vector_load %arg14[%swap3A_1020, %swap3A_1021] {strides = array<i32>} : memref<64x128xf32, #tpu.memory_space<vmem>>, vector<16xf32>,
          tpu.vector_store %arg14[%swap3A_1020, %swap3A_1021], %mul3A_1019 {strides = array<i32>} : memref<64x128xf32, #tpu.memory_space<vmem>>, vector<16xf32>,
          %mul3A_1023 = arith.mulf %unpack3A_1018, %gather3A_982 : vector<16xf32>
          %swap3A_1024 = arith.index_cast %add3A_981 : i32 to index
          %swap3A_1025 = arith.constant 80 : index
          %swap3A_1026 = tpu.vector_load %arg14[%swap3A_1024, %swap3A_1025] {strides = array<i32>} : memref<64x128xf32, #tpu.memory_space<vmem>>, vector<16xf32>,
          tpu.vector_store %arg14[%swap3A_1024, %swap3A_1025], %mul3A_1023 {strides = array<i32>} : memref<64x128xf32, #tpu.memory_space<vmem>>, vector<16xf32>,
          %get3A_1027 = arith.index_cast %add3A_981 : i32 to index
          %get3A_1028 = arith.constant 96 : index
          %get3A_1029 = tpu.vector_load %arg12[%get3A_1027, %get3A_1028] {strides = array<i32>} : memref<64x128xbf16, #tpu.memory_space<vmem>>, vector<32xbf16>,
          %unpack3A_1030 = tpu.unpack_subelements %get3A_1029, 0 {pack_format = #tpu.pack_format<interleaved>} : vector<32xbf16> -> vector<16xf32>
          %unpack3A_1031 = tpu.unpack_subelements %get3A_1029, 1 {pack_format = #tpu.pack_format<interleaved>} : vector<32xbf16> -> vector<16xf32>
          %mul3A_1032 = arith.mulf %unpack3A_1030, %gather3A_982 : vector<16xf32>
          %swap3A_1033 = arith.index_cast %add3A_981 : i32 to index
          %swap3A_1034 = arith.constant 96 : index
          %swap3A_1035 = tpu.vector_load %arg14[%swap3A_1033, %swap3A_1034] {strides = array<i32>} : memref<64x128xf32, #tpu.memory_space<vmem>>, vector<16xf32>,
          tpu.vector_store %arg14[%swap3A_1033, %swap3A_1034], %mul3A_1032 {strides = array<i32>} : memref<64x128xf32, #tpu.memory_space<vmem>>, vector<16xf32>,
          %mul3A_1036 = arith.mulf %unpack3A_1031, %gather3A_982 : vector<16xf32>
          %swap3A_1037 = arith.index_cast %add3A_981 : i32 to index
          %swap3A_1038 = arith.constant 112 : index
          %swap3A_1039 = tpu.vector_load %arg14[%swap3A_1037, %swap3A_1038] {strides = array<i32>} : memref<64x128xf32, #tpu.memory_space<vmem>>, vector<16xf32>,
          tpu.vector_store %arg14[%swap3A_1037, %swap3A_1038], %mul3A_1036 {strides = array<i32>} : memref<64x128xf32, #tpu.memory_space<vmem>>, vector<16xf32>,
          %mul3A_1040 = arith.constant 16 : i32
          %mul3A_1041 = arith.muli %scan3A_152, %mul3A_1040 : i32
          %add3A_1042 = arith.constant 14 : i32
          %add3A_1043 = arith.addi %mul3A_1041, %add3A_1042 : i32
          %gather3A_1044 = tpu.vector_load_idx %arg17[%add3A_72] : memref<16xf32, #tpu.memory_space<vmem>>[vector<16xi32>], vector<16xf32>,
          %add3A_1045 = vector.broadcast %mul3A_108 : i32 to vector<16xi32>
          %add3A_1046 = arith.addi %select_n3A, %add3A_1045 : vector<16xi32>
          %add3A_1047 = vector.broadcast %add3A_1043 : i32 to vector<16xi32>
          %add3A_1048 = arith.addi %select_n3A, %add3A_1047 : vector<16xi32>
          %gather3A_1049 = tpu.vector_load_idx %arg11[%add3A_1046, %add3A_1048] : memref<20x64xi32, #tpu.memory_space<vmem>>[vector<16xi32>, vector<16xi32>], vector<16xi32>,
          tpu.vector_store_idx %arg18[%gather3A_1049], %gather3A_1044 masked %lt3A_77 {add = true} : memref<10240xf32, #tpu.memory_space<vmem>>[vector<16xi32>], vector<16xf32>, vector<16xi1>
          %get3A_1050 = arith.index_cast %add3A_1043 : i32 to index
          %get3A_1051 = arith.constant 0 : index
          %get3A_1052 = tpu.vector_load %arg12[%get3A_1050, %get3A_1051] {strides = array<i32>} : memref<64x128xbf16, #tpu.memory_space<vmem>>, vector<32xbf16>,
          %unpack3A_1053 = tpu.unpack_subelements %get3A_1052, 0 {pack_format = #tpu.pack_format<interleaved>} : vector<32xbf16> -> vector<16xf32>
          %unpack3A_1054 = tpu.unpack_subelements %get3A_1052, 1 {pack_format = #tpu.pack_format<interleaved>} : vector<32xbf16> -> vector<16xf32>
          %mul3A_1055 = arith.mulf %unpack3A_1053, %gather3A_1044 : vector<16xf32>
          %swap3A_1056 = arith.index_cast %add3A_1043 : i32 to index
          %swap3A_1057 = arith.constant 0 : index
          %swap3A_1058 = tpu.vector_load %arg14[%swap3A_1056, %swap3A_1057] {strides = array<i32>} : memref<64x128xf32, #tpu.memory_space<vmem>>, vector<16xf32>,
          tpu.vector_store %arg14[%swap3A_1056, %swap3A_1057], %mul3A_1055 {strides = array<i32>} : memref<64x128xf32, #tpu.memory_space<vmem>>, vector<16xf32>,
          %mul3A_1059 = arith.mulf %unpack3A_1054, %gather3A_1044 : vector<16xf32>
          %swap3A_1060 = arith.index_cast %add3A_1043 : i32 to index
          %swap3A_1061 = arith.constant 16 : index
          %swap3A_1062 = tpu.vector_load %arg14[%swap3A_1060, %swap3A_1061] {strides = array<i32>} : memref<64x128xf32, #tpu.memory_space<vmem>>, vector<16xf32>,
          tpu.vector_store %arg14[%swap3A_1060, %swap3A_1061], %mul3A_1059 {strides = array<i32>} : memref<64x128xf32, #tpu.memory_space<vmem>>, vector<16xf32>,
          %get3A_1063 = arith.index_cast %add3A_1043 : i32 to index
          %get3A_1064 = arith.constant 32 : index
          %get3A_1065 = tpu.vector_load %arg12[%get3A_1063, %get3A_1064] {strides = array<i32>} : memref<64x128xbf16, #tpu.memory_space<vmem>>, vector<32xbf16>,
          %unpack3A_1066 = tpu.unpack_subelements %get3A_1065, 0 {pack_format = #tpu.pack_format<interleaved>} : vector<32xbf16> -> vector<16xf32>
          %unpack3A_1067 = tpu.unpack_subelements %get3A_1065, 1 {pack_format = #tpu.pack_format<interleaved>} : vector<32xbf16> -> vector<16xf32>
          %mul3A_1068 = arith.mulf %unpack3A_1066, %gather3A_1044 : vector<16xf32>
          %swap3A_1069 = arith.index_cast %add3A_1043 : i32 to index
          %swap3A_1070 = arith.constant 32 : index
          %swap3A_1071 = tpu.vector_load %arg14[%swap3A_1069, %swap3A_1070] {strides = array<i32>} : memref<64x128xf32, #tpu.memory_space<vmem>>, vector<16xf32>,
          tpu.vector_store %arg14[%swap3A_1069, %swap3A_1070], %mul3A_1068 {strides = array<i32>} : memref<64x128xf32, #tpu.memory_space<vmem>>, vector<16xf32>,
          %mul3A_1072 = arith.mulf %unpack3A_1067, %gather3A_1044 : vector<16xf32>
          %swap3A_1073 = arith.index_cast %add3A_1043 : i32 to index
          %swap3A_1074 = arith.constant 48 : index
          %swap3A_1075 = tpu.vector_load %arg14[%swap3A_1073, %swap3A_1074] {strides = array<i32>} : memref<64x128xf32, #tpu.memory_space<vmem>>, vector<16xf32>,
          tpu.vector_store %arg14[%swap3A_1073, %swap3A_1074], %mul3A_1072 {strides = array<i32>} : memref<64x128xf32, #tpu.memory_space<vmem>>, vector<16xf32>,
          %get3A_1076 = arith.index_cast %add3A_1043 : i32 to index
          %get3A_1077 = arith.constant 64 : index
          %get3A_1078 = tpu.vector_load %arg12[%get3A_1076, %get3A_1077] {strides = array<i32>} : memref<64x128xbf16, #tpu.memory_space<vmem>>, vector<32xbf16>,
          %unpack3A_1079 = tpu.unpack_subelements %get3A_1078, 0 {pack_format = #tpu.pack_format<interleaved>} : vector<32xbf16> -> vector<16xf32>
          %unpack3A_1080 = tpu.unpack_subelements %get3A_1078, 1 {pack_format = #tpu.pack_format<interleaved>} : vector<32xbf16> -> vector<16xf32>
          %mul3A_1081 = arith.mulf %unpack3A_1079, %gather3A_1044 : vector<16xf32>
          %swap3A_1082 = arith.index_cast %add3A_1043 : i32 to index
          %swap3A_1083 = arith.constant 64 : index
          %swap3A_1084 = tpu.vector_load %arg14[%swap3A_1082, %swap3A_1083] {strides = array<i32>} : memref<64x128xf32, #tpu.memory_space<vmem>>, vector<16xf32>,
          tpu.vector_store %arg14[%swap3A_1082, %swap3A_1083], %mul3A_1081 {strides = array<i32>} : memref<64x128xf32, #tpu.memory_space<vmem>>, vector<16xf32>,
          %mul3A_1085 = arith.mulf %unpack3A_1080, %gather3A_1044 : vector<16xf32>
          %swap3A_1086 = arith.index_cast %add3A_1043 : i32 to index
          %swap3A_1087 = arith.constant 80 : index
          %swap3A_1088 = tpu.vector_load %arg14[%swap3A_1086, %swap3A_1087] {strides = array<i32>} : memref<64x128xf32, #tpu.memory_space<vmem>>, vector<16xf32>,
          tpu.vector_store %arg14[%swap3A_1086, %swap3A_1087], %mul3A_1085 {strides = array<i32>} : memref<64x128xf32, #tpu.memory_space<vmem>>, vector<16xf32>,
          %get3A_1089 = arith.index_cast %add3A_1043 : i32 to index
          %get3A_1090 = arith.constant 96 : index
          %get3A_1091 = tpu.vector_load %arg12[%get3A_1089, %get3A_1090] {strides = array<i32>} : memref<64x128xbf16, #tpu.memory_space<vmem>>, vector<32xbf16>,
          %unpack3A_1092 = tpu.unpack_subelements %get3A_1091, 0 {pack_format = #tpu.pack_format<interleaved>} : vector<32xbf16> -> vector<16xf32>
          %unpack3A_1093 = tpu.unpack_subelements %get3A_1091, 1 {pack_format = #tpu.pack_format<interleaved>} : vector<32xbf16> -> vector<16xf32>
          %mul3A_1094 = arith.mulf %unpack3A_1092, %gather3A_1044 : vector<16xf32>
          %swap3A_1095 = arith.index_cast %add3A_1043 : i32 to index
          %swap3A_1096 = arith.constant 96 : index
          %swap3A_1097 = tpu.vector_load %arg14[%swap3A_1095, %swap3A_1096] {strides = array<i32>} : memref<64x128xf32, #tpu.memory_space<vmem>>, vector<16xf32>,
          tpu.vector_store %arg14[%swap3A_1095, %swap3A_1096], %mul3A_1094 {strides = array<i32>} : memref<64x128xf32, #tpu.memory_space<vmem>>, vector<16xf32>,
          %mul3A_1098 = arith.mulf %unpack3A_1093, %gather3A_1044 : vector<16xf32>
          %swap3A_1099 = arith.index_cast %add3A_1043 : i32 to index
          %swap3A_1100 = arith.constant 112 : index
          %swap3A_1101 = tpu.vector_load %arg14[%swap3A_1099, %swap3A_1100] {strides = array<i32>} : memref<64x128xf32, #tpu.memory_space<vmem>>, vector<16xf32>,
          tpu.vector_store %arg14[%swap3A_1099, %swap3A_1100], %mul3A_1098 {strides = array<i32>} : memref<64x128xf32, #tpu.memory_space<vmem>>, vector<16xf32>,
          %mul3A_1102 = arith.constant 16 : i32
          %mul3A_1103 = arith.muli %scan3A_152, %mul3A_1102 : i32
          %add3A_1104 = arith.constant 15 : i32
          %add3A_1105 = arith.addi %mul3A_1103, %add3A_1104 : i32
          %gather3A_1106 = tpu.vector_load_idx %arg17[%add3A_75] : memref<16xf32, #tpu.memory_space<vmem>>[vector<16xi32>], vector<16xf32>,
          %add3A_1107 = vector.broadcast %mul3A_108 : i32 to vector<16xi32>
          %add3A_1108 = arith.addi %select_n3A, %add3A_1107 : vector<16xi32>
          %add3A_1109 = vector.broadcast %add3A_1105 : i32 to vector<16xi32>
          %add3A_1110 = arith.addi %select_n3A, %add3A_1109 : vector<16xi32>
          %gather3A_1111 = tpu.vector_load_idx %arg11[%add3A_1108, %add3A_1110] : memref<20x64xi32, #tpu.memory_space<vmem>>[vector<16xi32>, vector<16xi32>], vector<16xi32>,
          tpu.vector_store_idx %arg18[%gather3A_1111], %gather3A_1106 masked %lt3A_77 {add = true} : memref<10240xf32, #tpu.memory_space<vmem>>[vector<16xi32>], vector<16xf32>, vector<16xi1>
          %get3A_1112 = arith.index_cast %add3A_1105 : i32 to index
          %get3A_1113 = arith.constant 0 : index
          %get3A_1114 = tpu.vector_load %arg12[%get3A_1112, %get3A_1113] {strides = array<i32>} : memref<64x128xbf16, #tpu.memory_space<vmem>>, vector<32xbf16>,
          %unpack3A_1115 = tpu.unpack_subelements %get3A_1114, 0 {pack_format = #tpu.pack_format<interleaved>} : vector<32xbf16> -> vector<16xf32>
          %unpack3A_1116 = tpu.unpack_subelements %get3A_1114, 1 {pack_format = #tpu.pack_format<interleaved>} : vector<32xbf16> -> vector<16xf32>
          %mul3A_1117 = arith.mulf %unpack3A_1115, %gather3A_1106 : vector<16xf32>
          %swap3A_1118 = arith.index_cast %add3A_1105 : i32 to index
          %swap3A_1119 = arith.constant 0 : index
          %swap3A_1120 = tpu.vector_load %arg14[%swap3A_1118, %swap3A_1119] {strides = array<i32>} : memref<64x128xf32, #tpu.memory_space<vmem>>, vector<16xf32>,
          tpu.vector_store %arg14[%swap3A_1118, %swap3A_1119], %mul3A_1117 {strides = array<i32>} : memref<64x128xf32, #tpu.memory_space<vmem>>, vector<16xf32>,
          %mul3A_1121 = arith.mulf %unpack3A_1116, %gather3A_1106 : vector<16xf32>
          %swap3A_1122 = arith.index_cast %add3A_1105 : i32 to index
          %swap3A_1123 = arith.constant 16 : index
          %swap3A_1124 = tpu.vector_load %arg14[%swap3A_1122, %swap3A_1123] {strides = array<i32>} : memref<64x128xf32, #tpu.memory_space<vmem>>, vector<16xf32>,
          tpu.vector_store %arg14[%swap3A_1122, %swap3A_1123], %mul3A_1121 {strides = array<i32>} : memref<64x128xf32, #tpu.memory_space<vmem>>, vector<16xf32>,
          %get3A_1125 = arith.index_cast %add3A_1105 : i32 to index
          %get3A_1126 = arith.constant 32 : index
          %get3A_1127 = tpu.vector_load %arg12[%get3A_1125, %get3A_1126] {strides = array<i32>} : memref<64x128xbf16, #tpu.memory_space<vmem>>, vector<32xbf16>,
          %unpack3A_1128 = tpu.unpack_subelements %get3A_1127, 0 {pack_format = #tpu.pack_format<interleaved>} : vector<32xbf16> -> vector<16xf32>
          %unpack3A_1129 = tpu.unpack_subelements %get3A_1127, 1 {pack_format = #tpu.pack_format<interleaved>} : vector<32xbf16> -> vector<16xf32>
          %mul3A_1130 = arith.mulf %unpack3A_1128, %gather3A_1106 : vector<16xf32>
          %swap3A_1131 = arith.index_cast %add3A_1105 : i32 to index
          %swap3A_1132 = arith.constant 32 : index
          %swap3A_1133 = tpu.vector_load %arg14[%swap3A_1131, %swap3A_1132] {strides = array<i32>} : memref<64x128xf32, #tpu.memory_space<vmem>>, vector<16xf32>,
          tpu.vector_store %arg14[%swap3A_1131, %swap3A_1132], %mul3A_1130 {strides = array<i32>} : memref<64x128xf32, #tpu.memory_space<vmem>>, vector<16xf32>,
          %mul3A_1134 = arith.mulf %unpack3A_1129, %gather3A_1106 : vector<16xf32>
          %swap3A_1135 = arith.index_cast %add3A_1105 : i32 to index
          %swap3A_1136 = arith.constant 48 : index
          %swap3A_1137 = tpu.vector_load %arg14[%swap3A_1135, %swap3A_1136] {strides = array<i32>} : memref<64x128xf32, #tpu.memory_space<vmem>>, vector<16xf32>,
          tpu.vector_store %arg14[%swap3A_1135, %swap3A_1136], %mul3A_1134 {strides = array<i32>} : memref<64x128xf32, #tpu.memory_space<vmem>>, vector<16xf32>,
          %get3A_1138 = arith.index_cast %add3A_1105 : i32 to index
          %get3A_1139 = arith.constant 64 : index
          %get3A_1140 = tpu.vector_load %arg12[%get3A_1138, %get3A_1139] {strides = array<i32>} : memref<64x128xbf16, #tpu.memory_space<vmem>>, vector<32xbf16>,
          %unpack3A_1141 = tpu.unpack_subelements %get3A_1140, 0 {pack_format = #tpu.pack_format<interleaved>} : vector<32xbf16> -> vector<16xf32>
          %unpack3A_1142 = tpu.unpack_subelements %get3A_1140, 1 {pack_format = #tpu.pack_format<interleaved>} : vector<32xbf16> -> vector<16xf32>
          %mul3A_1143 = arith.mulf %unpack3A_1141, %gather3A_1106 : vector<16xf32>
          %swap3A_1144 = arith.index_cast %add3A_1105 : i32 to index
          %swap3A_1145 = arith.constant 64 : index
          %swap3A_1146 = tpu.vector_load %arg14[%swap3A_1144, %swap3A_1145] {strides = array<i32>} : memref<64x128xf32, #tpu.memory_space<vmem>>, vector<16xf32>,
          tpu.vector_store %arg14[%swap3A_1144, %swap3A_1145], %mul3A_1143 {strides = array<i32>} : memref<64x128xf32, #tpu.memory_space<vmem>>, vector<16xf32>,
          %mul3A_1147 = arith.mulf %unpack3A_1142, %gather3A_1106 : vector<16xf32>
          %swap3A_1148 = arith.index_cast %add3A_1105 : i32 to index
          %swap3A_1149 = arith.constant 80 : index
          %swap3A_1150 = tpu.vector_load %arg14[%swap3A_1148, %swap3A_1149] {strides = array<i32>} : memref<64x128xf32, #tpu.memory_space<vmem>>, vector<16xf32>,
          tpu.vector_store %arg14[%swap3A_1148, %swap3A_1149], %mul3A_1147 {strides = array<i32>} : memref<64x128xf32, #tpu.memory_space<vmem>>, vector<16xf32>,
          %get3A_1151 = arith.index_cast %add3A_1105 : i32 to index
          %get3A_1152 = arith.constant 96 : index
          %get3A_1153 = tpu.vector_load %arg12[%get3A_1151, %get3A_1152] {strides = array<i32>} : memref<64x128xbf16, #tpu.memory_space<vmem>>, vector<32xbf16>,
          %unpack3A_1154 = tpu.unpack_subelements %get3A_1153, 0 {pack_format = #tpu.pack_format<interleaved>} : vector<32xbf16> -> vector<16xf32>
          %unpack3A_1155 = tpu.unpack_subelements %get3A_1153, 1 {pack_format = #tpu.pack_format<interleaved>} : vector<32xbf16> -> vector<16xf32>
          %mul3A_1156 = arith.mulf %unpack3A_1154, %gather3A_1106 : vector<16xf32>
          %swap3A_1157 = arith.index_cast %add3A_1105 : i32 to index
          %swap3A_1158 = arith.constant 96 : index
          %swap3A_1159 = tpu.vector_load %arg14[%swap3A_1157, %swap3A_1158] {strides = array<i32>} : memref<64x128xf32, #tpu.memory_space<vmem>>, vector<16xf32>,
          tpu.vector_store %arg14[%swap3A_1157, %swap3A_1158], %mul3A_1156 {strides = array<i32>} : memref<64x128xf32, #tpu.memory_space<vmem>>, vector<16xf32>,
          %mul3A_1160 = arith.mulf %unpack3A_1155, %gather3A_1106 : vector<16xf32>
          %swap3A_1161 = arith.index_cast %add3A_1105 : i32 to index
          %swap3A_1162 = arith.constant 112 : index
          %swap3A_1163 = tpu.vector_load %arg14[%swap3A_1161, %swap3A_1162] {strides = array<i32>} : memref<64x128xf32, #tpu.memory_space<vmem>>, vector<16xf32>,
          tpu.vector_store %arg14[%swap3A_1161, %swap3A_1162], %mul3A_1160 {strides = array<i32>} : memref<64x128xf32, #tpu.memory_space<vmem>>, vector<16xf32>,
        }
        %scan3A_127 = arith.constant 4 : i32
        %add3A_128 = arith.constant 2 : i32
        %add3A_129 = arith.addi %mul3A_108, %add3A_128 : i32
        %lt3A_130 = arith.constant 20 : i32
        %lt3A_131 = arith.cmpi slt, %add3A_129, %lt3A_130 : i32
        %convert_element_type3A = arith.extui %lt3A_131 : i1 to i32
        %cond3A = arith.constant 0 : i32
        %cond3A_132 = arith.cmpi ne, %convert_element_type3A, %cond3A : i32
        scf.if %cond3A_132 {
          %add3A_152 = arith.constant 2 : i32
          %add3A_153 = arith.addi %mul3A_108, %add3A_152 : i32
          %dma_start3A_154 = arith.constant 0 : i32
          %dma_start3A_155 = tpu.memref_slice %arg10[%add3A_153, %dma_start3A_154] : memref<20x64xi32, #tpu.memory_space<vmem>> -> memref<1x64xi32, #tpu.memory_space<vmem>>
          %dma_start3A_156 = tpu.memref_squeeze %dma_start3A_155 : memref<1x64xi32, #tpu.memory_space<vmem>> -> memref<64xi32, #tpu.memory_space<vmem>>
          %dma_start3A_157 = arith.constant 0 : i32
          %dma_start3A_158 = arith.constant 0 : i32
          %dma_start3A_159 = tpu.memref_slice %arg4[%dma_start3A_157, %dma_start3A_158] : memref<10240x128xbf16, #tpu.memory_space<hbm>> -> memref<10240x128xbf16, #tpu.memory_space<hbm>>
          tpu.enqueue_indirect_dma source(%dma_start3A_159 : memref<10240x128xbf16, #tpu.memory_space<hbm>>) target(%arg12 : memref<64x128xbf16, #tpu.memory_space<vmem>>) offsets(%dma_start3A_156 : memref<64xi32, #tpu.memory_space<vmem>>) semaphore(%arg20 : memref<!tpu.dma_semaphore, #tpu.memory_space<semaphore_mem>>)
        } else {
        }
        "tpu.region"() ({
          %run_scoped3A = tpu.sem_alloc : memref<!tpu.dma_semaphore, #tpu.memory_space<semaphore_mem>>
          %dma_start3A_152 = arith.constant 0 : i32
          %dma_start3A_153 = tpu.memref_slice %arg11[%mul3A_108, %dma_start3A_152] : memref<20x64xi32, #tpu.memory_space<vmem>> -> memref<1x64xi32, #tpu.memory_space<vmem>>
          %dma_start3A_154 = tpu.memref_squeeze %dma_start3A_153 : memref<1x64xi32, #tpu.memory_space<vmem>> -> memref<64xi32, #tpu.memory_space<vmem>>
          %dma_start3A_155 = arith.constant 0 : i32
          %dma_start3A_156 = arith.constant 0 : i32
          %dma_start3A_157 = tpu.memref_slice %arg19[%dma_start3A_155, %dma_start3A_156] : memref<10240x128xf32, #tpu.memory_space<vmem_shared>> -> memref<10240x128xf32, #tpu.memory_space<vmem_shared>>
          tpu.enqueue_indirect_dma source(%arg14 : memref<64x128xf32, #tpu.memory_space<vmem>>) target(%dma_start3A_157 : memref<10240x128xf32, #tpu.memory_space<vmem_shared>>) offsets(%dma_start3A_154 : memref<64xi32, #tpu.memory_space<vmem>>) semaphore(%run_scoped3A : memref<!tpu.dma_semaphore, #tpu.memory_space<semaphore_mem>>) {add = true}
          %dma_wait3A_158 = arith.constant 0 : i32
          %dma_wait3A_159 = tpu.memref_slice %arg11[%mul3A_108, %dma_wait3A_158] : memref<20x64xi32, #tpu.memory_space<vmem>> -> memref<1x64xi32, #tpu.memory_space<vmem>>
          %dma_wait3A_160 = tpu.memref_squeeze %dma_wait3A_159 : memref<1x64xi32, #tpu.memory_space<vmem>> -> memref<64xi32, #tpu.memory_space<vmem>>
          %dma_wait3A_161 = arith.constant 0 : i32
          %dma_wait3A_162 = arith.constant 0 : i32
          %dma_wait3A_163 = tpu.memref_slice %arg19[%dma_wait3A_161, %dma_wait3A_162] : memref<10240x128xf32, #tpu.memory_space<vmem_shared>> -> memref<10240x128xf32, #tpu.memory_space<vmem_shared>>
          tpu.wait_indirect_dma semaphore(%run_scoped3A : memref<!tpu.dma_semaphore, #tpu.memory_space<semaphore_mem>>) src(%arg14 : memref<64x128xf32, #tpu.memory_space<vmem>>) dst(%dma_wait3A_163 : memref<10240x128xf32, #tpu.memory_space<vmem_shared>>)
          tpu.yield
        }) : () -> ()
        %dma_wait3A_133 = arith.constant 0 : i32
        %dma_wait3A_134 = tpu.memref_slice %arg10[%add3A_110, %dma_wait3A_133] : memref<20x64xi32, #tpu.memory_space<vmem>> -> memref<1x64xi32, #tpu.memory_space<vmem>>
        %dma_wait3A_135 = tpu.memref_squeeze %dma_wait3A_134 : memref<1x64xi32, #tpu.memory_space<vmem>> -> memref<64xi32, #tpu.memory_space<vmem>>
        %dma_wait3A_136 = arith.constant 0 : i32
        %dma_wait3A_137 = arith.constant 0 : i32
        %dma_wait3A_138 = tpu.memref_slice %arg4[%dma_wait3A_136, %dma_wait3A_137] : memref<10240x128xbf16, #tpu.memory_space<hbm>> -> memref<10240x128xbf16, #tpu.memory_space<hbm>>
        tpu.wait_indirect_dma semaphore(%arg21 : memref<!tpu.dma_semaphore, #tpu.memory_space<semaphore_mem>>) src(%dma_wait3A_138 : memref<10240x128xbf16, #tpu.memory_space<hbm>>) dst(%arg13 : memref<64x128xbf16, #tpu.memory_space<vmem>>)
        %scan3A_139 = arith.constant 0 : i32
        %scan3A_140 = arith.constant 0 : i32
        %scan3A_141 = arith.constant 4 : i32
        %scan3A_142 = arith.addi %scan3A_140, %scan3A_141 : i32
        %scan3A_143 = arith.constant 1 : i32
        scf.for %scan3A_152 = %scan3A_140 to %scan3A_142 step %scan3A_143  : i32 {
          %mul3A_153 = arith.constant 16 : i32
          %mul3A_154 = arith.muli %scan3A_152, %mul3A_153 : i32
          %get3A = arith.index_cast %add3A_110 : i32 to index
          %get3A_155 = arith.index_cast %mul3A_154 : i32 to index
          %get3A_156 = tpu.vector_load %arg10[%get3A, %get3A_155] {strides = array<i32>} : memref<20x64xi32, #tpu.memory_space<vmem>>, vector<16xi32>,
          %mul3A_157 = arith.constant 16 : i32
          %mul3A_158 = arith.muli %scan3A_152, %mul3A_157 : i32
          %get3A_159 = arith.index_cast %add3A_110 : i32 to index
          %get3A_160 = arith.index_cast %mul3A_158 : i32 to index
          %get3A_161 = tpu.vector_load %arg11[%get3A_159, %get3A_160] {strides = array<i32>} : memref<20x64xi32, #tpu.memory_space<vmem>>, vector<16xi32>,
          %gather3A = tpu.vector_load_idx %arg16[%get3A_156] : memref<10240xi32, #tpu.memory_space<vmem>>[vector<16xi32>], vector<16xi32>,
          %bitcast3A = vector.bitcast %gather3A : vector<16xi32> to vector<32xbf16>
          %unpack3A = tpu.unpack_subelements %bitcast3A, 0 {pack_format = #tpu.pack_format<interleaved>} : vector<32xbf16> -> vector<16xf32>
          %unpack3A_162 = tpu.unpack_subelements %bitcast3A, 1 {pack_format = #tpu.pack_format<interleaved>} : vector<32xbf16> -> vector<16xf32>
          %gather3A_163 = tpu.vector_load_idx %arg16[%get3A_161] : memref<10240xi32, #tpu.memory_space<vmem>>[vector<16xi32>], vector<16xi32>,
          %bitcast3A_164 = vector.bitcast %gather3A_163 : vector<16xi32> to vector<32xbf16>
          %unpack3A_165 = tpu.unpack_subelements %bitcast3A_164, 0 {pack_format = #tpu.pack_format<interleaved>} : vector<32xbf16> -> vector<16xf32>
          %unpack3A_166 = tpu.unpack_subelements %bitcast3A_164, 1 {pack_format = #tpu.pack_format<interleaved>} : vector<32xbf16> -> vector<16xf32>
          %add3A_167 = arith.addf %unpack3A, %unpack3A_166 : vector<16xf32>
          %mul3A_168 = arith.constant 2.000000e-01 : f32
          %mul3A_169 = vector.broadcast %mul3A_168 : f32 to vector<16xf32>
          %mul3A_170 = arith.mulf %mul3A_169, %add3A_167 : vector<16xf32>
          %max3A = arith.maximumf %add3A_167, %mul3A_170 : vector<16xf32>
          %exp3A = math.exp %max3A : vector<16xf32>
          %swap3A = arith.constant 0 : index
          %swap3A_171 = tpu.vector_load %arg17[%swap3A] {strides = array<i32>} : memref<16xf32, #tpu.memory_space<vmem>>, vector<16xf32>,
          tpu.vector_store %arg17[%swap3A], %exp3A {strides = array<i32>} : memref<16xf32, #tpu.memory_space<vmem>>, vector<16xf32>,
          %mul3A_172 = arith.constant 16 : i32
          %mul3A_173 = arith.muli %scan3A_152, %mul3A_172 : i32
          %add3A_174 = arith.constant 0 : i32
          %add3A_175 = arith.addi %mul3A_173, %add3A_174 : i32
          %gather3A_176 = tpu.vector_load_idx %arg17[%add3A_30] : memref<16xf32, #tpu.memory_space<vmem>>[vector<16xi32>], vector<16xf32>,
          %add3A_177 = vector.broadcast %add3A_110 : i32 to vector<16xi32>
          %add3A_178 = arith.addi %select_n3A, %add3A_177 : vector<16xi32>
          %add3A_179 = vector.broadcast %add3A_175 : i32 to vector<16xi32>
          %add3A_180 = arith.addi %select_n3A, %add3A_179 : vector<16xi32>
          %gather3A_181 = tpu.vector_load_idx %arg11[%add3A_178, %add3A_180] : memref<20x64xi32, #tpu.memory_space<vmem>>[vector<16xi32>, vector<16xi32>], vector<16xi32>,
          tpu.vector_store_idx %arg18[%gather3A_181], %gather3A_176 masked %lt3A_77 {add = true} : memref<10240xf32, #tpu.memory_space<vmem>>[vector<16xi32>], vector<16xf32>, vector<16xi1>
          %get3A_182 = arith.index_cast %add3A_175 : i32 to index
          %get3A_183 = arith.constant 0 : index
          %get3A_184 = tpu.vector_load %arg13[%get3A_182, %get3A_183] {strides = array<i32>} : memref<64x128xbf16, #tpu.memory_space<vmem>>, vector<32xbf16>,
          %unpack3A_185 = tpu.unpack_subelements %get3A_184, 0 {pack_format = #tpu.pack_format<interleaved>} : vector<32xbf16> -> vector<16xf32>
          %unpack3A_186 = tpu.unpack_subelements %get3A_184, 1 {pack_format = #tpu.pack_format<interleaved>} : vector<32xbf16> -> vector<16xf32>
          %mul3A_187 = arith.mulf %unpack3A_185, %gather3A_176 : vector<16xf32>
          %swap3A_188 = arith.index_cast %add3A_175 : i32 to index
          %swap3A_189 = arith.constant 0 : index
          %swap3A_190 = tpu.vector_load %arg15[%swap3A_188, %swap3A_189] {strides = array<i32>} : memref<64x128xf32, #tpu.memory_space<vmem>>, vector<16xf32>,
          tpu.vector_store %arg15[%swap3A_188, %swap3A_189], %mul3A_187 {strides = array<i32>} : memref<64x128xf32, #tpu.memory_space<vmem>>, vector<16xf32>,
          %mul3A_191 = arith.mulf %unpack3A_186, %gather3A_176 : vector<16xf32>
          %swap3A_192 = arith.index_cast %add3A_175 : i32 to index
          %swap3A_193 = arith.constant 16 : index
          %swap3A_194 = tpu.vector_load %arg15[%swap3A_192, %swap3A_193] {strides = array<i32>} : memref<64x128xf32, #tpu.memory_space<vmem>>, vector<16xf32>,
          tpu.vector_store %arg15[%swap3A_192, %swap3A_193], %mul3A_191 {strides = array<i32>} : memref<64x128xf32, #tpu.memory_space<vmem>>, vector<16xf32>,
          %get3A_195 = arith.index_cast %add3A_175 : i32 to index
          %get3A_196 = arith.constant 32 : index
          %get3A_197 = tpu.vector_load %arg13[%get3A_195, %get3A_196] {strides = array<i32>} : memref<64x128xbf16, #tpu.memory_space<vmem>>, vector<32xbf16>,
          %unpack3A_198 = tpu.unpack_subelements %get3A_197, 0 {pack_format = #tpu.pack_format<interleaved>} : vector<32xbf16> -> vector<16xf32>
          %unpack3A_199 = tpu.unpack_subelements %get3A_197, 1 {pack_format = #tpu.pack_format<interleaved>} : vector<32xbf16> -> vector<16xf32>
          %mul3A_200 = arith.mulf %unpack3A_198, %gather3A_176 : vector<16xf32>
          %swap3A_201 = arith.index_cast %add3A_175 : i32 to index
          %swap3A_202 = arith.constant 32 : index
          %swap3A_203 = tpu.vector_load %arg15[%swap3A_201, %swap3A_202] {strides = array<i32>} : memref<64x128xf32, #tpu.memory_space<vmem>>, vector<16xf32>,
          tpu.vector_store %arg15[%swap3A_201, %swap3A_202], %mul3A_200 {strides = array<i32>} : memref<64x128xf32, #tpu.memory_space<vmem>>, vector<16xf32>,
          %mul3A_204 = arith.mulf %unpack3A_199, %gather3A_176 : vector<16xf32>
          %swap3A_205 = arith.index_cast %add3A_175 : i32 to index
          %swap3A_206 = arith.constant 48 : index
          %swap3A_207 = tpu.vector_load %arg15[%swap3A_205, %swap3A_206] {strides = array<i32>} : memref<64x128xf32, #tpu.memory_space<vmem>>, vector<16xf32>,
          tpu.vector_store %arg15[%swap3A_205, %swap3A_206], %mul3A_204 {strides = array<i32>} : memref<64x128xf32, #tpu.memory_space<vmem>>, vector<16xf32>,
          %get3A_208 = arith.index_cast %add3A_175 : i32 to index
          %get3A_209 = arith.constant 64 : index
          %get3A_210 = tpu.vector_load %arg13[%get3A_208, %get3A_209] {strides = array<i32>} : memref<64x128xbf16, #tpu.memory_space<vmem>>, vector<32xbf16>,
          %unpack3A_211 = tpu.unpack_subelements %get3A_210, 0 {pack_format = #tpu.pack_format<interleaved>} : vector<32xbf16> -> vector<16xf32>
          %unpack3A_212 = tpu.unpack_subelements %get3A_210, 1 {pack_format = #tpu.pack_format<interleaved>} : vector<32xbf16> -> vector<16xf32>
          %mul3A_213 = arith.mulf %unpack3A_211, %gather3A_176 : vector<16xf32>
          %swap3A_214 = arith.index_cast %add3A_175 : i32 to index
          %swap3A_215 = arith.constant 64 : index
          %swap3A_216 = tpu.vector_load %arg15[%swap3A_214, %swap3A_215] {strides = array<i32>} : memref<64x128xf32, #tpu.memory_space<vmem>>, vector<16xf32>,
          tpu.vector_store %arg15[%swap3A_214, %swap3A_215], %mul3A_213 {strides = array<i32>} : memref<64x128xf32, #tpu.memory_space<vmem>>, vector<16xf32>,
          %mul3A_217 = arith.mulf %unpack3A_212, %gather3A_176 : vector<16xf32>
          %swap3A_218 = arith.index_cast %add3A_175 : i32 to index
          %swap3A_219 = arith.constant 80 : index
          %swap3A_220 = tpu.vector_load %arg15[%swap3A_218, %swap3A_219] {strides = array<i32>} : memref<64x128xf32, #tpu.memory_space<vmem>>, vector<16xf32>,
          tpu.vector_store %arg15[%swap3A_218, %swap3A_219], %mul3A_217 {strides = array<i32>} : memref<64x128xf32, #tpu.memory_space<vmem>>, vector<16xf32>,
          %get3A_221 = arith.index_cast %add3A_175 : i32 to index
          %get3A_222 = arith.constant 96 : index
          %get3A_223 = tpu.vector_load %arg13[%get3A_221, %get3A_222] {strides = array<i32>} : memref<64x128xbf16, #tpu.memory_space<vmem>>, vector<32xbf16>,
          %unpack3A_224 = tpu.unpack_subelements %get3A_223, 0 {pack_format = #tpu.pack_format<interleaved>} : vector<32xbf16> -> vector<16xf32>
          %unpack3A_225 = tpu.unpack_subelements %get3A_223, 1 {pack_format = #tpu.pack_format<interleaved>} : vector<32xbf16> -> vector<16xf32>
          %mul3A_226 = arith.mulf %unpack3A_224, %gather3A_176 : vector<16xf32>
          %swap3A_227 = arith.index_cast %add3A_175 : i32 to index
          %swap3A_228 = arith.constant 96 : index
          %swap3A_229 = tpu.vector_load %arg15[%swap3A_227, %swap3A_228] {strides = array<i32>} : memref<64x128xf32, #tpu.memory_space<vmem>>, vector<16xf32>,
          tpu.vector_store %arg15[%swap3A_227, %swap3A_228], %mul3A_226 {strides = array<i32>} : memref<64x128xf32, #tpu.memory_space<vmem>>, vector<16xf32>,
          %mul3A_230 = arith.mulf %unpack3A_225, %gather3A_176 : vector<16xf32>
          %swap3A_231 = arith.index_cast %add3A_175 : i32 to index
          %swap3A_232 = arith.constant 112 : index
          %swap3A_233 = tpu.vector_load %arg15[%swap3A_231, %swap3A_232] {strides = array<i32>} : memref<64x128xf32, #tpu.memory_space<vmem>>, vector<16xf32>,
          tpu.vector_store %arg15[%swap3A_231, %swap3A_232], %mul3A_230 {strides = array<i32>} : memref<64x128xf32, #tpu.memory_space<vmem>>, vector<16xf32>,
          %mul3A_234 = arith.constant 16 : i32
          %mul3A_235 = arith.muli %scan3A_152, %mul3A_234 : i32
          %add3A_236 = arith.constant 1 : i32
          %add3A_237 = arith.addi %mul3A_235, %add3A_236 : i32
          %gather3A_238 = tpu.vector_load_idx %arg17[%add3A_33] : memref<16xf32, #tpu.memory_space<vmem>>[vector<16xi32>], vector<16xf32>,
          %add3A_239 = vector.broadcast %add3A_110 : i32 to vector<16xi32>
          %add3A_240 = arith.addi %select_n3A, %add3A_239 : vector<16xi32>
          %add3A_241 = vector.broadcast %add3A_237 : i32 to vector<16xi32>
          %add3A_242 = arith.addi %select_n3A, %add3A_241 : vector<16xi32>
          %gather3A_243 = tpu.vector_load_idx %arg11[%add3A_240, %add3A_242] : memref<20x64xi32, #tpu.memory_space<vmem>>[vector<16xi32>, vector<16xi32>], vector<16xi32>,
          tpu.vector_store_idx %arg18[%gather3A_243], %gather3A_238 masked %lt3A_77 {add = true} : memref<10240xf32, #tpu.memory_space<vmem>>[vector<16xi32>], vector<16xf32>, vector<16xi1>
          %get3A_244 = arith.index_cast %add3A_237 : i32 to index
          %get3A_245 = arith.constant 0 : index
          %get3A_246 = tpu.vector_load %arg13[%get3A_244, %get3A_245] {strides = array<i32>} : memref<64x128xbf16, #tpu.memory_space<vmem>>, vector<32xbf16>,
          %unpack3A_247 = tpu.unpack_subelements %get3A_246, 0 {pack_format = #tpu.pack_format<interleaved>} : vector<32xbf16> -> vector<16xf32>
          %unpack3A_248 = tpu.unpack_subelements %get3A_246, 1 {pack_format = #tpu.pack_format<interleaved>} : vector<32xbf16> -> vector<16xf32>
          %mul3A_249 = arith.mulf %unpack3A_247, %gather3A_238 : vector<16xf32>
          %swap3A_250 = arith.index_cast %add3A_237 : i32 to index
          %swap3A_251 = arith.constant 0 : index
          %swap3A_252 = tpu.vector_load %arg15[%swap3A_250, %swap3A_251] {strides = array<i32>} : memref<64x128xf32, #tpu.memory_space<vmem>>, vector<16xf32>,
          tpu.vector_store %arg15[%swap3A_250, %swap3A_251], %mul3A_249 {strides = array<i32>} : memref<64x128xf32, #tpu.memory_space<vmem>>, vector<16xf32>,
          %mul3A_253 = arith.mulf %unpack3A_248, %gather3A_238 : vector<16xf32>
          %swap3A_254 = arith.index_cast %add3A_237 : i32 to index
          %swap3A_255 = arith.constant 16 : index
          %swap3A_256 = tpu.vector_load %arg15[%swap3A_254, %swap3A_255] {strides = array<i32>} : memref<64x128xf32, #tpu.memory_space<vmem>>, vector<16xf32>,
          tpu.vector_store %arg15[%swap3A_254, %swap3A_255], %mul3A_253 {strides = array<i32>} : memref<64x128xf32, #tpu.memory_space<vmem>>, vector<16xf32>,
          %get3A_257 = arith.index_cast %add3A_237 : i32 to index
          %get3A_258 = arith.constant 32 : index
          %get3A_259 = tpu.vector_load %arg13[%get3A_257, %get3A_258] {strides = array<i32>} : memref<64x128xbf16, #tpu.memory_space<vmem>>, vector<32xbf16>,
          %unpack3A_260 = tpu.unpack_subelements %get3A_259, 0 {pack_format = #tpu.pack_format<interleaved>} : vector<32xbf16> -> vector<16xf32>
          %unpack3A_261 = tpu.unpack_subelements %get3A_259, 1 {pack_format = #tpu.pack_format<interleaved>} : vector<32xbf16> -> vector<16xf32>
          %mul3A_262 = arith.mulf %unpack3A_260, %gather3A_238 : vector<16xf32>
          %swap3A_263 = arith.index_cast %add3A_237 : i32 to index
          %swap3A_264 = arith.constant 32 : index
          %swap3A_265 = tpu.vector_load %arg15[%swap3A_263, %swap3A_264] {strides = array<i32>} : memref<64x128xf32, #tpu.memory_space<vmem>>, vector<16xf32>,
          tpu.vector_store %arg15[%swap3A_263, %swap3A_264], %mul3A_262 {strides = array<i32>} : memref<64x128xf32, #tpu.memory_space<vmem>>, vector<16xf32>,
          %mul3A_266 = arith.mulf %unpack3A_261, %gather3A_238 : vector<16xf32>
          %swap3A_267 = arith.index_cast %add3A_237 : i32 to index
          %swap3A_268 = arith.constant 48 : index
          %swap3A_269 = tpu.vector_load %arg15[%swap3A_267, %swap3A_268] {strides = array<i32>} : memref<64x128xf32, #tpu.memory_space<vmem>>, vector<16xf32>,
          tpu.vector_store %arg15[%swap3A_267, %swap3A_268], %mul3A_266 {strides = array<i32>} : memref<64x128xf32, #tpu.memory_space<vmem>>, vector<16xf32>,
          %get3A_270 = arith.index_cast %add3A_237 : i32 to index
          %get3A_271 = arith.constant 64 : index
          %get3A_272 = tpu.vector_load %arg13[%get3A_270, %get3A_271] {strides = array<i32>} : memref<64x128xbf16, #tpu.memory_space<vmem>>, vector<32xbf16>,
          %unpack3A_273 = tpu.unpack_subelements %get3A_272, 0 {pack_format = #tpu.pack_format<interleaved>} : vector<32xbf16> -> vector<16xf32>
          %unpack3A_274 = tpu.unpack_subelements %get3A_272, 1 {pack_format = #tpu.pack_format<interleaved>} : vector<32xbf16> -> vector<16xf32>
          %mul3A_275 = arith.mulf %unpack3A_273, %gather3A_238 : vector<16xf32>
          %swap3A_276 = arith.index_cast %add3A_237 : i32 to index
          %swap3A_277 = arith.constant 64 : index
          %swap3A_278 = tpu.vector_load %arg15[%swap3A_276, %swap3A_277] {strides = array<i32>} : memref<64x128xf32, #tpu.memory_space<vmem>>, vector<16xf32>,
          tpu.vector_store %arg15[%swap3A_276, %swap3A_277], %mul3A_275 {strides = array<i32>} : memref<64x128xf32, #tpu.memory_space<vmem>>, vector<16xf32>,
          %mul3A_279 = arith.mulf %unpack3A_274, %gather3A_238 : vector<16xf32>
          %swap3A_280 = arith.index_cast %add3A_237 : i32 to index
          %swap3A_281 = arith.constant 80 : index
          %swap3A_282 = tpu.vector_load %arg15[%swap3A_280, %swap3A_281] {strides = array<i32>} : memref<64x128xf32, #tpu.memory_space<vmem>>, vector<16xf32>,
          tpu.vector_store %arg15[%swap3A_280, %swap3A_281], %mul3A_279 {strides = array<i32>} : memref<64x128xf32, #tpu.memory_space<vmem>>, vector<16xf32>,
          %get3A_283 = arith.index_cast %add3A_237 : i32 to index
          %get3A_284 = arith.constant 96 : index
          %get3A_285 = tpu.vector_load %arg13[%get3A_283, %get3A_284] {strides = array<i32>} : memref<64x128xbf16, #tpu.memory_space<vmem>>, vector<32xbf16>,
          %unpack3A_286 = tpu.unpack_subelements %get3A_285, 0 {pack_format = #tpu.pack_format<interleaved>} : vector<32xbf16> -> vector<16xf32>
          %unpack3A_287 = tpu.unpack_subelements %get3A_285, 1 {pack_format = #tpu.pack_format<interleaved>} : vector<32xbf16> -> vector<16xf32>
          %mul3A_288 = arith.mulf %unpack3A_286, %gather3A_238 : vector<16xf32>
          %swap3A_289 = arith.index_cast %add3A_237 : i32 to index
          %swap3A_290 = arith.constant 96 : index
          %swap3A_291 = tpu.vector_load %arg15[%swap3A_289, %swap3A_290] {strides = array<i32>} : memref<64x128xf32, #tpu.memory_space<vmem>>, vector<16xf32>,
          tpu.vector_store %arg15[%swap3A_289, %swap3A_290], %mul3A_288 {strides = array<i32>} : memref<64x128xf32, #tpu.memory_space<vmem>>, vector<16xf32>,
          %mul3A_292 = arith.mulf %unpack3A_287, %gather3A_238 : vector<16xf32>
          %swap3A_293 = arith.index_cast %add3A_237 : i32 to index
          %swap3A_294 = arith.constant 112 : index
          %swap3A_295 = tpu.vector_load %arg15[%swap3A_293, %swap3A_294] {strides = array<i32>} : memref<64x128xf32, #tpu.memory_space<vmem>>, vector<16xf32>,
          tpu.vector_store %arg15[%swap3A_293, %swap3A_294], %mul3A_292 {strides = array<i32>} : memref<64x128xf32, #tpu.memory_space<vmem>>, vector<16xf32>,
          %mul3A_296 = arith.constant 16 : i32
          %mul3A_297 = arith.muli %scan3A_152, %mul3A_296 : i32
          %add3A_298 = arith.constant 2 : i32
          %add3A_299 = arith.addi %mul3A_297, %add3A_298 : i32
          %gather3A_300 = tpu.vector_load_idx %arg17[%add3A_36] : memref<16xf32, #tpu.memory_space<vmem>>[vector<16xi32>], vector<16xf32>,
          %add3A_301 = vector.broadcast %add3A_110 : i32 to vector<16xi32>
          %add3A_302 = arith.addi %select_n3A, %add3A_301 : vector<16xi32>
          %add3A_303 = vector.broadcast %add3A_299 : i32 to vector<16xi32>
          %add3A_304 = arith.addi %select_n3A, %add3A_303 : vector<16xi32>
          %gather3A_305 = tpu.vector_load_idx %arg11[%add3A_302, %add3A_304] : memref<20x64xi32, #tpu.memory_space<vmem>>[vector<16xi32>, vector<16xi32>], vector<16xi32>,
          tpu.vector_store_idx %arg18[%gather3A_305], %gather3A_300 masked %lt3A_77 {add = true} : memref<10240xf32, #tpu.memory_space<vmem>>[vector<16xi32>], vector<16xf32>, vector<16xi1>
          %get3A_306 = arith.index_cast %add3A_299 : i32 to index
          %get3A_307 = arith.constant 0 : index
          %get3A_308 = tpu.vector_load %arg13[%get3A_306, %get3A_307] {strides = array<i32>} : memref<64x128xbf16, #tpu.memory_space<vmem>>, vector<32xbf16>,
          %unpack3A_309 = tpu.unpack_subelements %get3A_308, 0 {pack_format = #tpu.pack_format<interleaved>} : vector<32xbf16> -> vector<16xf32>
          %unpack3A_310 = tpu.unpack_subelements %get3A_308, 1 {pack_format = #tpu.pack_format<interleaved>} : vector<32xbf16> -> vector<16xf32>
          %mul3A_311 = arith.mulf %unpack3A_309, %gather3A_300 : vector<16xf32>
          %swap3A_312 = arith.index_cast %add3A_299 : i32 to index
          %swap3A_313 = arith.constant 0 : index
          %swap3A_314 = tpu.vector_load %arg15[%swap3A_312, %swap3A_313] {strides = array<i32>} : memref<64x128xf32, #tpu.memory_space<vmem>>, vector<16xf32>,
          tpu.vector_store %arg15[%swap3A_312, %swap3A_313], %mul3A_311 {strides = array<i32>} : memref<64x128xf32, #tpu.memory_space<vmem>>, vector<16xf32>,
          %mul3A_315 = arith.mulf %unpack3A_310, %gather3A_300 : vector<16xf32>
          %swap3A_316 = arith.index_cast %add3A_299 : i32 to index
          %swap3A_317 = arith.constant 16 : index
          %swap3A_318 = tpu.vector_load %arg15[%swap3A_316, %swap3A_317] {strides = array<i32>} : memref<64x128xf32, #tpu.memory_space<vmem>>, vector<16xf32>,
          tpu.vector_store %arg15[%swap3A_316, %swap3A_317], %mul3A_315 {strides = array<i32>} : memref<64x128xf32, #tpu.memory_space<vmem>>, vector<16xf32>,
          %get3A_319 = arith.index_cast %add3A_299 : i32 to index
          %get3A_320 = arith.constant 32 : index
          %get3A_321 = tpu.vector_load %arg13[%get3A_319, %get3A_320] {strides = array<i32>} : memref<64x128xbf16, #tpu.memory_space<vmem>>, vector<32xbf16>,
          %unpack3A_322 = tpu.unpack_subelements %get3A_321, 0 {pack_format = #tpu.pack_format<interleaved>} : vector<32xbf16> -> vector<16xf32>
          %unpack3A_323 = tpu.unpack_subelements %get3A_321, 1 {pack_format = #tpu.pack_format<interleaved>} : vector<32xbf16> -> vector<16xf32>
          %mul3A_324 = arith.mulf %unpack3A_322, %gather3A_300 : vector<16xf32>
          %swap3A_325 = arith.index_cast %add3A_299 : i32 to index
          %swap3A_326 = arith.constant 32 : index
          %swap3A_327 = tpu.vector_load %arg15[%swap3A_325, %swap3A_326] {strides = array<i32>} : memref<64x128xf32, #tpu.memory_space<vmem>>, vector<16xf32>,
          tpu.vector_store %arg15[%swap3A_325, %swap3A_326], %mul3A_324 {strides = array<i32>} : memref<64x128xf32, #tpu.memory_space<vmem>>, vector<16xf32>,
          %mul3A_328 = arith.mulf %unpack3A_323, %gather3A_300 : vector<16xf32>
          %swap3A_329 = arith.index_cast %add3A_299 : i32 to index
          %swap3A_330 = arith.constant 48 : index
          %swap3A_331 = tpu.vector_load %arg15[%swap3A_329, %swap3A_330] {strides = array<i32>} : memref<64x128xf32, #tpu.memory_space<vmem>>, vector<16xf32>,
          tpu.vector_store %arg15[%swap3A_329, %swap3A_330], %mul3A_328 {strides = array<i32>} : memref<64x128xf32, #tpu.memory_space<vmem>>, vector<16xf32>,
          %get3A_332 = arith.index_cast %add3A_299 : i32 to index
          %get3A_333 = arith.constant 64 : index
          %get3A_334 = tpu.vector_load %arg13[%get3A_332, %get3A_333] {strides = array<i32>} : memref<64x128xbf16, #tpu.memory_space<vmem>>, vector<32xbf16>,
          %unpack3A_335 = tpu.unpack_subelements %get3A_334, 0 {pack_format = #tpu.pack_format<interleaved>} : vector<32xbf16> -> vector<16xf32>
          %unpack3A_336 = tpu.unpack_subelements %get3A_334, 1 {pack_format = #tpu.pack_format<interleaved>} : vector<32xbf16> -> vector<16xf32>
          %mul3A_337 = arith.mulf %unpack3A_335, %gather3A_300 : vector<16xf32>
          %swap3A_338 = arith.index_cast %add3A_299 : i32 to index
          %swap3A_339 = arith.constant 64 : index
          %swap3A_340 = tpu.vector_load %arg15[%swap3A_338, %swap3A_339] {strides = array<i32>} : memref<64x128xf32, #tpu.memory_space<vmem>>, vector<16xf32>,
          tpu.vector_store %arg15[%swap3A_338, %swap3A_339], %mul3A_337 {strides = array<i32>} : memref<64x128xf32, #tpu.memory_space<vmem>>, vector<16xf32>,
          %mul3A_341 = arith.mulf %unpack3A_336, %gather3A_300 : vector<16xf32>
          %swap3A_342 = arith.index_cast %add3A_299 : i32 to index
          %swap3A_343 = arith.constant 80 : index
          %swap3A_344 = tpu.vector_load %arg15[%swap3A_342, %swap3A_343] {strides = array<i32>} : memref<64x128xf32, #tpu.memory_space<vmem>>, vector<16xf32>,
          tpu.vector_store %arg15[%swap3A_342, %swap3A_343], %mul3A_341 {strides = array<i32>} : memref<64x128xf32, #tpu.memory_space<vmem>>, vector<16xf32>,
          %get3A_345 = arith.index_cast %add3A_299 : i32 to index
          %get3A_346 = arith.constant 96 : index
          %get3A_347 = tpu.vector_load %arg13[%get3A_345, %get3A_346] {strides = array<i32>} : memref<64x128xbf16, #tpu.memory_space<vmem>>, vector<32xbf16>,
          %unpack3A_348 = tpu.unpack_subelements %get3A_347, 0 {pack_format = #tpu.pack_format<interleaved>} : vector<32xbf16> -> vector<16xf32>
          %unpack3A_349 = tpu.unpack_subelements %get3A_347, 1 {pack_format = #tpu.pack_format<interleaved>} : vector<32xbf16> -> vector<16xf32>
          %mul3A_350 = arith.mulf %unpack3A_348, %gather3A_300 : vector<16xf32>
          %swap3A_351 = arith.index_cast %add3A_299 : i32 to index
          %swap3A_352 = arith.constant 96 : index
          %swap3A_353 = tpu.vector_load %arg15[%swap3A_351, %swap3A_352] {strides = array<i32>} : memref<64x128xf32, #tpu.memory_space<vmem>>, vector<16xf32>,
          tpu.vector_store %arg15[%swap3A_351, %swap3A_352], %mul3A_350 {strides = array<i32>} : memref<64x128xf32, #tpu.memory_space<vmem>>, vector<16xf32>,
          %mul3A_354 = arith.mulf %unpack3A_349, %gather3A_300 : vector<16xf32>
          %swap3A_355 = arith.index_cast %add3A_299 : i32 to index
          %swap3A_356 = arith.constant 112 : index
          %swap3A_357 = tpu.vector_load %arg15[%swap3A_355, %swap3A_356] {strides = array<i32>} : memref<64x128xf32, #tpu.memory_space<vmem>>, vector<16xf32>,
          tpu.vector_store %arg15[%swap3A_355, %swap3A_356], %mul3A_354 {strides = array<i32>} : memref<64x128xf32, #tpu.memory_space<vmem>>, vector<16xf32>,
          %mul3A_358 = arith.constant 16 : i32
          %mul3A_359 = arith.muli %scan3A_152, %mul3A_358 : i32
          %add3A_360 = arith.constant 3 : i32
          %add3A_361 = arith.addi %mul3A_359, %add3A_360 : i32
          %gather3A_362 = tpu.vector_load_idx %arg17[%add3A_39] : memref<16xf32, #tpu.memory_space<vmem>>[vector<16xi32>], vector<16xf32>,
          %add3A_363 = vector.broadcast %add3A_110 : i32 to vector<16xi32>
          %add3A_364 = arith.addi %select_n3A, %add3A_363 : vector<16xi32>
          %add3A_365 = vector.broadcast %add3A_361 : i32 to vector<16xi32>
          %add3A_366 = arith.addi %select_n3A, %add3A_365 : vector<16xi32>
          %gather3A_367 = tpu.vector_load_idx %arg11[%add3A_364, %add3A_366] : memref<20x64xi32, #tpu.memory_space<vmem>>[vector<16xi32>, vector<16xi32>], vector<16xi32>,
          tpu.vector_store_idx %arg18[%gather3A_367], %gather3A_362 masked %lt3A_77 {add = true} : memref<10240xf32, #tpu.memory_space<vmem>>[vector<16xi32>], vector<16xf32>, vector<16xi1>
          %get3A_368 = arith.index_cast %add3A_361 : i32 to index
          %get3A_369 = arith.constant 0 : index
          %get3A_370 = tpu.vector_load %arg13[%get3A_368, %get3A_369] {strides = array<i32>} : memref<64x128xbf16, #tpu.memory_space<vmem>>, vector<32xbf16>,
          %unpack3A_371 = tpu.unpack_subelements %get3A_370, 0 {pack_format = #tpu.pack_format<interleaved>} : vector<32xbf16> -> vector<16xf32>
          %unpack3A_372 = tpu.unpack_subelements %get3A_370, 1 {pack_format = #tpu.pack_format<interleaved>} : vector<32xbf16> -> vector<16xf32>
          %mul3A_373 = arith.mulf %unpack3A_371, %gather3A_362 : vector<16xf32>
          %swap3A_374 = arith.index_cast %add3A_361 : i32 to index
          %swap3A_375 = arith.constant 0 : index
          %swap3A_376 = tpu.vector_load %arg15[%swap3A_374, %swap3A_375] {strides = array<i32>} : memref<64x128xf32, #tpu.memory_space<vmem>>, vector<16xf32>,
          tpu.vector_store %arg15[%swap3A_374, %swap3A_375], %mul3A_373 {strides = array<i32>} : memref<64x128xf32, #tpu.memory_space<vmem>>, vector<16xf32>,
          %mul3A_377 = arith.mulf %unpack3A_372, %gather3A_362 : vector<16xf32>
          %swap3A_378 = arith.index_cast %add3A_361 : i32 to index
          %swap3A_379 = arith.constant 16 : index
          %swap3A_380 = tpu.vector_load %arg15[%swap3A_378, %swap3A_379] {strides = array<i32>} : memref<64x128xf32, #tpu.memory_space<vmem>>, vector<16xf32>,
          tpu.vector_store %arg15[%swap3A_378, %swap3A_379], %mul3A_377 {strides = array<i32>} : memref<64x128xf32, #tpu.memory_space<vmem>>, vector<16xf32>,
          %get3A_381 = arith.index_cast %add3A_361 : i32 to index
          %get3A_382 = arith.constant 32 : index
          %get3A_383 = tpu.vector_load %arg13[%get3A_381, %get3A_382] {strides = array<i32>} : memref<64x128xbf16, #tpu.memory_space<vmem>>, vector<32xbf16>,
          %unpack3A_384 = tpu.unpack_subelements %get3A_383, 0 {pack_format = #tpu.pack_format<interleaved>} : vector<32xbf16> -> vector<16xf32>
          %unpack3A_385 = tpu.unpack_subelements %get3A_383, 1 {pack_format = #tpu.pack_format<interleaved>} : vector<32xbf16> -> vector<16xf32>
          %mul3A_386 = arith.mulf %unpack3A_384, %gather3A_362 : vector<16xf32>
          %swap3A_387 = arith.index_cast %add3A_361 : i32 to index
          %swap3A_388 = arith.constant 32 : index
          %swap3A_389 = tpu.vector_load %arg15[%swap3A_387, %swap3A_388] {strides = array<i32>} : memref<64x128xf32, #tpu.memory_space<vmem>>, vector<16xf32>,
          tpu.vector_store %arg15[%swap3A_387, %swap3A_388], %mul3A_386 {strides = array<i32>} : memref<64x128xf32, #tpu.memory_space<vmem>>, vector<16xf32>,
          %mul3A_390 = arith.mulf %unpack3A_385, %gather3A_362 : vector<16xf32>
          %swap3A_391 = arith.index_cast %add3A_361 : i32 to index
          %swap3A_392 = arith.constant 48 : index
          %swap3A_393 = tpu.vector_load %arg15[%swap3A_391, %swap3A_392] {strides = array<i32>} : memref<64x128xf32, #tpu.memory_space<vmem>>, vector<16xf32>,
          tpu.vector_store %arg15[%swap3A_391, %swap3A_392], %mul3A_390 {strides = array<i32>} : memref<64x128xf32, #tpu.memory_space<vmem>>, vector<16xf32>,
          %get3A_394 = arith.index_cast %add3A_361 : i32 to index
          %get3A_395 = arith.constant 64 : index
          %get3A_396 = tpu.vector_load %arg13[%get3A_394, %get3A_395] {strides = array<i32>} : memref<64x128xbf16, #tpu.memory_space<vmem>>, vector<32xbf16>,
          %unpack3A_397 = tpu.unpack_subelements %get3A_396, 0 {pack_format = #tpu.pack_format<interleaved>} : vector<32xbf16> -> vector<16xf32>
          %unpack3A_398 = tpu.unpack_subelements %get3A_396, 1 {pack_format = #tpu.pack_format<interleaved>} : vector<32xbf16> -> vector<16xf32>
          %mul3A_399 = arith.mulf %unpack3A_397, %gather3A_362 : vector<16xf32>
          %swap3A_400 = arith.index_cast %add3A_361 : i32 to index
          %swap3A_401 = arith.constant 64 : index
          %swap3A_402 = tpu.vector_load %arg15[%swap3A_400, %swap3A_401] {strides = array<i32>} : memref<64x128xf32, #tpu.memory_space<vmem>>, vector<16xf32>,
          tpu.vector_store %arg15[%swap3A_400, %swap3A_401], %mul3A_399 {strides = array<i32>} : memref<64x128xf32, #tpu.memory_space<vmem>>, vector<16xf32>,
          %mul3A_403 = arith.mulf %unpack3A_398, %gather3A_362 : vector<16xf32>
          %swap3A_404 = arith.index_cast %add3A_361 : i32 to index
          %swap3A_405 = arith.constant 80 : index
          %swap3A_406 = tpu.vector_load %arg15[%swap3A_404, %swap3A_405] {strides = array<i32>} : memref<64x128xf32, #tpu.memory_space<vmem>>, vector<16xf32>,
          tpu.vector_store %arg15[%swap3A_404, %swap3A_405], %mul3A_403 {strides = array<i32>} : memref<64x128xf32, #tpu.memory_space<vmem>>, vector<16xf32>,
          %get3A_407 = arith.index_cast %add3A_361 : i32 to index
          %get3A_408 = arith.constant 96 : index
          %get3A_409 = tpu.vector_load %arg13[%get3A_407, %get3A_408] {strides = array<i32>} : memref<64x128xbf16, #tpu.memory_space<vmem>>, vector<32xbf16>,
          %unpack3A_410 = tpu.unpack_subelements %get3A_409, 0 {pack_format = #tpu.pack_format<interleaved>} : vector<32xbf16> -> vector<16xf32>
          %unpack3A_411 = tpu.unpack_subelements %get3A_409, 1 {pack_format = #tpu.pack_format<interleaved>} : vector<32xbf16> -> vector<16xf32>
          %mul3A_412 = arith.mulf %unpack3A_410, %gather3A_362 : vector<16xf32>
          %swap3A_413 = arith.index_cast %add3A_361 : i32 to index
          %swap3A_414 = arith.constant 96 : index
          %swap3A_415 = tpu.vector_load %arg15[%swap3A_413, %swap3A_414] {strides = array<i32>} : memref<64x128xf32, #tpu.memory_space<vmem>>, vector<16xf32>,
          tpu.vector_store %arg15[%swap3A_413, %swap3A_414], %mul3A_412 {strides = array<i32>} : memref<64x128xf32, #tpu.memory_space<vmem>>, vector<16xf32>,
          %mul3A_416 = arith.mulf %unpack3A_411, %gather3A_362 : vector<16xf32>
          %swap3A_417 = arith.index_cast %add3A_361 : i32 to index
          %swap3A_418 = arith.constant 112 : index
          %swap3A_419 = tpu.vector_load %arg15[%swap3A_417, %swap3A_418] {strides = array<i32>} : memref<64x128xf32, #tpu.memory_space<vmem>>, vector<16xf32>,
          tpu.vector_store %arg15[%swap3A_417, %swap3A_418], %mul3A_416 {strides = array<i32>} : memref<64x128xf32, #tpu.memory_space<vmem>>, vector<16xf32>,
          %mul3A_420 = arith.constant 16 : i32
          %mul3A_421 = arith.muli %scan3A_152, %mul3A_420 : i32
          %add3A_422 = arith.constant 4 : i32
          %add3A_423 = arith.addi %mul3A_421, %add3A_422 : i32
          %gather3A_424 = tpu.vector_load_idx %arg17[%add3A_42] : memref<16xf32, #tpu.memory_space<vmem>>[vector<16xi32>], vector<16xf32>,
          %add3A_425 = vector.broadcast %add3A_110 : i32 to vector<16xi32>
          %add3A_426 = arith.addi %select_n3A, %add3A_425 : vector<16xi32>
          %add3A_427 = vector.broadcast %add3A_423 : i32 to vector<16xi32>
          %add3A_428 = arith.addi %select_n3A, %add3A_427 : vector<16xi32>
          %gather3A_429 = tpu.vector_load_idx %arg11[%add3A_426, %add3A_428] : memref<20x64xi32, #tpu.memory_space<vmem>>[vector<16xi32>, vector<16xi32>], vector<16xi32>,
          tpu.vector_store_idx %arg18[%gather3A_429], %gather3A_424 masked %lt3A_77 {add = true} : memref<10240xf32, #tpu.memory_space<vmem>>[vector<16xi32>], vector<16xf32>, vector<16xi1>
          %get3A_430 = arith.index_cast %add3A_423 : i32 to index
          %get3A_431 = arith.constant 0 : index
          %get3A_432 = tpu.vector_load %arg13[%get3A_430, %get3A_431] {strides = array<i32>} : memref<64x128xbf16, #tpu.memory_space<vmem>>, vector<32xbf16>,
          %unpack3A_433 = tpu.unpack_subelements %get3A_432, 0 {pack_format = #tpu.pack_format<interleaved>} : vector<32xbf16> -> vector<16xf32>
          %unpack3A_434 = tpu.unpack_subelements %get3A_432, 1 {pack_format = #tpu.pack_format<interleaved>} : vector<32xbf16> -> vector<16xf32>
          %mul3A_435 = arith.mulf %unpack3A_433, %gather3A_424 : vector<16xf32>
          %swap3A_436 = arith.index_cast %add3A_423 : i32 to index
          %swap3A_437 = arith.constant 0 : index
          %swap3A_438 = tpu.vector_load %arg15[%swap3A_436, %swap3A_437] {strides = array<i32>} : memref<64x128xf32, #tpu.memory_space<vmem>>, vector<16xf32>,
          tpu.vector_store %arg15[%swap3A_436, %swap3A_437], %mul3A_435 {strides = array<i32>} : memref<64x128xf32, #tpu.memory_space<vmem>>, vector<16xf32>,
          %mul3A_439 = arith.mulf %unpack3A_434, %gather3A_424 : vector<16xf32>
          %swap3A_440 = arith.index_cast %add3A_423 : i32 to index
          %swap3A_441 = arith.constant 16 : index
          %swap3A_442 = tpu.vector_load %arg15[%swap3A_440, %swap3A_441] {strides = array<i32>} : memref<64x128xf32, #tpu.memory_space<vmem>>, vector<16xf32>,
          tpu.vector_store %arg15[%swap3A_440, %swap3A_441], %mul3A_439 {strides = array<i32>} : memref<64x128xf32, #tpu.memory_space<vmem>>, vector<16xf32>,
          %get3A_443 = arith.index_cast %add3A_423 : i32 to index
          %get3A_444 = arith.constant 32 : index
          %get3A_445 = tpu.vector_load %arg13[%get3A_443, %get3A_444] {strides = array<i32>} : memref<64x128xbf16, #tpu.memory_space<vmem>>, vector<32xbf16>,
          %unpack3A_446 = tpu.unpack_subelements %get3A_445, 0 {pack_format = #tpu.pack_format<interleaved>} : vector<32xbf16> -> vector<16xf32>
          %unpack3A_447 = tpu.unpack_subelements %get3A_445, 1 {pack_format = #tpu.pack_format<interleaved>} : vector<32xbf16> -> vector<16xf32>
          %mul3A_448 = arith.mulf %unpack3A_446, %gather3A_424 : vector<16xf32>
          %swap3A_449 = arith.index_cast %add3A_423 : i32 to index
          %swap3A_450 = arith.constant 32 : index
          %swap3A_451 = tpu.vector_load %arg15[%swap3A_449, %swap3A_450] {strides = array<i32>} : memref<64x128xf32, #tpu.memory_space<vmem>>, vector<16xf32>,
          tpu.vector_store %arg15[%swap3A_449, %swap3A_450], %mul3A_448 {strides = array<i32>} : memref<64x128xf32, #tpu.memory_space<vmem>>, vector<16xf32>,
          %mul3A_452 = arith.mulf %unpack3A_447, %gather3A_424 : vector<16xf32>
          %swap3A_453 = arith.index_cast %add3A_423 : i32 to index
          %swap3A_454 = arith.constant 48 : index
          %swap3A_455 = tpu.vector_load %arg15[%swap3A_453, %swap3A_454] {strides = array<i32>} : memref<64x128xf32, #tpu.memory_space<vmem>>, vector<16xf32>,
          tpu.vector_store %arg15[%swap3A_453, %swap3A_454], %mul3A_452 {strides = array<i32>} : memref<64x128xf32, #tpu.memory_space<vmem>>, vector<16xf32>,
          %get3A_456 = arith.index_cast %add3A_423 : i32 to index
          %get3A_457 = arith.constant 64 : index
          %get3A_458 = tpu.vector_load %arg13[%get3A_456, %get3A_457] {strides = array<i32>} : memref<64x128xbf16, #tpu.memory_space<vmem>>, vector<32xbf16>,
          %unpack3A_459 = tpu.unpack_subelements %get3A_458, 0 {pack_format = #tpu.pack_format<interleaved>} : vector<32xbf16> -> vector<16xf32>
          %unpack3A_460 = tpu.unpack_subelements %get3A_458, 1 {pack_format = #tpu.pack_format<interleaved>} : vector<32xbf16> -> vector<16xf32>
          %mul3A_461 = arith.mulf %unpack3A_459, %gather3A_424 : vector<16xf32>
          %swap3A_462 = arith.index_cast %add3A_423 : i32 to index
          %swap3A_463 = arith.constant 64 : index
          %swap3A_464 = tpu.vector_load %arg15[%swap3A_462, %swap3A_463] {strides = array<i32>} : memref<64x128xf32, #tpu.memory_space<vmem>>, vector<16xf32>,
          tpu.vector_store %arg15[%swap3A_462, %swap3A_463], %mul3A_461 {strides = array<i32>} : memref<64x128xf32, #tpu.memory_space<vmem>>, vector<16xf32>,
          %mul3A_465 = arith.mulf %unpack3A_460, %gather3A_424 : vector<16xf32>
          %swap3A_466 = arith.index_cast %add3A_423 : i32 to index
          %swap3A_467 = arith.constant 80 : index
          %swap3A_468 = tpu.vector_load %arg15[%swap3A_466, %swap3A_467] {strides = array<i32>} : memref<64x128xf32, #tpu.memory_space<vmem>>, vector<16xf32>,
          tpu.vector_store %arg15[%swap3A_466, %swap3A_467], %mul3A_465 {strides = array<i32>} : memref<64x128xf32, #tpu.memory_space<vmem>>, vector<16xf32>,
          %get3A_469 = arith.index_cast %add3A_423 : i32 to index
          %get3A_470 = arith.constant 96 : index
          %get3A_471 = tpu.vector_load %arg13[%get3A_469, %get3A_470] {strides = array<i32>} : memref<64x128xbf16, #tpu.memory_space<vmem>>, vector<32xbf16>,
          %unpack3A_472 = tpu.unpack_subelements %get3A_471, 0 {pack_format = #tpu.pack_format<interleaved>} : vector<32xbf16> -> vector<16xf32>
          %unpack3A_473 = tpu.unpack_subelements %get3A_471, 1 {pack_format = #tpu.pack_format<interleaved>} : vector<32xbf16> -> vector<16xf32>
          %mul3A_474 = arith.mulf %unpack3A_472, %gather3A_424 : vector<16xf32>
          %swap3A_475 = arith.index_cast %add3A_423 : i32 to index
          %swap3A_476 = arith.constant 96 : index
          %swap3A_477 = tpu.vector_load %arg15[%swap3A_475, %swap3A_476] {strides = array<i32>} : memref<64x128xf32, #tpu.memory_space<vmem>>, vector<16xf32>,
          tpu.vector_store %arg15[%swap3A_475, %swap3A_476], %mul3A_474 {strides = array<i32>} : memref<64x128xf32, #tpu.memory_space<vmem>>, vector<16xf32>,
          %mul3A_478 = arith.mulf %unpack3A_473, %gather3A_424 : vector<16xf32>
          %swap3A_479 = arith.index_cast %add3A_423 : i32 to index
          %swap3A_480 = arith.constant 112 : index
          %swap3A_481 = tpu.vector_load %arg15[%swap3A_479, %swap3A_480] {strides = array<i32>} : memref<64x128xf32, #tpu.memory_space<vmem>>, vector<16xf32>,
          tpu.vector_store %arg15[%swap3A_479, %swap3A_480], %mul3A_478 {strides = array<i32>} : memref<64x128xf32, #tpu.memory_space<vmem>>, vector<16xf32>,
          %mul3A_482 = arith.constant 16 : i32
          %mul3A_483 = arith.muli %scan3A_152, %mul3A_482 : i32
          %add3A_484 = arith.constant 5 : i32
          %add3A_485 = arith.addi %mul3A_483, %add3A_484 : i32
          %gather3A_486 = tpu.vector_load_idx %arg17[%add3A_45] : memref<16xf32, #tpu.memory_space<vmem>>[vector<16xi32>], vector<16xf32>,
          %add3A_487 = vector.broadcast %add3A_110 : i32 to vector<16xi32>
          %add3A_488 = arith.addi %select_n3A, %add3A_487 : vector<16xi32>
          %add3A_489 = vector.broadcast %add3A_485 : i32 to vector<16xi32>
          %add3A_490 = arith.addi %select_n3A, %add3A_489 : vector<16xi32>
          %gather3A_491 = tpu.vector_load_idx %arg11[%add3A_488, %add3A_490] : memref<20x64xi32, #tpu.memory_space<vmem>>[vector<16xi32>, vector<16xi32>], vector<16xi32>,
          tpu.vector_store_idx %arg18[%gather3A_491], %gather3A_486 masked %lt3A_77 {add = true} : memref<10240xf32, #tpu.memory_space<vmem>>[vector<16xi32>], vector<16xf32>, vector<16xi1>
          %get3A_492 = arith.index_cast %add3A_485 : i32 to index
          %get3A_493 = arith.constant 0 : index
          %get3A_494 = tpu.vector_load %arg13[%get3A_492, %get3A_493] {strides = array<i32>} : memref<64x128xbf16, #tpu.memory_space<vmem>>, vector<32xbf16>,
          %unpack3A_495 = tpu.unpack_subelements %get3A_494, 0 {pack_format = #tpu.pack_format<interleaved>} : vector<32xbf16> -> vector<16xf32>
          %unpack3A_496 = tpu.unpack_subelements %get3A_494, 1 {pack_format = #tpu.pack_format<interleaved>} : vector<32xbf16> -> vector<16xf32>
          %mul3A_497 = arith.mulf %unpack3A_495, %gather3A_486 : vector<16xf32>
          %swap3A_498 = arith.index_cast %add3A_485 : i32 to index
          %swap3A_499 = arith.constant 0 : index
          %swap3A_500 = tpu.vector_load %arg15[%swap3A_498, %swap3A_499] {strides = array<i32>} : memref<64x128xf32, #tpu.memory_space<vmem>>, vector<16xf32>,
          tpu.vector_store %arg15[%swap3A_498, %swap3A_499], %mul3A_497 {strides = array<i32>} : memref<64x128xf32, #tpu.memory_space<vmem>>, vector<16xf32>,
          %mul3A_501 = arith.mulf %unpack3A_496, %gather3A_486 : vector<16xf32>
          %swap3A_502 = arith.index_cast %add3A_485 : i32 to index
          %swap3A_503 = arith.constant 16 : index
          %swap3A_504 = tpu.vector_load %arg15[%swap3A_502, %swap3A_503] {strides = array<i32>} : memref<64x128xf32, #tpu.memory_space<vmem>>, vector<16xf32>,
          tpu.vector_store %arg15[%swap3A_502, %swap3A_503], %mul3A_501 {strides = array<i32>} : memref<64x128xf32, #tpu.memory_space<vmem>>, vector<16xf32>,
          %get3A_505 = arith.index_cast %add3A_485 : i32 to index
          %get3A_506 = arith.constant 32 : index
          %get3A_507 = tpu.vector_load %arg13[%get3A_505, %get3A_506] {strides = array<i32>} : memref<64x128xbf16, #tpu.memory_space<vmem>>, vector<32xbf16>,
          %unpack3A_508 = tpu.unpack_subelements %get3A_507, 0 {pack_format = #tpu.pack_format<interleaved>} : vector<32xbf16> -> vector<16xf32>
          %unpack3A_509 = tpu.unpack_subelements %get3A_507, 1 {pack_format = #tpu.pack_format<interleaved>} : vector<32xbf16> -> vector<16xf32>
          %mul3A_510 = arith.mulf %unpack3A_508, %gather3A_486 : vector<16xf32>
          %swap3A_511 = arith.index_cast %add3A_485 : i32 to index
          %swap3A_512 = arith.constant 32 : index
          %swap3A_513 = tpu.vector_load %arg15[%swap3A_511, %swap3A_512] {strides = array<i32>} : memref<64x128xf32, #tpu.memory_space<vmem>>, vector<16xf32>,
          tpu.vector_store %arg15[%swap3A_511, %swap3A_512], %mul3A_510 {strides = array<i32>} : memref<64x128xf32, #tpu.memory_space<vmem>>, vector<16xf32>,
          %mul3A_514 = arith.mulf %unpack3A_509, %gather3A_486 : vector<16xf32>
          %swap3A_515 = arith.index_cast %add3A_485 : i32 to index
          %swap3A_516 = arith.constant 48 : index
          %swap3A_517 = tpu.vector_load %arg15[%swap3A_515, %swap3A_516] {strides = array<i32>} : memref<64x128xf32, #tpu.memory_space<vmem>>, vector<16xf32>,
          tpu.vector_store %arg15[%swap3A_515, %swap3A_516], %mul3A_514 {strides = array<i32>} : memref<64x128xf32, #tpu.memory_space<vmem>>, vector<16xf32>,
          %get3A_518 = arith.index_cast %add3A_485 : i32 to index
          %get3A_519 = arith.constant 64 : index
          %get3A_520 = tpu.vector_load %arg13[%get3A_518, %get3A_519] {strides = array<i32>} : memref<64x128xbf16, #tpu.memory_space<vmem>>, vector<32xbf16>,
          %unpack3A_521 = tpu.unpack_subelements %get3A_520, 0 {pack_format = #tpu.pack_format<interleaved>} : vector<32xbf16> -> vector<16xf32>
          %unpack3A_522 = tpu.unpack_subelements %get3A_520, 1 {pack_format = #tpu.pack_format<interleaved>} : vector<32xbf16> -> vector<16xf32>
          %mul3A_523 = arith.mulf %unpack3A_521, %gather3A_486 : vector<16xf32>
          %swap3A_524 = arith.index_cast %add3A_485 : i32 to index
          %swap3A_525 = arith.constant 64 : index
          %swap3A_526 = tpu.vector_load %arg15[%swap3A_524, %swap3A_525] {strides = array<i32>} : memref<64x128xf32, #tpu.memory_space<vmem>>, vector<16xf32>,
          tpu.vector_store %arg15[%swap3A_524, %swap3A_525], %mul3A_523 {strides = array<i32>} : memref<64x128xf32, #tpu.memory_space<vmem>>, vector<16xf32>,
          %mul3A_527 = arith.mulf %unpack3A_522, %gather3A_486 : vector<16xf32>
          %swap3A_528 = arith.index_cast %add3A_485 : i32 to index
          %swap3A_529 = arith.constant 80 : index
          %swap3A_530 = tpu.vector_load %arg15[%swap3A_528, %swap3A_529] {strides = array<i32>} : memref<64x128xf32, #tpu.memory_space<vmem>>, vector<16xf32>,
          tpu.vector_store %arg15[%swap3A_528, %swap3A_529], %mul3A_527 {strides = array<i32>} : memref<64x128xf32, #tpu.memory_space<vmem>>, vector<16xf32>,
          %get3A_531 = arith.index_cast %add3A_485 : i32 to index
          %get3A_532 = arith.constant 96 : index
          %get3A_533 = tpu.vector_load %arg13[%get3A_531, %get3A_532] {strides = array<i32>} : memref<64x128xbf16, #tpu.memory_space<vmem>>, vector<32xbf16>,
          %unpack3A_534 = tpu.unpack_subelements %get3A_533, 0 {pack_format = #tpu.pack_format<interleaved>} : vector<32xbf16> -> vector<16xf32>
          %unpack3A_535 = tpu.unpack_subelements %get3A_533, 1 {pack_format = #tpu.pack_format<interleaved>} : vector<32xbf16> -> vector<16xf32>
          %mul3A_536 = arith.mulf %unpack3A_534, %gather3A_486 : vector<16xf32>
          %swap3A_537 = arith.index_cast %add3A_485 : i32 to index
          %swap3A_538 = arith.constant 96 : index
          %swap3A_539 = tpu.vector_load %arg15[%swap3A_537, %swap3A_538] {strides = array<i32>} : memref<64x128xf32, #tpu.memory_space<vmem>>, vector<16xf32>,
          tpu.vector_store %arg15[%swap3A_537, %swap3A_538], %mul3A_536 {strides = array<i32>} : memref<64x128xf32, #tpu.memory_space<vmem>>, vector<16xf32>,
          %mul3A_540 = arith.mulf %unpack3A_535, %gather3A_486 : vector<16xf32>
          %swap3A_541 = arith.index_cast %add3A_485 : i32 to index
          %swap3A_542 = arith.constant 112 : index
          %swap3A_543 = tpu.vector_load %arg15[%swap3A_541, %swap3A_542] {strides = array<i32>} : memref<64x128xf32, #tpu.memory_space<vmem>>, vector<16xf32>,
          tpu.vector_store %arg15[%swap3A_541, %swap3A_542], %mul3A_540 {strides = array<i32>} : memref<64x128xf32, #tpu.memory_space<vmem>>, vector<16xf32>,
          %mul3A_544 = arith.constant 16 : i32
          %mul3A_545 = arith.muli %scan3A_152, %mul3A_544 : i32
          %add3A_546 = arith.constant 6 : i32
          %add3A_547 = arith.addi %mul3A_545, %add3A_546 : i32
          %gather3A_548 = tpu.vector_load_idx %arg17[%add3A_48] : memref<16xf32, #tpu.memory_space<vmem>>[vector<16xi32>], vector<16xf32>,
          %add3A_549 = vector.broadcast %add3A_110 : i32 to vector<16xi32>
          %add3A_550 = arith.addi %select_n3A, %add3A_549 : vector<16xi32>
          %add3A_551 = vector.broadcast %add3A_547 : i32 to vector<16xi32>
          %add3A_552 = arith.addi %select_n3A, %add3A_551 : vector<16xi32>
          %gather3A_553 = tpu.vector_load_idx %arg11[%add3A_550, %add3A_552] : memref<20x64xi32, #tpu.memory_space<vmem>>[vector<16xi32>, vector<16xi32>], vector<16xi32>,
          tpu.vector_store_idx %arg18[%gather3A_553], %gather3A_548 masked %lt3A_77 {add = true} : memref<10240xf32, #tpu.memory_space<vmem>>[vector<16xi32>], vector<16xf32>, vector<16xi1>
          %get3A_554 = arith.index_cast %add3A_547 : i32 to index
          %get3A_555 = arith.constant 0 : index
          %get3A_556 = tpu.vector_load %arg13[%get3A_554, %get3A_555] {strides = array<i32>} : memref<64x128xbf16, #tpu.memory_space<vmem>>, vector<32xbf16>,
          %unpack3A_557 = tpu.unpack_subelements %get3A_556, 0 {pack_format = #tpu.pack_format<interleaved>} : vector<32xbf16> -> vector<16xf32>
          %unpack3A_558 = tpu.unpack_subelements %get3A_556, 1 {pack_format = #tpu.pack_format<interleaved>} : vector<32xbf16> -> vector<16xf32>
          %mul3A_559 = arith.mulf %unpack3A_557, %gather3A_548 : vector<16xf32>
          %swap3A_560 = arith.index_cast %add3A_547 : i32 to index
          %swap3A_561 = arith.constant 0 : index
          %swap3A_562 = tpu.vector_load %arg15[%swap3A_560, %swap3A_561] {strides = array<i32>} : memref<64x128xf32, #tpu.memory_space<vmem>>, vector<16xf32>,
          tpu.vector_store %arg15[%swap3A_560, %swap3A_561], %mul3A_559 {strides = array<i32>} : memref<64x128xf32, #tpu.memory_space<vmem>>, vector<16xf32>,
          %mul3A_563 = arith.mulf %unpack3A_558, %gather3A_548 : vector<16xf32>
          %swap3A_564 = arith.index_cast %add3A_547 : i32 to index
          %swap3A_565 = arith.constant 16 : index
          %swap3A_566 = tpu.vector_load %arg15[%swap3A_564, %swap3A_565] {strides = array<i32>} : memref<64x128xf32, #tpu.memory_space<vmem>>, vector<16xf32>,
          tpu.vector_store %arg15[%swap3A_564, %swap3A_565], %mul3A_563 {strides = array<i32>} : memref<64x128xf32, #tpu.memory_space<vmem>>, vector<16xf32>,
          %get3A_567 = arith.index_cast %add3A_547 : i32 to index
          %get3A_568 = arith.constant 32 : index
          %get3A_569 = tpu.vector_load %arg13[%get3A_567, %get3A_568] {strides = array<i32>} : memref<64x128xbf16, #tpu.memory_space<vmem>>, vector<32xbf16>,
          %unpack3A_570 = tpu.unpack_subelements %get3A_569, 0 {pack_format = #tpu.pack_format<interleaved>} : vector<32xbf16> -> vector<16xf32>
          %unpack3A_571 = tpu.unpack_subelements %get3A_569, 1 {pack_format = #tpu.pack_format<interleaved>} : vector<32xbf16> -> vector<16xf32>
          %mul3A_572 = arith.mulf %unpack3A_570, %gather3A_548 : vector<16xf32>
          %swap3A_573 = arith.index_cast %add3A_547 : i32 to index
          %swap3A_574 = arith.constant 32 : index
          %swap3A_575 = tpu.vector_load %arg15[%swap3A_573, %swap3A_574] {strides = array<i32>} : memref<64x128xf32, #tpu.memory_space<vmem>>, vector<16xf32>,
          tpu.vector_store %arg15[%swap3A_573, %swap3A_574], %mul3A_572 {strides = array<i32>} : memref<64x128xf32, #tpu.memory_space<vmem>>, vector<16xf32>,
          %mul3A_576 = arith.mulf %unpack3A_571, %gather3A_548 : vector<16xf32>
          %swap3A_577 = arith.index_cast %add3A_547 : i32 to index
          %swap3A_578 = arith.constant 48 : index
          %swap3A_579 = tpu.vector_load %arg15[%swap3A_577, %swap3A_578] {strides = array<i32>} : memref<64x128xf32, #tpu.memory_space<vmem>>, vector<16xf32>,
          tpu.vector_store %arg15[%swap3A_577, %swap3A_578], %mul3A_576 {strides = array<i32>} : memref<64x128xf32, #tpu.memory_space<vmem>>, vector<16xf32>,
          %get3A_580 = arith.index_cast %add3A_547 : i32 to index
          %get3A_581 = arith.constant 64 : index
          %get3A_582 = tpu.vector_load %arg13[%get3A_580, %get3A_581] {strides = array<i32>} : memref<64x128xbf16, #tpu.memory_space<vmem>>, vector<32xbf16>,
          %unpack3A_583 = tpu.unpack_subelements %get3A_582, 0 {pack_format = #tpu.pack_format<interleaved>} : vector<32xbf16> -> vector<16xf32>
          %unpack3A_584 = tpu.unpack_subelements %get3A_582, 1 {pack_format = #tpu.pack_format<interleaved>} : vector<32xbf16> -> vector<16xf32>
          %mul3A_585 = arith.mulf %unpack3A_583, %gather3A_548 : vector<16xf32>
          %swap3A_586 = arith.index_cast %add3A_547 : i32 to index
          %swap3A_587 = arith.constant 64 : index
          %swap3A_588 = tpu.vector_load %arg15[%swap3A_586, %swap3A_587] {strides = array<i32>} : memref<64x128xf32, #tpu.memory_space<vmem>>, vector<16xf32>,
          tpu.vector_store %arg15[%swap3A_586, %swap3A_587], %mul3A_585 {strides = array<i32>} : memref<64x128xf32, #tpu.memory_space<vmem>>, vector<16xf32>,
          %mul3A_589 = arith.mulf %unpack3A_584, %gather3A_548 : vector<16xf32>
          %swap3A_590 = arith.index_cast %add3A_547 : i32 to index
          %swap3A_591 = arith.constant 80 : index
          %swap3A_592 = tpu.vector_load %arg15[%swap3A_590, %swap3A_591] {strides = array<i32>} : memref<64x128xf32, #tpu.memory_space<vmem>>, vector<16xf32>,
          tpu.vector_store %arg15[%swap3A_590, %swap3A_591], %mul3A_589 {strides = array<i32>} : memref<64x128xf32, #tpu.memory_space<vmem>>, vector<16xf32>,
          %get3A_593 = arith.index_cast %add3A_547 : i32 to index
          %get3A_594 = arith.constant 96 : index
          %get3A_595 = tpu.vector_load %arg13[%get3A_593, %get3A_594] {strides = array<i32>} : memref<64x128xbf16, #tpu.memory_space<vmem>>, vector<32xbf16>,
          %unpack3A_596 = tpu.unpack_subelements %get3A_595, 0 {pack_format = #tpu.pack_format<interleaved>} : vector<32xbf16> -> vector<16xf32>
          %unpack3A_597 = tpu.unpack_subelements %get3A_595, 1 {pack_format = #tpu.pack_format<interleaved>} : vector<32xbf16> -> vector<16xf32>
          %mul3A_598 = arith.mulf %unpack3A_596, %gather3A_548 : vector<16xf32>
          %swap3A_599 = arith.index_cast %add3A_547 : i32 to index
          %swap3A_600 = arith.constant 96 : index
          %swap3A_601 = tpu.vector_load %arg15[%swap3A_599, %swap3A_600] {strides = array<i32>} : memref<64x128xf32, #tpu.memory_space<vmem>>, vector<16xf32>,
          tpu.vector_store %arg15[%swap3A_599, %swap3A_600], %mul3A_598 {strides = array<i32>} : memref<64x128xf32, #tpu.memory_space<vmem>>, vector<16xf32>,
          %mul3A_602 = arith.mulf %unpack3A_597, %gather3A_548 : vector<16xf32>
          %swap3A_603 = arith.index_cast %add3A_547 : i32 to index
          %swap3A_604 = arith.constant 112 : index
          %swap3A_605 = tpu.vector_load %arg15[%swap3A_603, %swap3A_604] {strides = array<i32>} : memref<64x128xf32, #tpu.memory_space<vmem>>, vector<16xf32>,
          tpu.vector_store %arg15[%swap3A_603, %swap3A_604], %mul3A_602 {strides = array<i32>} : memref<64x128xf32, #tpu.memory_space<vmem>>, vector<16xf32>,
          %mul3A_606 = arith.constant 16 : i32
          %mul3A_607 = arith.muli %scan3A_152, %mul3A_606 : i32
          %add3A_608 = arith.constant 7 : i32
          %add3A_609 = arith.addi %mul3A_607, %add3A_608 : i32
          %gather3A_610 = tpu.vector_load_idx %arg17[%add3A_51] : memref<16xf32, #tpu.memory_space<vmem>>[vector<16xi32>], vector<16xf32>,
          %add3A_611 = vector.broadcast %add3A_110 : i32 to vector<16xi32>
          %add3A_612 = arith.addi %select_n3A, %add3A_611 : vector<16xi32>
          %add3A_613 = vector.broadcast %add3A_609 : i32 to vector<16xi32>
          %add3A_614 = arith.addi %select_n3A, %add3A_613 : vector<16xi32>
          %gather3A_615 = tpu.vector_load_idx %arg11[%add3A_612, %add3A_614] : memref<20x64xi32, #tpu.memory_space<vmem>>[vector<16xi32>, vector<16xi32>], vector<16xi32>,
          tpu.vector_store_idx %arg18[%gather3A_615], %gather3A_610 masked %lt3A_77 {add = true} : memref<10240xf32, #tpu.memory_space<vmem>>[vector<16xi32>], vector<16xf32>, vector<16xi1>
          %get3A_616 = arith.index_cast %add3A_609 : i32 to index
          %get3A_617 = arith.constant 0 : index
          %get3A_618 = tpu.vector_load %arg13[%get3A_616, %get3A_617] {strides = array<i32>} : memref<64x128xbf16, #tpu.memory_space<vmem>>, vector<32xbf16>,
          %unpack3A_619 = tpu.unpack_subelements %get3A_618, 0 {pack_format = #tpu.pack_format<interleaved>} : vector<32xbf16> -> vector<16xf32>
          %unpack3A_620 = tpu.unpack_subelements %get3A_618, 1 {pack_format = #tpu.pack_format<interleaved>} : vector<32xbf16> -> vector<16xf32>
          %mul3A_621 = arith.mulf %unpack3A_619, %gather3A_610 : vector<16xf32>
          %swap3A_622 = arith.index_cast %add3A_609 : i32 to index
          %swap3A_623 = arith.constant 0 : index
          %swap3A_624 = tpu.vector_load %arg15[%swap3A_622, %swap3A_623] {strides = array<i32>} : memref<64x128xf32, #tpu.memory_space<vmem>>, vector<16xf32>,
          tpu.vector_store %arg15[%swap3A_622, %swap3A_623], %mul3A_621 {strides = array<i32>} : memref<64x128xf32, #tpu.memory_space<vmem>>, vector<16xf32>,
          %mul3A_625 = arith.mulf %unpack3A_620, %gather3A_610 : vector<16xf32>
          %swap3A_626 = arith.index_cast %add3A_609 : i32 to index
          %swap3A_627 = arith.constant 16 : index
          %swap3A_628 = tpu.vector_load %arg15[%swap3A_626, %swap3A_627] {strides = array<i32>} : memref<64x128xf32, #tpu.memory_space<vmem>>, vector<16xf32>,
          tpu.vector_store %arg15[%swap3A_626, %swap3A_627], %mul3A_625 {strides = array<i32>} : memref<64x128xf32, #tpu.memory_space<vmem>>, vector<16xf32>,
          %get3A_629 = arith.index_cast %add3A_609 : i32 to index
          %get3A_630 = arith.constant 32 : index
          %get3A_631 = tpu.vector_load %arg13[%get3A_629, %get3A_630] {strides = array<i32>} : memref<64x128xbf16, #tpu.memory_space<vmem>>, vector<32xbf16>,
          %unpack3A_632 = tpu.unpack_subelements %get3A_631, 0 {pack_format = #tpu.pack_format<interleaved>} : vector<32xbf16> -> vector<16xf32>
          %unpack3A_633 = tpu.unpack_subelements %get3A_631, 1 {pack_format = #tpu.pack_format<interleaved>} : vector<32xbf16> -> vector<16xf32>
          %mul3A_634 = arith.mulf %unpack3A_632, %gather3A_610 : vector<16xf32>
          %swap3A_635 = arith.index_cast %add3A_609 : i32 to index
          %swap3A_636 = arith.constant 32 : index
          %swap3A_637 = tpu.vector_load %arg15[%swap3A_635, %swap3A_636] {strides = array<i32>} : memref<64x128xf32, #tpu.memory_space<vmem>>, vector<16xf32>,
          tpu.vector_store %arg15[%swap3A_635, %swap3A_636], %mul3A_634 {strides = array<i32>} : memref<64x128xf32, #tpu.memory_space<vmem>>, vector<16xf32>,
          %mul3A_638 = arith.mulf %unpack3A_633, %gather3A_610 : vector<16xf32>
          %swap3A_639 = arith.index_cast %add3A_609 : i32 to index
          %swap3A_640 = arith.constant 48 : index
          %swap3A_641 = tpu.vector_load %arg15[%swap3A_639, %swap3A_640] {strides = array<i32>} : memref<64x128xf32, #tpu.memory_space<vmem>>, vector<16xf32>,
          tpu.vector_store %arg15[%swap3A_639, %swap3A_640], %mul3A_638 {strides = array<i32>} : memref<64x128xf32, #tpu.memory_space<vmem>>, vector<16xf32>,
          %get3A_642 = arith.index_cast %add3A_609 : i32 to index
          %get3A_643 = arith.constant 64 : index
          %get3A_644 = tpu.vector_load %arg13[%get3A_642, %get3A_643] {strides = array<i32>} : memref<64x128xbf16, #tpu.memory_space<vmem>>, vector<32xbf16>,
          %unpack3A_645 = tpu.unpack_subelements %get3A_644, 0 {pack_format = #tpu.pack_format<interleaved>} : vector<32xbf16> -> vector<16xf32>
          %unpack3A_646 = tpu.unpack_subelements %get3A_644, 1 {pack_format = #tpu.pack_format<interleaved>} : vector<32xbf16> -> vector<16xf32>
          %mul3A_647 = arith.mulf %unpack3A_645, %gather3A_610 : vector<16xf32>
          %swap3A_648 = arith.index_cast %add3A_609 : i32 to index
          %swap3A_649 = arith.constant 64 : index
          %swap3A_650 = tpu.vector_load %arg15[%swap3A_648, %swap3A_649] {strides = array<i32>} : memref<64x128xf32, #tpu.memory_space<vmem>>, vector<16xf32>,
          tpu.vector_store %arg15[%swap3A_648, %swap3A_649], %mul3A_647 {strides = array<i32>} : memref<64x128xf32, #tpu.memory_space<vmem>>, vector<16xf32>,
          %mul3A_651 = arith.mulf %unpack3A_646, %gather3A_610 : vector<16xf32>
          %swap3A_652 = arith.index_cast %add3A_609 : i32 to index
          %swap3A_653 = arith.constant 80 : index
          %swap3A_654 = tpu.vector_load %arg15[%swap3A_652, %swap3A_653] {strides = array<i32>} : memref<64x128xf32, #tpu.memory_space<vmem>>, vector<16xf32>,
          tpu.vector_store %arg15[%swap3A_652, %swap3A_653], %mul3A_651 {strides = array<i32>} : memref<64x128xf32, #tpu.memory_space<vmem>>, vector<16xf32>,
          %get3A_655 = arith.index_cast %add3A_609 : i32 to index
          %get3A_656 = arith.constant 96 : index
          %get3A_657 = tpu.vector_load %arg13[%get3A_655, %get3A_656] {strides = array<i32>} : memref<64x128xbf16, #tpu.memory_space<vmem>>, vector<32xbf16>,
          %unpack3A_658 = tpu.unpack_subelements %get3A_657, 0 {pack_format = #tpu.pack_format<interleaved>} : vector<32xbf16> -> vector<16xf32>
          %unpack3A_659 = tpu.unpack_subelements %get3A_657, 1 {pack_format = #tpu.pack_format<interleaved>} : vector<32xbf16> -> vector<16xf32>
          %mul3A_660 = arith.mulf %unpack3A_658, %gather3A_610 : vector<16xf32>
          %swap3A_661 = arith.index_cast %add3A_609 : i32 to index
          %swap3A_662 = arith.constant 96 : index
          %swap3A_663 = tpu.vector_load %arg15[%swap3A_661, %swap3A_662] {strides = array<i32>} : memref<64x128xf32, #tpu.memory_space<vmem>>, vector<16xf32>,
          tpu.vector_store %arg15[%swap3A_661, %swap3A_662], %mul3A_660 {strides = array<i32>} : memref<64x128xf32, #tpu.memory_space<vmem>>, vector<16xf32>,
          %mul3A_664 = arith.mulf %unpack3A_659, %gather3A_610 : vector<16xf32>
          %swap3A_665 = arith.index_cast %add3A_609 : i32 to index
          %swap3A_666 = arith.constant 112 : index
          %swap3A_667 = tpu.vector_load %arg15[%swap3A_665, %swap3A_666] {strides = array<i32>} : memref<64x128xf32, #tpu.memory_space<vmem>>, vector<16xf32>,
          tpu.vector_store %arg15[%swap3A_665, %swap3A_666], %mul3A_664 {strides = array<i32>} : memref<64x128xf32, #tpu.memory_space<vmem>>, vector<16xf32>,
          %mul3A_668 = arith.constant 16 : i32
          %mul3A_669 = arith.muli %scan3A_152, %mul3A_668 : i32
          %add3A_670 = arith.constant 8 : i32
          %add3A_671 = arith.addi %mul3A_669, %add3A_670 : i32
          %gather3A_672 = tpu.vector_load_idx %arg17[%add3A_54] : memref<16xf32, #tpu.memory_space<vmem>>[vector<16xi32>], vector<16xf32>,
          %add3A_673 = vector.broadcast %add3A_110 : i32 to vector<16xi32>
          %add3A_674 = arith.addi %select_n3A, %add3A_673 : vector<16xi32>
          %add3A_675 = vector.broadcast %add3A_671 : i32 to vector<16xi32>
          %add3A_676 = arith.addi %select_n3A, %add3A_675 : vector<16xi32>
          %gather3A_677 = tpu.vector_load_idx %arg11[%add3A_674, %add3A_676] : memref<20x64xi32, #tpu.memory_space<vmem>>[vector<16xi32>, vector<16xi32>], vector<16xi32>,
          tpu.vector_store_idx %arg18[%gather3A_677], %gather3A_672 masked %lt3A_77 {add = true} : memref<10240xf32, #tpu.memory_space<vmem>>[vector<16xi32>], vector<16xf32>, vector<16xi1>
          %get3A_678 = arith.index_cast %add3A_671 : i32 to index
          %get3A_679 = arith.constant 0 : index
          %get3A_680 = tpu.vector_load %arg13[%get3A_678, %get3A_679] {strides = array<i32>} : memref<64x128xbf16, #tpu.memory_space<vmem>>, vector<32xbf16>,
          %unpack3A_681 = tpu.unpack_subelements %get3A_680, 0 {pack_format = #tpu.pack_format<interleaved>} : vector<32xbf16> -> vector<16xf32>
          %unpack3A_682 = tpu.unpack_subelements %get3A_680, 1 {pack_format = #tpu.pack_format<interleaved>} : vector<32xbf16> -> vector<16xf32>
          %mul3A_683 = arith.mulf %unpack3A_681, %gather3A_672 : vector<16xf32>
          %swap3A_684 = arith.index_cast %add3A_671 : i32 to index
          %swap3A_685 = arith.constant 0 : index
          %swap3A_686 = tpu.vector_load %arg15[%swap3A_684, %swap3A_685] {strides = array<i32>} : memref<64x128xf32, #tpu.memory_space<vmem>>, vector<16xf32>,
          tpu.vector_store %arg15[%swap3A_684, %swap3A_685], %mul3A_683 {strides = array<i32>} : memref<64x128xf32, #tpu.memory_space<vmem>>, vector<16xf32>,
          %mul3A_687 = arith.mulf %unpack3A_682, %gather3A_672 : vector<16xf32>
          %swap3A_688 = arith.index_cast %add3A_671 : i32 to index
          %swap3A_689 = arith.constant 16 : index
          %swap3A_690 = tpu.vector_load %arg15[%swap3A_688, %swap3A_689] {strides = array<i32>} : memref<64x128xf32, #tpu.memory_space<vmem>>, vector<16xf32>,
          tpu.vector_store %arg15[%swap3A_688, %swap3A_689], %mul3A_687 {strides = array<i32>} : memref<64x128xf32, #tpu.memory_space<vmem>>, vector<16xf32>,
          %get3A_691 = arith.index_cast %add3A_671 : i32 to index
          %get3A_692 = arith.constant 32 : index
          %get3A_693 = tpu.vector_load %arg13[%get3A_691, %get3A_692] {strides = array<i32>} : memref<64x128xbf16, #tpu.memory_space<vmem>>, vector<32xbf16>,
          %unpack3A_694 = tpu.unpack_subelements %get3A_693, 0 {pack_format = #tpu.pack_format<interleaved>} : vector<32xbf16> -> vector<16xf32>
          %unpack3A_695 = tpu.unpack_subelements %get3A_693, 1 {pack_format = #tpu.pack_format<interleaved>} : vector<32xbf16> -> vector<16xf32>
          %mul3A_696 = arith.mulf %unpack3A_694, %gather3A_672 : vector<16xf32>
          %swap3A_697 = arith.index_cast %add3A_671 : i32 to index
          %swap3A_698 = arith.constant 32 : index
          %swap3A_699 = tpu.vector_load %arg15[%swap3A_697, %swap3A_698] {strides = array<i32>} : memref<64x128xf32, #tpu.memory_space<vmem>>, vector<16xf32>,
          tpu.vector_store %arg15[%swap3A_697, %swap3A_698], %mul3A_696 {strides = array<i32>} : memref<64x128xf32, #tpu.memory_space<vmem>>, vector<16xf32>,
          %mul3A_700 = arith.mulf %unpack3A_695, %gather3A_672 : vector<16xf32>
          %swap3A_701 = arith.index_cast %add3A_671 : i32 to index
          %swap3A_702 = arith.constant 48 : index
          %swap3A_703 = tpu.vector_load %arg15[%swap3A_701, %swap3A_702] {strides = array<i32>} : memref<64x128xf32, #tpu.memory_space<vmem>>, vector<16xf32>,
          tpu.vector_store %arg15[%swap3A_701, %swap3A_702], %mul3A_700 {strides = array<i32>} : memref<64x128xf32, #tpu.memory_space<vmem>>, vector<16xf32>,
          %get3A_704 = arith.index_cast %add3A_671 : i32 to index
          %get3A_705 = arith.constant 64 : index
          %get3A_706 = tpu.vector_load %arg13[%get3A_704, %get3A_705] {strides = array<i32>} : memref<64x128xbf16, #tpu.memory_space<vmem>>, vector<32xbf16>,
          %unpack3A_707 = tpu.unpack_subelements %get3A_706, 0 {pack_format = #tpu.pack_format<interleaved>} : vector<32xbf16> -> vector<16xf32>
          %unpack3A_708 = tpu.unpack_subelements %get3A_706, 1 {pack_format = #tpu.pack_format<interleaved>} : vector<32xbf16> -> vector<16xf32>
          %mul3A_709 = arith.mulf %unpack3A_707, %gather3A_672 : vector<16xf32>
          %swap3A_710 = arith.index_cast %add3A_671 : i32 to index
          %swap3A_711 = arith.constant 64 : index
          %swap3A_712 = tpu.vector_load %arg15[%swap3A_710, %swap3A_711] {strides = array<i32>} : memref<64x128xf32, #tpu.memory_space<vmem>>, vector<16xf32>,
          tpu.vector_store %arg15[%swap3A_710, %swap3A_711], %mul3A_709 {strides = array<i32>} : memref<64x128xf32, #tpu.memory_space<vmem>>, vector<16xf32>,
          %mul3A_713 = arith.mulf %unpack3A_708, %gather3A_672 : vector<16xf32>
          %swap3A_714 = arith.index_cast %add3A_671 : i32 to index
          %swap3A_715 = arith.constant 80 : index
          %swap3A_716 = tpu.vector_load %arg15[%swap3A_714, %swap3A_715] {strides = array<i32>} : memref<64x128xf32, #tpu.memory_space<vmem>>, vector<16xf32>,
          tpu.vector_store %arg15[%swap3A_714, %swap3A_715], %mul3A_713 {strides = array<i32>} : memref<64x128xf32, #tpu.memory_space<vmem>>, vector<16xf32>,
          %get3A_717 = arith.index_cast %add3A_671 : i32 to index
          %get3A_718 = arith.constant 96 : index
          %get3A_719 = tpu.vector_load %arg13[%get3A_717, %get3A_718] {strides = array<i32>} : memref<64x128xbf16, #tpu.memory_space<vmem>>, vector<32xbf16>,
          %unpack3A_720 = tpu.unpack_subelements %get3A_719, 0 {pack_format = #tpu.pack_format<interleaved>} : vector<32xbf16> -> vector<16xf32>
          %unpack3A_721 = tpu.unpack_subelements %get3A_719, 1 {pack_format = #tpu.pack_format<interleaved>} : vector<32xbf16> -> vector<16xf32>
          %mul3A_722 = arith.mulf %unpack3A_720, %gather3A_672 : vector<16xf32>
          %swap3A_723 = arith.index_cast %add3A_671 : i32 to index
          %swap3A_724 = arith.constant 96 : index
          %swap3A_725 = tpu.vector_load %arg15[%swap3A_723, %swap3A_724] {strides = array<i32>} : memref<64x128xf32, #tpu.memory_space<vmem>>, vector<16xf32>,
          tpu.vector_store %arg15[%swap3A_723, %swap3A_724], %mul3A_722 {strides = array<i32>} : memref<64x128xf32, #tpu.memory_space<vmem>>, vector<16xf32>,
          %mul3A_726 = arith.mulf %unpack3A_721, %gather3A_672 : vector<16xf32>
          %swap3A_727 = arith.index_cast %add3A_671 : i32 to index
          %swap3A_728 = arith.constant 112 : index
          %swap3A_729 = tpu.vector_load %arg15[%swap3A_727, %swap3A_728] {strides = array<i32>} : memref<64x128xf32, #tpu.memory_space<vmem>>, vector<16xf32>,
          tpu.vector_store %arg15[%swap3A_727, %swap3A_728], %mul3A_726 {strides = array<i32>} : memref<64x128xf32, #tpu.memory_space<vmem>>, vector<16xf32>,
          %mul3A_730 = arith.constant 16 : i32
          %mul3A_731 = arith.muli %scan3A_152, %mul3A_730 : i32
          %add3A_732 = arith.constant 9 : i32
          %add3A_733 = arith.addi %mul3A_731, %add3A_732 : i32
          %gather3A_734 = tpu.vector_load_idx %arg17[%add3A_57] : memref<16xf32, #tpu.memory_space<vmem>>[vector<16xi32>], vector<16xf32>,
          %add3A_735 = vector.broadcast %add3A_110 : i32 to vector<16xi32>
          %add3A_736 = arith.addi %select_n3A, %add3A_735 : vector<16xi32>
          %add3A_737 = vector.broadcast %add3A_733 : i32 to vector<16xi32>
          %add3A_738 = arith.addi %select_n3A, %add3A_737 : vector<16xi32>
          %gather3A_739 = tpu.vector_load_idx %arg11[%add3A_736, %add3A_738] : memref<20x64xi32, #tpu.memory_space<vmem>>[vector<16xi32>, vector<16xi32>], vector<16xi32>,
          tpu.vector_store_idx %arg18[%gather3A_739], %gather3A_734 masked %lt3A_77 {add = true} : memref<10240xf32, #tpu.memory_space<vmem>>[vector<16xi32>], vector<16xf32>, vector<16xi1>
          %get3A_740 = arith.index_cast %add3A_733 : i32 to index
          %get3A_741 = arith.constant 0 : index
          %get3A_742 = tpu.vector_load %arg13[%get3A_740, %get3A_741] {strides = array<i32>} : memref<64x128xbf16, #tpu.memory_space<vmem>>, vector<32xbf16>,
          %unpack3A_743 = tpu.unpack_subelements %get3A_742, 0 {pack_format = #tpu.pack_format<interleaved>} : vector<32xbf16> -> vector<16xf32>
          %unpack3A_744 = tpu.unpack_subelements %get3A_742, 1 {pack_format = #tpu.pack_format<interleaved>} : vector<32xbf16> -> vector<16xf32>
          %mul3A_745 = arith.mulf %unpack3A_743, %gather3A_734 : vector<16xf32>
          %swap3A_746 = arith.index_cast %add3A_733 : i32 to index
          %swap3A_747 = arith.constant 0 : index
          %swap3A_748 = tpu.vector_load %arg15[%swap3A_746, %swap3A_747] {strides = array<i32>} : memref<64x128xf32, #tpu.memory_space<vmem>>, vector<16xf32>,
          tpu.vector_store %arg15[%swap3A_746, %swap3A_747], %mul3A_745 {strides = array<i32>} : memref<64x128xf32, #tpu.memory_space<vmem>>, vector<16xf32>,
          %mul3A_749 = arith.mulf %unpack3A_744, %gather3A_734 : vector<16xf32>
          %swap3A_750 = arith.index_cast %add3A_733 : i32 to index
          %swap3A_751 = arith.constant 16 : index
          %swap3A_752 = tpu.vector_load %arg15[%swap3A_750, %swap3A_751] {strides = array<i32>} : memref<64x128xf32, #tpu.memory_space<vmem>>, vector<16xf32>,
          tpu.vector_store %arg15[%swap3A_750, %swap3A_751], %mul3A_749 {strides = array<i32>} : memref<64x128xf32, #tpu.memory_space<vmem>>, vector<16xf32>,
          %get3A_753 = arith.index_cast %add3A_733 : i32 to index
          %get3A_754 = arith.constant 32 : index
          %get3A_755 = tpu.vector_load %arg13[%get3A_753, %get3A_754] {strides = array<i32>} : memref<64x128xbf16, #tpu.memory_space<vmem>>, vector<32xbf16>,
          %unpack3A_756 = tpu.unpack_subelements %get3A_755, 0 {pack_format = #tpu.pack_format<interleaved>} : vector<32xbf16> -> vector<16xf32>
          %unpack3A_757 = tpu.unpack_subelements %get3A_755, 1 {pack_format = #tpu.pack_format<interleaved>} : vector<32xbf16> -> vector<16xf32>
          %mul3A_758 = arith.mulf %unpack3A_756, %gather3A_734 : vector<16xf32>
          %swap3A_759 = arith.index_cast %add3A_733 : i32 to index
          %swap3A_760 = arith.constant 32 : index
          %swap3A_761 = tpu.vector_load %arg15[%swap3A_759, %swap3A_760] {strides = array<i32>} : memref<64x128xf32, #tpu.memory_space<vmem>>, vector<16xf32>,
          tpu.vector_store %arg15[%swap3A_759, %swap3A_760], %mul3A_758 {strides = array<i32>} : memref<64x128xf32, #tpu.memory_space<vmem>>, vector<16xf32>,
          %mul3A_762 = arith.mulf %unpack3A_757, %gather3A_734 : vector<16xf32>
          %swap3A_763 = arith.index_cast %add3A_733 : i32 to index
          %swap3A_764 = arith.constant 48 : index
          %swap3A_765 = tpu.vector_load %arg15[%swap3A_763, %swap3A_764] {strides = array<i32>} : memref<64x128xf32, #tpu.memory_space<vmem>>, vector<16xf32>,
          tpu.vector_store %arg15[%swap3A_763, %swap3A_764], %mul3A_762 {strides = array<i32>} : memref<64x128xf32, #tpu.memory_space<vmem>>, vector<16xf32>,
          %get3A_766 = arith.index_cast %add3A_733 : i32 to index
          %get3A_767 = arith.constant 64 : index
          %get3A_768 = tpu.vector_load %arg13[%get3A_766, %get3A_767] {strides = array<i32>} : memref<64x128xbf16, #tpu.memory_space<vmem>>, vector<32xbf16>,
          %unpack3A_769 = tpu.unpack_subelements %get3A_768, 0 {pack_format = #tpu.pack_format<interleaved>} : vector<32xbf16> -> vector<16xf32>
          %unpack3A_770 = tpu.unpack_subelements %get3A_768, 1 {pack_format = #tpu.pack_format<interleaved>} : vector<32xbf16> -> vector<16xf32>
          %mul3A_771 = arith.mulf %unpack3A_769, %gather3A_734 : vector<16xf32>
          %swap3A_772 = arith.index_cast %add3A_733 : i32 to index
          %swap3A_773 = arith.constant 64 : index
          %swap3A_774 = tpu.vector_load %arg15[%swap3A_772, %swap3A_773] {strides = array<i32>} : memref<64x128xf32, #tpu.memory_space<vmem>>, vector<16xf32>,
          tpu.vector_store %arg15[%swap3A_772, %swap3A_773], %mul3A_771 {strides = array<i32>} : memref<64x128xf32, #tpu.memory_space<vmem>>, vector<16xf32>,
          %mul3A_775 = arith.mulf %unpack3A_770, %gather3A_734 : vector<16xf32>
          %swap3A_776 = arith.index_cast %add3A_733 : i32 to index
          %swap3A_777 = arith.constant 80 : index
          %swap3A_778 = tpu.vector_load %arg15[%swap3A_776, %swap3A_777] {strides = array<i32>} : memref<64x128xf32, #tpu.memory_space<vmem>>, vector<16xf32>,
          tpu.vector_store %arg15[%swap3A_776, %swap3A_777], %mul3A_775 {strides = array<i32>} : memref<64x128xf32, #tpu.memory_space<vmem>>, vector<16xf32>,
          %get3A_779 = arith.index_cast %add3A_733 : i32 to index
          %get3A_780 = arith.constant 96 : index
          %get3A_781 = tpu.vector_load %arg13[%get3A_779, %get3A_780] {strides = array<i32>} : memref<64x128xbf16, #tpu.memory_space<vmem>>, vector<32xbf16>,
          %unpack3A_782 = tpu.unpack_subelements %get3A_781, 0 {pack_format = #tpu.pack_format<interleaved>} : vector<32xbf16> -> vector<16xf32>
          %unpack3A_783 = tpu.unpack_subelements %get3A_781, 1 {pack_format = #tpu.pack_format<interleaved>} : vector<32xbf16> -> vector<16xf32>
          %mul3A_784 = arith.mulf %unpack3A_782, %gather3A_734 : vector<16xf32>
          %swap3A_785 = arith.index_cast %add3A_733 : i32 to index
          %swap3A_786 = arith.constant 96 : index
          %swap3A_787 = tpu.vector_load %arg15[%swap3A_785, %swap3A_786] {strides = array<i32>} : memref<64x128xf32, #tpu.memory_space<vmem>>, vector<16xf32>,
          tpu.vector_store %arg15[%swap3A_785, %swap3A_786], %mul3A_784 {strides = array<i32>} : memref<64x128xf32, #tpu.memory_space<vmem>>, vector<16xf32>,
          %mul3A_788 = arith.mulf %unpack3A_783, %gather3A_734 : vector<16xf32>
          %swap3A_789 = arith.index_cast %add3A_733 : i32 to index
          %swap3A_790 = arith.constant 112 : index
          %swap3A_791 = tpu.vector_load %arg15[%swap3A_789, %swap3A_790] {strides = array<i32>} : memref<64x128xf32, #tpu.memory_space<vmem>>, vector<16xf32>,
          tpu.vector_store %arg15[%swap3A_789, %swap3A_790], %mul3A_788 {strides = array<i32>} : memref<64x128xf32, #tpu.memory_space<vmem>>, vector<16xf32>,
          %mul3A_792 = arith.constant 16 : i32
          %mul3A_793 = arith.muli %scan3A_152, %mul3A_792 : i32
          %add3A_794 = arith.constant 10 : i32
          %add3A_795 = arith.addi %mul3A_793, %add3A_794 : i32
          %gather3A_796 = tpu.vector_load_idx %arg17[%add3A_60] : memref<16xf32, #tpu.memory_space<vmem>>[vector<16xi32>], vector<16xf32>,
          %add3A_797 = vector.broadcast %add3A_110 : i32 to vector<16xi32>
          %add3A_798 = arith.addi %select_n3A, %add3A_797 : vector<16xi32>
          %add3A_799 = vector.broadcast %add3A_795 : i32 to vector<16xi32>
          %add3A_800 = arith.addi %select_n3A, %add3A_799 : vector<16xi32>
          %gather3A_801 = tpu.vector_load_idx %arg11[%add3A_798, %add3A_800] : memref<20x64xi32, #tpu.memory_space<vmem>>[vector<16xi32>, vector<16xi32>], vector<16xi32>,
          tpu.vector_store_idx %arg18[%gather3A_801], %gather3A_796 masked %lt3A_77 {add = true} : memref<10240xf32, #tpu.memory_space<vmem>>[vector<16xi32>], vector<16xf32>, vector<16xi1>
          %get3A_802 = arith.index_cast %add3A_795 : i32 to index
          %get3A_803 = arith.constant 0 : index
          %get3A_804 = tpu.vector_load %arg13[%get3A_802, %get3A_803] {strides = array<i32>} : memref<64x128xbf16, #tpu.memory_space<vmem>>, vector<32xbf16>,
          %unpack3A_805 = tpu.unpack_subelements %get3A_804, 0 {pack_format = #tpu.pack_format<interleaved>} : vector<32xbf16> -> vector<16xf32>
          %unpack3A_806 = tpu.unpack_subelements %get3A_804, 1 {pack_format = #tpu.pack_format<interleaved>} : vector<32xbf16> -> vector<16xf32>
          %mul3A_807 = arith.mulf %unpack3A_805, %gather3A_796 : vector<16xf32>
          %swap3A_808 = arith.index_cast %add3A_795 : i32 to index
          %swap3A_809 = arith.constant 0 : index
          %swap3A_810 = tpu.vector_load %arg15[%swap3A_808, %swap3A_809] {strides = array<i32>} : memref<64x128xf32, #tpu.memory_space<vmem>>, vector<16xf32>,
          tpu.vector_store %arg15[%swap3A_808, %swap3A_809], %mul3A_807 {strides = array<i32>} : memref<64x128xf32, #tpu.memory_space<vmem>>, vector<16xf32>,
          %mul3A_811 = arith.mulf %unpack3A_806, %gather3A_796 : vector<16xf32>
          %swap3A_812 = arith.index_cast %add3A_795 : i32 to index
          %swap3A_813 = arith.constant 16 : index
          %swap3A_814 = tpu.vector_load %arg15[%swap3A_812, %swap3A_813] {strides = array<i32>} : memref<64x128xf32, #tpu.memory_space<vmem>>, vector<16xf32>,
          tpu.vector_store %arg15[%swap3A_812, %swap3A_813], %mul3A_811 {strides = array<i32>} : memref<64x128xf32, #tpu.memory_space<vmem>>, vector<16xf32>,
          %get3A_815 = arith.index_cast %add3A_795 : i32 to index
          %get3A_816 = arith.constant 32 : index
          %get3A_817 = tpu.vector_load %arg13[%get3A_815, %get3A_816] {strides = array<i32>} : memref<64x128xbf16, #tpu.memory_space<vmem>>, vector<32xbf16>,
          %unpack3A_818 = tpu.unpack_subelements %get3A_817, 0 {pack_format = #tpu.pack_format<interleaved>} : vector<32xbf16> -> vector<16xf32>
          %unpack3A_819 = tpu.unpack_subelements %get3A_817, 1 {pack_format = #tpu.pack_format<interleaved>} : vector<32xbf16> -> vector<16xf32>
          %mul3A_820 = arith.mulf %unpack3A_818, %gather3A_796 : vector<16xf32>
          %swap3A_821 = arith.index_cast %add3A_795 : i32 to index
          %swap3A_822 = arith.constant 32 : index
          %swap3A_823 = tpu.vector_load %arg15[%swap3A_821, %swap3A_822] {strides = array<i32>} : memref<64x128xf32, #tpu.memory_space<vmem>>, vector<16xf32>,
          tpu.vector_store %arg15[%swap3A_821, %swap3A_822], %mul3A_820 {strides = array<i32>} : memref<64x128xf32, #tpu.memory_space<vmem>>, vector<16xf32>,
          %mul3A_824 = arith.mulf %unpack3A_819, %gather3A_796 : vector<16xf32>
          %swap3A_825 = arith.index_cast %add3A_795 : i32 to index
          %swap3A_826 = arith.constant 48 : index
          %swap3A_827 = tpu.vector_load %arg15[%swap3A_825, %swap3A_826] {strides = array<i32>} : memref<64x128xf32, #tpu.memory_space<vmem>>, vector<16xf32>,
          tpu.vector_store %arg15[%swap3A_825, %swap3A_826], %mul3A_824 {strides = array<i32>} : memref<64x128xf32, #tpu.memory_space<vmem>>, vector<16xf32>,
          %get3A_828 = arith.index_cast %add3A_795 : i32 to index
          %get3A_829 = arith.constant 64 : index
          %get3A_830 = tpu.vector_load %arg13[%get3A_828, %get3A_829] {strides = array<i32>} : memref<64x128xbf16, #tpu.memory_space<vmem>>, vector<32xbf16>,
          %unpack3A_831 = tpu.unpack_subelements %get3A_830, 0 {pack_format = #tpu.pack_format<interleaved>} : vector<32xbf16> -> vector<16xf32>
          %unpack3A_832 = tpu.unpack_subelements %get3A_830, 1 {pack_format = #tpu.pack_format<interleaved>} : vector<32xbf16> -> vector<16xf32>
          %mul3A_833 = arith.mulf %unpack3A_831, %gather3A_796 : vector<16xf32>
          %swap3A_834 = arith.index_cast %add3A_795 : i32 to index
          %swap3A_835 = arith.constant 64 : index
          %swap3A_836 = tpu.vector_load %arg15[%swap3A_834, %swap3A_835] {strides = array<i32>} : memref<64x128xf32, #tpu.memory_space<vmem>>, vector<16xf32>,
          tpu.vector_store %arg15[%swap3A_834, %swap3A_835], %mul3A_833 {strides = array<i32>} : memref<64x128xf32, #tpu.memory_space<vmem>>, vector<16xf32>,
          %mul3A_837 = arith.mulf %unpack3A_832, %gather3A_796 : vector<16xf32>
          %swap3A_838 = arith.index_cast %add3A_795 : i32 to index
          %swap3A_839 = arith.constant 80 : index
          %swap3A_840 = tpu.vector_load %arg15[%swap3A_838, %swap3A_839] {strides = array<i32>} : memref<64x128xf32, #tpu.memory_space<vmem>>, vector<16xf32>,
          tpu.vector_store %arg15[%swap3A_838, %swap3A_839], %mul3A_837 {strides = array<i32>} : memref<64x128xf32, #tpu.memory_space<vmem>>, vector<16xf32>,
          %get3A_841 = arith.index_cast %add3A_795 : i32 to index
          %get3A_842 = arith.constant 96 : index
          %get3A_843 = tpu.vector_load %arg13[%get3A_841, %get3A_842] {strides = array<i32>} : memref<64x128xbf16, #tpu.memory_space<vmem>>, vector<32xbf16>,
          %unpack3A_844 = tpu.unpack_subelements %get3A_843, 0 {pack_format = #tpu.pack_format<interleaved>} : vector<32xbf16> -> vector<16xf32>
          %unpack3A_845 = tpu.unpack_subelements %get3A_843, 1 {pack_format = #tpu.pack_format<interleaved>} : vector<32xbf16> -> vector<16xf32>
          %mul3A_846 = arith.mulf %unpack3A_844, %gather3A_796 : vector<16xf32>
          %swap3A_847 = arith.index_cast %add3A_795 : i32 to index
          %swap3A_848 = arith.constant 96 : index
          %swap3A_849 = tpu.vector_load %arg15[%swap3A_847, %swap3A_848] {strides = array<i32>} : memref<64x128xf32, #tpu.memory_space<vmem>>, vector<16xf32>,
          tpu.vector_store %arg15[%swap3A_847, %swap3A_848], %mul3A_846 {strides = array<i32>} : memref<64x128xf32, #tpu.memory_space<vmem>>, vector<16xf32>,
          %mul3A_850 = arith.mulf %unpack3A_845, %gather3A_796 : vector<16xf32>
          %swap3A_851 = arith.index_cast %add3A_795 : i32 to index
          %swap3A_852 = arith.constant 112 : index
          %swap3A_853 = tpu.vector_load %arg15[%swap3A_851, %swap3A_852] {strides = array<i32>} : memref<64x128xf32, #tpu.memory_space<vmem>>, vector<16xf32>,
          tpu.vector_store %arg15[%swap3A_851, %swap3A_852], %mul3A_850 {strides = array<i32>} : memref<64x128xf32, #tpu.memory_space<vmem>>, vector<16xf32>,
          %mul3A_854 = arith.constant 16 : i32
          %mul3A_855 = arith.muli %scan3A_152, %mul3A_854 : i32
          %add3A_856 = arith.constant 11 : i32
          %add3A_857 = arith.addi %mul3A_855, %add3A_856 : i32
          %gather3A_858 = tpu.vector_load_idx %arg17[%add3A_63] : memref<16xf32, #tpu.memory_space<vmem>>[vector<16xi32>], vector<16xf32>,
          %add3A_859 = vector.broadcast %add3A_110 : i32 to vector<16xi32>
          %add3A_860 = arith.addi %select_n3A, %add3A_859 : vector<16xi32>
          %add3A_861 = vector.broadcast %add3A_857 : i32 to vector<16xi32>
          %add3A_862 = arith.addi %select_n3A, %add3A_861 : vector<16xi32>
          %gather3A_863 = tpu.vector_load_idx %arg11[%add3A_860, %add3A_862] : memref<20x64xi32, #tpu.memory_space<vmem>>[vector<16xi32>, vector<16xi32>], vector<16xi32>,
          tpu.vector_store_idx %arg18[%gather3A_863], %gather3A_858 masked %lt3A_77 {add = true} : memref<10240xf32, #tpu.memory_space<vmem>>[vector<16xi32>], vector<16xf32>, vector<16xi1>
          %get3A_864 = arith.index_cast %add3A_857 : i32 to index
          %get3A_865 = arith.constant 0 : index
          %get3A_866 = tpu.vector_load %arg13[%get3A_864, %get3A_865] {strides = array<i32>} : memref<64x128xbf16, #tpu.memory_space<vmem>>, vector<32xbf16>,
          %unpack3A_867 = tpu.unpack_subelements %get3A_866, 0 {pack_format = #tpu.pack_format<interleaved>} : vector<32xbf16> -> vector<16xf32>
          %unpack3A_868 = tpu.unpack_subelements %get3A_866, 1 {pack_format = #tpu.pack_format<interleaved>} : vector<32xbf16> -> vector<16xf32>
          %mul3A_869 = arith.mulf %unpack3A_867, %gather3A_858 : vector<16xf32>
          %swap3A_870 = arith.index_cast %add3A_857 : i32 to index
          %swap3A_871 = arith.constant 0 : index
          %swap3A_872 = tpu.vector_load %arg15[%swap3A_870, %swap3A_871] {strides = array<i32>} : memref<64x128xf32, #tpu.memory_space<vmem>>, vector<16xf32>,
          tpu.vector_store %arg15[%swap3A_870, %swap3A_871], %mul3A_869 {strides = array<i32>} : memref<64x128xf32, #tpu.memory_space<vmem>>, vector<16xf32>,
          %mul3A_873 = arith.mulf %unpack3A_868, %gather3A_858 : vector<16xf32>
          %swap3A_874 = arith.index_cast %add3A_857 : i32 to index
          %swap3A_875 = arith.constant 16 : index
          %swap3A_876 = tpu.vector_load %arg15[%swap3A_874, %swap3A_875] {strides = array<i32>} : memref<64x128xf32, #tpu.memory_space<vmem>>, vector<16xf32>,
          tpu.vector_store %arg15[%swap3A_874, %swap3A_875], %mul3A_873 {strides = array<i32>} : memref<64x128xf32, #tpu.memory_space<vmem>>, vector<16xf32>,
          %get3A_877 = arith.index_cast %add3A_857 : i32 to index
          %get3A_878 = arith.constant 32 : index
          %get3A_879 = tpu.vector_load %arg13[%get3A_877, %get3A_878] {strides = array<i32>} : memref<64x128xbf16, #tpu.memory_space<vmem>>, vector<32xbf16>,
          %unpack3A_880 = tpu.unpack_subelements %get3A_879, 0 {pack_format = #tpu.pack_format<interleaved>} : vector<32xbf16> -> vector<16xf32>
          %unpack3A_881 = tpu.unpack_subelements %get3A_879, 1 {pack_format = #tpu.pack_format<interleaved>} : vector<32xbf16> -> vector<16xf32>
          %mul3A_882 = arith.mulf %unpack3A_880, %gather3A_858 : vector<16xf32>
          %swap3A_883 = arith.index_cast %add3A_857 : i32 to index
          %swap3A_884 = arith.constant 32 : index
          %swap3A_885 = tpu.vector_load %arg15[%swap3A_883, %swap3A_884] {strides = array<i32>} : memref<64x128xf32, #tpu.memory_space<vmem>>, vector<16xf32>,
          tpu.vector_store %arg15[%swap3A_883, %swap3A_884], %mul3A_882 {strides = array<i32>} : memref<64x128xf32, #tpu.memory_space<vmem>>, vector<16xf32>,
          %mul3A_886 = arith.mulf %unpack3A_881, %gather3A_858 : vector<16xf32>
          %swap3A_887 = arith.index_cast %add3A_857 : i32 to index
          %swap3A_888 = arith.constant 48 : index
          %swap3A_889 = tpu.vector_load %arg15[%swap3A_887, %swap3A_888] {strides = array<i32>} : memref<64x128xf32, #tpu.memory_space<vmem>>, vector<16xf32>,
          tpu.vector_store %arg15[%swap3A_887, %swap3A_888], %mul3A_886 {strides = array<i32>} : memref<64x128xf32, #tpu.memory_space<vmem>>, vector<16xf32>,
          %get3A_890 = arith.index_cast %add3A_857 : i32 to index
          %get3A_891 = arith.constant 64 : index
          %get3A_892 = tpu.vector_load %arg13[%get3A_890, %get3A_891] {strides = array<i32>} : memref<64x128xbf16, #tpu.memory_space<vmem>>, vector<32xbf16>,
          %unpack3A_893 = tpu.unpack_subelements %get3A_892, 0 {pack_format = #tpu.pack_format<interleaved>} : vector<32xbf16> -> vector<16xf32>
          %unpack3A_894 = tpu.unpack_subelements %get3A_892, 1 {pack_format = #tpu.pack_format<interleaved>} : vector<32xbf16> -> vector<16xf32>
          %mul3A_895 = arith.mulf %unpack3A_893, %gather3A_858 : vector<16xf32>
          %swap3A_896 = arith.index_cast %add3A_857 : i32 to index
          %swap3A_897 = arith.constant 64 : index
          %swap3A_898 = tpu.vector_load %arg15[%swap3A_896, %swap3A_897] {strides = array<i32>} : memref<64x128xf32, #tpu.memory_space<vmem>>, vector<16xf32>,
          tpu.vector_store %arg15[%swap3A_896, %swap3A_897], %mul3A_895 {strides = array<i32>} : memref<64x128xf32, #tpu.memory_space<vmem>>, vector<16xf32>,
          %mul3A_899 = arith.mulf %unpack3A_894, %gather3A_858 : vector<16xf32>
          %swap3A_900 = arith.index_cast %add3A_857 : i32 to index
          %swap3A_901 = arith.constant 80 : index
          %swap3A_902 = tpu.vector_load %arg15[%swap3A_900, %swap3A_901] {strides = array<i32>} : memref<64x128xf32, #tpu.memory_space<vmem>>, vector<16xf32>,
          tpu.vector_store %arg15[%swap3A_900, %swap3A_901], %mul3A_899 {strides = array<i32>} : memref<64x128xf32, #tpu.memory_space<vmem>>, vector<16xf32>,
          %get3A_903 = arith.index_cast %add3A_857 : i32 to index
          %get3A_904 = arith.constant 96 : index
          %get3A_905 = tpu.vector_load %arg13[%get3A_903, %get3A_904] {strides = array<i32>} : memref<64x128xbf16, #tpu.memory_space<vmem>>, vector<32xbf16>,
          %unpack3A_906 = tpu.unpack_subelements %get3A_905, 0 {pack_format = #tpu.pack_format<interleaved>} : vector<32xbf16> -> vector<16xf32>
          %unpack3A_907 = tpu.unpack_subelements %get3A_905, 1 {pack_format = #tpu.pack_format<interleaved>} : vector<32xbf16> -> vector<16xf32>
          %mul3A_908 = arith.mulf %unpack3A_906, %gather3A_858 : vector<16xf32>
          %swap3A_909 = arith.index_cast %add3A_857 : i32 to index
          %swap3A_910 = arith.constant 96 : index
          %swap3A_911 = tpu.vector_load %arg15[%swap3A_909, %swap3A_910] {strides = array<i32>} : memref<64x128xf32, #tpu.memory_space<vmem>>, vector<16xf32>,
          tpu.vector_store %arg15[%swap3A_909, %swap3A_910], %mul3A_908 {strides = array<i32>} : memref<64x128xf32, #tpu.memory_space<vmem>>, vector<16xf32>,
          %mul3A_912 = arith.mulf %unpack3A_907, %gather3A_858 : vector<16xf32>
          %swap3A_913 = arith.index_cast %add3A_857 : i32 to index
          %swap3A_914 = arith.constant 112 : index
          %swap3A_915 = tpu.vector_load %arg15[%swap3A_913, %swap3A_914] {strides = array<i32>} : memref<64x128xf32, #tpu.memory_space<vmem>>, vector<16xf32>,
          tpu.vector_store %arg15[%swap3A_913, %swap3A_914], %mul3A_912 {strides = array<i32>} : memref<64x128xf32, #tpu.memory_space<vmem>>, vector<16xf32>,
          %mul3A_916 = arith.constant 16 : i32
          %mul3A_917 = arith.muli %scan3A_152, %mul3A_916 : i32
          %add3A_918 = arith.constant 12 : i32
          %add3A_919 = arith.addi %mul3A_917, %add3A_918 : i32
          %gather3A_920 = tpu.vector_load_idx %arg17[%add3A_66] : memref<16xf32, #tpu.memory_space<vmem>>[vector<16xi32>], vector<16xf32>,
          %add3A_921 = vector.broadcast %add3A_110 : i32 to vector<16xi32>
          %add3A_922 = arith.addi %select_n3A, %add3A_921 : vector<16xi32>
          %add3A_923 = vector.broadcast %add3A_919 : i32 to vector<16xi32>
          %add3A_924 = arith.addi %select_n3A, %add3A_923 : vector<16xi32>
          %gather3A_925 = tpu.vector_load_idx %arg11[%add3A_922, %add3A_924] : memref<20x64xi32, #tpu.memory_space<vmem>>[vector<16xi32>, vector<16xi32>], vector<16xi32>,
          tpu.vector_store_idx %arg18[%gather3A_925], %gather3A_920 masked %lt3A_77 {add = true} : memref<10240xf32, #tpu.memory_space<vmem>>[vector<16xi32>], vector<16xf32>, vector<16xi1>
          %get3A_926 = arith.index_cast %add3A_919 : i32 to index
          %get3A_927 = arith.constant 0 : index
          %get3A_928 = tpu.vector_load %arg13[%get3A_926, %get3A_927] {strides = array<i32>} : memref<64x128xbf16, #tpu.memory_space<vmem>>, vector<32xbf16>,
          %unpack3A_929 = tpu.unpack_subelements %get3A_928, 0 {pack_format = #tpu.pack_format<interleaved>} : vector<32xbf16> -> vector<16xf32>
          %unpack3A_930 = tpu.unpack_subelements %get3A_928, 1 {pack_format = #tpu.pack_format<interleaved>} : vector<32xbf16> -> vector<16xf32>
          %mul3A_931 = arith.mulf %unpack3A_929, %gather3A_920 : vector<16xf32>
          %swap3A_932 = arith.index_cast %add3A_919 : i32 to index
          %swap3A_933 = arith.constant 0 : index
          %swap3A_934 = tpu.vector_load %arg15[%swap3A_932, %swap3A_933] {strides = array<i32>} : memref<64x128xf32, #tpu.memory_space<vmem>>, vector<16xf32>,
          tpu.vector_store %arg15[%swap3A_932, %swap3A_933], %mul3A_931 {strides = array<i32>} : memref<64x128xf32, #tpu.memory_space<vmem>>, vector<16xf32>,
          %mul3A_935 = arith.mulf %unpack3A_930, %gather3A_920 : vector<16xf32>
          %swap3A_936 = arith.index_cast %add3A_919 : i32 to index
          %swap3A_937 = arith.constant 16 : index
          %swap3A_938 = tpu.vector_load %arg15[%swap3A_936, %swap3A_937] {strides = array<i32>} : memref<64x128xf32, #tpu.memory_space<vmem>>, vector<16xf32>,
          tpu.vector_store %arg15[%swap3A_936, %swap3A_937], %mul3A_935 {strides = array<i32>} : memref<64x128xf32, #tpu.memory_space<vmem>>, vector<16xf32>,
          %get3A_939 = arith.index_cast %add3A_919 : i32 to index
          %get3A_940 = arith.constant 32 : index
          %get3A_941 = tpu.vector_load %arg13[%get3A_939, %get3A_940] {strides = array<i32>} : memref<64x128xbf16, #tpu.memory_space<vmem>>, vector<32xbf16>,
          %unpack3A_942 = tpu.unpack_subelements %get3A_941, 0 {pack_format = #tpu.pack_format<interleaved>} : vector<32xbf16> -> vector<16xf32>
          %unpack3A_943 = tpu.unpack_subelements %get3A_941, 1 {pack_format = #tpu.pack_format<interleaved>} : vector<32xbf16> -> vector<16xf32>
          %mul3A_944 = arith.mulf %unpack3A_942, %gather3A_920 : vector<16xf32>
          %swap3A_945 = arith.index_cast %add3A_919 : i32 to index
          %swap3A_946 = arith.constant 32 : index
          %swap3A_947 = tpu.vector_load %arg15[%swap3A_945, %swap3A_946] {strides = array<i32>} : memref<64x128xf32, #tpu.memory_space<vmem>>, vector<16xf32>,
          tpu.vector_store %arg15[%swap3A_945, %swap3A_946], %mul3A_944 {strides = array<i32>} : memref<64x128xf32, #tpu.memory_space<vmem>>, vector<16xf32>,
          %mul3A_948 = arith.mulf %unpack3A_943, %gather3A_920 : vector<16xf32>
          %swap3A_949 = arith.index_cast %add3A_919 : i32 to index
          %swap3A_950 = arith.constant 48 : index
          %swap3A_951 = tpu.vector_load %arg15[%swap3A_949, %swap3A_950] {strides = array<i32>} : memref<64x128xf32, #tpu.memory_space<vmem>>, vector<16xf32>,
          tpu.vector_store %arg15[%swap3A_949, %swap3A_950], %mul3A_948 {strides = array<i32>} : memref<64x128xf32, #tpu.memory_space<vmem>>, vector<16xf32>,
          %get3A_952 = arith.index_cast %add3A_919 : i32 to index
          %get3A_953 = arith.constant 64 : index
          %get3A_954 = tpu.vector_load %arg13[%get3A_952, %get3A_953] {strides = array<i32>} : memref<64x128xbf16, #tpu.memory_space<vmem>>, vector<32xbf16>,
          %unpack3A_955 = tpu.unpack_subelements %get3A_954, 0 {pack_format = #tpu.pack_format<interleaved>} : vector<32xbf16> -> vector<16xf32>
          %unpack3A_956 = tpu.unpack_subelements %get3A_954, 1 {pack_format = #tpu.pack_format<interleaved>} : vector<32xbf16> -> vector<16xf32>
          %mul3A_957 = arith.mulf %unpack3A_955, %gather3A_920 : vector<16xf32>
          %swap3A_958 = arith.index_cast %add3A_919 : i32 to index
          %swap3A_959 = arith.constant 64 : index
          %swap3A_960 = tpu.vector_load %arg15[%swap3A_958, %swap3A_959] {strides = array<i32>} : memref<64x128xf32, #tpu.memory_space<vmem>>, vector<16xf32>,
          tpu.vector_store %arg15[%swap3A_958, %swap3A_959], %mul3A_957 {strides = array<i32>} : memref<64x128xf32, #tpu.memory_space<vmem>>, vector<16xf32>,
          %mul3A_961 = arith.mulf %unpack3A_956, %gather3A_920 : vector<16xf32>
          %swap3A_962 = arith.index_cast %add3A_919 : i32 to index
          %swap3A_963 = arith.constant 80 : index
          %swap3A_964 = tpu.vector_load %arg15[%swap3A_962, %swap3A_963] {strides = array<i32>} : memref<64x128xf32, #tpu.memory_space<vmem>>, vector<16xf32>,
          tpu.vector_store %arg15[%swap3A_962, %swap3A_963], %mul3A_961 {strides = array<i32>} : memref<64x128xf32, #tpu.memory_space<vmem>>, vector<16xf32>,
          %get3A_965 = arith.index_cast %add3A_919 : i32 to index
          %get3A_966 = arith.constant 96 : index
          %get3A_967 = tpu.vector_load %arg13[%get3A_965, %get3A_966] {strides = array<i32>} : memref<64x128xbf16, #tpu.memory_space<vmem>>, vector<32xbf16>,
          %unpack3A_968 = tpu.unpack_subelements %get3A_967, 0 {pack_format = #tpu.pack_format<interleaved>} : vector<32xbf16> -> vector<16xf32>
          %unpack3A_969 = tpu.unpack_subelements %get3A_967, 1 {pack_format = #tpu.pack_format<interleaved>} : vector<32xbf16> -> vector<16xf32>
          %mul3A_970 = arith.mulf %unpack3A_968, %gather3A_920 : vector<16xf32>
          %swap3A_971 = arith.index_cast %add3A_919 : i32 to index
          %swap3A_972 = arith.constant 96 : index
          %swap3A_973 = tpu.vector_load %arg15[%swap3A_971, %swap3A_972] {strides = array<i32>} : memref<64x128xf32, #tpu.memory_space<vmem>>, vector<16xf32>,
          tpu.vector_store %arg15[%swap3A_971, %swap3A_972], %mul3A_970 {strides = array<i32>} : memref<64x128xf32, #tpu.memory_space<vmem>>, vector<16xf32>,
          %mul3A_974 = arith.mulf %unpack3A_969, %gather3A_920 : vector<16xf32>
          %swap3A_975 = arith.index_cast %add3A_919 : i32 to index
          %swap3A_976 = arith.constant 112 : index
          %swap3A_977 = tpu.vector_load %arg15[%swap3A_975, %swap3A_976] {strides = array<i32>} : memref<64x128xf32, #tpu.memory_space<vmem>>, vector<16xf32>,
          tpu.vector_store %arg15[%swap3A_975, %swap3A_976], %mul3A_974 {strides = array<i32>} : memref<64x128xf32, #tpu.memory_space<vmem>>, vector<16xf32>,
          %mul3A_978 = arith.constant 16 : i32
          %mul3A_979 = arith.muli %scan3A_152, %mul3A_978 : i32
          %add3A_980 = arith.constant 13 : i32
          %add3A_981 = arith.addi %mul3A_979, %add3A_980 : i32
          %gather3A_982 = tpu.vector_load_idx %arg17[%add3A_69] : memref<16xf32, #tpu.memory_space<vmem>>[vector<16xi32>], vector<16xf32>,
          %add3A_983 = vector.broadcast %add3A_110 : i32 to vector<16xi32>
          %add3A_984 = arith.addi %select_n3A, %add3A_983 : vector<16xi32>
          %add3A_985 = vector.broadcast %add3A_981 : i32 to vector<16xi32>
          %add3A_986 = arith.addi %select_n3A, %add3A_985 : vector<16xi32>
          %gather3A_987 = tpu.vector_load_idx %arg11[%add3A_984, %add3A_986] : memref<20x64xi32, #tpu.memory_space<vmem>>[vector<16xi32>, vector<16xi32>], vector<16xi32>,
          tpu.vector_store_idx %arg18[%gather3A_987], %gather3A_982 masked %lt3A_77 {add = true} : memref<10240xf32, #tpu.memory_space<vmem>>[vector<16xi32>], vector<16xf32>, vector<16xi1>
          %get3A_988 = arith.index_cast %add3A_981 : i32 to index
          %get3A_989 = arith.constant 0 : index
          %get3A_990 = tpu.vector_load %arg13[%get3A_988, %get3A_989] {strides = array<i32>} : memref<64x128xbf16, #tpu.memory_space<vmem>>, vector<32xbf16>,
          %unpack3A_991 = tpu.unpack_subelements %get3A_990, 0 {pack_format = #tpu.pack_format<interleaved>} : vector<32xbf16> -> vector<16xf32>
          %unpack3A_992 = tpu.unpack_subelements %get3A_990, 1 {pack_format = #tpu.pack_format<interleaved>} : vector<32xbf16> -> vector<16xf32>
          %mul3A_993 = arith.mulf %unpack3A_991, %gather3A_982 : vector<16xf32>
          %swap3A_994 = arith.index_cast %add3A_981 : i32 to index
          %swap3A_995 = arith.constant 0 : index
          %swap3A_996 = tpu.vector_load %arg15[%swap3A_994, %swap3A_995] {strides = array<i32>} : memref<64x128xf32, #tpu.memory_space<vmem>>, vector<16xf32>,
          tpu.vector_store %arg15[%swap3A_994, %swap3A_995], %mul3A_993 {strides = array<i32>} : memref<64x128xf32, #tpu.memory_space<vmem>>, vector<16xf32>,
          %mul3A_997 = arith.mulf %unpack3A_992, %gather3A_982 : vector<16xf32>
          %swap3A_998 = arith.index_cast %add3A_981 : i32 to index
          %swap3A_999 = arith.constant 16 : index
          %swap3A_1000 = tpu.vector_load %arg15[%swap3A_998, %swap3A_999] {strides = array<i32>} : memref<64x128xf32, #tpu.memory_space<vmem>>, vector<16xf32>,
          tpu.vector_store %arg15[%swap3A_998, %swap3A_999], %mul3A_997 {strides = array<i32>} : memref<64x128xf32, #tpu.memory_space<vmem>>, vector<16xf32>,
          %get3A_1001 = arith.index_cast %add3A_981 : i32 to index
          %get3A_1002 = arith.constant 32 : index
          %get3A_1003 = tpu.vector_load %arg13[%get3A_1001, %get3A_1002] {strides = array<i32>} : memref<64x128xbf16, #tpu.memory_space<vmem>>, vector<32xbf16>,
          %unpack3A_1004 = tpu.unpack_subelements %get3A_1003, 0 {pack_format = #tpu.pack_format<interleaved>} : vector<32xbf16> -> vector<16xf32>
          %unpack3A_1005 = tpu.unpack_subelements %get3A_1003, 1 {pack_format = #tpu.pack_format<interleaved>} : vector<32xbf16> -> vector<16xf32>
          %mul3A_1006 = arith.mulf %unpack3A_1004, %gather3A_982 : vector<16xf32>
          %swap3A_1007 = arith.index_cast %add3A_981 : i32 to index
          %swap3A_1008 = arith.constant 32 : index
          %swap3A_1009 = tpu.vector_load %arg15[%swap3A_1007, %swap3A_1008] {strides = array<i32>} : memref<64x128xf32, #tpu.memory_space<vmem>>, vector<16xf32>,
          tpu.vector_store %arg15[%swap3A_1007, %swap3A_1008], %mul3A_1006 {strides = array<i32>} : memref<64x128xf32, #tpu.memory_space<vmem>>, vector<16xf32>,
          %mul3A_1010 = arith.mulf %unpack3A_1005, %gather3A_982 : vector<16xf32>
          %swap3A_1011 = arith.index_cast %add3A_981 : i32 to index
          %swap3A_1012 = arith.constant 48 : index
          %swap3A_1013 = tpu.vector_load %arg15[%swap3A_1011, %swap3A_1012] {strides = array<i32>} : memref<64x128xf32, #tpu.memory_space<vmem>>, vector<16xf32>,
          tpu.vector_store %arg15[%swap3A_1011, %swap3A_1012], %mul3A_1010 {strides = array<i32>} : memref<64x128xf32, #tpu.memory_space<vmem>>, vector<16xf32>,
          %get3A_1014 = arith.index_cast %add3A_981 : i32 to index
          %get3A_1015 = arith.constant 64 : index
          %get3A_1016 = tpu.vector_load %arg13[%get3A_1014, %get3A_1015] {strides = array<i32>} : memref<64x128xbf16, #tpu.memory_space<vmem>>, vector<32xbf16>,
          %unpack3A_1017 = tpu.unpack_subelements %get3A_1016, 0 {pack_format = #tpu.pack_format<interleaved>} : vector<32xbf16> -> vector<16xf32>
          %unpack3A_1018 = tpu.unpack_subelements %get3A_1016, 1 {pack_format = #tpu.pack_format<interleaved>} : vector<32xbf16> -> vector<16xf32>
          %mul3A_1019 = arith.mulf %unpack3A_1017, %gather3A_982 : vector<16xf32>
          %swap3A_1020 = arith.index_cast %add3A_981 : i32 to index
          %swap3A_1021 = arith.constant 64 : index
          %swap3A_1022 = tpu.vector_load %arg15[%swap3A_1020, %swap3A_1021] {strides = array<i32>} : memref<64x128xf32, #tpu.memory_space<vmem>>, vector<16xf32>,
          tpu.vector_store %arg15[%swap3A_1020, %swap3A_1021], %mul3A_1019 {strides = array<i32>} : memref<64x128xf32, #tpu.memory_space<vmem>>, vector<16xf32>,
          %mul3A_1023 = arith.mulf %unpack3A_1018, %gather3A_982 : vector<16xf32>
          %swap3A_1024 = arith.index_cast %add3A_981 : i32 to index
          %swap3A_1025 = arith.constant 80 : index
          %swap3A_1026 = tpu.vector_load %arg15[%swap3A_1024, %swap3A_1025] {strides = array<i32>} : memref<64x128xf32, #tpu.memory_space<vmem>>, vector<16xf32>,
          tpu.vector_store %arg15[%swap3A_1024, %swap3A_1025], %mul3A_1023 {strides = array<i32>} : memref<64x128xf32, #tpu.memory_space<vmem>>, vector<16xf32>,
          %get3A_1027 = arith.index_cast %add3A_981 : i32 to index
          %get3A_1028 = arith.constant 96 : index
          %get3A_1029 = tpu.vector_load %arg13[%get3A_1027, %get3A_1028] {strides = array<i32>} : memref<64x128xbf16, #tpu.memory_space<vmem>>, vector<32xbf16>,
          %unpack3A_1030 = tpu.unpack_subelements %get3A_1029, 0 {pack_format = #tpu.pack_format<interleaved>} : vector<32xbf16> -> vector<16xf32>
          %unpack3A_1031 = tpu.unpack_subelements %get3A_1029, 1 {pack_format = #tpu.pack_format<interleaved>} : vector<32xbf16> -> vector<16xf32>
          %mul3A_1032 = arith.mulf %unpack3A_1030, %gather3A_982 : vector<16xf32>
          %swap3A_1033 = arith.index_cast %add3A_981 : i32 to index
          %swap3A_1034 = arith.constant 96 : index
          %swap3A_1035 = tpu.vector_load %arg15[%swap3A_1033, %swap3A_1034] {strides = array<i32>} : memref<64x128xf32, #tpu.memory_space<vmem>>, vector<16xf32>,
          tpu.vector_store %arg15[%swap3A_1033, %swap3A_1034], %mul3A_1032 {strides = array<i32>} : memref<64x128xf32, #tpu.memory_space<vmem>>, vector<16xf32>,
          %mul3A_1036 = arith.mulf %unpack3A_1031, %gather3A_982 : vector<16xf32>
          %swap3A_1037 = arith.index_cast %add3A_981 : i32 to index
          %swap3A_1038 = arith.constant 112 : index
          %swap3A_1039 = tpu.vector_load %arg15[%swap3A_1037, %swap3A_1038] {strides = array<i32>} : memref<64x128xf32, #tpu.memory_space<vmem>>, vector<16xf32>,
          tpu.vector_store %arg15[%swap3A_1037, %swap3A_1038], %mul3A_1036 {strides = array<i32>} : memref<64x128xf32, #tpu.memory_space<vmem>>, vector<16xf32>,
          %mul3A_1040 = arith.constant 16 : i32
          %mul3A_1041 = arith.muli %scan3A_152, %mul3A_1040 : i32
          %add3A_1042 = arith.constant 14 : i32
          %add3A_1043 = arith.addi %mul3A_1041, %add3A_1042 : i32
          %gather3A_1044 = tpu.vector_load_idx %arg17[%add3A_72] : memref<16xf32, #tpu.memory_space<vmem>>[vector<16xi32>], vector<16xf32>,
          %add3A_1045 = vector.broadcast %add3A_110 : i32 to vector<16xi32>
          %add3A_1046 = arith.addi %select_n3A, %add3A_1045 : vector<16xi32>
          %add3A_1047 = vector.broadcast %add3A_1043 : i32 to vector<16xi32>
          %add3A_1048 = arith.addi %select_n3A, %add3A_1047 : vector<16xi32>
          %gather3A_1049 = tpu.vector_load_idx %arg11[%add3A_1046, %add3A_1048] : memref<20x64xi32, #tpu.memory_space<vmem>>[vector<16xi32>, vector<16xi32>], vector<16xi32>,
          tpu.vector_store_idx %arg18[%gather3A_1049], %gather3A_1044 masked %lt3A_77 {add = true} : memref<10240xf32, #tpu.memory_space<vmem>>[vector<16xi32>], vector<16xf32>, vector<16xi1>
          %get3A_1050 = arith.index_cast %add3A_1043 : i32 to index
          %get3A_1051 = arith.constant 0 : index
          %get3A_1052 = tpu.vector_load %arg13[%get3A_1050, %get3A_1051] {strides = array<i32>} : memref<64x128xbf16, #tpu.memory_space<vmem>>, vector<32xbf16>,
          %unpack3A_1053 = tpu.unpack_subelements %get3A_1052, 0 {pack_format = #tpu.pack_format<interleaved>} : vector<32xbf16> -> vector<16xf32>
          %unpack3A_1054 = tpu.unpack_subelements %get3A_1052, 1 {pack_format = #tpu.pack_format<interleaved>} : vector<32xbf16> -> vector<16xf32>
          %mul3A_1055 = arith.mulf %unpack3A_1053, %gather3A_1044 : vector<16xf32>
          %swap3A_1056 = arith.index_cast %add3A_1043 : i32 to index
          %swap3A_1057 = arith.constant 0 : index
          %swap3A_1058 = tpu.vector_load %arg15[%swap3A_1056, %swap3A_1057] {strides = array<i32>} : memref<64x128xf32, #tpu.memory_space<vmem>>, vector<16xf32>,
          tpu.vector_store %arg15[%swap3A_1056, %swap3A_1057], %mul3A_1055 {strides = array<i32>} : memref<64x128xf32, #tpu.memory_space<vmem>>, vector<16xf32>,
          %mul3A_1059 = arith.mulf %unpack3A_1054, %gather3A_1044 : vector<16xf32>
          %swap3A_1060 = arith.index_cast %add3A_1043 : i32 to index
          %swap3A_1061 = arith.constant 16 : index
          %swap3A_1062 = tpu.vector_load %arg15[%swap3A_1060, %swap3A_1061] {strides = array<i32>} : memref<64x128xf32, #tpu.memory_space<vmem>>, vector<16xf32>,
          tpu.vector_store %arg15[%swap3A_1060, %swap3A_1061], %mul3A_1059 {strides = array<i32>} : memref<64x128xf32, #tpu.memory_space<vmem>>, vector<16xf32>,
          %get3A_1063 = arith.index_cast %add3A_1043 : i32 to index
          %get3A_1064 = arith.constant 32 : index
          %get3A_1065 = tpu.vector_load %arg13[%get3A_1063, %get3A_1064] {strides = array<i32>} : memref<64x128xbf16, #tpu.memory_space<vmem>>, vector<32xbf16>,
          %unpack3A_1066 = tpu.unpack_subelements %get3A_1065, 0 {pack_format = #tpu.pack_format<interleaved>} : vector<32xbf16> -> vector<16xf32>
          %unpack3A_1067 = tpu.unpack_subelements %get3A_1065, 1 {pack_format = #tpu.pack_format<interleaved>} : vector<32xbf16> -> vector<16xf32>
          %mul3A_1068 = arith.mulf %unpack3A_1066, %gather3A_1044 : vector<16xf32>
          %swap3A_1069 = arith.index_cast %add3A_1043 : i32 to index
          %swap3A_1070 = arith.constant 32 : index
          %swap3A_1071 = tpu.vector_load %arg15[%swap3A_1069, %swap3A_1070] {strides = array<i32>} : memref<64x128xf32, #tpu.memory_space<vmem>>, vector<16xf32>,
          tpu.vector_store %arg15[%swap3A_1069, %swap3A_1070], %mul3A_1068 {strides = array<i32>} : memref<64x128xf32, #tpu.memory_space<vmem>>, vector<16xf32>,
          %mul3A_1072 = arith.mulf %unpack3A_1067, %gather3A_1044 : vector<16xf32>
          %swap3A_1073 = arith.index_cast %add3A_1043 : i32 to index
          %swap3A_1074 = arith.constant 48 : index
          %swap3A_1075 = tpu.vector_load %arg15[%swap3A_1073, %swap3A_1074] {strides = array<i32>} : memref<64x128xf32, #tpu.memory_space<vmem>>, vector<16xf32>,
          tpu.vector_store %arg15[%swap3A_1073, %swap3A_1074], %mul3A_1072 {strides = array<i32>} : memref<64x128xf32, #tpu.memory_space<vmem>>, vector<16xf32>,
          %get3A_1076 = arith.index_cast %add3A_1043 : i32 to index
          %get3A_1077 = arith.constant 64 : index
          %get3A_1078 = tpu.vector_load %arg13[%get3A_1076, %get3A_1077] {strides = array<i32>} : memref<64x128xbf16, #tpu.memory_space<vmem>>, vector<32xbf16>,
          %unpack3A_1079 = tpu.unpack_subelements %get3A_1078, 0 {pack_format = #tpu.pack_format<interleaved>} : vector<32xbf16> -> vector<16xf32>
          %unpack3A_1080 = tpu.unpack_subelements %get3A_1078, 1 {pack_format = #tpu.pack_format<interleaved>} : vector<32xbf16> -> vector<16xf32>
          %mul3A_1081 = arith.mulf %unpack3A_1079, %gather3A_1044 : vector<16xf32>
          %swap3A_1082 = arith.index_cast %add3A_1043 : i32 to index
          %swap3A_1083 = arith.constant 64 : index
          %swap3A_1084 = tpu.vector_load %arg15[%swap3A_1082, %swap3A_1083] {strides = array<i32>} : memref<64x128xf32, #tpu.memory_space<vmem>>, vector<16xf32>,
          tpu.vector_store %arg15[%swap3A_1082, %swap3A_1083], %mul3A_1081 {strides = array<i32>} : memref<64x128xf32, #tpu.memory_space<vmem>>, vector<16xf32>,
          %mul3A_1085 = arith.mulf %unpack3A_1080, %gather3A_1044 : vector<16xf32>
          %swap3A_1086 = arith.index_cast %add3A_1043 : i32 to index
          %swap3A_1087 = arith.constant 80 : index
          %swap3A_1088 = tpu.vector_load %arg15[%swap3A_1086, %swap3A_1087] {strides = array<i32>} : memref<64x128xf32, #tpu.memory_space<vmem>>, vector<16xf32>,
          tpu.vector_store %arg15[%swap3A_1086, %swap3A_1087], %mul3A_1085 {strides = array<i32>} : memref<64x128xf32, #tpu.memory_space<vmem>>, vector<16xf32>,
          %get3A_1089 = arith.index_cast %add3A_1043 : i32 to index
          %get3A_1090 = arith.constant 96 : index
          %get3A_1091 = tpu.vector_load %arg13[%get3A_1089, %get3A_1090] {strides = array<i32>} : memref<64x128xbf16, #tpu.memory_space<vmem>>, vector<32xbf16>,
          %unpack3A_1092 = tpu.unpack_subelements %get3A_1091, 0 {pack_format = #tpu.pack_format<interleaved>} : vector<32xbf16> -> vector<16xf32>
          %unpack3A_1093 = tpu.unpack_subelements %get3A_1091, 1 {pack_format = #tpu.pack_format<interleaved>} : vector<32xbf16> -> vector<16xf32>
          %mul3A_1094 = arith.mulf %unpack3A_1092, %gather3A_1044 : vector<16xf32>
          %swap3A_1095 = arith.index_cast %add3A_1043 : i32 to index
          %swap3A_1096 = arith.constant 96 : index
          %swap3A_1097 = tpu.vector_load %arg15[%swap3A_1095, %swap3A_1096] {strides = array<i32>} : memref<64x128xf32, #tpu.memory_space<vmem>>, vector<16xf32>,
          tpu.vector_store %arg15[%swap3A_1095, %swap3A_1096], %mul3A_1094 {strides = array<i32>} : memref<64x128xf32, #tpu.memory_space<vmem>>, vector<16xf32>,
          %mul3A_1098 = arith.mulf %unpack3A_1093, %gather3A_1044 : vector<16xf32>
          %swap3A_1099 = arith.index_cast %add3A_1043 : i32 to index
          %swap3A_1100 = arith.constant 112 : index
          %swap3A_1101 = tpu.vector_load %arg15[%swap3A_1099, %swap3A_1100] {strides = array<i32>} : memref<64x128xf32, #tpu.memory_space<vmem>>, vector<16xf32>,
          tpu.vector_store %arg15[%swap3A_1099, %swap3A_1100], %mul3A_1098 {strides = array<i32>} : memref<64x128xf32, #tpu.memory_space<vmem>>, vector<16xf32>,
          %mul3A_1102 = arith.constant 16 : i32
          %mul3A_1103 = arith.muli %scan3A_152, %mul3A_1102 : i32
          %add3A_1104 = arith.constant 15 : i32
          %add3A_1105 = arith.addi %mul3A_1103, %add3A_1104 : i32
          %gather3A_1106 = tpu.vector_load_idx %arg17[%add3A_75] : memref<16xf32, #tpu.memory_space<vmem>>[vector<16xi32>], vector<16xf32>,
          %add3A_1107 = vector.broadcast %add3A_110 : i32 to vector<16xi32>
          %add3A_1108 = arith.addi %select_n3A, %add3A_1107 : vector<16xi32>
          %add3A_1109 = vector.broadcast %add3A_1105 : i32 to vector<16xi32>
          %add3A_1110 = arith.addi %select_n3A, %add3A_1109 : vector<16xi32>
          %gather3A_1111 = tpu.vector_load_idx %arg11[%add3A_1108, %add3A_1110] : memref<20x64xi32, #tpu.memory_space<vmem>>[vector<16xi32>, vector<16xi32>], vector<16xi32>,
          tpu.vector_store_idx %arg18[%gather3A_1111], %gather3A_1106 masked %lt3A_77 {add = true} : memref<10240xf32, #tpu.memory_space<vmem>>[vector<16xi32>], vector<16xf32>, vector<16xi1>
          %get3A_1112 = arith.index_cast %add3A_1105 : i32 to index
          %get3A_1113 = arith.constant 0 : index
          %get3A_1114 = tpu.vector_load %arg13[%get3A_1112, %get3A_1113] {strides = array<i32>} : memref<64x128xbf16, #tpu.memory_space<vmem>>, vector<32xbf16>,
          %unpack3A_1115 = tpu.unpack_subelements %get3A_1114, 0 {pack_format = #tpu.pack_format<interleaved>} : vector<32xbf16> -> vector<16xf32>
          %unpack3A_1116 = tpu.unpack_subelements %get3A_1114, 1 {pack_format = #tpu.pack_format<interleaved>} : vector<32xbf16> -> vector<16xf32>
          %mul3A_1117 = arith.mulf %unpack3A_1115, %gather3A_1106 : vector<16xf32>
          %swap3A_1118 = arith.index_cast %add3A_1105 : i32 to index
          %swap3A_1119 = arith.constant 0 : index
          %swap3A_1120 = tpu.vector_load %arg15[%swap3A_1118, %swap3A_1119] {strides = array<i32>} : memref<64x128xf32, #tpu.memory_space<vmem>>, vector<16xf32>,
          tpu.vector_store %arg15[%swap3A_1118, %swap3A_1119], %mul3A_1117 {strides = array<i32>} : memref<64x128xf32, #tpu.memory_space<vmem>>, vector<16xf32>,
          %mul3A_1121 = arith.mulf %unpack3A_1116, %gather3A_1106 : vector<16xf32>
          %swap3A_1122 = arith.index_cast %add3A_1105 : i32 to index
          %swap3A_1123 = arith.constant 16 : index
          %swap3A_1124 = tpu.vector_load %arg15[%swap3A_1122, %swap3A_1123] {strides = array<i32>} : memref<64x128xf32, #tpu.memory_space<vmem>>, vector<16xf32>,
          tpu.vector_store %arg15[%swap3A_1122, %swap3A_1123], %mul3A_1121 {strides = array<i32>} : memref<64x128xf32, #tpu.memory_space<vmem>>, vector<16xf32>,
          %get3A_1125 = arith.index_cast %add3A_1105 : i32 to index
          %get3A_1126 = arith.constant 32 : index
          %get3A_1127 = tpu.vector_load %arg13[%get3A_1125, %get3A_1126] {strides = array<i32>} : memref<64x128xbf16, #tpu.memory_space<vmem>>, vector<32xbf16>,
          %unpack3A_1128 = tpu.unpack_subelements %get3A_1127, 0 {pack_format = #tpu.pack_format<interleaved>} : vector<32xbf16> -> vector<16xf32>
          %unpack3A_1129 = tpu.unpack_subelements %get3A_1127, 1 {pack_format = #tpu.pack_format<interleaved>} : vector<32xbf16> -> vector<16xf32>
          %mul3A_1130 = arith.mulf %unpack3A_1128, %gather3A_1106 : vector<16xf32>
          %swap3A_1131 = arith.index_cast %add3A_1105 : i32 to index
          %swap3A_1132 = arith.constant 32 : index
          %swap3A_1133 = tpu.vector_load %arg15[%swap3A_1131, %swap3A_1132] {strides = array<i32>} : memref<64x128xf32, #tpu.memory_space<vmem>>, vector<16xf32>,
          tpu.vector_store %arg15[%swap3A_1131, %swap3A_1132], %mul3A_1130 {strides = array<i32>} : memref<64x128xf32, #tpu.memory_space<vmem>>, vector<16xf32>,
          %mul3A_1134 = arith.mulf %unpack3A_1129, %gather3A_1106 : vector<16xf32>
          %swap3A_1135 = arith.index_cast %add3A_1105 : i32 to index
          %swap3A_1136 = arith.constant 48 : index
          %swap3A_1137 = tpu.vector_load %arg15[%swap3A_1135, %swap3A_1136] {strides = array<i32>} : memref<64x128xf32, #tpu.memory_space<vmem>>, vector<16xf32>,
          tpu.vector_store %arg15[%swap3A_1135, %swap3A_1136], %mul3A_1134 {strides = array<i32>} : memref<64x128xf32, #tpu.memory_space<vmem>>, vector<16xf32>,
          %get3A_1138 = arith.index_cast %add3A_1105 : i32 to index
          %get3A_1139 = arith.constant 64 : index
          %get3A_1140 = tpu.vector_load %arg13[%get3A_1138, %get3A_1139] {strides = array<i32>} : memref<64x128xbf16, #tpu.memory_space<vmem>>, vector<32xbf16>,
          %unpack3A_1141 = tpu.unpack_subelements %get3A_1140, 0 {pack_format = #tpu.pack_format<interleaved>} : vector<32xbf16> -> vector<16xf32>
          %unpack3A_1142 = tpu.unpack_subelements %get3A_1140, 1 {pack_format = #tpu.pack_format<interleaved>} : vector<32xbf16> -> vector<16xf32>
          %mul3A_1143 = arith.mulf %unpack3A_1141, %gather3A_1106 : vector<16xf32>
          %swap3A_1144 = arith.index_cast %add3A_1105 : i32 to index
          %swap3A_1145 = arith.constant 64 : index
          %swap3A_1146 = tpu.vector_load %arg15[%swap3A_1144, %swap3A_1145] {strides = array<i32>} : memref<64x128xf32, #tpu.memory_space<vmem>>, vector<16xf32>,
          tpu.vector_store %arg15[%swap3A_1144, %swap3A_1145], %mul3A_1143 {strides = array<i32>} : memref<64x128xf32, #tpu.memory_space<vmem>>, vector<16xf32>,
          %mul3A_1147 = arith.mulf %unpack3A_1142, %gather3A_1106 : vector<16xf32>
          %swap3A_1148 = arith.index_cast %add3A_1105 : i32 to index
          %swap3A_1149 = arith.constant 80 : index
          %swap3A_1150 = tpu.vector_load %arg15[%swap3A_1148, %swap3A_1149] {strides = array<i32>} : memref<64x128xf32, #tpu.memory_space<vmem>>, vector<16xf32>,
          tpu.vector_store %arg15[%swap3A_1148, %swap3A_1149], %mul3A_1147 {strides = array<i32>} : memref<64x128xf32, #tpu.memory_space<vmem>>, vector<16xf32>,
          %get3A_1151 = arith.index_cast %add3A_1105 : i32 to index
          %get3A_1152 = arith.constant 96 : index
          %get3A_1153 = tpu.vector_load %arg13[%get3A_1151, %get3A_1152] {strides = array<i32>} : memref<64x128xbf16, #tpu.memory_space<vmem>>, vector<32xbf16>,
          %unpack3A_1154 = tpu.unpack_subelements %get3A_1153, 0 {pack_format = #tpu.pack_format<interleaved>} : vector<32xbf16> -> vector<16xf32>
          %unpack3A_1155 = tpu.unpack_subelements %get3A_1153, 1 {pack_format = #tpu.pack_format<interleaved>} : vector<32xbf16> -> vector<16xf32>
          %mul3A_1156 = arith.mulf %unpack3A_1154, %gather3A_1106 : vector<16xf32>
          %swap3A_1157 = arith.index_cast %add3A_1105 : i32 to index
          %swap3A_1158 = arith.constant 96 : index
          %swap3A_1159 = tpu.vector_load %arg15[%swap3A_1157, %swap3A_1158] {strides = array<i32>} : memref<64x128xf32, #tpu.memory_space<vmem>>, vector<16xf32>,
          tpu.vector_store %arg15[%swap3A_1157, %swap3A_1158], %mul3A_1156 {strides = array<i32>} : memref<64x128xf32, #tpu.memory_space<vmem>>, vector<16xf32>,
          %mul3A_1160 = arith.mulf %unpack3A_1155, %gather3A_1106 : vector<16xf32>
          %swap3A_1161 = arith.index_cast %add3A_1105 : i32 to index
          %swap3A_1162 = arith.constant 112 : index
          %swap3A_1163 = tpu.vector_load %arg15[%swap3A_1161, %swap3A_1162] {strides = array<i32>} : memref<64x128xf32, #tpu.memory_space<vmem>>, vector<16xf32>,
          tpu.vector_store %arg15[%swap3A_1161, %swap3A_1162], %mul3A_1160 {strides = array<i32>} : memref<64x128xf32, #tpu.memory_space<vmem>>, vector<16xf32>,
        }
        %scan3A_144 = arith.constant 4 : i32
        %add3A_145 = arith.constant 2 : i32
        %add3A_146 = arith.addi %add3A_110, %add3A_145 : i32
        %lt3A_147 = arith.constant 20 : i32
        %lt3A_148 = arith.cmpi slt, %add3A_146, %lt3A_147 : i32
        %convert_element_type3A_149 = arith.extui %lt3A_148 : i1 to i32
        %cond3A_150 = arith.constant 0 : i32
        %cond3A_151 = arith.cmpi ne, %convert_element_type3A_149, %cond3A_150 : i32
        scf.if %cond3A_151 {
          %add3A_152 = arith.constant 2 : i32
          %add3A_153 = arith.addi %add3A_110, %add3A_152 : i32
          %dma_start3A_154 = arith.constant 0 : i32
          %dma_start3A_155 = tpu.memref_slice %arg10[%add3A_153, %dma_start3A_154] : memref<20x64xi32, #tpu.memory_space<vmem>> -> memref<1x64xi32, #tpu.memory_space<vmem>>
          %dma_start3A_156 = tpu.memref_squeeze %dma_start3A_155 : memref<1x64xi32, #tpu.memory_space<vmem>> -> memref<64xi32, #tpu.memory_space<vmem>>
          %dma_start3A_157 = arith.constant 0 : i32
          %dma_start3A_158 = arith.constant 0 : i32
          %dma_start3A_159 = tpu.memref_slice %arg4[%dma_start3A_157, %dma_start3A_158] : memref<10240x128xbf16, #tpu.memory_space<hbm>> -> memref<10240x128xbf16, #tpu.memory_space<hbm>>
          tpu.enqueue_indirect_dma source(%dma_start3A_159 : memref<10240x128xbf16, #tpu.memory_space<hbm>>) target(%arg13 : memref<64x128xbf16, #tpu.memory_space<vmem>>) offsets(%dma_start3A_156 : memref<64xi32, #tpu.memory_space<vmem>>) semaphore(%arg21 : memref<!tpu.dma_semaphore, #tpu.memory_space<semaphore_mem>>)
        } else {
        }
        "tpu.region"() ({
          %run_scoped3A = tpu.sem_alloc : memref<!tpu.dma_semaphore, #tpu.memory_space<semaphore_mem>>
          %dma_start3A_152 = arith.constant 0 : i32
          %dma_start3A_153 = tpu.memref_slice %arg11[%add3A_110, %dma_start3A_152] : memref<20x64xi32, #tpu.memory_space<vmem>> -> memref<1x64xi32, #tpu.memory_space<vmem>>
          %dma_start3A_154 = tpu.memref_squeeze %dma_start3A_153 : memref<1x64xi32, #tpu.memory_space<vmem>> -> memref<64xi32, #tpu.memory_space<vmem>>
          %dma_start3A_155 = arith.constant 0 : i32
          %dma_start3A_156 = arith.constant 0 : i32
          %dma_start3A_157 = tpu.memref_slice %arg19[%dma_start3A_155, %dma_start3A_156] : memref<10240x128xf32, #tpu.memory_space<vmem_shared>> -> memref<10240x128xf32, #tpu.memory_space<vmem_shared>>
          tpu.enqueue_indirect_dma source(%arg15 : memref<64x128xf32, #tpu.memory_space<vmem>>) target(%dma_start3A_157 : memref<10240x128xf32, #tpu.memory_space<vmem_shared>>) offsets(%dma_start3A_154 : memref<64xi32, #tpu.memory_space<vmem>>) semaphore(%run_scoped3A : memref<!tpu.dma_semaphore, #tpu.memory_space<semaphore_mem>>) {add = true}
          %dma_wait3A_158 = arith.constant 0 : i32
          %dma_wait3A_159 = tpu.memref_slice %arg11[%add3A_110, %dma_wait3A_158] : memref<20x64xi32, #tpu.memory_space<vmem>> -> memref<1x64xi32, #tpu.memory_space<vmem>>
          %dma_wait3A_160 = tpu.memref_squeeze %dma_wait3A_159 : memref<1x64xi32, #tpu.memory_space<vmem>> -> memref<64xi32, #tpu.memory_space<vmem>>
          %dma_wait3A_161 = arith.constant 0 : i32
          %dma_wait3A_162 = arith.constant 0 : i32
          %dma_wait3A_163 = tpu.memref_slice %arg19[%dma_wait3A_161, %dma_wait3A_162] : memref<10240x128xf32, #tpu.memory_space<vmem_shared>> -> memref<10240x128xf32, #tpu.memory_space<vmem_shared>>
          tpu.wait_indirect_dma semaphore(%run_scoped3A : memref<!tpu.dma_semaphore, #tpu.memory_space<semaphore_mem>>) src(%arg15 : memref<64x128xf32, #tpu.memory_space<vmem>>) dst(%dma_wait3A_163 : memref<10240x128xf32, #tpu.memory_space<vmem_shared>>)
          tpu.yield
        }) : () -> ()
      }
      %scan3A_105 = arith.constant 10 : i32
    }
    %scan3A_82 = arith.constant 8 : i32
    %barrier3A_83 = arith.constant 0 : index
    tpu.barrier barrier_id(%barrier3A_83)
    %mul3A_84 = arith.constant 640 : i32
    %mul3A_85 = arith.muli %arg1, %mul3A_84 : i32
    %mul3A_86 = arith.constant 640 : i32
    %mul3A_87 = arith.muli %arg1, %mul3A_86 : i32
    "tpu.region"() ({
      %run_scoped3A = tpu.sem_alloc : memref<!tpu.dma_semaphore, #tpu.memory_space<semaphore_mem>>
      %dma_start3A = arith.constant 0 : i32
      %dma_start3A_88 = arith.constant 0 : i32
      %dma_start3A_89 = tpu.memref_slice %arg8[%arg0, %dma_start3A, %dma_start3A_88] : memref<2x10240x128xf32, #tpu.memory_space<hbm>> -> memref<1x10240x128xf32, #tpu.memory_space<hbm>>
      %dma_start3A_90 = tpu.memref_squeeze %dma_start3A_89 : memref<1x10240x128xf32, #tpu.memory_space<hbm>> -> memref<10240x128xf32, #tpu.memory_space<hbm>>
      %dma_start3A_91 = arith.constant 0 : i32
      %dma_start3A_92 = tpu.memref_slice %dma_start3A_90[%mul3A_87, %dma_start3A_91] : memref<10240x128xf32, #tpu.memory_space<hbm>> -> memref<640x128xf32, #tpu.memory_space<hbm>>
      %dma_start3A_93 = arith.constant 0 : i32
      %dma_start3A_94 = tpu.memref_slice %arg19[%mul3A_85, %dma_start3A_93] : memref<10240x128xf32, #tpu.memory_space<vmem_shared>> -> memref<640x128xf32, #tpu.memory_space<vmem_shared>>
      tpu.enqueue_dma source(%dma_start3A_94 : memref<640x128xf32, #tpu.memory_space<vmem_shared>>) target(%dma_start3A_92 : memref<640x128xf32, #tpu.memory_space<hbm>>) target_semaphore(%run_scoped3A : memref<!tpu.dma_semaphore, #tpu.memory_space<semaphore_mem>>)
      %dma_wait3A = arith.constant 0 : i32
      %dma_wait3A_95 = arith.constant 0 : i32
      %dma_wait3A_96 = tpu.memref_slice %arg8[%arg0, %dma_wait3A, %dma_wait3A_95] : memref<2x10240x128xf32, #tpu.memory_space<hbm>> -> memref<1x10240x128xf32, #tpu.memory_space<hbm>>
      %dma_wait3A_97 = tpu.memref_squeeze %dma_wait3A_96 : memref<1x10240x128xf32, #tpu.memory_space<hbm>> -> memref<10240x128xf32, #tpu.memory_space<hbm>>
      %dma_wait3A_98 = arith.constant 0 : i32
      %dma_wait3A_99 = tpu.memref_slice %dma_wait3A_97[%mul3A_87, %dma_wait3A_98] : memref<10240x128xf32, #tpu.memory_space<hbm>> -> memref<640x128xf32, #tpu.memory_space<hbm>>
      %dma_wait3A_100 = arith.constant 0 : i32
      %dma_wait3A_101 = tpu.memref_slice %arg19[%mul3A_85, %dma_wait3A_100] : memref<10240x128xf32, #tpu.memory_space<vmem_shared>> -> memref<640x128xf32, #tpu.memory_space<vmem_shared>>
      tpu.wait_dma2 semaphore(%run_scoped3A : memref<!tpu.dma_semaphore, #tpu.memory_space<semaphore_mem>>) src(%dma_wait3A_101 : memref<640x128xf32, #tpu.memory_space<vmem_shared>>) dst(%dma_wait3A_99 : memref<640x128xf32, #tpu.memory_space<hbm>>)
      tpu.yield
    }) : () -> ()
    "tpu.region"() ({
      %run_scoped3A = tpu.sem_alloc : memref<!tpu.dma_semaphore, #tpu.memory_space<semaphore_mem>>
      %dma_start3A = arith.constant 0 : i32
      %dma_start3A_88 = arith.constant 0 : i32
      %dma_start3A_89 = tpu.memref_slice %arg9[%arg0, %dma_start3A, %dma_start3A_88] : memref<2x16x10240xf32, #tpu.memory_space<hbm>> -> memref<1x16x10240xf32, #tpu.memory_space<hbm>>
      %dma_start3A_90 = tpu.memref_squeeze %dma_start3A_89 : memref<1x16x10240xf32, #tpu.memory_space<hbm>> -> memref<16x10240xf32, #tpu.memory_space<hbm>>
      %dma_start3A_91 = arith.constant 0 : i32
      %dma_start3A_92 = tpu.memref_slice %dma_start3A_90[%arg1, %dma_start3A_91] : memref<16x10240xf32, #tpu.memory_space<hbm>> -> memref<1x10240xf32, #tpu.memory_space<hbm>>
      %dma_start3A_93 = tpu.memref_squeeze %dma_start3A_92 : memref<1x10240xf32, #tpu.memory_space<hbm>> -> memref<10240xf32, #tpu.memory_space<hbm>>
      %dma_start3A_94 = arith.constant 0 : i32
      %dma_start3A_95 = arith.constant 0 : i32
      %dma_start3A_96 = tpu.memref_slice %arg9[%arg0, %dma_start3A_94, %dma_start3A_95] : memref<2x16x10240xf32, #tpu.memory_space<hbm>> -> memref<1x16x10240xf32, #tpu.memory_space<hbm>>
      %dma_start3A_97 = tpu.memref_squeeze %dma_start3A_96 : memref<1x16x10240xf32, #tpu.memory_space<hbm>> -> memref<16x10240xf32, #tpu.memory_space<hbm>>
      %dma_start3A_98 = arith.constant 0 : i32
      %dma_start3A_99 = tpu.memref_slice %dma_start3A_97[%arg1, %dma_start3A_98] : memref<16x10240xf32, #tpu.memory_space<hbm>> -> memref<1x10240xf32, #tpu.memory_space<hbm>>
      %dma_start3A_100 = tpu.memref_squeeze %dma_start3A_99 : memref<1x10240xf32, #tpu.memory_space<hbm>> -> memref<10240xf32, #tpu.memory_space<hbm>>
      tpu.enqueue_dma source(%arg18 : memref<10240xf32, #tpu.memory_space<vmem>>) target(%dma_start3A_100 : memref<10240xf32, #tpu.memory_space<hbm>>) target_semaphore(%run_scoped3A : memref<!tpu.dma_semaphore, #tpu.memory_space<semaphore_mem>>)
      %dma_wait3A = arith.constant 0 : i32
      %dma_wait3A_101 = arith.constant 0 : i32
      %dma_wait3A_102 = tpu.memref_slice %arg9[%arg0, %dma_wait3A, %dma_wait3A_101] : memref<2x16x10240xf32, #tpu.memory_space<hbm>> -> memref<1x16x10240xf32, #tpu.memory_space<hbm>>
      %dma_wait3A_103 = tpu.memref_squeeze %dma_wait3A_102 : memref<1x16x10240xf32, #tpu.memory_space<hbm>> -> memref<16x10240xf32, #tpu.memory_space<hbm>>
      %dma_wait3A_104 = arith.constant 0 : i32
      %dma_wait3A_105 = tpu.memref_slice %dma_wait3A_103[%arg1, %dma_wait3A_104] : memref<16x10240xf32, #tpu.memory_space<hbm>> -> memref<1x10240xf32, #tpu.memory_space<hbm>>
      %dma_wait3A_106 = tpu.memref_squeeze %dma_wait3A_105 : memref<1x10240xf32, #tpu.memory_space<hbm>> -> memref<10240xf32, #tpu.memory_space<hbm>>
      %dma_wait3A_107 = arith.constant 0 : i32
      %dma_wait3A_108 = arith.constant 0 : i32
      %dma_wait3A_109 = tpu.memref_slice %arg9[%arg0, %dma_wait3A_107, %dma_wait3A_108] : memref<2x16x10240xf32, #tpu.memory_space<hbm>> -> memref<1x16x10240xf32, #tpu.memory_space<hbm>>
      %dma_wait3A_110 = tpu.memref_squeeze %dma_wait3A_109 : memref<1x16x10240xf32, #tpu.memory_space<hbm>> -> memref<16x10240xf32, #tpu.memory_space<hbm>>
      %dma_wait3A_111 = arith.constant 0 : i32
      %dma_wait3A_112 = tpu.memref_slice %dma_wait3A_110[%arg1, %dma_wait3A_111] : memref<16x10240xf32, #tpu.memory_space<hbm>> -> memref<1x10240xf32, #tpu.memory_space<hbm>>
      %dma_wait3A_113 = tpu.memref_squeeze %dma_wait3A_112 : memref<1x10240xf32, #tpu.memory_space<hbm>> -> memref<10240xf32, #tpu.memory_space<hbm>>
      tpu.wait_dma2 semaphore(%run_scoped3A : memref<!tpu.dma_semaphore, #tpu.memory_space<semaphore_mem>>) src(%arg18 : memref<10240xf32, #tpu.memory_space<vmem>>) dst(%dma_wait3A_113 : memref<10240xf32, #tpu.memory_space<hbm>>)
      tpu.yield
    }) : () -> ()
    return
  }
}

module attributes {stable_mosaic.version = 14 : i64} {
  func.func @_tc_a(%arg0: memref<10240x128xf32, #tpu.memory_space<vmem>>, %arg1: memref<128x96xf32, #tpu.memory_space<vmem>>, %arg2: memref<128x16xf32, #tpu.memory_space<vmem>>, %arg3: memref<128x64xf32, #tpu.memory_space<vmem>>, %arg4: memref<128x8xf32, #tpu.memory_space<vmem>>, %arg5: memref<8x64xf32, #tpu.memory_space<vmem>>, %arg6: memref<10240x96xbf16, #tpu.memory_space<vmem>>, %arg7: memref<10240x16xf32, #tpu.memory_space<vmem>>, %arg8: memref<10240x72xf32, #tpu.memory_space<vmem>>) attributes {dimension_semantics = [], scalar_prefetch = 0 : i64, scratch_operands = 0 : i64, tpu.core_type = #tpu.core_type<tc>} {
    %get3A = arith.constant 0 : index
    %get3A_0 = arith.constant 0 : index
    %get3A_1 = vector.load %arg0[%get3A, %get3A_0] : memref<10240x128xf32, #tpu.memory_space<vmem>>, vector<10240x128xf32>
    %get3A_2 = arith.constant 0 : index
    %get3A_3 = arith.constant 0 : index
    %get3A_4 = vector.load %arg1[%get3A_2, %get3A_3] : memref<128x96xf32, #tpu.memory_space<vmem>>, vector<128x96xf32>
    %dot_general3A = arith.constant dense<0.000000e+00> : vector<10240x96xf32>
    %dot_general3A_5 = tpu.matmul %get3A_1, %get3A_4, %dot_general3A {dimension_numbers = #tpu.dot_dimension_numbers<[1], [0], [0], [1], [0, 0, 1, 1], [], []>, transpose_lhs_hint = false} : vector<10240x128xf32>, vector<128x96xf32>, vector<10240x96xf32> -> vector<10240x96xf32>
    %convert_element_type3A = arith.truncf %dot_general3A_5 : vector<10240x96xf32> to vector<10240x96xbf16>
    %swap3A = arith.constant 0 : index
    %swap3A_6 = arith.constant 0 : index
    %swap3A_7 = vector.load %arg6[%swap3A, %swap3A_6] : memref<10240x96xbf16, #tpu.memory_space<vmem>>, vector<10240x96xbf16>
    tpu.vector_store %arg6[%swap3A, %swap3A_6], %convert_element_type3A {strides = array<i32>} : memref<10240x96xbf16, #tpu.memory_space<vmem>>, vector<10240x96xbf16>,
    %get3A_8 = arith.constant 0 : index
    %get3A_9 = arith.constant 0 : index
    %get3A_10 = vector.load %arg2[%get3A_8, %get3A_9] : memref<128x16xf32, #tpu.memory_space<vmem>>, vector<128x16xf32>
    %dot_general3A_11 = arith.constant dense<0.000000e+00> : vector<10240x16xf32>
    %dot_general3A_12 = tpu.matmul %get3A_1, %get3A_10, %dot_general3A_11 {dimension_numbers = #tpu.dot_dimension_numbers<[1], [0], [0], [1], [0, 0, 1, 1], [], []>, transpose_lhs_hint = false} : vector<10240x128xf32>, vector<128x16xf32>, vector<10240x16xf32> -> vector<10240x16xf32>
    %swap3A_13 = arith.constant 0 : index
    %swap3A_14 = arith.constant 0 : index
    %swap3A_15 = vector.load %arg7[%swap3A_13, %swap3A_14] : memref<10240x16xf32, #tpu.memory_space<vmem>>, vector<10240x16xf32>
    tpu.vector_store %arg7[%swap3A_13, %swap3A_14], %dot_general3A_12 {strides = array<i32>} : memref<10240x16xf32, #tpu.memory_space<vmem>>, vector<10240x16xf32>,
    %get3A_16 = arith.constant 0 : index
    %get3A_17 = arith.constant 0 : index
    %get3A_18 = vector.load %arg3[%get3A_16, %get3A_17] : memref<128x64xf32, #tpu.memory_space<vmem>>, vector<128x64xf32>
    %dot_general3A_19 = arith.constant dense<0.000000e+00> : vector<10240x64xf32>
    %dot_general3A_20 = tpu.matmul %get3A_1, %get3A_18, %dot_general3A_19 {dimension_numbers = #tpu.dot_dimension_numbers<[1], [0], [0], [1], [0, 0, 1, 1], [], []>, transpose_lhs_hint = false} : vector<10240x128xf32>, vector<128x64xf32>, vector<10240x64xf32> -> vector<10240x64xf32>
    %get3A_21 = arith.constant 0 : index
    %get3A_22 = arith.constant 0 : index
    %get3A_23 = vector.load %arg4[%get3A_21, %get3A_22] : memref<128x8xf32, #tpu.memory_space<vmem>>, vector<128x8xf32>
    %dot_general3A_24 = arith.constant dense<0.000000e+00> : vector<10240x8xf32>
    %dot_general3A_25 = tpu.matmul %get3A_1, %get3A_23, %dot_general3A_24 {dimension_numbers = #tpu.dot_dimension_numbers<[1], [0], [0], [1], [0, 0, 1, 1], [], []>, transpose_lhs_hint = false} : vector<10240x128xf32>, vector<128x8xf32>, vector<10240x8xf32> -> vector<10240x8xf32>
    %slice3A = vector.extract_strided_slice %dot_general3A_12 {offsets = [0, 0], sizes = [10240, 8], strides = [1, 1]} : vector<10240x16xf32> to vector<10240x8xf32>
    %add3A = arith.addf %dot_general3A_25, %slice3A : vector<10240x8xf32>
    %mul3A = arith.constant 2.000000e-01 : f32
    %mul3A_26 = vector.broadcast %mul3A : f32 to vector<10240x8xf32>
    %mul3A_27 = arith.mulf %mul3A_26, %add3A : vector<10240x8xf32>
    %max3A = arith.maximumf %add3A, %mul3A_27 : vector<10240x8xf32>
    %exp3A = math.exp %max3A : vector<10240x8xf32>
    %mul3A_28 = arith.constant 5.000000e-01 : f32
    %mul3A_29 = vector.broadcast %mul3A_28 : f32 to vector<10240x8xf32>
    %mul3A_30 = arith.mulf %mul3A_29, %exp3A : vector<10240x8xf32>
    %get3A_31 = arith.constant 0 : index
    %get3A_32 = arith.constant 0 : index
    %get3A_33 = vector.load %arg5[%get3A_31, %get3A_32] : memref<8x64xf32, #tpu.memory_space<vmem>>, vector<8x64xf32>
    %dot_general3A_34 = arith.constant dense<0.000000e+00> : vector<10240x64xf32>
    %dot_general3A_35 = tpu.matmul %mul3A_30, %get3A_33, %dot_general3A_34 {dimension_numbers = #tpu.dot_dimension_numbers<[1], [0], [0], [1], [0, 0, 1, 1], [], []>, transpose_lhs_hint = false} : vector<10240x8xf32>, vector<8x64xf32>, vector<10240x64xf32> -> vector<10240x64xf32>
    %mul3A_36 = arith.mulf %dot_general3A_20, %dot_general3A_35 : vector<10240x64xf32>
    %swap3A_37 = arith.constant 0 : index
    %swap3A_38 = arith.constant 0 : index
    %swap3A_39 = vector.load %arg8[%swap3A_37, %swap3A_38] : memref<10240x72xf32, #tpu.memory_space<vmem>>, vector<10240x64xf32>
    tpu.vector_store %arg8[%swap3A_37, %swap3A_38], %mul3A_36 {strides = array<i32>} : memref<10240x72xf32, #tpu.memory_space<vmem>>, vector<10240x64xf32>,
    %swap3A_40 = arith.constant 0 : index
    %swap3A_41 = arith.constant 64 : index
    %swap3A_42 = vector.load %arg8[%swap3A_40, %swap3A_41] : memref<10240x72xf32, #tpu.memory_space<vmem>>, vector<10240x8xf32>
    tpu.vector_store %arg8[%swap3A_40, %swap3A_41], %mul3A_30 {strides = array<i32>} : memref<10240x72xf32, #tpu.memory_space<vmem>>, vector<10240x8xf32>,
    return
  }
}

module attributes {stable_mosaic.version = 14 : i64} {
  func.func @_tc_b(%arg0: memref<10240x72xf32, #tpu.memory_space<vmem>>, %arg1: memref<10240x72xf32, #tpu.memory_space<vmem>>, %arg2: memref<8x64xf32, #tpu.memory_space<vmem>>, %arg3: memref<64x128xf32, #tpu.memory_space<vmem>>, %arg4: memref<64x128xf32, #tpu.memory_space<vmem>>, %arg5: memref<64x16xf32, #tpu.memory_space<vmem>>, %arg6: memref<1x64xf32, #tpu.memory_space<vmem>>, %arg7: memref<10240x128xbf16, #tpu.memory_space<vmem>>, %arg8: memref<10240x16xf32, #tpu.memory_space<vmem>>, %arg9: memref<10240x128xf32, #tpu.memory_space<vmem>>) attributes {dimension_semantics = [], scalar_prefetch = 0 : i64, scratch_operands = 0 : i64, tpu.core_type = #tpu.core_type<tc>} {
    %get3A = arith.constant 0 : index
    %get3A_0 = arith.constant 0 : index
    %get3A_1 = vector.load %arg0[%get3A, %get3A_0] : memref<10240x72xf32, #tpu.memory_space<vmem>>, vector<10240x72xf32>
    %get3A_2 = arith.constant 0 : index
    %get3A_3 = arith.constant 0 : index
    %get3A_4 = vector.load %arg1[%get3A_2, %get3A_3] : memref<10240x72xf32, #tpu.memory_space<vmem>>, vector<10240x72xf32>
    %add3A = arith.addf %get3A_1, %get3A_4 : vector<10240x72xf32>
    %slice3A = vector.extract_strided_slice %add3A {offsets = [0, 64], sizes = [10240, 8], strides = [1, 1]} : vector<10240x72xf32> to vector<10240x8xf32>
    %get3A_5 = arith.constant 0 : index
    %get3A_6 = arith.constant 0 : index
    %get3A_7 = vector.load %arg2[%get3A_5, %get3A_6] : memref<8x64xf32, #tpu.memory_space<vmem>>, vector<8x64xf32>
    %dot_general3A = arith.constant dense<0.000000e+00> : vector<10240x64xf32>
    %dot_general3A_8 = tpu.matmul %slice3A, %get3A_7, %dot_general3A {dimension_numbers = #tpu.dot_dimension_numbers<[1], [0], [0], [1], [0, 0, 1, 1], [], []>, transpose_lhs_hint = false} : vector<10240x8xf32>, vector<8x64xf32>, vector<10240x64xf32> -> vector<10240x64xf32>
    %slice3A_9 = vector.extract_strided_slice %add3A {offsets = [0, 0], sizes = [10240, 64], strides = [1, 1]} : vector<10240x72xf32> to vector<10240x64xf32>
    %add3A_10 = arith.constant 1.000000e-16 : f32
    %add3A_11 = vector.broadcast %add3A_10 : f32 to vector<10240x64xf32>
    %add3A_12 = arith.addf %dot_general3A_8, %add3A_11 : vector<10240x64xf32>
    %div3A = arith.divf %slice3A_9, %add3A_12 : vector<10240x64xf32>
    %get3A_13 = arith.constant 0 : index
    %get3A_14 = arith.constant 0 : index
    %get3A_15 = vector.load %arg6[%get3A_13, %get3A_14] : memref<1x64xf32, #tpu.memory_space<vmem>>, vector<1x64xf32>
    %add3A_16 = vector.broadcast %get3A_15 : vector<1x64xf32> to vector<10240x64xf32>
    %add3A_17 = arith.addf %div3A, %add3A_16 : vector<10240x64xf32>
    %gt3A = arith.constant 0.000000e+00 : f32
    %gt3A_18 = vector.broadcast %gt3A : f32 to vector<10240x64xf32>
    %gt3A_19 = arith.cmpf ogt, %add3A_17, %gt3A_18 : vector<10240x64xf32>
    %exp3A = math.exp %add3A_17 : vector<10240x64xf32>
    %sub3A = arith.constant 1.000000e+00 : f32
    %sub3A_20 = vector.broadcast %sub3A : f32 to vector<10240x64xf32>
    %sub3A_21 = arith.subf %exp3A, %sub3A_20 : vector<10240x64xf32>
    %select_n3A = arith.select %gt3A_19, %add3A_17, %sub3A_21 : vector<10240x64xi1>, vector<10240x64xf32>
    %get3A_22 = arith.constant 0 : index
    %get3A_23 = arith.constant 0 : index
    %get3A_24 = vector.load %arg3[%get3A_22, %get3A_23] : memref<64x128xf32, #tpu.memory_space<vmem>>, vector<64x128xf32>
    %dot_general3A_25 = arith.constant dense<0.000000e+00> : vector<10240x128xf32>
    %dot_general3A_26 = tpu.matmul %select_n3A, %get3A_24, %dot_general3A_25 {dimension_numbers = #tpu.dot_dimension_numbers<[1], [0], [0], [1], [0, 0, 1, 1], [], []>, transpose_lhs_hint = false} : vector<10240x64xf32>, vector<64x128xf32>, vector<10240x128xf32> -> vector<10240x128xf32>
    %convert_element_type3A = arith.truncf %dot_general3A_26 : vector<10240x128xf32> to vector<10240x128xbf16>
    %swap3A = arith.constant 0 : index
    %swap3A_27 = arith.constant 0 : index
    %swap3A_28 = vector.load %arg7[%swap3A, %swap3A_27] : memref<10240x128xbf16, #tpu.memory_space<vmem>>, vector<10240x128xbf16>
    tpu.vector_store %arg7[%swap3A, %swap3A_27], %convert_element_type3A {strides = array<i32>} : memref<10240x128xbf16, #tpu.memory_space<vmem>>, vector<10240x128xbf16>,
    %get3A_29 = arith.constant 0 : index
    %get3A_30 = arith.constant 0 : index
    %get3A_31 = vector.load %arg5[%get3A_29, %get3A_30] : memref<64x16xf32, #tpu.memory_space<vmem>>, vector<64x16xf32>
    %dot_general3A_32 = arith.constant dense<0.000000e+00> : vector<10240x16xf32>
    %dot_general3A_33 = tpu.matmul %select_n3A, %get3A_31, %dot_general3A_32 {dimension_numbers = #tpu.dot_dimension_numbers<[1], [0], [0], [1], [0, 0, 1, 1], [], []>, transpose_lhs_hint = false} : vector<10240x64xf32>, vector<64x16xf32>, vector<10240x16xf32> -> vector<10240x16xf32>
    %slice3A_34 = vector.extract_strided_slice %dot_general3A_33 {offsets = [0, 0], sizes = [10240, 1], strides = [1, 1]} : vector<10240x16xf32> to vector<10240x1xf32>
    %slice3A_35 = vector.extract_strided_slice %dot_general3A_33 {offsets = [0, 1], sizes = [10240, 1], strides = [1, 1]} : vector<10240x16xf32> to vector<10240x1xf32>
    %add3A_36 = arith.addf %slice3A_34, %slice3A_35 : vector<10240x1xf32>
    %mul3A = arith.constant 2.000000e-01 : f32
    %mul3A_37 = vector.broadcast %mul3A : f32 to vector<10240x1xf32>
    %mul3A_38 = arith.mulf %mul3A_37, %add3A_36 : vector<10240x1xf32>
    %max3A = arith.maximumf %add3A_36, %mul3A_38 : vector<10240x1xf32>
    %exp3A_39 = math.exp %max3A : vector<10240x1xf32>
    %slice3A_40 = vector.extract_strided_slice %dot_general3A_33 {offsets = [0, 0], sizes = [10240, 2], strides = [1, 1]} : vector<10240x16xf32> to vector<10240x2xf32>
    %slice3A_41 = vector.extract_strided_slice %dot_general3A_33 {offsets = [0, 3], sizes = [10240, 13], strides = [1, 1]} : vector<10240x16xf32> to vector<10240x13xf32>
    %concatenate3A = tpu.concatenate %slice3A_40, %exp3A_39, %slice3A_41 in 1 : vector<10240x2xf32>, vector<10240x1xf32>, vector<10240x13xf32> -> vector<10240x16xf32>
    %swap3A_42 = arith.constant 0 : index
    %swap3A_43 = arith.constant 0 : index
    %swap3A_44 = vector.load %arg8[%swap3A_42, %swap3A_43] : memref<10240x16xf32, #tpu.memory_space<vmem>>, vector<10240x16xf32>
    tpu.vector_store %arg8[%swap3A_42, %swap3A_43], %concatenate3A {strides = array<i32>} : memref<10240x16xf32, #tpu.memory_space<vmem>>, vector<10240x16xf32>,
    %get3A_45 = arith.constant 0 : index
    %get3A_46 = arith.constant 0 : index
    %get3A_47 = vector.load %arg4[%get3A_45, %get3A_46] : memref<64x128xf32, #tpu.memory_space<vmem>>, vector<64x128xf32>
    %dot_general3A_48 = arith.constant dense<0.000000e+00> : vector<10240x128xf32>
    %dot_general3A_49 = tpu.matmul %select_n3A, %get3A_47, %dot_general3A_48 {dimension_numbers = #tpu.dot_dimension_numbers<[1], [0], [0], [1], [0, 0, 1, 1], [], []>, transpose_lhs_hint = false} : vector<10240x64xf32>, vector<64x128xf32>, vector<10240x128xf32> -> vector<10240x128xf32>
    %mul3A_50 = arith.constant 5.000000e-01 : f32
    %mul3A_51 = vector.broadcast %mul3A_50 : f32 to vector<10240x1xf32>
    %mul3A_52 = arith.mulf %mul3A_51, %exp3A_39 : vector<10240x1xf32>
    %mul3A_53 = vector.broadcast %mul3A_52 : vector<10240x1xf32> to vector<10240x128xf32>
    %mul3A_54 = arith.mulf %dot_general3A_49, %mul3A_53 : vector<10240x128xf32>
    %swap3A_55 = arith.constant 0 : index
    %swap3A_56 = arith.constant 0 : index
    %swap3A_57 = vector.load %arg9[%swap3A_55, %swap3A_56] : memref<10240x128xf32, #tpu.memory_space<vmem>>, vector<10240x128xf32>
    tpu.vector_store %arg9[%swap3A_55, %swap3A_56], %mul3A_54 {strides = array<i32>} : memref<10240x128xf32, #tpu.memory_space<vmem>>, vector<10240x128xf32>,
    return
  }
}

module attributes {stable_mosaic.version = 14 : i64} {
  func.func @_tc_c(%arg0: memref<10240x128xf32, #tpu.memory_space<vmem>>, %arg1: memref<10240x128xf32, #tpu.memory_space<vmem>>, %arg2: memref<32x10240xf32, #tpu.memory_space<vmem>>, %arg3: memref<32x1xf32, #tpu.memory_space<vmem>>, %arg4: memref<10240x16xf32, #tpu.memory_space<vmem>>, %arg5: memref<1x128xf32, #tpu.memory_space<vmem>>, %arg6: memref<10240x128xf32, #tpu.memory_space<vmem>>) attributes {dimension_semantics = [], scalar_prefetch = 0 : i64, scratch_operands = 0 : i64, tpu.core_type = #tpu.core_type<tc>} {
    %get3A = arith.constant 0 : index
    %get3A_0 = arith.constant 0 : index
    %get3A_1 = vector.load %arg2[%get3A, %get3A_0] : memref<32x10240xf32, #tpu.memory_space<vmem>>, vector<32x10240xf32>
    %get3A_2 = arith.constant 0 : index
    %get3A_3 = arith.constant 0 : index
    %get3A_4 = vector.load %arg3[%get3A_2, %get3A_3] : memref<32x1xf32, #tpu.memory_space<vmem>>, vector<32x1xf32>
    %dot_general3A = arith.constant dense<0.000000e+00> : vector<10240x1xf32>
    %dot_general3A_5 = tpu.matmul %get3A_1, %get3A_4, %dot_general3A {dimension_numbers = #tpu.dot_dimension_numbers<[0], [0], [1], [1], [0, 1, 1, 1], [], []>, transpose_lhs_hint = false} : vector<32x10240xf32>, vector<32x1xf32>, vector<10240x1xf32> -> vector<10240x1xf32>
    %get3A_6 = arith.constant 0 : index
    %get3A_7 = arith.constant 2 : index
    %get3A_8 = vector.load %arg4[%get3A_6, %get3A_7] : memref<10240x16xf32, #tpu.memory_space<vmem>>, vector<10240x1xf32>
    %add3A = arith.addf %dot_general3A_5, %get3A_8 : vector<10240x1xf32>
    %get3A_9 = arith.constant 0 : index
    %get3A_10 = arith.constant 0 : index
    %get3A_11 = vector.load %arg0[%get3A_9, %get3A_10] : memref<10240x128xf32, #tpu.memory_space<vmem>>, vector<10240x128xf32>
    %get3A_12 = arith.constant 0 : index
    %get3A_13 = arith.constant 0 : index
    %get3A_14 = vector.load %arg1[%get3A_12, %get3A_13] : memref<10240x128xf32, #tpu.memory_space<vmem>>, vector<10240x128xf32>
    %add3A_15 = arith.addf %get3A_11, %get3A_14 : vector<10240x128xf32>
    %add3A_16 = arith.constant 1.000000e-16 : f32
    %add3A_17 = vector.broadcast %add3A_16 : f32 to vector<10240x1xf32>
    %add3A_18 = arith.addf %add3A, %add3A_17 : vector<10240x1xf32>
    %div3A = vector.broadcast %add3A_18 : vector<10240x1xf32> to vector<10240x128xf32>
    %div3A_19 = arith.divf %add3A_15, %div3A : vector<10240x128xf32>
    %get3A_20 = arith.constant 0 : index
    %get3A_21 = arith.constant 0 : index
    %get3A_22 = vector.load %arg5[%get3A_20, %get3A_21] : memref<1x128xf32, #tpu.memory_space<vmem>>, vector<1x128xf32>
    %add3A_23 = vector.broadcast %get3A_22 : vector<1x128xf32> to vector<10240x128xf32>
    %add3A_24 = arith.addf %div3A_19, %add3A_23 : vector<10240x128xf32>
    %reduce_max3A = arith.constant dense<0xFF800000> : vector<10240xf32>
    %reduce_max3A_25 = vector.multi_reduction <maximumf>, %add3A_24, %reduce_max3A [1] : vector<10240x128xf32> to vector<10240xf32>
    %broadcast_in_dim3A = vector.shape_cast %reduce_max3A_25 : vector<10240xf32> to vector<10240x1xf32>
    %sub3A = vector.broadcast %broadcast_in_dim3A : vector<10240x1xf32> to vector<10240x128xf32>
    %sub3A_26 = arith.subf %add3A_24, %sub3A : vector<10240x128xf32>
    %exp3A = math.exp %sub3A_26 : vector<10240x128xf32>
    %reduce_sum3A = arith.constant dense<0.000000e+00> : vector<10240xf32>
    %reduce_sum3A_27 = vector.multi_reduction <add>, %exp3A, %reduce_sum3A [1] : vector<10240x128xf32> to vector<10240xf32>
    %broadcast_in_dim3A_28 = vector.shape_cast %reduce_sum3A_27 : vector<10240xf32> to vector<10240x1xf32>
    %log3A = math.log %broadcast_in_dim3A_28 : vector<10240x1xf32>
    %sub3A_29 = vector.broadcast %log3A : vector<10240x1xf32> to vector<10240x128xf32>
    %sub3A_30 = arith.subf %sub3A_26, %sub3A_29 : vector<10240x128xf32>
    %swap3A = arith.constant 0 : index
    %swap3A_31 = arith.constant 0 : index
    %swap3A_32 = vector.load %arg6[%swap3A, %swap3A_31] : memref<10240x128xf32, #tpu.memory_space<vmem>>, vector<10240x128xf32>
    tpu.vector_store %arg6[%swap3A, %swap3A_31], %sub3A_30 {strides = array<i32>} : memref<10240x128xf32, #tpu.memory_space<vmem>>, vector<10240x128xf32>,
    return
  }
}

</mosaic_0001>

<sc_bundles>
// kernel: kernel.10.cloned.1.call-start
scs
__scs_entry_jumppad:
0x0: {  	(pc) =	sbr.rel $0x88, $3  }
0x1: {  	(tag) =	ssettag $0x0;
	lr =	simm.s32 $0x1  }
0x2: {  	[smem:$0x3F97] =	sst lr;
	_ =	strace $0xD0000000  }
0x3: {  	_ = 	snop  }
0x4: {  	_ = 	snop  }
0x5: {  	_ = 	snop  }
0x6: {  	_ = 	snop  }
0x7: {  	_ = 	snop  }
__scs_overlays_trampoline_lowered:
0x8: {  	[smem:$0x3FA6] =	sst s0  }
0x9: {  	[smem:$0x3FA7] =	sst s1  }
0xa: {  	[smem:$0x3FA8] =	sst s2  }
0xb: {  	[smem:$0x3FA9] =	sst s3  }
0xc: {  	[smem:$0x3FAA] =	sst s4  }
0xd: {  	[smem:$0x3FAB] =	sst s5  }
0xe: {  	[smem:$0x3FAC] =	sst s6  }
0xf: {  	[smem:$0x3FAD] =	sst s7  }
0x10: {  	[smem:$0x3FAE] =	sst s8  }
0x11: {  	[smem:$0x3FAF] =	sst s9;
	s0 =	simm.s32 @!p0 $0x0  }
0x12: {  	s1 =	sld [smem:$0x3F95];
	s0 =	simm.s32 @p0 $0x1  }
0x13: {  	[smem:$0x3FB0] =	sst s0;
	s0 =	simm.s32 @!p1 $0x0  }
0x14: {  	s2 =	sld [smem:$0x3F94];
	s0 =	simm.s32 @p1 $0x1  }
0x15: {  	[smem:$0x3FB1] =	sst s0;
	s0 =	simm.s32 @!p2 $0x0  }
0x16: {  	s3 =	sld [smem:$0x3FDB];
	s0 =	simm.s32 @p2 $0x1  }
0x17: {  	s4 =	simm.s32 $0x1BF5;
	[smem:$0x3FB3] =	sst s0  }
0x18: {  	s0 =	sld [smem:$0x3F96];
	_ =	swait.ge [sflag:s4], $0x0  }
0x19: {  	s7 =	sld [smem:$0x3F97]  }
0x1a: {  	s8 =	sadd.s32 $0xFFFFE003, lr  }
0x1b: {  	s9 =	sadd.s32 $0xFFFFFEF7, lr;
	s5 =	simm.s32 $0xFFFFFFFF;
	p2 =	slt.u32 s8, $0xFFFFF086  }
0x1c: {  	p1 =	slt.u32 s9, $0xF7A;
	s5 =	simm.s32 @!p2 $0x0  }
0x1d: {  	s5 =	simm.s32 @p1 $0x1;
	p0 =	seq.s32 s7, s2  }
0x1e: {  	s7 =	smul.u32 @!p0 $0xF7A, s2;
	p2 =	seq.s32 @!p0 s5, $0x0  }
0x1f: {  	s9 =	smul.u32 $0xF7A, s1;
	s8 =	simm.s32 @!p0 $0x1BF5;
	p2 =	por !p2, p0  }
0x20: {  	[sflag:s8] =	ssyncset.s32 @!p0 $0xFFFFF086;
	s6 =	sadd.s32 @!p0 s3, s7;
	s7 =	simm.s32 @!p0 $0x108  }
0x21: {  	s3 =	sadd.s32 s3, s9;
	s6 =	sadd.s32 @!p0 $0x88, s6;
	s7 =	simm.s32 @p2 $0x1082  }
0x22: {  	[simem:s7], [sflag:s8] =	dma.local @!p0 [hbm:s6], $0xF7A  }
0x23: {  	s9 =	sor.u32 $0xD0000000, s2;
	s6 =	simm.s32 $0x108;
	_ =	swait.ge @!p0 [sflag:s8], $0x0  }
0x24: {  	s3 =	sadd.s32 $0x88, s3;
	s6 =	simm.s32 @!p1 $0x1082;
	[sflag:s4] =	ssyncset.s32 $0xFFFFF086  }
0x25: {  	[simem:s6], [sflag:s4] =	dma.local [hbm:s3], $0xF7A  }
0x26: {  	[smem:$0x3F97] =	sst s1;
	(tag) =	ssettag s2;
	_ =	strace s9  }
0x27: {  	s1 =	sld [smem:$0x3FA7]  }
0x28: {  	s2 =	sld [smem:$0x3FA8]  }
0x29: {  	s4 =	sld [smem:$0x3FAA]  }
0x2a: {  	p0 =	seq.s32 s5, $0x0;
	s5 =	sld [smem:$0x3FAB]  }
0x2b: {  	s6 =	sld [smem:$0x3FAC]  }
0x2c: {  	s7 =	sld [smem:$0x3FAD]  }
0x2d: {  	s3 =	simm.s32 $0x108;
	s8 =	sld [smem:$0x3FAE]  }
0x2e: {  	s3 =	simm.s32 @!p0 $0x1082;
	s9 =	sld [smem:$0x3FAF]  }
0x2f: {  	lr =	sadd.s32 s0, s3;
	s0 =	sld [smem:$0x3FA6]  }
0x30: {  	s3 =	sld [smem:$0x3FA9]  }
0x31: {  	[smem:$0x3FB2] =	sst s10  }
0x32: {  	s10 =	sld [smem:$0x3FB0];
	_ =	sdelay $0x3  }
0x33: {  	p0 =	seq.s32 s10, $0x1;
	s10 =	sld [smem:$0x3FB2];
	_ =	sdelay $0x3  }
0x34: {  	[smem:$0x3FB2] =	sst s10  }
0x35: {  	s10 =	sld [smem:$0x3FB1];
	_ =	sdelay $0x3  }
0x36: {  	p1 =	seq.s32 s10, $0x1;
	s10 =	sld [smem:$0x3FB2];
	_ =	sdelay $0x3  }
0x37: {  	[smem:$0x3FB2] =	sst s10  }
0x38: {  	s10 =	sld [smem:$0x3FB3]  }
0x39: {  	_ = 	snop;
	(pc) =	sbr.ind lr, $3  }
0x3a: {  	_ = 	snop  }
0x3b: {  	_ = 	snop  }
0x3c: {  	p2 =	seq.s32 s10, $0x1;
	s10 =	sld [smem:$0x3FB2]  }
0x3d: {  	_ =	shalt  }
0x3e: {  	_ =	shalt  }
0x3f: {  	_ =	shalt  }
0x40: {  	_ =	shalt  }
0x41: {  	_ =	shalt  }
0x42: {  	_ =	shalt  }
0x43: {  	_ =	shalt  }
0x44: {  	_ =	shalt  }
0x45: {  	_ =	shalt  }
0x46: {  	_ =	shalt  }
0x47: {  	_ =	shalt  }
0x48: {  	_ =	shalt  }
0x49: {  	_ =	shalt  }
0x4a: {  	_ =	shalt  }
0x4b: {  	_ =	shalt  }
0x4c: {  	_ =	shalt  }
0x4d: {  	_ =	shalt  }
0x4e: {  	_ =	shalt  }
0x4f: {  	_ =	shalt  }
0x50: {  	_ =	shalt  }
0x51: {  	_ =	shalt  }
0x52: {  	_ =	shalt  }
0x53: {  	_ =	shalt  }
0x54: {  	_ =	shalt  }
0x55: {  	_ =	shalt  }
0x56: {  	_ =	shalt  }
0x57: {  	_ =	shalt  }
0x58: {  	_ =	shalt  }
0x59: {  	_ =	shalt  }
0x5a: {  	_ =	shalt  }
0x5b: {  	_ =	shalt  }
0x5c: {  	_ =	shalt  }
0x5d: {  	_ =	shalt  }
0x5e: {  	_ =	shalt  }
0x5f: {  	_ =	shalt  }
0x60: {  	_ =	shalt  }
0x61: {  	_ =	shalt  }
0x62: {  	_ =	shalt  }
0x63: {  	_ =	shalt  }
0x64: {  	_ =	shalt  }
0x65: {  	_ =	shalt  }
0x66: {  	_ =	shalt  }
0x67: {  	_ =	shalt  }
0x68: {  	_ =	shalt  }
0x69: {  	_ =	shalt  }
0x6a: {  	_ =	shalt  }
0x6b: {  	_ =	shalt  }
0x6c: {  	_ =	shalt  }
0x6d: {  	_ =	shalt  }
0x6e: {  	_ =	shalt  }
0x6f: {  	_ =	shalt  }
0x70: {  	_ =	shalt  }
0x71: {  	_ =	shalt  }
0x72: {  	_ =	shalt  }
0x73: {  	_ =	shalt  }
0x74: {  	_ =	shalt  }
0x75: {  	_ =	shalt  }
0x76: {  	_ =	shalt  }
0x77: {  	_ =	shalt  }
0x78: {  	_ =	shalt  }
0x79: {  	_ =	shalt  }
0x7a: {  	_ =	shalt  }
0x7b: {  	_ =	shalt  }
0x7c: {  	_ =	shalt  }
0x7d: {  	_ =	shalt  }
0x7e: {  	_ =	shalt  }
0x7f: {  	_ =	shalt  }
0x80: {  	_ =	shalt  }
0x81: {  	_ =	shalt  }
0x82: {  	_ =	shalt  }
0x83: {  	_ =	shalt  }
0x84: {  	_ =	shalt  }
0x85: {  	_ =	shalt  }
0x86: {  	_ =	shalt  }
0x87: {  	_ =	shalt  }
.Lfunc_end0:
.L_simem_size_0:
called_computation.1_lowered:
.L_overlay_start_0:
0x88: {  	s2 =	sld [smem:$0x3FD9]  }
0x89: {  	s3 =	sld [smem:$0x3FFE];
	_ =	sdelay $0x1  }
0x8a: {  	s1 =	srdreg.scid  }
0x8b: {  	s0 =	sand.u32 $0x1, s1  }
0x8c: {  	s17 =	sshll.u32 s0, $0xA;
	s2 =	sadd.s32 s3, s2  }
0x8d: {  	s2 =	sadd.s32 s2, s17  }
0x8e: {  	[smem:$0x3FBE] =	sst s2  }
0x8f: {  	_ = 	snop  }
0x90: {  	s2 =	sld [smem:$0x3FD0];
	(tm) =	ssettm $0x1  }
0x91: {  	s18 =	sld [smem:$0x3FFB];
	_ =	sdelay $0x3  }
0x92: {  	_ =	strace s18  }
0x93: {  	s3 =	sld [smem:$0x3FFC];
	_ =	sdelay $0x3  }
0x94: {  	_ =	strace s3  }
0x95: {  	s3 =	sld [smem:$0x3FFD];
	_ =	sdelay $0x3  }
0x96: {  	_ =	strace s3  }
0x97: {  	_ =	strace $0x8FFFFFFF  }
0x98: {  	s19 =	sld [smem:$0x3FDB];
	_ =	sdelay $0x1  }
0x99: {  	s4 =	simm.s32 $_scs_section_size  }
0x9a: {  	s5 =	simm.s32 $_size__tile_overlayer_lowered;
	s6 =	simm.s32 $_tile_overlayer_lowered  }
0x9b: {  	s22 =	simm.s32 $0x1BFF;
	s21 =	sshll.u32 s6, $0x1;
	s3 =	sadd.s32 s4, s19  }
0x9c: {  	s7 =	simm.s32 $0x0;
	s20 =	sshll.u32 s5, $0x1;
	s5 =	sadd.s32 s21, s3  }
0x9d: {  	[timem:s7], [sflag:s22] =	dma.local [hbm:s5], s20  }
0x9e: {  	_ =	swait.ge [sflag:s22], s20  }
0x9f: {  	s4 =	ssub.s32 $0x0, s20;
	[sflag:s22] =	ssyncset.done $0x0  }
0xa0: {  	[sflag:s22] =	ssyncadd.s32 s4;
	_ =	sdelay $0x1  }
0xa1: {  	s23 =	simm.s32 $0x1B8B  }
0xa2: {  	_ =	swait.ge [sflag:s23], $0x1  }
0xa3: {  	[sflag:s23] =	ssyncset.done $0x0  }
0xa4: {  	s25 =	simm.s32 $0x1B8E;
	s24 =	sld [smem:$0x3FFE];
	[sflag:s23] =	ssyncadd.s32 $0xFFFFFFFF  }
0xa5: {  	s26 =	simm.s32 $execute0_lowered;
	[smem:$0x3FD2] =	sst s25  }
0xa6: {  	s5 =	sshll.u32 s26, $0x1;
	_ =	strace $0x80000049;
	[dreg:$0x1] =	wrdreg $0xFFFFFFFF  }
0xa7: {  	s28 =	simm.s32 $_size_execute0_lowered;
	s3 =	sadd.s32 s3, s5;
	[dreg:$0x0] =	wrdreg $0x0  }
0xa8: {  	s5 =	sshll.u32 s28, $0x1;
	[dreg:$0x2] =	wrdreg s3  }
0xa9: {  	[dreg:$0x3] =	wrdreg s5  }
0xaa: {  	[dreg:$0x4] =	wrdreg $0xC0  }
0xab: {  	_ =	task [dreg:s7], $0x5FFFF  }
0xac: {  	[dreg:$0x1] =	wrdreg $0xFFFFFFFF  }
0xad: {  	[dreg:$0x0] =	wrdreg $0x60  }
0xae: {  	[dreg:$0x2] =	wrdreg s24  }
0xaf: {  	[dreg:$0x3] =	wrdreg s2  }
0xb0: {  	[dreg:$0x4] =	wrdreg $0xBA100  }
0xb1: {  	[dreg:$0x5] =	wrdreg $0x9  }
0xb2: {  	_ =	task.clear_ibuf [dreg:s7], $0x6FFFF;
	_ =	strace $0x90000049  }
0xb3: {  	s29 =	simm.s32 $0x9;
	_ =	strace $0x8000004B  }
0xb4: {  	_ =	swait.ge [sflag:s29], $0x1  }
0xb5: {  	[sflag:s29] =	ssyncadd.s32 $0xFFFFFFFF  }
0xb6: {  	_ =	strace $0x9000004B  }
0xb7: {  	_ =	sfence  }
0xb8: {  	s30 =	sld [smem:$0x0];
	_ =	sdelay $0x2  }
0xb9: {  	s31 =	sshll.u32 s1, $0xD;
	s1 =	sshrl.u32 s1, $0x2  }
0xba: {  	s3 =	sand.u32 $0x4000, s31;
	s1 =	sadd.s32 s1, s30  }
0xbb: {  	s0 =	sor.u32 s3, s0;
	s1 =	sshll.u32 s1, $0x11  }
0xbc: {  	s0 =	sor.u32 s1, s0  }
0xbd: {  	s0 =	sadd.s32 $0x8F2B, s0  }
0xbe: {  	[sflag:s0] =	ssyncadd.remote.s32 $0x1  }
0xbf: {  	_ =	sfence.sel $0xFFFF  }
0xc0: {  	[dreg:$0x0] =	wrdreg $0xFFFFFFFF;
	(pc) =	sbr.abs _section_cstart, $3  }
0xc1: {  	[dreg:$0x1] =	wrdreg $0xFFFFFFFF  }
0xc2: {  	_ =	task.clear_ibuf [dreg:s7], $0x2FFFF;
	_ =	strace $0x9FFFFFFF  }
0xc3: {  	(tm) =	ssettm $0x7FFFFFFF  }
tec
execute0_lowered:
.L_overlay_start_1:
0x0: {  	(tag) =	ssettag $0x1  }
0x1: {  	s0 =	rddreg [dreg:$0x0]  }
0x2: {  	s1 =	rddreg [dreg:$0x1]  }
0x3: {  	s3 =	rddreg [dreg:$0x2];
	s4 =	simm.s32 $0x0  }
0x4: {  	s14 =	stileid.u32;
	s6 =	srdreg.scid;
	s17 =	simm.s32 $0x500  }
0x5: {  	s18 =	simm.s32 $0x40;
	s19 =	simm.s32 $0xA00;
	s20 =	simm.s32 $0x1A00  }
0x6: {  	s28 =	simm.s32 $0x4A00;
	s29 =	simm.s32 $0x0;
	[smem:$0x7FF] =	sst s4  }
0x7: {  	s2 =	smul.u32 $0x14000, s14;
	s5 =	sadd.s32 $0x1EA00, s0;
	s7 =	sand.u32 $0x1, s6  }
0x8: {  	s6 =	sadd.s32 $0x14A00, s0;
	s10 =	sadd.s32 $0xA00, s0;
	s12 =	sadd.s32 $0x1000, s0  }
0x9: {  	s13 =	sshll.u32 s14, $0x1;
	s15 =	sshll.u32 s14, $0x6;
	s9 =	smul.u32 $0x28000, s7  }
0xa: {  	_ =	strace $0x8000004A;
	[dreg:$0x4] =	wrdreg s10;
	s11 =	smul.u32 $0x5000, s7  }
0xb: {  	[dreg:$0x5] =	wrdreg s12;
	s23 =	ssub.s32 $0x2, s7;
	s7 =	sor.u32 s7, s13  }
0xc: {  	s12 =	simm.s32 $0x6A00;
	s13 =	simm.s32 $0x3;
	s15 =	sor.u32 $0x1C03, s15  }
0xd: {  	s8 =	sshrl.u32 s2, $0x3;
	s24 =	sshrl.u32 s23, $0x1;
	s2 =	sadd.s32 s2, s3  }
0xe: {  	s10 =	smul.u32 $0xA0, s7;
	s21 =	sadd.s32 s8, s0;
	s22 =	sadd.s32 s9, s0  }
0xf: {  	v0 =	vimm.s32 $0x0;
	vm0 =	vcmask $0x300;
	v1 =	vimm.s32 $0x1;
	s0 =	sadd.s32 s11, s0;
	s11 =	ssub.s32 s23, s24;
	s24 =	smul.u32 $0x500, s14  }
0x10: {  	v2 =	vimm.s32 $0x2;
	v3 =	vimm.s32 $0x3;
	v4 =	vimm.s32 $0x4;
	s14 =	simm.s32 $0x9210;
	s16 =	sshrl.u32 s2, $0x3;
	s23 =	simm.s32 $0x9200  }
0x11: {  	v5 =	vimm.s32 $0x5;
	v6 =	vimm.s32 $0x6;
	v7 =	vimm.s32 $0x7;
	s25 =	sadd.s32 $0x28A00, s21;
	s26 =	sadd.s32 $0x50A00, s22;
	s0 =	sadd.s32 $0x1600, s0  }
0x12: {  	v8 =	vimm.s32 $0x8;
	v9 =	vimm.s32 $0x9;
	v10 =	vimm.s32 $0xA;
	s30 =	smax.u32 s11, $0x1;
	s21 =	simm.s32 $0x1;
	[dreg:$0x6] =	wrdreg s25  }
0x13: {  	v11 =	vimm.s32 $0xB;
	v12 =	vimm.s32 $0xC;
	v13 =	vimm.s32 $0xD;
	[dreg:$0x7] =	wrdreg s30;
	s31 =	sadd.s32 s8, s26;
	s24 =	sadd.s32 s24, s0  }
0x14: {  	v14 =	vimm.s32 $0xE;
	v15 =	vimm.s32 $0xF;
	v0 =	vsel vm0, $0x3, v0;
	s25 =	simm.s32 $0x2A00;
	s26 =	simm.s32 $0x2;
	[dreg:$0x8] =	wrdreg s31  }
.LBB2_1:
0x15: {  	s0 =	rddreg [dreg:$0x4]  }
0x16: {  	[tilespmem:s12], [sflag:$0x3] =	stream.linear.gather [hbm4b:s0+s4], $0x2800, $0x38;
	[tilespmem:$0x1FA10] =	vst v63  }
0x17: {  	_ =	swait.ge [sflag:s13], $0x2800  }
0x18: {  	[sflag:s13] =	ssyncset.done $0x0  }
0x19: {  	s22 =	rddreg [dreg:$0x5];
	[sflag:s13] =	ssyncadd.s32 $0xFFFFD800  }
0x1a: {  	[tilespmem:s14], [sflag:$0x3] =	stream.linear.gather [hbm4b:s22+s4], $0x2800, $0x38;
	[tilespmem:$0x1FA10] =	vst v63  }
0x1b: {  	_ =	swait.ge [sflag:s13], $0x2800  }
0x1c: {  	[sflag:s13] =	ssyncset.done $0x0  }
0x1d: {  	s31 =	rddreg [dreg:$0x6];
	[sflag:s13] =	ssyncadd.s32 $0xFFFFD800  }
0x1e: {  	[spmem:s16], [sflag:s15] =	dma.local [hbm:s31], $0x2800  }
0x1f: {  	_ =	swait.ge [sflag:s13], $0x2800  }
0x20: {  	[sflag:s13] =	ssyncset.done $0x0  }
0x21: {  	[sflag:s13] =	ssyncadd.s32 $0xFFFFD800  }
0x22: {  	s30 =	simm.s32 $0x0;
	[bflag:$0x0] =	sbarrier.arrive $0xFFFF  }
.LBB2_2:
0x23: {  	s0 =	smul.u32 $0x14, s30;
	_ =	sdelay $0x1  }
0x24: {  	s0 =	sadd.s32 s10, s0  }
0x25: {  	s0 =	sshll.u32 s0, $0x3  }
0x26: {  	s31 =	simm.s32 $0x0;
	s2 =	sadd.s32 s5, s0  }
0x27: {  	[tilespmem:s31], [sflag:$0x3] =	stream.linear.gather [hbm4b:s2+s31], $0x500, $0x38;
	[tilespmem:$0x1FA10] =	vst v63  }
0x28: {  	_ =	swait.ge [sflag:s13], $0x500  }
0x29: {  	[sflag:s13] =	ssyncset.done $0x0  }
0x2a: {  	s0 =	sadd.s32 s6, s0;
	[sflag:s13] =	ssyncadd.s32 $0xFFFFFB00  }
0x2b: {  	[tilespmem:s17], [sflag:$0x3] =	stream.linear.gather [hbm4b:s0+s31], $0x500, $0x38;
	[tilespmem:$0x1FA10] =	vst v63  }
0x2c: {  	_ =	swait.ge [sflag:s13], $0x500  }
0x2d: {  	[sflag:s13] =	ssyncset.done $0x0  }
0x2e: {  	[sflag:s13] =	ssyncadd.s32 $0xFFFFFB00  }
0x2f: {  	[tilespmem:s19], [sflag:$0x1] =	stream.indirect.gather [hbm4b:s1+s18], $0x40, s31, s18, $0xb8;
	[tilespmem:$0x1FA10] =	vst v63  }
.LBB2_3:
0x30: {  	s0 =	sshllo.u32 s31, $0x1  }
0x31: {  	s2 =	sshll.u32 s31, $0x7;
	s0 =	sshll.u32 s0, $0x6  }
0x32: {  	v16 =	vmov s2;
	[tilespmem:s20], [sflag:$0x2] =	stream.indirect.gather [hbm4b:s1+s18], $0x40, s0, s18, $0xb8;
	[tilespmem:$0x1FA10] =	vst v63  }
0x33: {  	v17 =	vor.u32 $0x1, v16;
	_ =	swait.ge [sflag:s21], $0x1000  }
0x34: {  	v18 =	vor.u32 $0x2, v16;
	v19 =	vor.u32 $0x3, v16;
	v20 =	vor.u32 $0x4, v16;
	[sflag:s21] =	ssyncset.done $0x0  }
0x35: {  	s2 =	simm.s32 $0x0;
	v21 =	vor.u32 $0x5, v16;
	v22 =	vor.u32 $0x6, v16;
	v23 =	vor.u32 $0x7, v16;
	[sflag:s21] =	ssyncadd.s32 $0xFFFFF000  }
.LBB2_4:
0x36: {  	s7 =	sshll.u32 s2, $0x4  }
0x37: {  	v24 =	vld.idx.msk [tilespmem:v16+s7+$0x0 ss:$0x1], $0xffff  }
0x38: {  	v25 =	vld.idx.msk [tilespmem:v16+s7+$0x500 ss:$0x1], $0xffff;
	_ =	sdelay $0x6  }
0x39: {  	v24 =	vld.idx.msk [tilespmem:v24+s12+$0x0], $0xffff  }
0x3a: {  	v25 =	vld.idx.msk [tilespmem:v25+s12+$0x0], $0xffff;
	_ =	sdelay $0x4  }
0x3b: {  	v24 =	vunpack.i.l.bf16.f32 v24;
	v25 =	vunpack.i.u.bf16.f32 v25  }
0x3c: {  	v24 =	vadd.f32 v25, v24;
	_ =	sdelay $0x1  }
0x3d: {  	v25 =	vmul.f32 $2.000000030e-01, v24;
	_ =	sdelay $0x1  }
0x3e: {  	v24 =	vmax.f32 v24, v25  }
0x3f: {  	v24 =	vmul.f32 $1.442695020e+00, v24;
	_ =	sdelay $0x1  }
0x40: {  	(erf) = vpow2.f32 v24  }
0x41: {  	v40 =	vmov s7  }
0x42: {  	v24 =	vshrl.u32 v40, $0x3  }
0x43: {  	v24 =	vshll.u32 v24, v0  }
0x44: {  	v24 =	vadd.s32 v16, v24  }
0x45: {  	v24 =	vbroadcast v24, $0x0;
	_ =	sdelay $0x3  }
0x46: {  	v41 =	vpop (erf)  }
0x47: {  	[tilespmem:$0x9200] =	vst v41  }
0x48: {  	v24 =	vld.idx.msk [tilespmem:v24+s17+$0x0], $0xffff;
	_ =	sdelay $0x2  }
0x49: {  	v25 =	vld.msk [tilespmem:s23+$0x0], $0xffff;
	_ =	sdelay $0x3  }
0x4a: {  	s8 =	sshll.u32 s2, $0xB  }
0x4b: {  	s9 =	sshrl.u32 s8, $0x1;
	[tilespmem:v24+s14+$0x0] =	vst.idx.add.f32.msk $0x1, v25  }
0x4c: {  	v24 =	vld [tilespmem:s9+$0xA00];
	_ =	sdelay $0x4  }
0x4d: {  	v26 =	vunpack.i.l.bf16.f32 v24  }
0x4e: {  	v24 =	vunpack.i.u.bf16.f32 v24;
	v26 =	vmul.f32 v26, v25  }
0x4f: {  	v24 =	vmul.f32 v24, v25  }
0x50: {  	[tilespmem:s8+$0x2A00] =	vst v26  }
0x51: {  	[tilespmem:s8+$0x2A10] =	vst v24  }
0x52: {  	v24 =	vld [tilespmem:s9+$0xA10];
	_ =	sdelay $0x4  }
0x53: {  	v42 =	vunpack.i.l.bf16.f32 v24  }
0x54: {  	v24 =	vunpack.i.u.bf16.f32 v24;
	v26 =	vmul.f32 v42, v25  }
0x55: {  	v24 =	vmul.f32 v24, v25  }
0x56: {  	[tilespmem:s8+$0x2A20] =	vst v26  }
0x57: {  	[tilespmem:s8+$0x2A30] =	vst v24  }
0x58: {  	v24 =	vld [tilespmem:s9+$0xA20];
	_ =	sdelay $0x4  }
0x59: {  	v43 =	vunpack.i.l.bf16.f32 v24  }
0x5a: {  	v24 =	vunpack.i.u.bf16.f32 v24;
	v26 =	vmul.f32 v43, v25  }
0x5b: {  	v24 =	vmul.f32 v24, v25  }
0x5c: {  	[tilespmem:s8+$0x2A40] =	vst v26  }
0x5d: {  	s11 =	sor.u32 $0x1, s7;
	[tilespmem:s8+$0x2A50] =	vst v24  }
0x5e: {  	v44 =	vmov s11;
	v24 =	vld [tilespmem:s9+$0xA30]  }
0x5f: {  	v26 =	vshrl.u32 v44, $0x3  }
0x60: {  	v26 =	vshll.u32 v26, v0  }
0x61: {  	v26 =	vadd.s32 v26, v17  }
0x62: {  	v26 =	vbroadcast v26, $0x0  }
0x63: {  	v27 =	vunpack.i.l.bf16.f32 v24  }
0x64: {  	v24 =	vunpack.i.u.bf16.f32 v24;
	v27 =	vmul.f32 v27, v25  }
0x65: {  	v24 =	vmul.f32 v24, v25  }
0x66: {  	[tilespmem:s8+$0x2A60] =	vst v27  }
0x67: {  	[tilespmem:s8+$0x2A70] =	vst v24  }
0x68: {  	v24 =	vld.idx.msk [tilespmem:v26+s17+$0x0], $0xffff;
	_ =	sdelay $0x2  }
0x69: {  	v45 =	vld.idx.msk [tilespmem:v1+s23+$0x0], $0xffff;
	_ =	sdelay $0x3  }
0x6a: {  	s8 =	sshll.u32 s11, $0x7  }
0x6b: {  	s11 =	sshrl.u32 s8, $0x1;
	[tilespmem:v24+s14+$0x0] =	vst.idx.add.f32.msk $0x1, v45  }
0x6c: {  	v24 =	vld [tilespmem:s11+$0xA00];
	_ =	sdelay $0x4  }
0x6d: {  	v46 =	vunpack.i.l.bf16.f32 v24  }
0x6e: {  	v24 =	vunpack.i.u.bf16.f32 v24;
	v26 =	vmul.f32 v46, v45  }
0x6f: {  	v24 =	vmul.f32 v24, v45  }
0x70: {  	[tilespmem:s8+$0x2A00] =	vst v26  }
0x71: {  	[tilespmem:s8+$0x2A10] =	vst v24  }
0x72: {  	v24 =	vld [tilespmem:s11+$0xA10];
	_ =	sdelay $0x4  }
0x73: {  	v47 =	vunpack.i.l.bf16.f32 v24  }
0x74: {  	v24 =	vunpack.i.u.bf16.f32 v24;
	v26 =	vmul.f32 v47, v45  }
0x75: {  	v24 =	vmul.f32 v24, v45  }
0x76: {  	[tilespmem:s8+$0x2A20] =	vst v26  }
0x77: {  	[tilespmem:s8+$0x2A30] =	vst v24  }
0x78: {  	v24 =	vld [tilespmem:s11+$0xA20];
	_ =	sdelay $0x4  }
0x79: {  	v48 =	vunpack.i.l.bf16.f32 v24  }
0x7a: {  	v24 =	vunpack.i.u.bf16.f32 v24;
	v26 =	vmul.f32 v48, v45  }
0x7b: {  	v24 =	vmul.f32 v24, v45  }
0x7c: {  	[tilespmem:s8+$0x2A40] =	vst v26  }
0x7d: {  	s22 =	sor.u32 $0x2, s7;
	[tilespmem:s8+$0x2A50] =	vst v24  }
0x7e: {  	v49 =	vmov s22;
	v24 =	vld [tilespmem:s11+$0xA30]  }
0x7f: {  	v26 =	vshrl.u32 v49, $0x3  }
0x80: {  	v26 =	vshll.u32 v26, v0  }
0x81: {  	v26 =	vadd.s32 v26, v18  }
0x82: {  	v26 =	vbroadcast v26, $0x0  }
0x83: {  	v50 =	vunpack.i.l.bf16.f32 v24  }
0x84: {  	v24 =	vunpack.i.u.bf16.f32 v24;
	v27 =	vmul.f32 v50, v45  }
0x85: {  	v24 =	vmul.f32 v24, v45  }
0x86: {  	[tilespmem:s8+$0x2A60] =	vst v27  }
0x87: {  	[tilespmem:s8+$0x2A70] =	vst v24  }
0x88: {  	v24 =	vld.idx.msk [tilespmem:v26+s17+$0x0], $0xffff;
	_ =	sdelay $0x2  }
0x89: {  	v51 =	vld.idx.msk [tilespmem:v2+s23+$0x0], $0xffff;
	_ =	sdelay $0x3  }
0x8a: {  	s8 =	sshll.u32 s22, $0x7  }
0x8b: {  	s11 =	sshrl.u32 s8, $0x1;
	[tilespmem:v24+s14+$0x0] =	vst.idx.add.f32.msk $0x1, v51  }
0x8c: {  	v24 =	vld [tilespmem:s11+$0xA00];
	_ =	sdelay $0x4  }
0x8d: {  	v52 =	vunpack.i.l.bf16.f32 v24  }
0x8e: {  	v24 =	vunpack.i.u.bf16.f32 v24;
	v26 =	vmul.f32 v52, v51  }
0x8f: {  	v24 =	vmul.f32 v24, v51  }
0x90: {  	[tilespmem:s8+$0x2A00] =	vst v26  }
0x91: {  	[tilespmem:s8+$0x2A10] =	vst v24  }
0x92: {  	v24 =	vld [tilespmem:s11+$0xA10];
	_ =	sdelay $0x4  }
0x93: {  	v53 =	vunpack.i.l.bf16.f32 v24  }
0x94: {  	v24 =	vunpack.i.u.bf16.f32 v24;
	v26 =	vmul.f32 v53, v51  }
0x95: {  	v24 =	vmul.f32 v24, v51  }
0x96: {  	[tilespmem:s8+$0x2A20] =	vst v26  }
0x97: {  	[tilespmem:s8+$0x2A30] =	vst v24  }
0x98: {  	v24 =	vld [tilespmem:s11+$0xA20];
	_ =	sdelay $0x4  }
0x99: {  	v54 =	vunpack.i.l.bf16.f32 v24  }
0x9a: {  	v24 =	vunpack.i.u.bf16.f32 v24;
	v26 =	vmul.f32 v54, v51  }
0x9b: {  	v24 =	vmul.f32 v24, v51  }
0x9c: {  	[tilespmem:s8+$0x2A40] =	vst v26  }
0x9d: {  	s22 =	sor.u32 $0x3, s7;
	[tilespmem:s8+$0x2A50] =	vst v24  }
0x9e: {  	v55 =	vmov s22;
	v24 =	vld [tilespmem:s11+$0xA30]  }
0x9f: {  	v26 =	vshrl.u32 v55, $0x3  }
0xa0: {  	v26 =	vshll.u32 v26, v0  }
0xa1: {  	v26 =	vadd.s32 v26, v19  }
0xa2: {  	v26 =	vbroadcast v26, $0x0  }
0xa3: {  	v56 =	vunpack.i.l.bf16.f32 v24  }
0xa4: {  	v24 =	vunpack.i.u.bf16.f32 v24;
	v27 =	vmul.f32 v56, v51  }
0xa5: {  	v24 =	vmul.f32 v24, v51  }
0xa6: {  	[tilespmem:s8+$0x2A60] =	vst v27  }
0xa7: {  	[tilespmem:s8+$0x2A70] =	vst v24  }
0xa8: {  	v24 =	vld.idx.msk [tilespmem:v26+s17+$0x0], $0xffff;
	_ =	sdelay $0x2  }
0xa9: {  	v57 =	vld.idx.msk [tilespmem:v3+s23+$0x0], $0xffff;
	_ =	sdelay $0x3  }
0xaa: {  	s8 =	sshll.u32 s22, $0x7  }
0xab: {  	s11 =	sshrl.u32 s8, $0x1;
	[tilespmem:v24+s14+$0x0] =	vst.idx.add.f32.msk $0x1, v57  }
0xac: {  	v24 =	vld [tilespmem:s11+$0xA00];
	_ =	sdelay $0x4  }
0xad: {  	v58 =	vunpack.i.l.bf16.f32 v24  }
0xae: {  	v24 =	vunpack.i.u.bf16.f32 v24;
	v26 =	vmul.f32 v58, v57  }
0xaf: {  	v24 =	vmul.f32 v24, v57  }
0xb0: {  	[tilespmem:s8+$0x2A00] =	vst v26  }
0xb1: {  	[tilespmem:s8+$0x2A10] =	vst v24  }
0xb2: {  	v24 =	vld [tilespmem:s11+$0xA10];
	_ =	sdelay $0x4  }
0xb3: {  	v59 =	vunpack.i.l.bf16.f32 v24  }
0xb4: {  	v24 =	vunpack.i.u.bf16.f32 v24;
	v26 =	vmul.f32 v59, v57  }
0xb5: {  	v24 =	vmul.f32 v24, v57  }
0xb6: {  	[tilespmem:s8+$0x2A20] =	vst v26  }
0xb7: {  	[tilespmem:s8+$0x2A30] =	vst v24  }
0xb8: {  	v24 =	vld [tilespmem:s11+$0xA20];
	_ =	sdelay $0x4  }
0xb9: {  	v60 =	vunpack.i.l.bf16.f32 v24  }
0xba: {  	v24 =	vunpack.i.u.bf16.f32 v24;
	v26 =	vmul.f32 v60, v57  }
0xbb: {  	v24 =	vmul.f32 v24, v57  }
0xbc: {  	[tilespmem:s8+$0x2A40] =	vst v26  }
0xbd: {  	s22 =	sor.u32 $0x4, s7;
	[tilespmem:s8+$0x2A50] =	vst v24  }
0xbe: {  	v61 =	vmov s22;
	v24 =	vld [tilespmem:s11+$0xA30]  }
0xbf: {  	v26 =	vshrl.u32 v61, $0x3  }
0xc0: {  	v26 =	vshll.u32 v26, v0  }
0xc1: {  	v26 =	vadd.s32 v26, v20  }
0xc2: {  	v26 =	vbroadcast v26, $0x0  }
0xc3: {  	v62 =	vunpack.i.l.bf16.f32 v24  }
0xc4: {  	v24 =	vunpack.i.u.bf16.f32 v24;
	v27 =	vmul.f32 v62, v57  }
0xc5: {  	v24 =	vmul.f32 v24, v57  }
0xc6: {  	[tilespmem:s8+$0x2A60] =	vst v27  }
0xc7: {  	[tilespmem:s8+$0x2A70] =	vst v24  }
0xc8: {  	v24 =	vld.idx.msk [tilespmem:v26+s17+$0x0], $0xffff;
	_ =	sdelay $0x2  }
0xc9: {  	v63 =	vld.idx.msk [tilespmem:v4+s23+$0x0], $0xffff;
	_ =	sdelay $0x3  }
0xca: {  	s8 =	sshll.u32 s22, $0x7  }
0xcb: {  	s11 =	sshrl.u32 s8, $0x1;
	[tilespmem:v24+s14+$0x0] =	vst.idx.add.f32.msk $0x1, v63  }
0xcc: {  	v24 =	vld [tilespmem:s11+$0xA00];
	_ =	sdelay $0x4  }
0xcd: {  	v28 =	vunpack.i.l.bf16.f32 v24  }
0xce: {  	v24 =	vunpack.i.u.bf16.f32 v24;
	v26 =	vmul.f32 v28, v63  }
0xcf: {  	v24 =	vmul.f32 v24, v63  }
0xd0: {  	[tilespmem:s8+$0x2A00] =	vst v26  }
0xd1: {  	[tilespmem:s8+$0x2A10] =	vst v24  }
0xd2: {  	v24 =	vld [tilespmem:s11+$0xA10];
	_ =	sdelay $0x4  }
0xd3: {  	v29 =	vunpack.i.l.bf16.f32 v24  }
0xd4: {  	v24 =	vunpack.i.u.bf16.f32 v24;
	v26 =	vmul.f32 v29, v63  }
0xd5: {  	v24 =	vmul.f32 v24, v63  }
0xd6: {  	[tilespmem:s8+$0x2A20] =	vst v26  }
0xd7: {  	[tilespmem:s8+$0x2A30] =	vst v24  }
0xd8: {  	v24 =	vld [tilespmem:s11+$0xA20];
	_ =	sdelay $0x4  }
0xd9: {  	v30 =	vunpack.i.l.bf16.f32 v24  }
0xda: {  	v24 =	vunpack.i.u.bf16.f32 v24;
	v26 =	vmul.f32 v30, v63  }
0xdb: {  	v24 =	vmul.f32 v24, v63  }
0xdc: {  	[tilespmem:s8+$0x2A40] =	vst v26  }
0xdd: {  	s22 =	sor.u32 $0x5, s7;
	[tilespmem:s8+$0x2A50] =	vst v24  }
0xde: {  	v31 =	vmov s22;
	v24 =	vld [tilespmem:s11+$0xA30]  }
0xdf: {  	v26 =	vshrl.u32 v31, $0x3  }
0xe0: {  	v26 =	vshll.u32 v26, v0  }
0xe1: {  	v26 =	vadd.s32 v26, v21  }
0xe2: {  	v26 =	vbroadcast v26, $0x0  }
0xe3: {  	v32 =	vunpack.i.l.bf16.f32 v24  }
0xe4: {  	v24 =	vunpack.i.u.bf16.f32 v24;
	v27 =	vmul.f32 v32, v63  }
0xe5: {  	v24 =	vmul.f32 v24, v63  }
0xe6: {  	[tilespmem:s8+$0x2A60] =	vst v27  }
0xe7: {  	[tilespmem:s8+$0x2A70] =	vst v24  }
0xe8: {  	v24 =	vld.idx.msk [tilespmem:v26+s17+$0x0], $0xffff;
	_ =	sdelay $0x2  }
0xe9: {  	v33 =	vld.idx.msk [tilespmem:v5+s23+$0x0], $0xffff;
	_ =	sdelay $0x3  }
0xea: {  	s8 =	sshll.u32 s22, $0x7  }
0xeb: {  	s11 =	sshrl.u32 s8, $0x1;
	[tilespmem:v24+s14+$0x0] =	vst.idx.add.f32.msk $0x1, v33  }
0xec: {  	v24 =	vld [tilespmem:s11+$0xA00];
	_ =	sdelay $0x4  }
0xed: {  	v34 =	vunpack.i.l.bf16.f32 v24  }
0xee: {  	v24 =	vunpack.i.u.bf16.f32 v24;
	v26 =	vmul.f32 v34, v33  }
0xef: {  	v24 =	vmul.f32 v24, v33  }
0xf0: {  	[tilespmem:s8+$0x2A00] =	vst v26  }
0xf1: {  	[tilespmem:s8+$0x2A10] =	vst v24  }
0xf2: {  	v24 =	vld [tilespmem:s11+$0xA10];
	_ =	sdelay $0x4  }
0xf3: {  	v35 =	vunpack.i.l.bf16.f32 v24  }
0xf4: {  	v24 =	vunpack.i.u.bf16.f32 v24;
	v26 =	vmul.f32 v35, v33  }
0xf5: {  	v24 =	vmul.f32 v24, v33  }
0xf6: {  	[tilespmem:s8+$0x2A20] =	vst v26  }
0xf7: {  	[tilespmem:s8+$0x2A30] =	vst v24  }
0xf8: {  	v24 =	vld [tilespmem:s11+$0xA20];
	_ =	sdelay $0x4  }
0xf9: {  	v36 =	vunpack.i.l.bf16.f32 v24  }
0xfa: {  	v24 =	vunpack.i.u.bf16.f32 v24;
	v26 =	vmul.f32 v36, v33  }
0xfb: {  	v24 =	vmul.f32 v24, v33  }
0xfc: {  	[tilespmem:s8+$0x2A40] =	vst v26  }
0xfd: {  	s22 =	sor.u32 $0x6, s7;
	[tilespmem:s8+$0x2A50] =	vst v24  }
0xfe: {  	v37 =	vmov s22;
	v24 =	vld [tilespmem:s11+$0xA30]  }
0xff: {  	v26 =	vshrl.u32 v37, $0x3  }
0x100: {  	v26 =	vshll.u32 v26, v0  }
0x101: {  	v26 =	vadd.s32 v26, v22  }
0x102: {  	v26 =	vbroadcast v26, $0x0  }
0x103: {  	v38 =	vunpack.i.l.bf16.f32 v24  }
0x104: {  	v24 =	vunpack.i.u.bf16.f32 v24;
	v27 =	vmul.f32 v38, v33  }
0x105: {  	v24 =	vmul.f32 v24, v33  }
0x106: {  	[tilespmem:s8+$0x2A60] =	vst v27  }
0x107: {  	[tilespmem:s8+$0x2A70] =	vst v24  }
0x108: {  	v24 =	vld.idx.msk [tilespmem:v26+s17+$0x0], $0xffff;
	_ =	sdelay $0x2  }
0x109: {  	v39 =	vld.idx.msk [tilespmem:v6+s23+$0x0], $0xffff;
	_ =	sdelay $0x3  }
0x10a: {  	s8 =	sshll.u32 s22, $0x7  }
0x10b: {  	s11 =	sshrl.u32 s8, $0x1;
	[tilespmem:v24+s14+$0x0] =	vst.idx.add.f32.msk $0x1, v39  }
0x10c: {  	v24 =	vld [tilespmem:s11+$0xA00];
	_ =	sdelay $0x4  }
0x10d: {  	v40 =	vunpack.i.l.bf16.f32 v24  }
0x10e: {  	v24 =	vunpack.i.u.bf16.f32 v24;
	v26 =	vmul.f32 v40, v39  }
0x10f: {  	v24 =	vmul.f32 v24, v39  }
0x110: {  	[tilespmem:s8+$0x2A00] =	vst v26  }
0x111: {  	[tilespmem:s8+$0x2A10] =	vst v24  }
0x112: {  	v24 =	vld [tilespmem:s11+$0xA10];
	_ =	sdelay $0x4  }
0x113: {  	v41 =	vunpack.i.l.bf16.f32 v24  }
0x114: {  	v24 =	vunpack.i.u.bf16.f32 v24;
	v26 =	vmul.f32 v41, v39  }
0x115: {  	v24 =	vmul.f32 v24, v39  }
0x116: {  	[tilespmem:s8+$0x2A20] =	vst v26  }
0x117: {  	[tilespmem:s8+$0x2A30] =	vst v24  }
0x118: {  	v24 =	vld [tilespmem:s11+$0xA20];
	_ =	sdelay $0x4  }
0x119: {  	v42 =	vunpack.i.l.bf16.f32 v24  }
0x11a: {  	v24 =	vunpack.i.u.bf16.f32 v24;
	v26 =	vmul.f32 v42, v39  }
0x11b: {  	v24 =	vmul.f32 v24, v39  }
0x11c: {  	[tilespmem:s8+$0x2A40] =	vst v26  }
0x11d: {  	s22 =	sor.u32 $0x7, s7;
	[tilespmem:s8+$0x2A50] =	vst v24  }
0x11e: {  	v43 =	vmov s22;
	v24 =	vld [tilespmem:s11+$0xA30]  }
0x11f: {  	v26 =	vshrl.u32 v43, $0x3  }
0x120: {  	v26 =	vshll.u32 v26, v0  }
0x121: {  	v26 =	vadd.s32 v26, v23  }
0x122: {  	v26 =	vbroadcast v26, $0x0  }
0x123: {  	v44 =	vunpack.i.l.bf16.f32 v24  }
0x124: {  	v24 =	vunpack.i.u.bf16.f32 v24;
	v27 =	vmul.f32 v44, v39  }
0x125: {  	v24 =	vmul.f32 v24, v39  }
0x126: {  	[tilespmem:s8+$0x2A60] =	vst v27  }
0x127: {  	[tilespmem:s8+$0x2A70] =	vst v24  }
0x128: {  	v24 =	vld.idx.msk [tilespmem:v26+s17+$0x0], $0xffff;
	_ =	sdelay $0x2  }
0x129: {  	v45 =	vld.idx.msk [tilespmem:v7+s23+$0x0], $0xffff;
	_ =	sdelay $0x3  }
0x12a: {  	s8 =	sshll.u32 s22, $0x7  }
0x12b: {  	s11 =	sshrl.u32 s8, $0x1;
	[tilespmem:v24+s14+$0x0] =	vst.idx.add.f32.msk $0x1, v45  }
0x12c: {  	v24 =	vld [tilespmem:s11+$0xA00];
	_ =	sdelay $0x4  }
0x12d: {  	v46 =	vunpack.i.l.bf16.f32 v24  }
0x12e: {  	v24 =	vunpack.i.u.bf16.f32 v24;
	v26 =	vmul.f32 v46, v45  }
0x12f: {  	v24 =	vmul.f32 v24, v45  }
0x130: {  	[tilespmem:s8+$0x2A00] =	vst v26  }
0x131: {  	[tilespmem:s8+$0x2A10] =	vst v24  }
0x132: {  	v24 =	vld [tilespmem:s11+$0xA10];
	_ =	sdelay $0x4  }
0x133: {  	v47 =	vunpack.i.l.bf16.f32 v24  }
0x134: {  	v24 =	vunpack.i.u.bf16.f32 v24;
	v26 =	vmul.f32 v47, v45  }
0x135: {  	v24 =	vmul.f32 v24, v45  }
0x136: {  	[tilespmem:s8+$0x2A20] =	vst v26  }
0x137: {  	[tilespmem:s8+$0x2A30] =	vst v24  }
0x138: {  	v24 =	vld [tilespmem:s11+$0xA20];
	_ =	sdelay $0x4  }
0x139: {  	v48 =	vunpack.i.l.bf16.f32 v24  }
0x13a: {  	v24 =	vunpack.i.u.bf16.f32 v24;
	v26 =	vmul.f32 v48, v45  }
0x13b: {  	v24 =	vmul.f32 v24, v45  }
0x13c: {  	[tilespmem:s8+$0x2A40] =	vst v26  }
0x13d: {  	s22 =	sor.u32 $0x8, s7;
	[tilespmem:s8+$0x2A50] =	vst v24  }
0x13e: {  	v49 =	vmov s22;
	v24 =	vld [tilespmem:s11+$0xA30]  }
0x13f: {  	v26 =	vshrl.u32 v49, $0x3  }
0x140: {  	v26 =	vshll.u32 v26, v0  }
0x141: {  	v26 =	vadd.s32 v16, v26  }
0x142: {  	v26 =	vbroadcast v26, $0x0  }
0x143: {  	v50 =	vunpack.i.l.bf16.f32 v24  }
0x144: {  	v24 =	vunpack.i.u.bf16.f32 v24;
	v27 =	vmul.f32 v50, v45  }
0x145: {  	v24 =	vmul.f32 v24, v45  }
0x146: {  	[tilespmem:s8+$0x2A60] =	vst v27  }
0x147: {  	[tilespmem:s8+$0x2A70] =	vst v24  }
0x148: {  	v24 =	vld.idx.msk [tilespmem:v26+s17+$0x0], $0xffff;
	_ =	sdelay $0x2  }
0x149: {  	v51 =	vld.idx.msk [tilespmem:v8+s23+$0x0], $0xffff;
	_ =	sdelay $0x3  }
0x14a: {  	s8 =	sshll.u32 s22, $0x7  }
0x14b: {  	s11 =	sshrl.u32 s8, $0x1;
	[tilespmem:v24+s14+$0x0] =	vst.idx.add.f32.msk $0x1, v51  }
0x14c: {  	v24 =	vld [tilespmem:s11+$0xA00];
	_ =	sdelay $0x4  }
0x14d: {  	v52 =	vunpack.i.l.bf16.f32 v24  }
0x14e: {  	v24 =	vunpack.i.u.bf16.f32 v24;
	v26 =	vmul.f32 v52, v51  }
0x14f: {  	v24 =	vmul.f32 v24, v51  }
0x150: {  	[tilespmem:s8+$0x2A00] =	vst v26  }
0x151: {  	[tilespmem:s8+$0x2A10] =	vst v24  }
0x152: {  	v24 =	vld [tilespmem:s11+$0xA10];
	_ =	sdelay $0x4  }
0x153: {  	v53 =	vunpack.i.l.bf16.f32 v24  }
0x154: {  	v24 =	vunpack.i.u.bf16.f32 v24;
	v26 =	vmul.f32 v53, v51  }
0x155: {  	v24 =	vmul.f32 v24, v51  }
0x156: {  	[tilespmem:s8+$0x2A20] =	vst v26  }
0x157: {  	[tilespmem:s8+$0x2A30] =	vst v24  }
0x158: {  	v24 =	vld [tilespmem:s11+$0xA20];
	_ =	sdelay $0x4  }
0x159: {  	v54 =	vunpack.i.l.bf16.f32 v24  }
0x15a: {  	v24 =	vunpack.i.u.bf16.f32 v24;
	v26 =	vmul.f32 v54, v51  }
0x15b: {  	v24 =	vmul.f32 v24, v51  }
0x15c: {  	[tilespmem:s8+$0x2A40] =	vst v26  }
0x15d: {  	s22 =	sor.u32 $0x9, s7;
	[tilespmem:s8+$0x2A50] =	vst v24  }
0x15e: {  	v55 =	vmov s22;
	v24 =	vld [tilespmem:s11+$0xA30]  }
0x15f: {  	v26 =	vshrl.u32 v55, $0x3  }
0x160: {  	v26 =	vshll.u32 v26, v0  }
0x161: {  	v26 =	vadd.s32 v26, v17  }
0x162: {  	v26 =	vbroadcast v26, $0x0  }
0x163: {  	v56 =	vunpack.i.l.bf16.f32 v24  }
0x164: {  	v24 =	vunpack.i.u.bf16.f32 v24;
	v27 =	vmul.f32 v56, v51  }
0x165: {  	v24 =	vmul.f32 v24, v51  }
0x166: {  	[tilespmem:s8+$0x2A60] =	vst v27  }
0x167: {  	[tilespmem:s8+$0x2A70] =	vst v24  }
0x168: {  	v24 =	vld.idx.msk [tilespmem:v26+s17+$0x0], $0xffff;
	_ =	sdelay $0x2  }
0x169: {  	v57 =	vld.idx.msk [tilespmem:v9+s23+$0x0], $0xffff;
	_ =	sdelay $0x3  }
0x16a: {  	s8 =	sshll.u32 s22, $0x7  }
0x16b: {  	s11 =	sshrl.u32 s8, $0x1;
	[tilespmem:v24+s14+$0x0] =	vst.idx.add.f32.msk $0x1, v57  }
0x16c: {  	v24 =	vld [tilespmem:s11+$0xA00];
	_ =	sdelay $0x4  }
0x16d: {  	v58 =	vunpack.i.l.bf16.f32 v24  }
0x16e: {  	v24 =	vunpack.i.u.bf16.f32 v24;
	v26 =	vmul.f32 v58, v57  }
0x16f: {  	v24 =	vmul.f32 v24, v57  }
0x170: {  	[tilespmem:s8+$0x2A00] =	vst v26  }
0x171: {  	[tilespmem:s8+$0x2A10] =	vst v24  }
0x172: {  	v24 =	vld [tilespmem:s11+$0xA10];
	_ =	sdelay $0x4  }
0x173: {  	v59 =	vunpack.i.l.bf16.f32 v24  }
0x174: {  	v24 =	vunpack.i.u.bf16.f32 v24;
	v26 =	vmul.f32 v59, v57  }
0x175: {  	v24 =	vmul.f32 v24, v57  }
0x176: {  	[tilespmem:s8+$0x2A20] =	vst v26  }
0x177: {  	[tilespmem:s8+$0x2A30] =	vst v24  }
0x178: {  	v24 =	vld [tilespmem:s11+$0xA20];
	_ =	sdelay $0x4  }
0x179: {  	v60 =	vunpack.i.l.bf16.f32 v24  }
0x17a: {  	v24 =	vunpack.i.u.bf16.f32 v24;
	v26 =	vmul.f32 v60, v57  }
0x17b: {  	v24 =	vmul.f32 v24, v57  }
0x17c: {  	[tilespmem:s8+$0x2A40] =	vst v26  }
0x17d: {  	s22 =	sor.u32 $0xA, s7;
	[tilespmem:s8+$0x2A50] =	vst v24  }
0x17e: {  	v61 =	vmov s22;
	v24 =	vld [tilespmem:s11+$0xA30]  }
0x17f: {  	v26 =	vshrl.u32 v61, $0x3  }
0x180: {  	v26 =	vshll.u32 v26, v0  }
0x181: {  	v26 =	vadd.s32 v26, v18  }
0x182: {  	v26 =	vbroadcast v26, $0x0  }
0x183: {  	v62 =	vunpack.i.l.bf16.f32 v24  }
0x184: {  	v24 =	vunpack.i.u.bf16.f32 v24;
	v27 =	vmul.f32 v62, v57  }
0x185: {  	v24 =	vmul.f32 v24, v57  }
0x186: {  	[tilespmem:s8+$0x2A60] =	vst v27  }
0x187: {  	[tilespmem:s8+$0x2A70] =	vst v24  }
0x188: {  	v24 =	vld.idx.msk [tilespmem:v26+s17+$0x0], $0xffff;
	_ =	sdelay $0x2  }
0x189: {  	v63 =	vld.idx.msk [tilespmem:v10+s23+$0x0], $0xffff;
	_ =	sdelay $0x3  }
0x18a: {  	s8 =	sshll.u32 s22, $0x7  }
0x18b: {  	s11 =	sshrl.u32 s8, $0x1;
	[tilespmem:v24+s14+$0x0] =	vst.idx.add.f32.msk $0x1, v63  }
0x18c: {  	v24 =	vld [tilespmem:s11+$0xA00];
	_ =	sdelay $0x4  }
0x18d: {  	v30 =	vunpack.i.l.bf16.f32 v24  }
0x18e: {  	v24 =	vunpack.i.u.bf16.f32 v24;
	v26 =	vmul.f32 v30, v63  }
0x18f: {  	v24 =	vmul.f32 v24, v63  }
0x190: {  	[tilespmem:s8+$0x2A00] =	vst v26  }
0x191: {  	[tilespmem:s8+$0x2A10] =	vst v24  }
0x192: {  	v24 =	vld [tilespmem:s11+$0xA10];
	_ =	sdelay $0x4  }
0x193: {  	v31 =	vunpack.i.l.bf16.f32 v24  }
0x194: {  	v24 =	vunpack.i.u.bf16.f32 v24;
	v26 =	vmul.f32 v31, v63  }
0x195: {  	v24 =	vmul.f32 v24, v63  }
0x196: {  	[tilespmem:s8+$0x2A20] =	vst v26  }
0x197: {  	[tilespmem:s8+$0x2A30] =	vst v24  }
0x198: {  	v24 =	vld [tilespmem:s11+$0xA20];
	_ =	sdelay $0x4  }
0x199: {  	v32 =	vunpack.i.l.bf16.f32 v24  }
0x19a: {  	v24 =	vunpack.i.u.bf16.f32 v24;
	v26 =	vmul.f32 v32, v63  }
0x19b: {  	v24 =	vmul.f32 v24, v63  }
0x19c: {  	[tilespmem:s8+$0x2A40] =	vst v26  }
0x19d: {  	s22 =	sor.u32 $0xB, s7;
	[tilespmem:s8+$0x2A50] =	vst v24  }
0x19e: {  	v33 =	vmov s22;
	v24 =	vld [tilespmem:s11+$0xA30]  }
0x19f: {  	v26 =	vshrl.u32 v33, $0x3  }
0x1a0: {  	v26 =	vshll.u32 v26, v0  }
0x1a1: {  	v26 =	vadd.s32 v26, v19  }
0x1a2: {  	v26 =	vbroadcast v26, $0x0  }
0x1a3: {  	v34 =	vunpack.i.l.bf16.f32 v24  }
0x1a4: {  	v24 =	vunpack.i.u.bf16.f32 v24;
	v27 =	vmul.f32 v34, v63  }
0x1a5: {  	v24 =	vmul.f32 v24, v63  }
0x1a6: {  	[tilespmem:s8+$0x2A60] =	vst v27  }
0x1a7: {  	[tilespmem:s8+$0x2A70] =	vst v24  }
0x1a8: {  	v24 =	vld.idx.msk [tilespmem:v26+s17+$0x0], $0xffff;
	_ =	sdelay $0x2  }
0x1a9: {  	v35 =	vld.idx.msk [tilespmem:v11+s23+$0x0], $0xffff;
	_ =	sdelay $0x3  }
0x1aa: {  	s8 =	sshll.u32 s22, $0x7  }
0x1ab: {  	s11 =	sshrl.u32 s8, $0x1;
	[tilespmem:v24+s14+$0x0] =	vst.idx.add.f32.msk $0x1, v35  }
0x1ac: {  	v24 =	vld [tilespmem:s11+$0xA00];
	_ =	sdelay $0x4  }
0x1ad: {  	v36 =	vunpack.i.l.bf16.f32 v24  }
0x1ae: {  	v24 =	vunpack.i.u.bf16.f32 v24;
	v26 =	vmul.f32 v36, v35  }
0x1af: {  	v24 =	vmul.f32 v24, v35  }
0x1b0: {  	[tilespmem:s8+$0x2A00] =	vst v26  }
0x1b1: {  	[tilespmem:s8+$0x2A10] =	vst v24  }
0x1b2: {  	v24 =	vld [tilespmem:s11+$0xA10];
	_ =	sdelay $0x4  }
0x1b3: {  	v37 =	vunpack.i.l.bf16.f32 v24  }
0x1b4: {  	v24 =	vunpack.i.u.bf16.f32 v24;
	v26 =	vmul.f32 v37, v35  }
0x1b5: {  	v24 =	vmul.f32 v24, v35  }
0x1b6: {  	[tilespmem:s8+$0x2A20] =	vst v26  }
0x1b7: {  	[tilespmem:s8+$0x2A30] =	vst v24  }
0x1b8: {  	v24 =	vld [tilespmem:s11+$0xA20];
	_ =	sdelay $0x4  }
0x1b9: {  	v38 =	vunpack.i.l.bf16.f32 v24  }
0x1ba: {  	v24 =	vunpack.i.u.bf16.f32 v24;
	v26 =	vmul.f32 v38, v35  }
0x1bb: {  	v24 =	vmul.f32 v24, v35  }
0x1bc: {  	[tilespmem:s8+$0x2A40] =	vst v26  }
0x1bd: {  	s22 =	sor.u32 $0xC, s7;
	[tilespmem:s8+$0x2A50] =	vst v24  }
0x1be: {  	v39 =	vmov s22;
	v24 =	vld [tilespmem:s11+$0xA30]  }
0x1bf: {  	v26 =	vshrl.u32 v39, $0x3  }
0x1c0: {  	v26 =	vshll.u32 v26, v0  }
0x1c1: {  	v26 =	vadd.s32 v26, v20  }
0x1c2: {  	v26 =	vbroadcast v26, $0x0  }
0x1c3: {  	v40 =	vunpack.i.l.bf16.f32 v24  }
0x1c4: {  	v24 =	vunpack.i.u.bf16.f32 v24;
	v27 =	vmul.f32 v40, v35  }
0x1c5: {  	v24 =	vmul.f32 v24, v35  }
0x1c6: {  	[tilespmem:s8+$0x2A60] =	vst v27  }
0x1c7: {  	[tilespmem:s8+$0x2A70] =	vst v24  }
0x1c8: {  	v24 =	vld.idx.msk [tilespmem:v26+s17+$0x0], $0xffff;
	_ =	sdelay $0x2  }
0x1c9: {  	v41 =	vld.idx.msk [tilespmem:v12+s23+$0x0], $0xffff;
	_ =	sdelay $0x3  }
0x1ca: {  	s8 =	sshll.u32 s22, $0x7  }
0x1cb: {  	s11 =	sshrl.u32 s8, $0x1;
	[tilespmem:v24+s14+$0x0] =	vst.idx.add.f32.msk $0x1, v41  }
0x1cc: {  	v24 =	vld [tilespmem:s11+$0xA00];
	_ =	sdelay $0x4  }
0x1cd: {  	v42 =	vunpack.i.l.bf16.f32 v24  }
0x1ce: {  	v24 =	vunpack.i.u.bf16.f32 v24;
	v26 =	vmul.f32 v42, v41  }
0x1cf: {  	v24 =	vmul.f32 v24, v41  }
0x1d0: {  	[tilespmem:s8+$0x2A00] =	vst v26  }
0x1d1: {  	[tilespmem:s8+$0x2A10] =	vst v24  }
0x1d2: {  	v24 =	vld [tilespmem:s11+$0xA10];
	_ =	sdelay $0x4  }
0x1d3: {  	v43 =	vunpack.i.l.bf16.f32 v24  }
0x1d4: {  	v24 =	vunpack.i.u.bf16.f32 v24;
	v26 =	vmul.f32 v43, v41  }
0x1d5: {  	v24 =	vmul.f32 v24, v41  }
0x1d6: {  	[tilespmem:s8+$0x2A20] =	vst v26  }
0x1d7: {  	[tilespmem:s8+$0x2A30] =	vst v24  }
0x1d8: {  	v24 =	vld [tilespmem:s11+$0xA20];
	_ =	sdelay $0x4  }
0x1d9: {  	v44 =	vunpack.i.l.bf16.f32 v24  }
0x1da: {  	v24 =	vunpack.i.u.bf16.f32 v24;
	v26 =	vmul.f32 v44, v41  }
0x1db: {  	v24 =	vmul.f32 v24, v41  }
0x1dc: {  	[tilespmem:s8+$0x2A40] =	vst v26  }
0x1dd: {  	s22 =	sor.u32 $0xD, s7;
	[tilespmem:s8+$0x2A50] =	vst v24  }
0x1de: {  	v45 =	vmov s22;
	v24 =	vld [tilespmem:s11+$0xA30]  }
0x1df: {  	v26 =	vshrl.u32 v45, $0x3  }
0x1e0: {  	v26 =	vshll.u32 v26, v0  }
0x1e1: {  	v26 =	vadd.s32 v26, v21  }
0x1e2: {  	v26 =	vbroadcast v26, $0x0  }
0x1e3: {  	v46 =	vunpack.i.l.bf16.f32 v24  }
0x1e4: {  	v24 =	vunpack.i.u.bf16.f32 v24;
	v27 =	vmul.f32 v46, v41  }
0x1e5: {  	v24 =	vmul.f32 v24, v41  }
0x1e6: {  	[tilespmem:s8+$0x2A60] =	vst v27  }
0x1e7: {  	[tilespmem:s8+$0x2A70] =	vst v24  }
0x1e8: {  	v24 =	vld.idx.msk [tilespmem:v26+s17+$0x0], $0xffff;
	_ =	sdelay $0x2  }
0x1e9: {  	v47 =	vld.idx.msk [tilespmem:v13+s23+$0x0], $0xffff;
	_ =	sdelay $0x3  }
0x1ea: {  	s11 =	sshll.u32 s22, $0x7  }
0x1eb: {  	s22 =	sshrl.u32 s11, $0x1;
	[tilespmem:v24+s14+$0x0] =	vst.idx.add.f32.msk $0x1, v47  }
0x1ec: {  	v24 =	vld [tilespmem:s22+$0xA00];
	_ =	sdelay $0x4  }
0x1ed: {  	v48 =	vunpack.i.l.bf16.f32 v24  }
0x1ee: {  	v24 =	vunpack.i.u.bf16.f32 v24;
	v26 =	vmul.f32 v48, v47  }
0x1ef: {  	v24 =	vmul.f32 v24, v47  }
0x1f0: {  	[tilespmem:s11+$0x2A00] =	vst v26  }
0x1f1: {  	[tilespmem:s11+$0x2A10] =	vst v24  }
0x1f2: {  	v24 =	vld [tilespmem:s22+$0xA10];
	_ =	sdelay $0x4  }
0x1f3: {  	v49 =	vunpack.i.l.bf16.f32 v24  }
0x1f4: {  	v24 =	vunpack.i.u.bf16.f32 v24;
	v26 =	vmul.f32 v49, v47  }
0x1f5: {  	v24 =	vmul.f32 v24, v47  }
0x1f6: {  	[tilespmem:s11+$0x2A20] =	vst v26  }
0x1f7: {  	[tilespmem:s11+$0x2A30] =	vst v24  }
0x1f8: {  	v24 =	vld [tilespmem:s22+$0xA20];
	_ =	sdelay $0x4  }
0x1f9: {  	v50 =	vunpack.i.l.bf16.f32 v24  }
0x1fa: {  	v24 =	vunpack.i.u.bf16.f32 v24;
	v26 =	vmul.f32 v50, v47  }
0x1fb: {  	v24 =	vmul.f32 v24, v47  }
0x1fc: {  	[tilespmem:s11+$0x2A40] =	vst v26  }
0x1fd: {  	s7 =	sor.u32 $0xE, s7;
	[tilespmem:s11+$0x2A50] =	vst v24  }
0x1fe: {  	v51 =	vmov s7;
	v24 =	vld [tilespmem:s22+$0xA30]  }
0x1ff: {  	v26 =	vshrl.u32 v51, $0x3  }
0x200: {  	v26 =	vshll.u32 v26, v0  }
0x201: {  	v26 =	vadd.s32 v26, v22  }
0x202: {  	v26 =	vbroadcast v26, $0x0  }
0x203: {  	v52 =	vunpack.i.l.bf16.f32 v24  }
0x204: {  	v24 =	vunpack.i.u.bf16.f32 v24;
	v27 =	vmul.f32 v52, v47  }
0x205: {  	v24 =	vmul.f32 v24, v47  }
0x206: {  	[tilespmem:s11+$0x2A60] =	vst v27  }
0x207: {  	[tilespmem:s11+$0x2A70] =	vst v24  }
0x208: {  	v24 =	vld.idx.msk [tilespmem:v26+s17+$0x0], $0xffff;
	_ =	sdelay $0x2  }
0x209: {  	v53 =	vld.idx.msk [tilespmem:v14+s23+$0x0], $0xffff;
	_ =	sdelay $0x3  }
0x20a: {  	s7 =	sshll.u32 s7, $0x7  }
0x20b: {  	s11 =	sshrl.u32 s7, $0x1;
	[tilespmem:v24+s14+$0x0] =	vst.idx.add.f32.msk $0x1, v53  }
0x20c: {  	v24 =	vld [tilespmem:s11+$0xA00];
	_ =	sdelay $0x4  }
0x20d: {  	v54 =	vunpack.i.l.bf16.f32 v24  }
0x20e: {  	v24 =	vunpack.i.u.bf16.f32 v24;
	v26 =	vmul.f32 v54, v53  }
0x20f: {  	v24 =	vmul.f32 v24, v53  }
0x210: {  	[tilespmem:s7+$0x2A00] =	vst v26  }
0x211: {  	[tilespmem:s7+$0x2A10] =	vst v24  }
0x212: {  	v24 =	vld [tilespmem:s11+$0xA10];
	_ =	sdelay $0x4  }
0x213: {  	v55 =	vunpack.i.l.bf16.f32 v24  }
0x214: {  	v24 =	vunpack.i.u.bf16.f32 v24;
	v26 =	vmul.f32 v55, v53  }
0x215: {  	v24 =	vmul.f32 v24, v53  }
0x216: {  	[tilespmem:s7+$0x2A20] =	vst v26  }
0x217: {  	[tilespmem:s7+$0x2A30] =	vst v24  }
0x218: {  	v24 =	vld [tilespmem:s11+$0xA20];
	_ =	sdelay $0x4  }
0x219: {  	v56 =	vunpack.i.l.bf16.f32 v24  }
0x21a: {  	v24 =	vunpack.i.u.bf16.f32 v24;
	v26 =	vmul.f32 v56, v53  }
0x21b: {  	v24 =	vmul.f32 v24, v53  }
0x21c: {  	[tilespmem:s7+$0x2A40] =	vst v26  }
0x21d: {  	s22 =	sshllo.u32 s2, $0x4;
	[tilespmem:s7+$0x2A50] =	vst v24  }
0x21e: {  	v57 =	vmov s22;
	v24 =	vld [tilespmem:s11+$0xA30]  }
0x21f: {  	v26 =	vshrl.u32 v57, $0x3  }
0x220: {  	v26 =	vshll.u32 v26, v0  }
0x221: {  	v26 =	vadd.s32 v26, v23  }
0x222: {  	v26 =	vbroadcast v26, $0x0  }
0x223: {  	v58 =	vunpack.i.l.bf16.f32 v24  }
0x224: {  	v24 =	vunpack.i.u.bf16.f32 v24;
	v27 =	vmul.f32 v58, v53  }
0x225: {  	v24 =	vmul.f32 v24, v53  }
0x226: {  	[tilespmem:s7+$0x2A60] =	vst v27  }
0x227: {  	[tilespmem:s7+$0x2A70] =	vst v24  }
0x228: {  	v24 =	vld.idx.msk [tilespmem:v26+s17+$0x0], $0xffff;
	_ =	sdelay $0x2  }
0x229: {  	v59 =	vld.idx.msk [tilespmem:v15+s23+$0x0], $0xffff;
	_ =	sdelay $0x3  }
0x22a: {  	s11 =	sshll.u32 s22, $0x7  }
0x22b: {  	s22 =	sshrl.u32 s11, $0x1;
	[tilespmem:v24+s14+$0x0] =	vst.idx.add.f32.msk $0x1, v59  }
0x22c: {  	v24 =	vld [tilespmem:s22+$0xA00];
	_ =	sdelay $0x4  }
0x22d: {  	v60 =	vunpack.i.l.bf16.f32 v24  }
0x22e: {  	v24 =	vunpack.i.u.bf16.f32 v24;
	v26 =	vmul.f32 v60, v59  }
0x22f: {  	v24 =	vmul.f32 v24, v59  }
0x230: {  	[tilespmem:s11+$0x2A00] =	vst v26  }
0x231: {  	[tilespmem:s11+$0x2A10] =	vst v24  }
0x232: {  	v24 =	vld [tilespmem:s22+$0xA10];
	_ =	sdelay $0x4  }
0x233: {  	v61 =	vunpack.i.l.bf16.f32 v24  }
0x234: {  	v24 =	vunpack.i.u.bf16.f32 v24;
	v26 =	vmul.f32 v61, v59  }
0x235: {  	v24 =	vmul.f32 v24, v59  }
0x236: {  	[tilespmem:s11+$0x2A20] =	vst v26  }
0x237: {  	[tilespmem:s11+$0x2A30] =	vst v24  }
0x238: {  	v24 =	vld [tilespmem:s22+$0xA20];
	_ =	sdelay $0x4  }
0x239: {  	v62 =	vunpack.i.l.bf16.f32 v24  }
0x23a: {  	v24 =	vunpack.i.u.bf16.f32 v24;
	v26 =	vmul.f32 v62, v59  }
0x23b: {  	v24 =	vmul.f32 v24, v59  }
0x23c: {  	[tilespmem:s11+$0x2A40] =	vst v26  }
0x23d: {  	[tilespmem:s11+$0x2A50] =	vst v24  }
0x23e: {  	v24 =	vld [tilespmem:s22+$0xA30];
	_ =	sdelay $0x3  }
0x23f: {  	p0 =	sne.s32 s2, $0x3  }
.Ltmp0:
0x240: {  	v63 =	vunpack.i.l.bf16.f32 v24;
	(pc) =	sbr.rel @p0 .LBB2_4-.Ltmp0, $4  }
0x241: {  	v24 =	vunpack.i.u.bf16.f32 v24;
	v26 =	vmul.f32 v63, v59  }
0x242: {  	v24 =	vmul.f32 v24, v59  }
0x243: {  	[tilespmem:s11+$0x2A60] =	vst v26  }
0x244: {  	s2 =	sadd.s32 $0x1, s2;
	[tilespmem:s11+$0x2A70] =	vst v24  }
0x245: {  	p0 =	seq.s32 s31, $0x9  }
0x246: {  	s2 =	sshll.u32 @!p0 s31, $0x9  }
0x247: {  	s8 =	simm.s32 @!p0 $0x40;
	s7 =	sshrl.u32 @!p0 s2, $0x2;
	s2 =	simm.s32 @p0 $0x1200  }
0x248: {  	s9 =	simm.s32 @!p0 $0xA00;
	s7 =	sadd.s32 @!p0 $0x80, s7;
	s22 =	sshrl.u32 s2, $0x2  }
0x249: {  	[tilespmem:s9], [sflag:$0x1] =	stream.indirect.gather @!p0 [hbm4b:s1+s8], $0x40, s7, s8, $0xb8;
	[tilespmem:$0x1FA10] =	vst v63  }
0x24a: {  	s7 =	sadd.s32 $0x500, s22  }
0x24b: {  	[spmem:s3] =	stream.indirect.scatter.add.f32 [tilespmem:s25], [sflag:$0x3], $0x80, s7, s18, $0xb8;
	[tilespmem:$0x1FA10] =	vst v63  }
0x24c: {  	_ =	swait.ge [sflag:s13], $0x2000  }
0x24d: {  	[sflag:s13] =	ssyncset.done $0x0  }
0x24e: {  	v16 =	vmov s0;
	[sflag:s13] =	ssyncadd.s32 $0xFFFFE000  }
0x24f: {  	v17 =	vor.u32 $0x1, v16;
	_ =	swait.ge [sflag:s26], $0x1000  }
0x250: {  	v18 =	vor.u32 $0x2, v16;
	v19 =	vor.u32 $0x3, v16;
	v20 =	vor.u32 $0x4, v16;
	[sflag:s26] =	ssyncset.done $0x0  }
0x251: {  	v21 =	vor.u32 $0x5, v16;
	v22 =	vor.u32 $0x6, v16;
	v23 =	vor.u32 $0x7, v16;
	s7 =	simm.s32 $0x0;
	[sflag:s26] =	ssyncadd.s32 $0xFFFFF000  }
.LBB2_6:
0x252: {  	s8 =	sshll.u32 s7, $0x4  }
0x253: {  	s9 =	sor.u32 s0, s8  }
0x254: {  	v24 =	vld [tilespmem:s9+$0x0]  }
0x255: {  	v25 =	vld [tilespmem:s9+$0x500];
	_ =	sdelay $0x6  }
0x256: {  	v24 =	vld.idx.msk [tilespmem:v24+s12+$0x0], $0xffff  }
0x257: {  	v25 =	vld.idx.msk [tilespmem:v25+s12+$0x0], $0xffff;
	_ =	sdelay $0x4  }
0x258: {  	v24 =	vunpack.i.l.bf16.f32 v24;
	v25 =	vunpack.i.u.bf16.f32 v25  }
0x259: {  	v24 =	vadd.f32 v25, v24;
	_ =	sdelay $0x1  }
0x25a: {  	v25 =	vmul.f32 $2.000000030e-01, v24;
	_ =	sdelay $0x1  }
0x25b: {  	v24 =	vmax.f32 v24, v25  }
0x25c: {  	v24 =	vmul.f32 $1.442695020e+00, v24;
	_ =	sdelay $0x1  }
0x25d: {  	(erf) = vpow2.f32 v24  }
0x25e: {  	v40 =	vmov s8  }
0x25f: {  	v24 =	vshrl.u32 v40, $0x3  }
0x260: {  	v24 =	vshll.u32 v24, v0  }
0x261: {  	v24 =	vadd.s32 v16, v24  }
0x262: {  	v24 =	vbroadcast v24, $0x0;
	_ =	sdelay $0x3  }
0x263: {  	v41 =	vpop (erf)  }
0x264: {  	[tilespmem:$0x9200] =	vst v41  }
0x265: {  	v24 =	vld.idx.msk [tilespmem:v24+s17+$0x0], $0xffff;
	_ =	sdelay $0x2  }
0x266: {  	v25 =	vld.msk [tilespmem:s23+$0x0], $0xffff;
	_ =	sdelay $0x3  }
0x267: {  	s9 =	sshll.u32 s7, $0xB  }
0x268: {  	s11 =	sshrl.u32 s9, $0x1;
	[tilespmem:v24+s14+$0x0] =	vst.idx.add.f32.msk $0x1, v25  }
0x269: {  	v24 =	vld [tilespmem:s11+$0x1A00];
	_ =	sdelay $0x4  }
0x26a: {  	v26 =	vunpack.i.l.bf16.f32 v24  }
0x26b: {  	v24 =	vunpack.i.u.bf16.f32 v24;
	v26 =	vmul.f32 v26, v25  }
0x26c: {  	v24 =	vmul.f32 v24, v25  }
0x26d: {  	[tilespmem:s9+$0x4A00] =	vst v26  }
0x26e: {  	[tilespmem:s9+$0x4A10] =	vst v24  }
0x26f: {  	v24 =	vld [tilespmem:s11+$0x1A10];
	_ =	sdelay $0x4  }
0x270: {  	v42 =	vunpack.i.l.bf16.f32 v24  }
0x271: {  	v24 =	vunpack.i.u.bf16.f32 v24;
	v26 =	vmul.f32 v42, v25  }
0x272: {  	v24 =	vmul.f32 v24, v25  }
0x273: {  	[tilespmem:s9+$0x4A20] =	vst v26  }
0x274: {  	[tilespmem:s9+$0x4A30] =	vst v24  }
0x275: {  	v24 =	vld [tilespmem:s11+$0x1A20];
	_ =	sdelay $0x4  }
0x276: {  	v43 =	vunpack.i.l.bf16.f32 v24  }
0x277: {  	v24 =	vunpack.i.u.bf16.f32 v24;
	v26 =	vmul.f32 v43, v25  }
0x278: {  	v24 =	vmul.f32 v24, v25  }
0x279: {  	[tilespmem:s9+$0x4A40] =	vst v26  }
0x27a: {  	s22 =	sor.u32 $0x1, s8;
	[tilespmem:s9+$0x4A50] =	vst v24  }
0x27b: {  	v44 =	vmov s22;
	v24 =	vld [tilespmem:s11+$0x1A30]  }
0x27c: {  	v26 =	vshrl.u32 v44, $0x3  }
0x27d: {  	v26 =	vshll.u32 v26, v0  }
0x27e: {  	v26 =	vadd.s32 v26, v17  }
0x27f: {  	v26 =	vbroadcast v26, $0x0  }
0x280: {  	v27 =	vunpack.i.l.bf16.f32 v24  }
0x281: {  	v24 =	vunpack.i.u.bf16.f32 v24;
	v27 =	vmul.f32 v27, v25  }
0x282: {  	v24 =	vmul.f32 v24, v25  }
0x283: {  	[tilespmem:s9+$0x4A60] =	vst v27  }
0x284: {  	[tilespmem:s9+$0x4A70] =	vst v24  }
0x285: {  	v24 =	vld.idx.msk [tilespmem:v26+s17+$0x0], $0xffff;
	_ =	sdelay $0x2  }
0x286: {  	v45 =	vld.idx.msk [tilespmem:v1+s23+$0x0], $0xffff;
	_ =	sdelay $0x3  }
0x287: {  	s9 =	sshll.u32 s22, $0x7  }
0x288: {  	s11 =	sshrl.u32 s9, $0x1;
	[tilespmem:v24+s14+$0x0] =	vst.idx.add.f32.msk $0x1, v45  }
0x289: {  	v24 =	vld [tilespmem:s11+$0x1A00];
	_ =	sdelay $0x4  }
0x28a: {  	v46 =	vunpack.i.l.bf16.f32 v24  }
0x28b: {  	v24 =	vunpack.i.u.bf16.f32 v24;
	v26 =	vmul.f32 v46, v45  }
0x28c: {  	v24 =	vmul.f32 v24, v45  }
0x28d: {  	[tilespmem:s9+$0x4A00] =	vst v26  }
0x28e: {  	[tilespmem:s9+$0x4A10] =	vst v24  }
0x28f: {  	v24 =	vld [tilespmem:s11+$0x1A10];
	_ =	sdelay $0x4  }
0x290: {  	v47 =	vunpack.i.l.bf16.f32 v24  }
0x291: {  	v24 =	vunpack.i.u.bf16.f32 v24;
	v26 =	vmul.f32 v47, v45  }
0x292: {  	v24 =	vmul.f32 v24, v45  }
0x293: {  	[tilespmem:s9+$0x4A20] =	vst v26  }
0x294: {  	[tilespmem:s9+$0x4A30] =	vst v24  }
0x295: {  	v24 =	vld [tilespmem:s11+$0x1A20];
	_ =	sdelay $0x4  }
0x296: {  	v48 =	vunpack.i.l.bf16.f32 v24  }
0x297: {  	v24 =	vunpack.i.u.bf16.f32 v24;
	v26 =	vmul.f32 v48, v45  }
0x298: {  	v24 =	vmul.f32 v24, v45  }
0x299: {  	[tilespmem:s9+$0x4A40] =	vst v26  }
0x29a: {  	s22 =	sor.u32 $0x2, s8;
	[tilespmem:s9+$0x4A50] =	vst v24  }
0x29b: {  	v49 =	vmov s22;
	v24 =	vld [tilespmem:s11+$0x1A30]  }
0x29c: {  	v26 =	vshrl.u32 v49, $0x3  }
0x29d: {  	v26 =	vshll.u32 v26, v0  }
0x29e: {  	v26 =	vadd.s32 v26, v18  }
0x29f: {  	v26 =	vbroadcast v26, $0x0  }
0x2a0: {  	v50 =	vunpack.i.l.bf16.f32 v24  }
0x2a1: {  	v24 =	vunpack.i.u.bf16.f32 v24;
	v27 =	vmul.f32 v50, v45  }
0x2a2: {  	v24 =	vmul.f32 v24, v45  }
0x2a3: {  	[tilespmem:s9+$0x4A60] =	vst v27  }
0x2a4: {  	[tilespmem:s9+$0x4A70] =	vst v24  }
0x2a5: {  	v24 =	vld.idx.msk [tilespmem:v26+s17+$0x0], $0xffff;
	_ =	sdelay $0x2  }
0x2a6: {  	v51 =	vld.idx.msk [tilespmem:v2+s23+$0x0], $0xffff;
	_ =	sdelay $0x3  }
0x2a7: {  	s9 =	sshll.u32 s22, $0x7  }
0x2a8: {  	s11 =	sshrl.u32 s9, $0x1;
	[tilespmem:v24+s14+$0x0] =	vst.idx.add.f32.msk $0x1, v51  }
0x2a9: {  	v24 =	vld [tilespmem:s11+$0x1A00];
	_ =	sdelay $0x4  }
0x2aa: {  	v52 =	vunpack.i.l.bf16.f32 v24  }
0x2ab: {  	v24 =	vunpack.i.u.bf16.f32 v24;
	v26 =	vmul.f32 v52, v51  }
0x2ac: {  	v24 =	vmul.f32 v24, v51  }
0x2ad: {  	[tilespmem:s9+$0x4A00] =	vst v26  }
0x2ae: {  	[tilespmem:s9+$0x4A10] =	vst v24  }
0x2af: {  	v24 =	vld [tilespmem:s11+$0x1A10];
	_ =	sdelay $0x4  }
0x2b0: {  	v53 =	vunpack.i.l.bf16.f32 v24  }
0x2b1: {  	v24 =	vunpack.i.u.bf16.f32 v24;
	v26 =	vmul.f32 v53, v51  }
0x2b2: {  	v24 =	vmul.f32 v24, v51  }
0x2b3: {  	[tilespmem:s9+$0x4A20] =	vst v26  }
0x2b4: {  	[tilespmem:s9+$0x4A30] =	vst v24  }
0x2b5: {  	v24 =	vld [tilespmem:s11+$0x1A20];
	_ =	sdelay $0x4  }
0x2b6: {  	v54 =	vunpack.i.l.bf16.f32 v24  }
0x2b7: {  	v24 =	vunpack.i.u.bf16.f32 v24;
	v26 =	vmul.f32 v54, v51  }
0x2b8: {  	v24 =	vmul.f32 v24, v51  }
0x2b9: {  	[tilespmem:s9+$0x4A40] =	vst v26  }
0x2ba: {  	s22 =	sor.u32 $0x3, s8;
	[tilespmem:s9+$0x4A50] =	vst v24  }
0x2bb: {  	v55 =	vmov s22;
	v24 =	vld [tilespmem:s11+$0x1A30]  }
0x2bc: {  	v26 =	vshrl.u32 v55, $0x3  }
0x2bd: {  	v26 =	vshll.u32 v26, v0  }
0x2be: {  	v26 =	vadd.s32 v26, v19  }
0x2bf: {  	v26 =	vbroadcast v26, $0x0  }
0x2c0: {  	v56 =	vunpack.i.l.bf16.f32 v24  }
0x2c1: {  	v24 =	vunpack.i.u.bf16.f32 v24;
	v27 =	vmul.f32 v56, v51  }
0x2c2: {  	v24 =	vmul.f32 v24, v51  }
0x2c3: {  	[tilespmem:s9+$0x4A60] =	vst v27  }
0x2c4: {  	[tilespmem:s9+$0x4A70] =	vst v24  }
0x2c5: {  	v24 =	vld.idx.msk [tilespmem:v26+s17+$0x0], $0xffff;
	_ =	sdelay $0x2  }
0x2c6: {  	v57 =	vld.idx.msk [tilespmem:v3+s23+$0x0], $0xffff;
	_ =	sdelay $0x3  }
0x2c7: {  	s9 =	sshll.u32 s22, $0x7  }
0x2c8: {  	s11 =	sshrl.u32 s9, $0x1;
	[tilespmem:v24+s14+$0x0] =	vst.idx.add.f32.msk $0x1, v57  }
0x2c9: {  	v24 =	vld [tilespmem:s11+$0x1A00];
	_ =	sdelay $0x4  }
0x2ca: {  	v58 =	vunpack.i.l.bf16.f32 v24  }
0x2cb: {  	v24 =	vunpack.i.u.bf16.f32 v24;
	v26 =	vmul.f32 v58, v57  }
0x2cc: {  	v24 =	vmul.f32 v24, v57  }
0x2cd: {  	[tilespmem:s9+$0x4A00] =	vst v26  }
0x2ce: {  	[tilespmem:s9+$0x4A10] =	vst v24  }
0x2cf: {  	v24 =	vld [tilespmem:s11+$0x1A10];
	_ =	sdelay $0x4  }
0x2d0: {  	v59 =	vunpack.i.l.bf16.f32 v24  }
0x2d1: {  	v24 =	vunpack.i.u.bf16.f32 v24;
	v26 =	vmul.f32 v59, v57  }
0x2d2: {  	v24 =	vmul.f32 v24, v57  }
0x2d3: {  	[tilespmem:s9+$0x4A20] =	vst v26  }
0x2d4: {  	[tilespmem:s9+$0x4A30] =	vst v24  }
0x2d5: {  	v24 =	vld [tilespmem:s11+$0x1A20];
	_ =	sdelay $0x4  }
0x2d6: {  	v60 =	vunpack.i.l.bf16.f32 v24  }
0x2d7: {  	v24 =	vunpack.i.u.bf16.f32 v24;
	v26 =	vmul.f32 v60, v57  }
0x2d8: {  	v24 =	vmul.f32 v24, v57  }
0x2d9: {  	[tilespmem:s9+$0x4A40] =	vst v26  }
0x2da: {  	s22 =	sor.u32 $0x4, s8;
	[tilespmem:s9+$0x4A50] =	vst v24  }
0x2db: {  	v61 =	vmov s22;
	v24 =	vld [tilespmem:s11+$0x1A30]  }
0x2dc: {  	v26 =	vshrl.u32 v61, $0x3  }
0x2dd: {  	v26 =	vshll.u32 v26, v0  }
0x2de: {  	v26 =	vadd.s32 v26, v20  }
0x2df: {  	v26 =	vbroadcast v26, $0x0  }
0x2e0: {  	v62 =	vunpack.i.l.bf16.f32 v24  }
0x2e1: {  	v24 =	vunpack.i.u.bf16.f32 v24;
	v27 =	vmul.f32 v62, v57  }
0x2e2: {  	v24 =	vmul.f32 v24, v57  }
0x2e3: {  	[tilespmem:s9+$0x4A60] =	vst v27  }
0x2e4: {  	[tilespmem:s9+$0x4A70] =	vst v24  }
0x2e5: {  	v24 =	vld.idx.msk [tilespmem:v26+s17+$0x0], $0xffff;
	_ =	sdelay $0x2  }
0x2e6: {  	v63 =	vld.idx.msk [tilespmem:v4+s23+$0x0], $0xffff;
	_ =	sdelay $0x3  }
0x2e7: {  	s9 =	sshll.u32 s22, $0x7  }
0x2e8: {  	s11 =	sshrl.u32 s9, $0x1;
	[tilespmem:v24+s14+$0x0] =	vst.idx.add.f32.msk $0x1, v63  }
0x2e9: {  	v24 =	vld [tilespmem:s11+$0x1A00];
	_ =	sdelay $0x4  }
0x2ea: {  	v28 =	vunpack.i.l.bf16.f32 v24  }
0x2eb: {  	v24 =	vunpack.i.u.bf16.f32 v24;
	v26 =	vmul.f32 v28, v63  }
0x2ec: {  	v24 =	vmul.f32 v24, v63  }
0x2ed: {  	[tilespmem:s9+$0x4A00] =	vst v26  }
0x2ee: {  	[tilespmem:s9+$0x4A10] =	vst v24  }
0x2ef: {  	v24 =	vld [tilespmem:s11+$0x1A10];
	_ =	sdelay $0x4  }
0x2f0: {  	v29 =	vunpack.i.l.bf16.f32 v24  }
0x2f1: {  	v24 =	vunpack.i.u.bf16.f32 v24;
	v26 =	vmul.f32 v29, v63  }
0x2f2: {  	v24 =	vmul.f32 v24, v63  }
0x2f3: {  	[tilespmem:s9+$0x4A20] =	vst v26  }
0x2f4: {  	[tilespmem:s9+$0x4A30] =	vst v24  }
0x2f5: {  	v24 =	vld [tilespmem:s11+$0x1A20];
	_ =	sdelay $0x4  }
0x2f6: {  	v30 =	vunpack.i.l.bf16.f32 v24  }
0x2f7: {  	v24 =	vunpack.i.u.bf16.f32 v24;
	v26 =	vmul.f32 v30, v63  }
0x2f8: {  	v24 =	vmul.f32 v24, v63  }
0x2f9: {  	[tilespmem:s9+$0x4A40] =	vst v26  }
0x2fa: {  	s22 =	sor.u32 $0x5, s8;
	[tilespmem:s9+$0x4A50] =	vst v24  }
0x2fb: {  	v31 =	vmov s22;
	v24 =	vld [tilespmem:s11+$0x1A30]  }
0x2fc: {  	v26 =	vshrl.u32 v31, $0x3  }
0x2fd: {  	v26 =	vshll.u32 v26, v0  }
0x2fe: {  	v26 =	vadd.s32 v26, v21  }
0x2ff: {  	v26 =	vbroadcast v26, $0x0  }
0x300: {  	v32 =	vunpack.i.l.bf16.f32 v24  }
0x301: {  	v24 =	vunpack.i.u.bf16.f32 v24;
	v27 =	vmul.f32 v32, v63  }
0x302: {  	v24 =	vmul.f32 v24, v63  }
0x303: {  	[tilespmem:s9+$0x4A60] =	vst v27  }
0x304: {  	[tilespmem:s9+$0x4A70] =	vst v24  }
0x305: {  	v24 =	vld.idx.msk [tilespmem:v26+s17+$0x0], $0xffff;
	_ =	sdelay $0x2  }
0x306: {  	v33 =	vld.idx.msk [tilespmem:v5+s23+$0x0], $0xffff;
	_ =	sdelay $0x3  }
0x307: {  	s9 =	sshll.u32 s22, $0x7  }
0x308: {  	s11 =	sshrl.u32 s9, $0x1;
	[tilespmem:v24+s14+$0x0] =	vst.idx.add.f32.msk $0x1, v33  }
0x309: {  	v24 =	vld [tilespmem:s11+$0x1A00];
	_ =	sdelay $0x4  }
0x30a: {  	v34 =	vunpack.i.l.bf16.f32 v24  }
0x30b: {  	v24 =	vunpack.i.u.bf16.f32 v24;
	v26 =	vmul.f32 v34, v33  }
0x30c: {  	v24 =	vmul.f32 v24, v33  }
0x30d: {  	[tilespmem:s9+$0x4A00] =	vst v26  }
0x30e: {  	[tilespmem:s9+$0x4A10] =	vst v24  }
0x30f: {  	v24 =	vld [tilespmem:s11+$0x1A10];
	_ =	sdelay $0x4  }
0x310: {  	v35 =	vunpack.i.l.bf16.f32 v24  }
0x311: {  	v24 =	vunpack.i.u.bf16.f32 v24;
	v26 =	vmul.f32 v35, v33  }
0x312: {  	v24 =	vmul.f32 v24, v33  }
0x313: {  	[tilespmem:s9+$0x4A20] =	vst v26  }
0x314: {  	[tilespmem:s9+$0x4A30] =	vst v24  }
0x315: {  	v24 =	vld [tilespmem:s11+$0x1A20];
	_ =	sdelay $0x4  }
0x316: {  	v36 =	vunpack.i.l.bf16.f32 v24  }
0x317: {  	v24 =	vunpack.i.u.bf16.f32 v24;
	v26 =	vmul.f32 v36, v33  }
0x318: {  	v24 =	vmul.f32 v24, v33  }
0x319: {  	[tilespmem:s9+$0x4A40] =	vst v26  }
0x31a: {  	s22 =	sor.u32 $0x6, s8;
	[tilespmem:s9+$0x4A50] =	vst v24  }
0x31b: {  	v37 =	vmov s22;
	v24 =	vld [tilespmem:s11+$0x1A30]  }
0x31c: {  	v26 =	vshrl.u32 v37, $0x3  }
0x31d: {  	v26 =	vshll.u32 v26, v0  }
0x31e: {  	v26 =	vadd.s32 v26, v22  }
0x31f: {  	v26 =	vbroadcast v26, $0x0  }
0x320: {  	v38 =	vunpack.i.l.bf16.f32 v24  }
0x321: {  	v24 =	vunpack.i.u.bf16.f32 v24;
	v27 =	vmul.f32 v38, v33  }
0x322: {  	v24 =	vmul.f32 v24, v33  }
0x323: {  	[tilespmem:s9+$0x4A60] =	vst v27  }
0x324: {  	[tilespmem:s9+$0x4A70] =	vst v24  }
0x325: {  	v24 =	vld.idx.msk [tilespmem:v26+s17+$0x0], $0xffff;
	_ =	sdelay $0x2  }
0x326: {  	v39 =	vld.idx.msk [tilespmem:v6+s23+$0x0], $0xffff;
	_ =	sdelay $0x3  }
0x327: {  	s9 =	sshll.u32 s22, $0x7  }
0x328: {  	s11 =	sshrl.u32 s9, $0x1;
	[tilespmem:v24+s14+$0x0] =	vst.idx.add.f32.msk $0x1, v39  }
0x329: {  	v24 =	vld [tilespmem:s11+$0x1A00];
	_ =	sdelay $0x4  }
0x32a: {  	v40 =	vunpack.i.l.bf16.f32 v24  }
0x32b: {  	v24 =	vunpack.i.u.bf16.f32 v24;
	v26 =	vmul.f32 v40, v39  }
0x32c: {  	v24 =	vmul.f32 v24, v39  }
0x32d: {  	[tilespmem:s9+$0x4A00] =	vst v26  }
0x32e: {  	[tilespmem:s9+$0x4A10] =	vst v24  }
0x32f: {  	v24 =	vld [tilespmem:s11+$0x1A10];
	_ =	sdelay $0x4  }
0x330: {  	v41 =	vunpack.i.l.bf16.f32 v24  }
0x331: {  	v24 =	vunpack.i.u.bf16.f32 v24;
	v26 =	vmul.f32 v41, v39  }
0x332: {  	v24 =	vmul.f32 v24, v39  }
0x333: {  	[tilespmem:s9+$0x4A20] =	vst v26  }
0x334: {  	[tilespmem:s9+$0x4A30] =	vst v24  }
0x335: {  	v24 =	vld [tilespmem:s11+$0x1A20];
	_ =	sdelay $0x4  }
0x336: {  	v42 =	vunpack.i.l.bf16.f32 v24  }
0x337: {  	v24 =	vunpack.i.u.bf16.f32 v24;
	v26 =	vmul.f32 v42, v39  }
0x338: {  	v24 =	vmul.f32 v24, v39  }
0x339: {  	[tilespmem:s9+$0x4A40] =	vst v26  }
0x33a: {  	s22 =	sor.u32 $0x7, s8;
	[tilespmem:s9+$0x4A50] =	vst v24  }
0x33b: {  	v43 =	vmov s22;
	v24 =	vld [tilespmem:s11+$0x1A30]  }
0x33c: {  	v26 =	vshrl.u32 v43, $0x3  }
0x33d: {  	v26 =	vshll.u32 v26, v0  }
0x33e: {  	v26 =	vadd.s32 v26, v23  }
0x33f: {  	v26 =	vbroadcast v26, $0x0  }
0x340: {  	v44 =	vunpack.i.l.bf16.f32 v24  }
0x341: {  	v24 =	vunpack.i.u.bf16.f32 v24;
	v27 =	vmul.f32 v44, v39  }
0x342: {  	v24 =	vmul.f32 v24, v39  }
0x343: {  	[tilespmem:s9+$0x4A60] =	vst v27  }
0x344: {  	[tilespmem:s9+$0x4A70] =	vst v24  }
0x345: {  	v24 =	vld.idx.msk [tilespmem:v26+s17+$0x0], $0xffff;
	_ =	sdelay $0x2  }
0x346: {  	v45 =	vld.idx.msk [tilespmem:v7+s23+$0x0], $0xffff;
	_ =	sdelay $0x3  }
0x347: {  	s9 =	sshll.u32 s22, $0x7  }
0x348: {  	s11 =	sshrl.u32 s9, $0x1;
	[tilespmem:v24+s14+$0x0] =	vst.idx.add.f32.msk $0x1, v45  }
0x349: {  	v24 =	vld [tilespmem:s11+$0x1A00];
	_ =	sdelay $0x4  }
0x34a: {  	v46 =	vunpack.i.l.bf16.f32 v24  }
0x34b: {  	v24 =	vunpack.i.u.bf16.f32 v24;
	v26 =	vmul.f32 v46, v45  }
0x34c: {  	v24 =	vmul.f32 v24, v45  }
0x34d: {  	[tilespmem:s9+$0x4A00] =	vst v26  }
0x34e: {  	[tilespmem:s9+$0x4A10] =	vst v24  }
0x34f: {  	v24 =	vld [tilespmem:s11+$0x1A10];
	_ =	sdelay $0x4  }
0x350: {  	v47 =	vunpack.i.l.bf16.f32 v24  }
0x351: {  	v24 =	vunpack.i.u.bf16.f32 v24;
	v26 =	vmul.f32 v47, v45  }
0x352: {  	v24 =	vmul.f32 v24, v45  }
0x353: {  	[tilespmem:s9+$0x4A20] =	vst v26  }
0x354: {  	[tilespmem:s9+$0x4A30] =	vst v24  }
0x355: {  	v24 =	vld [tilespmem:s11+$0x1A20];
	_ =	sdelay $0x4  }
0x356: {  	v48 =	vunpack.i.l.bf16.f32 v24  }
0x357: {  	v24 =	vunpack.i.u.bf16.f32 v24;
	v26 =	vmul.f32 v48, v45  }
0x358: {  	v24 =	vmul.f32 v24, v45  }
0x359: {  	[tilespmem:s9+$0x4A40] =	vst v26  }
0x35a: {  	s22 =	sor.u32 $0x8, s8;
	[tilespmem:s9+$0x4A50] =	vst v24  }
0x35b: {  	v49 =	vmov s22;
	v24 =	vld [tilespmem:s11+$0x1A30]  }
0x35c: {  	v26 =	vshrl.u32 v49, $0x3  }
0x35d: {  	v26 =	vshll.u32 v26, v0  }
0x35e: {  	v26 =	vadd.s32 v16, v26  }
0x35f: {  	v26 =	vbroadcast v26, $0x0  }
0x360: {  	v50 =	vunpack.i.l.bf16.f32 v24  }
0x361: {  	v24 =	vunpack.i.u.bf16.f32 v24;
	v27 =	vmul.f32 v50, v45  }
0x362: {  	v24 =	vmul.f32 v24, v45  }
0x363: {  	[tilespmem:s9+$0x4A60] =	vst v27  }
0x364: {  	[tilespmem:s9+$0x4A70] =	vst v24  }
0x365: {  	v24 =	vld.idx.msk [tilespmem:v26+s17+$0x0], $0xffff;
	_ =	sdelay $0x2  }
0x366: {  	v51 =	vld.idx.msk [tilespmem:v8+s23+$0x0], $0xffff;
	_ =	sdelay $0x3  }
0x367: {  	s9 =	sshll.u32 s22, $0x7  }
0x368: {  	s11 =	sshrl.u32 s9, $0x1;
	[tilespmem:v24+s14+$0x0] =	vst.idx.add.f32.msk $0x1, v51  }
0x369: {  	v24 =	vld [tilespmem:s11+$0x1A00];
	_ =	sdelay $0x4  }
0x36a: {  	v52 =	vunpack.i.l.bf16.f32 v24  }
0x36b: {  	v24 =	vunpack.i.u.bf16.f32 v24;
	v26 =	vmul.f32 v52, v51  }
0x36c: {  	v24 =	vmul.f32 v24, v51  }
0x36d: {  	[tilespmem:s9+$0x4A00] =	vst v26  }
0x36e: {  	[tilespmem:s9+$0x4A10] =	vst v24  }
0x36f: {  	v24 =	vld [tilespmem:s11+$0x1A10];
	_ =	sdelay $0x4  }
0x370: {  	v53 =	vunpack.i.l.bf16.f32 v24  }
0x371: {  	v24 =	vunpack.i.u.bf16.f32 v24;
	v26 =	vmul.f32 v53, v51  }
0x372: {  	v24 =	vmul.f32 v24, v51  }
0x373: {  	[tilespmem:s9+$0x4A20] =	vst v26  }
0x374: {  	[tilespmem:s9+$0x4A30] =	vst v24  }
0x375: {  	v24 =	vld [tilespmem:s11+$0x1A20];
	_ =	sdelay $0x4  }
0x376: {  	v54 =	vunpack.i.l.bf16.f32 v24  }
0x377: {  	v24 =	vunpack.i.u.bf16.f32 v24;
	v26 =	vmul.f32 v54, v51  }
0x378: {  	v24 =	vmul.f32 v24, v51  }
0x379: {  	[tilespmem:s9+$0x4A40] =	vst v26  }
0x37a: {  	s22 =	sor.u32 $0x9, s8;
	[tilespmem:s9+$0x4A50] =	vst v24  }
0x37b: {  	v55 =	vmov s22;
	v24 =	vld [tilespmem:s11+$0x1A30]  }
0x37c: {  	v26 =	vshrl.u32 v55, $0x3  }
0x37d: {  	v26 =	vshll.u32 v26, v0  }
0x37e: {  	v26 =	vadd.s32 v26, v17  }
0x37f: {  	v26 =	vbroadcast v26, $0x0  }
0x380: {  	v56 =	vunpack.i.l.bf16.f32 v24  }
0x381: {  	v24 =	vunpack.i.u.bf16.f32 v24;
	v27 =	vmul.f32 v56, v51  }
0x382: {  	v24 =	vmul.f32 v24, v51  }
0x383: {  	[tilespmem:s9+$0x4A60] =	vst v27  }
0x384: {  	[tilespmem:s9+$0x4A70] =	vst v24  }
0x385: {  	v24 =	vld.idx.msk [tilespmem:v26+s17+$0x0], $0xffff;
	_ =	sdelay $0x2  }
0x386: {  	v57 =	vld.idx.msk [tilespmem:v9+s23+$0x0], $0xffff;
	_ =	sdelay $0x3  }
0x387: {  	s9 =	sshll.u32 s22, $0x7  }
0x388: {  	s11 =	sshrl.u32 s9, $0x1;
	[tilespmem:v24+s14+$0x0] =	vst.idx.add.f32.msk $0x1, v57  }
0x389: {  	v24 =	vld [tilespmem:s11+$0x1A00];
	_ =	sdelay $0x4  }
0x38a: {  	v58 =	vunpack.i.l.bf16.f32 v24  }
0x38b: {  	v24 =	vunpack.i.u.bf16.f32 v24;
	v26 =	vmul.f32 v58, v57  }
0x38c: {  	v24 =	vmul.f32 v24, v57  }
0x38d: {  	[tilespmem:s9+$0x4A00] =	vst v26  }
0x38e: {  	[tilespmem:s9+$0x4A10] =	vst v24  }
0x38f: {  	v24 =	vld [tilespmem:s11+$0x1A10];
	_ =	sdelay $0x4  }
0x390: {  	v59 =	vunpack.i.l.bf16.f32 v24  }
0x391: {  	v24 =	vunpack.i.u.bf16.f32 v24;
	v26 =	vmul.f32 v59, v57  }
0x392: {  	v24 =	vmul.f32 v24, v57  }
0x393: {  	[tilespmem:s9+$0x4A20] =	vst v26  }
0x394: {  	[tilespmem:s9+$0x4A30] =	vst v24  }
0x395: {  	v24 =	vld [tilespmem:s11+$0x1A20];
	_ =	sdelay $0x4  }
0x396: {  	v60 =	vunpack.i.l.bf16.f32 v24  }
0x397: {  	v24 =	vunpack.i.u.bf16.f32 v24;
	v26 =	vmul.f32 v60, v57  }
0x398: {  	v24 =	vmul.f32 v24, v57  }
0x399: {  	[tilespmem:s9+$0x4A40] =	vst v26  }
0x39a: {  	s22 =	sor.u32 $0xA, s8;
	[tilespmem:s9+$0x4A50] =	vst v24  }
0x39b: {  	v61 =	vmov s22;
	v24 =	vld [tilespmem:s11+$0x1A30]  }
0x39c: {  	v26 =	vshrl.u32 v61, $0x3  }
0x39d: {  	v26 =	vshll.u32 v26, v0  }
0x39e: {  	v26 =	vadd.s32 v26, v18  }
0x39f: {  	v26 =	vbroadcast v26, $0x0  }
0x3a0: {  	v62 =	vunpack.i.l.bf16.f32 v24  }
0x3a1: {  	v24 =	vunpack.i.u.bf16.f32 v24;
	v27 =	vmul.f32 v62, v57  }
0x3a2: {  	v24 =	vmul.f32 v24, v57  }
0x3a3: {  	[tilespmem:s9+$0x4A60] =	vst v27  }
0x3a4: {  	[tilespmem:s9+$0x4A70] =	vst v24  }
0x3a5: {  	v24 =	vld.idx.msk [tilespmem:v26+s17+$0x0], $0xffff;
	_ =	sdelay $0x2  }
0x3a6: {  	v63 =	vld.idx.msk [tilespmem:v10+s23+$0x0], $0xffff;
	_ =	sdelay $0x3  }
0x3a7: {  	s9 =	sshll.u32 s22, $0x7  }
0x3a8: {  	s11 =	sshrl.u32 s9, $0x1;
	[tilespmem:v24+s14+$0x0] =	vst.idx.add.f32.msk $0x1, v63  }
0x3a9: {  	v24 =	vld [tilespmem:s11+$0x1A00];
	_ =	sdelay $0x4  }
0x3aa: {  	v30 =	vunpack.i.l.bf16.f32 v24  }
0x3ab: {  	v24 =	vunpack.i.u.bf16.f32 v24;
	v26 =	vmul.f32 v30, v63  }
0x3ac: {  	v24 =	vmul.f32 v24, v63  }
0x3ad: {  	[tilespmem:s9+$0x4A00] =	vst v26  }
0x3ae: {  	[tilespmem:s9+$0x4A10] =	vst v24  }
0x3af: {  	v24 =	vld [tilespmem:s11+$0x1A10];
	_ =	sdelay $0x4  }
0x3b0: {  	v31 =	vunpack.i.l.bf16.f32 v24  }
0x3b1: {  	v24 =	vunpack.i.u.bf16.f32 v24;
	v26 =	vmul.f32 v31, v63  }
0x3b2: {  	v24 =	vmul.f32 v24, v63  }
0x3b3: {  	[tilespmem:s9+$0x4A20] =	vst v26  }
0x3b4: {  	[tilespmem:s9+$0x4A30] =	vst v24  }
0x3b5: {  	v24 =	vld [tilespmem:s11+$0x1A20];
	_ =	sdelay $0x4  }
0x3b6: {  	v32 =	vunpack.i.l.bf16.f32 v24  }
0x3b7: {  	v24 =	vunpack.i.u.bf16.f32 v24;
	v26 =	vmul.f32 v32, v63  }
0x3b8: {  	v24 =	vmul.f32 v24, v63  }
0x3b9: {  	[tilespmem:s9+$0x4A40] =	vst v26  }
0x3ba: {  	s22 =	sor.u32 $0xB, s8;
	[tilespmem:s9+$0x4A50] =	vst v24  }
0x3bb: {  	v33 =	vmov s22;
	v24 =	vld [tilespmem:s11+$0x1A30]  }
0x3bc: {  	v26 =	vshrl.u32 v33, $0x3  }
0x3bd: {  	v26 =	vshll.u32 v26, v0  }
0x3be: {  	v26 =	vadd.s32 v26, v19  }
0x3bf: {  	v26 =	vbroadcast v26, $0x0  }
0x3c0: {  	v34 =	vunpack.i.l.bf16.f32 v24  }
0x3c1: {  	v24 =	vunpack.i.u.bf16.f32 v24;
	v27 =	vmul.f32 v34, v63  }
0x3c2: {  	v24 =	vmul.f32 v24, v63  }
0x3c3: {  	[tilespmem:s9+$0x4A60] =	vst v27  }
0x3c4: {  	[tilespmem:s9+$0x4A70] =	vst v24  }
0x3c5: {  	v24 =	vld.idx.msk [tilespmem:v26+s17+$0x0], $0xffff;
	_ =	sdelay $0x2  }
0x3c6: {  	v35 =	vld.idx.msk [tilespmem:v11+s23+$0x0], $0xffff;
	_ =	sdelay $0x3  }
0x3c7: {  	s9 =	sshll.u32 s22, $0x7  }
0x3c8: {  	s11 =	sshrl.u32 s9, $0x1;
	[tilespmem:v24+s14+$0x0] =	vst.idx.add.f32.msk $0x1, v35  }
0x3c9: {  	v24 =	vld [tilespmem:s11+$0x1A00];
	_ =	sdelay $0x4  }
0x3ca: {  	v36 =	vunpack.i.l.bf16.f32 v24  }
0x3cb: {  	v24 =	vunpack.i.u.bf16.f32 v24;
	v26 =	vmul.f32 v36, v35  }
0x3cc: {  	v24 =	vmul.f32 v24, v35  }
0x3cd: {  	[tilespmem:s9+$0x4A00] =	vst v26  }
0x3ce: {  	[tilespmem:s9+$0x4A10] =	vst v24  }
0x3cf: {  	v24 =	vld [tilespmem:s11+$0x1A10];
	_ =	sdelay $0x4  }
0x3d0: {  	v37 =	vunpack.i.l.bf16.f32 v24  }
0x3d1: {  	v24 =	vunpack.i.u.bf16.f32 v24;
	v26 =	vmul.f32 v37, v35  }
0x3d2: {  	v24 =	vmul.f32 v24, v35  }
0x3d3: {  	[tilespmem:s9+$0x4A20] =	vst v26  }
0x3d4: {  	[tilespmem:s9+$0x4A30] =	vst v24  }
0x3d5: {  	v24 =	vld [tilespmem:s11+$0x1A20];
	_ =	sdelay $0x4  }
0x3d6: {  	v38 =	vunpack.i.l.bf16.f32 v24  }
0x3d7: {  	v24 =	vunpack.i.u.bf16.f32 v24;
	v26 =	vmul.f32 v38, v35  }
0x3d8: {  	v24 =	vmul.f32 v24, v35  }
0x3d9: {  	[tilespmem:s9+$0x4A40] =	vst v26  }
0x3da: {  	s22 =	sor.u32 $0xC, s8;
	[tilespmem:s9+$0x4A50] =	vst v24  }
0x3db: {  	v39 =	vmov s22;
	v24 =	vld [tilespmem:s11+$0x1A30]  }
0x3dc: {  	v26 =	vshrl.u32 v39, $0x3  }
0x3dd: {  	v26 =	vshll.u32 v26, v0  }
0x3de: {  	v26 =	vadd.s32 v26, v20  }
0x3df: {  	v26 =	vbroadcast v26, $0x0  }
0x3e0: {  	v40 =	vunpack.i.l.bf16.f32 v24  }
0x3e1: {  	v24 =	vunpack.i.u.bf16.f32 v24;
	v27 =	vmul.f32 v40, v35  }
0x3e2: {  	v24 =	vmul.f32 v24, v35  }
0x3e3: {  	[tilespmem:s9+$0x4A60] =	vst v27  }
0x3e4: {  	[tilespmem:s9+$0x4A70] =	vst v24  }
0x3e5: {  	v24 =	vld.idx.msk [tilespmem:v26+s17+$0x0], $0xffff;
	_ =	sdelay $0x2  }
0x3e6: {  	v41 =	vld.idx.msk [tilespmem:v12+s23+$0x0], $0xffff;
	_ =	sdelay $0x3  }
0x3e7: {  	s9 =	sshll.u32 s22, $0x7  }
0x3e8: {  	s11 =	sshrl.u32 s9, $0x1;
	[tilespmem:v24+s14+$0x0] =	vst.idx.add.f32.msk $0x1, v41  }
0x3e9: {  	v24 =	vld [tilespmem:s11+$0x1A00];
	_ =	sdelay $0x4  }
0x3ea: {  	v42 =	vunpack.i.l.bf16.f32 v24  }
0x3eb: {  	v24 =	vunpack.i.u.bf16.f32 v24;
	v26 =	vmul.f32 v42, v41  }
0x3ec: {  	v24 =	vmul.f32 v24, v41  }
0x3ed: {  	[tilespmem:s9+$0x4A00] =	vst v26  }
0x3ee: {  	[tilespmem:s9+$0x4A10] =	vst v24  }
0x3ef: {  	v24 =	vld [tilespmem:s11+$0x1A10];
	_ =	sdelay $0x4  }
0x3f0: {  	v43 =	vunpack.i.l.bf16.f32 v24  }
0x3f1: {  	v24 =	vunpack.i.u.bf16.f32 v24;
	v26 =	vmul.f32 v43, v41  }
0x3f2: {  	v24 =	vmul.f32 v24, v41  }
0x3f3: {  	[tilespmem:s9+$0x4A20] =	vst v26  }
0x3f4: {  	[tilespmem:s9+$0x4A30] =	vst v24  }
0x3f5: {  	v24 =	vld [tilespmem:s11+$0x1A20];
	_ =	sdelay $0x4  }
0x3f6: {  	v44 =	vunpack.i.l.bf16.f32 v24  }
0x3f7: {  	v24 =	vunpack.i.u.bf16.f32 v24;
	v26 =	vmul.f32 v44, v41  }
0x3f8: {  	v24 =	vmul.f32 v24, v41  }
0x3f9: {  	[tilespmem:s9+$0x4A40] =	vst v26  }
0x3fa: {  	s22 =	sor.u32 $0xD, s8;
	[tilespmem:s9+$0x4A50] =	vst v24  }
0x3fb: {  	v45 =	vmov s22;
	v24 =	vld [tilespmem:s11+$0x1A30]  }
0x3fc: {  	v26 =	vshrl.u32 v45, $0x3  }
0x3fd: {  	v26 =	vshll.u32 v26, v0  }
0x3fe: {  	v26 =	vadd.s32 v26, v21  }
0x3ff: {  	v26 =	vbroadcast v26, $0x0  }
0x400: {  	v46 =	vunpack.i.l.bf16.f32 v24  }
0x401: {  	v24 =	vunpack.i.u.bf16.f32 v24;
	v27 =	vmul.f32 v46, v41  }
0x402: {  	v24 =	vmul.f32 v24, v41  }
0x403: {  	[tilespmem:s9+$0x4A60] =	vst v27  }
0x404: {  	[tilespmem:s9+$0x4A70] =	vst v24  }
0x405: {  	v24 =	vld.idx.msk [tilespmem:v26+s17+$0x0], $0xffff;
	_ =	sdelay $0x2  }
0x406: {  	v47 =	vld.idx.msk [tilespmem:v13+s23+$0x0], $0xffff;
	_ =	sdelay $0x3  }
0x407: {  	s9 =	sshll.u32 s22, $0x7  }
0x408: {  	s22 =	sshrl.u32 s9, $0x1;
	[tilespmem:v24+s14+$0x0] =	vst.idx.add.f32.msk $0x1, v47  }
0x409: {  	v24 =	vld [tilespmem:s22+$0x1A00];
	_ =	sdelay $0x4  }
0x40a: {  	v48 =	vunpack.i.l.bf16.f32 v24  }
0x40b: {  	v24 =	vunpack.i.u.bf16.f32 v24;
	v26 =	vmul.f32 v48, v47  }
0x40c: {  	v24 =	vmul.f32 v24, v47  }
0x40d: {  	[tilespmem:s9+$0x4A00] =	vst v26  }
0x40e: {  	[tilespmem:s9+$0x4A10] =	vst v24  }
0x40f: {  	v24 =	vld [tilespmem:s22+$0x1A10];
	_ =	sdelay $0x4  }
0x410: {  	v49 =	vunpack.i.l.bf16.f32 v24  }
0x411: {  	v24 =	vunpack.i.u.bf16.f32 v24;
	v26 =	vmul.f32 v49, v47  }
0x412: {  	v24 =	vmul.f32 v24, v47  }
0x413: {  	[tilespmem:s9+$0x4A20] =	vst v26  }
0x414: {  	[tilespmem:s9+$0x4A30] =	vst v24  }
0x415: {  	v24 =	vld [tilespmem:s22+$0x1A20];
	_ =	sdelay $0x4  }
0x416: {  	v50 =	vunpack.i.l.bf16.f32 v24  }
0x417: {  	v24 =	vunpack.i.u.bf16.f32 v24;
	v26 =	vmul.f32 v50, v47  }
0x418: {  	v24 =	vmul.f32 v24, v47  }
0x419: {  	[tilespmem:s9+$0x4A40] =	vst v26  }
0x41a: {  	s8 =	sor.u32 $0xE, s8;
	[tilespmem:s9+$0x4A50] =	vst v24  }
0x41b: {  	v51 =	vmov s8;
	v24 =	vld [tilespmem:s22+$0x1A30]  }
0x41c: {  	v26 =	vshrl.u32 v51, $0x3  }
0x41d: {  	v26 =	vshll.u32 v26, v0  }
0x41e: {  	v26 =	vadd.s32 v26, v22  }
0x41f: {  	v26 =	vbroadcast v26, $0x0  }
0x420: {  	v52 =	vunpack.i.l.bf16.f32 v24  }
0x421: {  	v24 =	vunpack.i.u.bf16.f32 v24;
	v27 =	vmul.f32 v52, v47  }
0x422: {  	v24 =	vmul.f32 v24, v47  }
0x423: {  	[tilespmem:s9+$0x4A60] =	vst v27  }
0x424: {  	[tilespmem:s9+$0x4A70] =	vst v24  }
0x425: {  	v24 =	vld.idx.msk [tilespmem:v26+s17+$0x0], $0xffff;
	_ =	sdelay $0x2  }
0x426: {  	v53 =	vld.idx.msk [tilespmem:v14+s23+$0x0], $0xffff;
	_ =	sdelay $0x3  }
0x427: {  	s8 =	sshll.u32 s8, $0x7  }
0x428: {  	s11 =	sshrl.u32 s8, $0x1;
	[tilespmem:v24+s14+$0x0] =	vst.idx.add.f32.msk $0x1, v53  }
0x429: {  	v24 =	vld [tilespmem:s11+$0x1A00];
	_ =	sdelay $0x4  }
0x42a: {  	v54 =	vunpack.i.l.bf16.f32 v24  }
0x42b: {  	v24 =	vunpack.i.u.bf16.f32 v24;
	v26 =	vmul.f32 v54, v53  }
0x42c: {  	v24 =	vmul.f32 v24, v53  }
0x42d: {  	[tilespmem:s8+$0x4A00] =	vst v26  }
0x42e: {  	[tilespmem:s8+$0x4A10] =	vst v24  }
0x42f: {  	v24 =	vld [tilespmem:s11+$0x1A10];
	_ =	sdelay $0x4  }
0x430: {  	v55 =	vunpack.i.l.bf16.f32 v24  }
0x431: {  	v24 =	vunpack.i.u.bf16.f32 v24;
	v26 =	vmul.f32 v55, v53  }
0x432: {  	v24 =	vmul.f32 v24, v53  }
0x433: {  	[tilespmem:s8+$0x4A20] =	vst v26  }
0x434: {  	[tilespmem:s8+$0x4A30] =	vst v24  }
0x435: {  	v24 =	vld [tilespmem:s11+$0x1A20];
	_ =	sdelay $0x4  }
0x436: {  	v56 =	vunpack.i.l.bf16.f32 v24  }
0x437: {  	v24 =	vunpack.i.u.bf16.f32 v24;
	v26 =	vmul.f32 v56, v53  }
0x438: {  	v24 =	vmul.f32 v24, v53  }
0x439: {  	[tilespmem:s8+$0x4A40] =	vst v26  }
0x43a: {  	s22 =	sshllo.u32 s7, $0x4;
	[tilespmem:s8+$0x4A50] =	vst v24  }
0x43b: {  	v57 =	vmov s22;
	v24 =	vld [tilespmem:s11+$0x1A30]  }
0x43c: {  	v26 =	vshrl.u32 v57, $0x3  }
0x43d: {  	v26 =	vshll.u32 v26, v0  }
0x43e: {  	v26 =	vadd.s32 v26, v23  }
0x43f: {  	v26 =	vbroadcast v26, $0x0  }
0x440: {  	v58 =	vunpack.i.l.bf16.f32 v24  }
0x441: {  	v24 =	vunpack.i.u.bf16.f32 v24;
	v27 =	vmul.f32 v58, v53  }
0x442: {  	v24 =	vmul.f32 v24, v53  }
0x443: {  	[tilespmem:s8+$0x4A60] =	vst v27  }
0x444: {  	[tilespmem:s8+$0x4A70] =	vst v24  }
0x445: {  	v24 =	vld.idx.msk [tilespmem:v26+s17+$0x0], $0xffff;
	_ =	sdelay $0x2  }
0x446: {  	v59 =	vld.idx.msk [tilespmem:v15+s23+$0x0], $0xffff;
	_ =	sdelay $0x3  }
0x447: {  	s11 =	sshll.u32 s22, $0x7  }
0x448: {  	s22 =	sshrl.u32 s11, $0x1;
	[tilespmem:v24+s14+$0x0] =	vst.idx.add.f32.msk $0x1, v59  }
0x449: {  	v24 =	vld [tilespmem:s22+$0x1A00];
	_ =	sdelay $0x4  }
0x44a: {  	v60 =	vunpack.i.l.bf16.f32 v24  }
0x44b: {  	v24 =	vunpack.i.u.bf16.f32 v24;
	v26 =	vmul.f32 v60, v59  }
0x44c: {  	v24 =	vmul.f32 v24, v59  }
0x44d: {  	[tilespmem:s11+$0x4A00] =	vst v26  }
0x44e: {  	[tilespmem:s11+$0x4A10] =	vst v24  }
0x44f: {  	v24 =	vld [tilespmem:s22+$0x1A10];
	_ =	sdelay $0x4  }
0x450: {  	v61 =	vunpack.i.l.bf16.f32 v24  }
0x451: {  	v24 =	vunpack.i.u.bf16.f32 v24;
	v26 =	vmul.f32 v61, v59  }
0x452: {  	v24 =	vmul.f32 v24, v59  }
0x453: {  	[tilespmem:s11+$0x4A20] =	vst v26  }
0x454: {  	[tilespmem:s11+$0x4A30] =	vst v24  }
0x455: {  	v24 =	vld [tilespmem:s22+$0x1A20];
	_ =	sdelay $0x4  }
0x456: {  	v62 =	vunpack.i.l.bf16.f32 v24  }
0x457: {  	v24 =	vunpack.i.u.bf16.f32 v24;
	v26 =	vmul.f32 v62, v59  }
0x458: {  	v24 =	vmul.f32 v24, v59  }
0x459: {  	[tilespmem:s11+$0x4A40] =	vst v26  }
0x45a: {  	[tilespmem:s11+$0x4A50] =	vst v24  }
0x45b: {  	v24 =	vld [tilespmem:s22+$0x1A30];
	_ =	sdelay $0x3  }
0x45c: {  	p1 =	sne.s32 s7, $0x3  }
.Ltmp1:
0x45d: {  	v63 =	vunpack.i.l.bf16.f32 v24;
	(pc) =	sbr.rel @p1 .LBB2_6-.Ltmp1, $4  }
0x45e: {  	v24 =	vunpack.i.u.bf16.f32 v24;
	v26 =	vmul.f32 v63, v59  }
0x45f: {  	v24 =	vmul.f32 v24, v59  }
0x460: {  	[tilespmem:s11+$0x4A60] =	vst v26  }
0x461: {  	s7 =	sadd.s32 $0x1, s7;
	[tilespmem:s11+$0x4A70] =	vst v24  }
0x462: {  	s2 =	sshrl.u32 @!p0 s2, $0x2;
	s7 =	simm.s32 @!p0 $0x40  }
0x463: {  	s8 =	simm.s32 @!p0 $0x1A00;
	s31 =	sadd.s32 $0x1, s31;
	s2 =	sadd.s32 @!p0 $0xC0, s2  }
0x464: {  	[tilespmem:s8], [sflag:$0x2] =	stream.indirect.gather @!p0 [hbm4b:s1+s7], $0x40, s2, s7, $0xb8;
	[tilespmem:$0x1FA10] =	vst v63  }
0x465: {  	p0 =	sne.s32 s31, $0xA  }
.Ltmp2:
0x466: {  	s0 =	sadd.s32 $0x500, s0;
	(pc) =	sbr.rel @p0 .LBB2_3-.Ltmp2, $4  }
0x467: {  	[spmem:s3] =	stream.indirect.scatter.add.f32 [tilespmem:s28], [sflag:$0x3], $0x80, s0, s18, $0xb8;
	[tilespmem:$0x1FA10] =	vst v63  }
0x468: {  	_ =	swait.ge [sflag:s13], $0x2000  }
0x469: {  	[sflag:s13] =	ssyncset.done $0x0  }
0x46a: {  	[sflag:s13] =	ssyncadd.s32 $0xFFFFE000  }
0x46b: {  	s30 =	sadd.s32 $0x1, s30  }
0x46c: {  	p0 =	sne.s32 s30, $0x8  }
.Ltmp3:
0x46d: {  	_ = 	snop;
	(pc) =	sbr.rel @p0 .LBB2_2-.Ltmp3, $1  }
0x46e: {  	_ =	sdelay $0x3  }
0x46f: {  	[bflag:$0x0] =	sbarrier.arrive $0xFFFF  }
0x470: {  	s0 =	rddreg [dreg:$0x8]  }
0x471: {  	[hbm:s0], [sflag:s15] =	dma.local [spmem:s16], $0x2800  }
0x472: {  	_ =	swait.ge [sflag:s13], $0x2800  }
0x473: {  	[sflag:s13] =	ssyncset.done $0x0  }
0x474: {  	[sflag:s13] =	ssyncadd.s32 $0xFFFFD800  }
0x475: {  	[hbm4b:s24+s4] =	stream.linear.scatter [tilespmem:s14], [sflag:$0x3], $0x2800, $0x38;
	[tilespmem:$0x1FA10] =	vst v63  }
0x476: {  	_ =	swait.ge [sflag:s13], $0x2800  }
0x477: {  	s29 =	sadd.s32 $0x1, s29;
	s31 =	rddreg [dreg:$0x7]  }
0x478: {  	p0 =	sne.s32 s29, s31  }
.Ltmp4:
0x479: {  	_ = 	snop;
	(pc) =	sbr.rel @p0 .LBB2_1-.Ltmp4, $3  }
0x47a: {  	_ =	sdelay $0x1  }
0x47b: {  	[sflag:s13] =	ssyncset.done $0x0  }
0x47c: {  	[sflag:s13] =	ssyncadd.s32 $0xFFFFD800  }
0x47d: {  	_ =	sfence.sel $0x180000  }
0x47e: {  	[bflag:$0x0] =	sbarrier.arrive $0xFFFF  }
0x47f: {  	_ =	strace $0x9000004A  }
0x480: {  	s0 =	stileid.u32;
	[bflag:$0x2] =	sbarrier.arrive $0xFFFF  }
0x481: {  	p0 =	sne.s32 s0, $0x0;
	s0 =	rddreg [dreg:$0x3]  }
0x482: {  	s0 =	sadd.s32 @!p0 $0x100000, s0  }
0x483: {  	[sflag:s0] =	ssyncadd.tile.s32 @!p0 $0x1;
	_ =	shalt  }
.Lfunc_end2:
_tile_overlayer_lowered:
.L_overlay_start_2:
0x484: {  	(tag) =	ssettag $0x2  }
0x485: {  	s0 =	rddreg [dreg:$0x0];
	s2 =	stileid.u32  }
0x486: {  	s1 =	rddreg [dreg:$0x1];
	p0 =	sne.s32 s2, $0x0  }
0x487: {  	s3 =	rddreg [dreg:$0x2];
	[bflag:$0x3] =	sbarrier.arrive $0xFFFF;
	s2 =	simm.s32 @!p0 $0x1C03  }
0x488: {  	[timem:s3], [sflag:s2] =	dma.local @!p0 [hbm:s0], s1  }
0x489: {  	s0 =	simm.s32 @!p0 $0x3  }
0x48a: {  	_ =	swait.ge @!p0 [sflag:s0], s1  }
0x48b: {  	s1 =	ssub.s32 @!p0 $0x0, s1;
	[sflag:s0] =	ssyncset.done @!p0 $0x0  }
0x48c: {  	[sflag:s0] =	ssyncadd.s32 @!p0 s1  }
0x48d: {  	[bflag:$0x3] =	sbarrier.arrive $0xFFFF  }
0x48e: {  	_ =	shalt  }

// kernel: kernel.7.cloned.1.call-start
scs
__scs_entry_jumppad:
0x0: {  	(pc) =	sbr.rel $0x88, $3  }
0x1: {  	(tag) =	ssettag $0x0;
	lr =	simm.s32 $0x1  }
0x2: {  	[smem:$0x3F97] =	sst lr;
	_ =	strace $0xD0000000  }
0x3: {  	_ = 	snop  }
0x4: {  	_ = 	snop  }
0x5: {  	_ = 	snop  }
0x6: {  	_ = 	snop  }
0x7: {  	_ = 	snop  }
__scs_overlays_trampoline_lowered:
0x8: {  	[smem:$0x3FA6] =	sst s0  }
0x9: {  	[smem:$0x3FA7] =	sst s1  }
0xa: {  	[smem:$0x3FA8] =	sst s2  }
0xb: {  	[smem:$0x3FA9] =	sst s3  }
0xc: {  	[smem:$0x3FAA] =	sst s4  }
0xd: {  	[smem:$0x3FAB] =	sst s5  }
0xe: {  	[smem:$0x3FAC] =	sst s6  }
0xf: {  	[smem:$0x3FAD] =	sst s7  }
0x10: {  	[smem:$0x3FAE] =	sst s8  }
0x11: {  	[smem:$0x3FAF] =	sst s9;
	s0 =	simm.s32 @!p0 $0x0  }
0x12: {  	s1 =	sld [smem:$0x3F95];
	s0 =	simm.s32 @p0 $0x1  }
0x13: {  	[smem:$0x3FB0] =	sst s0;
	s0 =	simm.s32 @!p1 $0x0  }
0x14: {  	s2 =	sld [smem:$0x3F94];
	s0 =	simm.s32 @p1 $0x1  }
0x15: {  	[smem:$0x3FB1] =	sst s0;
	s0 =	simm.s32 @!p2 $0x0  }
0x16: {  	s3 =	sld [smem:$0x3FDB];
	s0 =	simm.s32 @p2 $0x1  }
0x17: {  	s4 =	simm.s32 $0x1BF5;
	[smem:$0x3FB3] =	sst s0  }
0x18: {  	s0 =	sld [smem:$0x3F96];
	_ =	swait.ge [sflag:s4], $0x0  }
0x19: {  	s7 =	sld [smem:$0x3F97]  }
0x1a: {  	s8 =	sadd.s32 $0xFFFFE003, lr  }
0x1b: {  	s9 =	sadd.s32 $0xFFFFFEF7, lr;
	s5 =	simm.s32 $0xFFFFFFFF;
	p2 =	slt.u32 s8, $0xFFFFF086  }
0x1c: {  	p1 =	slt.u32 s9, $0xF7A;
	s5 =	simm.s32 @!p2 $0x0  }
0x1d: {  	s5 =	simm.s32 @p1 $0x1;
	p0 =	seq.s32 s7, s2  }
0x1e: {  	s7 =	smul.u32 @!p0 $0xF7A, s2;
	p2 =	seq.s32 @!p0 s5, $0x0  }
0x1f: {  	s9 =	smul.u32 $0xF7A, s1;
	s8 =	simm.s32 @!p0 $0x1BF5;
	p2 =	por !p2, p0  }
0x20: {  	[sflag:s8] =	ssyncset.s32 @!p0 $0xFFFFF086;
	s6 =	sadd.s32 @!p0 s3, s7;
	s7 =	simm.s32 @!p0 $0x108  }
0x21: {  	s3 =	sadd.s32 s3, s9;
	s6 =	sadd.s32 @!p0 $0x88, s6;
	s7 =	simm.s32 @p2 $0x1082  }
0x22: {  	[simem:s7], [sflag:s8] =	dma.local @!p0 [hbm:s6], $0xF7A  }
0x23: {  	s9 =	sor.u32 $0xD0000000, s2;
	s6 =	simm.s32 $0x108;
	_ =	swait.ge @!p0 [sflag:s8], $0x0  }
0x24: {  	s3 =	sadd.s32 $0x88, s3;
	s6 =	simm.s32 @!p1 $0x1082;
	[sflag:s4] =	ssyncset.s32 $0xFFFFF086  }
0x25: {  	[simem:s6], [sflag:s4] =	dma.local [hbm:s3], $0xF7A  }
0x26: {  	[smem:$0x3F97] =	sst s1;
	(tag) =	ssettag s2;
	_ =	strace s9  }
0x27: {  	s1 =	sld [smem:$0x3FA7]  }
0x28: {  	s2 =	sld [smem:$0x3FA8]  }
0x29: {  	s4 =	sld [smem:$0x3FAA]  }
0x2a: {  	p0 =	seq.s32 s5, $0x0;
	s5 =	sld [smem:$0x3FAB]  }
0x2b: {  	s6 =	sld [smem:$0x3FAC]  }
0x2c: {  	s7 =	sld [smem:$0x3FAD]  }
0x2d: {  	s3 =	simm.s32 $0x108;
	s8 =	sld [smem:$0x3FAE]  }
0x2e: {  	s3 =	simm.s32 @!p0 $0x1082;
	s9 =	sld [smem:$0x3FAF]  }
0x2f: {  	lr =	sadd.s32 s0, s3;
	s0 =	sld [smem:$0x3FA6]  }
0x30: {  	s3 =	sld [smem:$0x3FA9]  }
0x31: {  	[smem:$0x3FB2] =	sst s10  }
0x32: {  	s10 =	sld [smem:$0x3FB0];
	_ =	sdelay $0x3  }
0x33: {  	p0 =	seq.s32 s10, $0x1;
	s10 =	sld [smem:$0x3FB2];
	_ =	sdelay $0x3  }
0x34: {  	[smem:$0x3FB2] =	sst s10  }
0x35: {  	s10 =	sld [smem:$0x3FB1];
	_ =	sdelay $0x3  }
0x36: {  	p1 =	seq.s32 s10, $0x1;
	s10 =	sld [smem:$0x3FB2];
	_ =	sdelay $0x3  }
0x37: {  	[smem:$0x3FB2] =	sst s10  }
0x38: {  	s10 =	sld [smem:$0x3FB3]  }
0x39: {  	_ = 	snop;
	(pc) =	sbr.ind lr, $3  }
0x3a: {  	_ = 	snop  }
0x3b: {  	_ = 	snop  }
0x3c: {  	p2 =	seq.s32 s10, $0x1;
	s10 =	sld [smem:$0x3FB2]  }
0x3d: {  	_ =	shalt  }
0x3e: {  	_ =	shalt  }
0x3f: {  	_ =	shalt  }
0x40: {  	_ =	shalt  }
0x41: {  	_ =	shalt  }
0x42: {  	_ =	shalt  }
0x43: {  	_ =	shalt  }
0x44: {  	_ =	shalt  }
0x45: {  	_ =	shalt  }
0x46: {  	_ =	shalt  }
0x47: {  	_ =	shalt  }
0x48: {  	_ =	shalt  }
0x49: {  	_ =	shalt  }
0x4a: {  	_ =	shalt  }
0x4b: {  	_ =	shalt  }
0x4c: {  	_ =	shalt  }
0x4d: {  	_ =	shalt  }
0x4e: {  	_ =	shalt  }
0x4f: {  	_ =	shalt  }
0x50: {  	_ =	shalt  }
0x51: {  	_ =	shalt  }
0x52: {  	_ =	shalt  }
0x53: {  	_ =	shalt  }
0x54: {  	_ =	shalt  }
0x55: {  	_ =	shalt  }
0x56: {  	_ =	shalt  }
0x57: {  	_ =	shalt  }
0x58: {  	_ =	shalt  }
0x59: {  	_ =	shalt  }
0x5a: {  	_ =	shalt  }
0x5b: {  	_ =	shalt  }
0x5c: {  	_ =	shalt  }
0x5d: {  	_ =	shalt  }
0x5e: {  	_ =	shalt  }
0x5f: {  	_ =	shalt  }
0x60: {  	_ =	shalt  }
0x61: {  	_ =	shalt  }
0x62: {  	_ =	shalt  }
0x63: {  	_ =	shalt  }
0x64: {  	_ =	shalt  }
0x65: {  	_ =	shalt  }
0x66: {  	_ =	shalt  }
0x67: {  	_ =	shalt  }
0x68: {  	_ =	shalt  }
0x69: {  	_ =	shalt  }
0x6a: {  	_ =	shalt  }
0x6b: {  	_ =	shalt  }
0x6c: {  	_ =	shalt  }
0x6d: {  	_ =	shalt  }
0x6e: {  	_ =	shalt  }
0x6f: {  	_ =	shalt  }
0x70: {  	_ =	shalt  }
0x71: {  	_ =	shalt  }
0x72: {  	_ =	shalt  }
0x73: {  	_ =	shalt  }
0x74: {  	_ =	shalt  }
0x75: {  	_ =	shalt  }
0x76: {  	_ =	shalt  }
0x77: {  	_ =	shalt  }
0x78: {  	_ =	shalt  }
0x79: {  	_ =	shalt  }
0x7a: {  	_ =	shalt  }
0x7b: {  	_ =	shalt  }
0x7c: {  	_ =	shalt  }
0x7d: {  	_ =	shalt  }
0x7e: {  	_ =	shalt  }
0x7f: {  	_ =	shalt  }
0x80: {  	_ =	shalt  }
0x81: {  	_ =	shalt  }
0x82: {  	_ =	shalt  }
0x83: {  	_ =	shalt  }
0x84: {  	_ =	shalt  }
0x85: {  	_ =	shalt  }
0x86: {  	_ =	shalt  }
0x87: {  	_ =	shalt  }
.Lfunc_end0:
.L_simem_size_0:
called_computation_lowered:
.L_overlay_start_0:
0x88: {  	s2 =	sld [smem:$0x3FD9]  }
0x89: {  	s3 =	sld [smem:$0x3FFE];
	_ =	sdelay $0x1  }
0x8a: {  	s1 =	srdreg.scid  }
0x8b: {  	s0 =	sand.u32 $0x1, s1  }
0x8c: {  	s17 =	sshll.u32 s0, $0xA;
	s2 =	sadd.s32 s3, s2  }
0x8d: {  	s2 =	sadd.s32 s2, s17  }
0x8e: {  	[smem:$0x3FBE] =	sst s2  }
0x8f: {  	_ = 	snop  }
0x90: {  	s2 =	sld [smem:$0x3FD0];
	(tm) =	ssettm $0x1  }
0x91: {  	s18 =	sld [smem:$0x3FFB];
	_ =	sdelay $0x3  }
0x92: {  	_ =	strace s18  }
0x93: {  	s3 =	sld [smem:$0x3FFC];
	_ =	sdelay $0x3  }
0x94: {  	_ =	strace s3  }
0x95: {  	s3 =	sld [smem:$0x3FFD];
	_ =	sdelay $0x3  }
0x96: {  	_ =	strace s3  }
0x97: {  	_ =	strace $0x8FFFFFFF  }
0x98: {  	s19 =	sld [smem:$0x3FDB];
	_ =	sdelay $0x1  }
0x99: {  	s4 =	simm.s32 $_scs_section_size  }
0x9a: {  	s5 =	simm.s32 $_size__tile_overlayer_lowered;
	s6 =	simm.s32 $_tile_overlayer_lowered  }
0x9b: {  	s22 =	simm.s32 $0x1BFF;
	s21 =	sshll.u32 s6, $0x1;
	s3 =	sadd.s32 s4, s19  }
0x9c: {  	s7 =	simm.s32 $0x0;
	s20 =	sshll.u32 s5, $0x1;
	s5 =	sadd.s32 s21, s3  }
0x9d: {  	[timem:s7], [sflag:s22] =	dma.local [hbm:s5], s20  }
0x9e: {  	_ =	swait.ge [sflag:s22], s20  }
0x9f: {  	s4 =	ssub.s32 $0x0, s20;
	[sflag:s22] =	ssyncset.done $0x0  }
0xa0: {  	[sflag:s22] =	ssyncadd.s32 s4;
	_ =	sdelay $0x1  }
0xa1: {  	s23 =	simm.s32 $0x1B8B  }
0xa2: {  	_ =	swait.ge [sflag:s23], $0x1  }
0xa3: {  	[sflag:s23] =	ssyncset.done $0x0  }
0xa4: {  	s25 =	simm.s32 $0x1B8E;
	s24 =	sld [smem:$0x3FFE];
	[sflag:s23] =	ssyncadd.s32 $0xFFFFFFFF  }
0xa5: {  	s26 =	simm.s32 $execute0_lowered;
	[smem:$0x3FD2] =	sst s25  }
0xa6: {  	s5 =	sshll.u32 s26, $0x1;
	_ =	strace $0x80000046;
	[dreg:$0x1] =	wrdreg $0xFFFFFFFF  }
0xa7: {  	s28 =	simm.s32 $_size_execute0_lowered;
	s3 =	sadd.s32 s3, s5;
	[dreg:$0x0] =	wrdreg $0x0  }
0xa8: {  	s5 =	sshll.u32 s28, $0x1;
	[dreg:$0x2] =	wrdreg s3  }
0xa9: {  	[dreg:$0x3] =	wrdreg s5  }
0xaa: {  	[dreg:$0x4] =	wrdreg $0xC0  }
0xab: {  	_ =	task [dreg:s7], $0x5FFFF  }
0xac: {  	[dreg:$0x1] =	wrdreg $0xFFFFFFFF  }
0xad: {  	[dreg:$0x0] =	wrdreg $0x60  }
0xae: {  	[dreg:$0x2] =	wrdreg s24  }
0xaf: {  	[dreg:$0x3] =	wrdreg s2  }
0xb0: {  	[dreg:$0x4] =	wrdreg $0xB0100  }
0xb1: {  	[dreg:$0x5] =	wrdreg $0x9  }
0xb2: {  	_ =	task.clear_ibuf [dreg:s7], $0x6FFFF;
	_ =	strace $0x90000046  }
0xb3: {  	s29 =	simm.s32 $0x9;
	_ =	strace $0x80000048  }
0xb4: {  	_ =	swait.ge [sflag:s29], $0x1  }
0xb5: {  	[sflag:s29] =	ssyncadd.s32 $0xFFFFFFFF  }
0xb6: {  	_ =	strace $0x90000048  }
0xb7: {  	_ =	sfence  }
0xb8: {  	s30 =	sld [smem:$0x0];
	_ =	sdelay $0x2  }
0xb9: {  	s31 =	sshll.u32 s1, $0xD;
	s1 =	sshrl.u32 s1, $0x2  }
0xba: {  	s3 =	sand.u32 $0x4000, s31;
	s1 =	sadd.s32 s1, s30  }
0xbb: {  	s0 =	sor.u32 s3, s0;
	s1 =	sshll.u32 s1, $0x11  }
0xbc: {  	s0 =	sor.u32 s1, s0  }
0xbd: {  	s0 =	sadd.s32 $0x8F2B, s0  }
0xbe: {  	[sflag:s0] =	ssyncadd.remote.s32 $0x1  }
0xbf: {  	_ =	sfence.sel $0xFFFF  }
0xc0: {  	[dreg:$0x0] =	wrdreg $0xFFFFFFFF;
	(pc) =	sbr.abs _section_cstart, $3  }
0xc1: {  	[dreg:$0x1] =	wrdreg $0xFFFFFFFF  }
0xc2: {  	_ =	task.clear_ibuf [dreg:s7], $0x2FFFF;
	_ =	strace $0x9FFFFFFF  }
0xc3: {  	(tm) =	ssettm $0x7FFFFFFF  }
tec
execute0_lowered:
.L_overlay_start_1:
0x0: {  	(tag) =	ssettag $0x1  }
0x1: {  	s0 =	rddreg [dreg:$0x0]  }
0x2: {  	s4 =	rddreg [dreg:$0x1]  }
0x3: {  	s1 =	rddreg [dreg:$0x2];
	s2 =	simm.s32 $0x0;
	s6 =	srdreg.scid  }
0x4: {  	s14 =	stileid.u32;
	s15 =	simm.s32 $0x80;
	s16 =	simm.s32 $0x2800  }
0x5: {  	s17 =	simm.s32 $0x5800;
	s18 =	simm.s32 $0x4000;
	s19 =	simm.s32 $0x6000  }
0x6: {  	s20 =	simm.s32 $0x1;
	s21 =	simm.s32 $0x6800;
	s22 =	simm.s32 $0xB000  }
0x7: {  	s23 =	simm.s32 $0x2;
	s25 =	simm.s32 $0x8C00;
	s26 =	simm.s32 $0x0  }
0x8: {  	[smem:$0x7FF] =	sst s2;
	s3 =	sadd.s32 $0x1EA00, s0;
	s5 =	sadd.s32 $0x14A00, s0  }
0x9: {  	s8 =	sand.u32 $0x1, s6;
	s6 =	sadd.s32 $0xA00, s0;
	s7 =	sadd.s32 $0xFA00, s0  }
0xa: {  	s11 =	smul.u32 $0xB400, s14;
	s12 =	sshll.u32 s14, $0x1;
	s30 =	sshll.u32 s14, $0x6  }
0xb: {  	v1 =	vlaneseq.u32;
	s14 =	simm.s32 $0x1400;
	s9 =	smul.u32 $0x16800, s8;
	s10 =	ssub.s32 $0x2, s8  }
0xc: {  	v0 =	vand.u32 $0x7, v1;
	v1 =	vshrl.u32 v1, $0x3;
	_ =	strace $0x80000047;
	s8 =	sor.u32 s8, s12;
	s29 =	sshrl.u32 s10, $0x1  }
0xd: {  	v3 =	vor.u32 $0x4, v1;
	s24 =	sshrl.u32 s11, $0x3;
	s11 =	sadd.s32 s11, s1;
	s0 =	sadd.s32 s9, s0  }
0xe: {  	s13 =	ssub.s32 s10, s29;
	s4 =	sadd.s32 s4, s24;
	s9 =	sor.u32 $0x1C03, s30  }
0xf: {  	[dreg:$0x4] =	wrdreg s4;
	s0 =	sadd.s32 $0x28A00, s0;
	s31 =	smax.u32 s13, $0x1  }
0x10: {  	s10 =	smul.u32 $0x50, s8;
	[dreg:$0x5] =	wrdreg s31;
	s0 =	sadd.s32 s24, s0  }
0x11: {  	v2 =	vor.u32 $0x2, v1;
	v4 =	vor.u32 $0x6, v1;
	s12 =	sshrl.u32 s11, $0x3;
	s13 =	simm.s32 $0x3;
	[dreg:$0x6] =	wrdreg s0  }
.LBB2_1:
0x12: {  	s0 =	rddreg [dreg:$0x4]  }
0x13: {  	[spmem:s12], [sflag:s9] =	dma.local [hbm:s0], $0x1680  }
0x14: {  	_ =	swait.ge [sflag:s13], $0x1680  }
0x15: {  	[sflag:s13] =	ssyncset.done $0x0  }
0x16: {  	[sflag:s13] =	ssyncadd.s32 $0xFFFFE980  }
0x17: {  	p1 =	por $0x1, $0x1;
	s0 =	simm.s32 $0x0;
	[bflag:$0x0] =	sbarrier.arrive $0xFFFF  }
.LBB2_2:
0x18: {  	s0 =	sadd.s32 s10, s0  }
0x19: {  	s0 =	sshll.u32 s0, $0x4  }
0x1a: {  	s4 =	sadd.s32 s3, s0  }
0x1b: {  	[tilespmem:s26], [sflag:$0x3] =	stream.linear.gather [hbm4b:s4+s26], $0x1400, $0x38;
	[tilespmem:$0x16410] =	vst v63  }
0x1c: {  	_ =	swait.ge [sflag:s13], $0x1400  }
0x1d: {  	[sflag:s13] =	ssyncset.done $0x0  }
0x1e: {  	s0 =	sadd.s32 s5, s0;
	[sflag:s13] =	ssyncadd.s32 $0xFFFFEC00  }
0x1f: {  	[tilespmem:s14], [sflag:$0x3] =	stream.linear.gather [hbm4b:s0+s26], $0x1400, $0x38;
	[tilespmem:$0x16410] =	vst v63  }
0x20: {  	_ =	swait.ge [sflag:s13], $0x1400  }
0x21: {  	[sflag:s13] =	ssyncset.done $0x0  }
0x22: {  	[sflag:s13] =	ssyncadd.s32 $0xFFFFEC00  }
0x23: {  	[tilespmem:s16], [sflag:$0x1] =	stream.indirect.gather [hbm4b:s6+s15], $0x30, s26, s15, $0xb8;
	[tilespmem:$0x16410] =	vst v63  }
0x24: {  	p0 =	por p1, p1;
	s28 =	simm.s32 $0x0  }
0x25: {  	[tilespmem:s17], [sflag:$0x1] =	stream.indirect.gather [hbm4b:s7+s15], $0x10, s14, s15, $0xb8;
	[tilespmem:$0x16410] =	vst v63  }
.LBB2_3:
0x26: {  	s29 =	sshll.u32 s28, $0x8  }
0x27: {  	s0 =	sor.u32 $0x80, s29  }
0x28: {  	[tilespmem:s18], [sflag:$0x2] =	stream.indirect.gather [hbm4b:s6+s15], $0x30, s0, s15, $0xb8;
	[tilespmem:$0x16410] =	vst v63  }
0x29: {  	s30 =	sadd.s32 $0x1480, s29  }
0x2a: {  	[tilespmem:s19], [sflag:$0x2] =	stream.indirect.gather [hbm4b:s7+s15], $0x10, s30, s15, $0xb8;
	[tilespmem:$0x16410] =	vst v63  }
0x2b: {  	_ =	swait.ge [sflag:s20], $0x1800  }
0x2c: {  	[sflag:s20] =	ssyncset.done $0x0  }
0x2d: {  	[sflag:s20] =	ssyncadd.s32 $0xFFFFE800  }
0x2e: {  	_ =	swait.ge [sflag:s20], $0x800  }
0x2f: {  	[sflag:s20] =	ssyncset.done $0x0  }
0x30: {  	s31 =	simm.s32 $0x2830;
	[sflag:s20] =	ssyncadd.s32 $0xFFFFF800  }
0x31: {  	s0 =	simm.s32 $0x5810;
	v5 =	vld [tilespmem:s31+$0xFFFFFFF0]  }
0x32: {  	v6 =	vld [tilespmem:s0+$0xFFFFFFF0];
	_ =	sdelay $0x3  }
0x33: {  	v5 =	vunpack.i.l.bf16.f32 v5  }
0x34: {  	v5 =	vadd.f32 v6, v5;
	_ =	sdelay $0x1  }
0x35: {  	v6 =	vmul.f32 $2.000000030e-01, v5;
	_ =	sdelay $0x1  }
0x36: {  	v5 =	vmax.f32 v5, v6  }
0x37: {  	v5 =	vmul.f32 $1.442695020e+00, v5;
	_ =	sdelay $0x1  }
0x38: {  	v6 =	vmov s26;
	(erf) = vpow2.f32 v5  }
0x39: {  	v5 =	vmul.u32 $0x48, v6;
	_ =	sdelay $0x1  }
0x3a: {  	v5 =	vadd.s32 $0x40, v5  }
0x3b: {  	v5 =	vbroadcast v5, $0x0;
	_ =	sdelay $0x1  }
0x3c: {  	v5 =	vor.u32 v0, v5;
	_ =	sdelay $0x2  }
0x3d: {  	v6 =	vpop (erf)  }
0x3e: {  	[tilespmem:$0xB000] =	vst v6  }
0x3f: {  	[tilespmem:v5+s21+$0x0] =	vst.idx.msk $0xff, v6  }
0x40: {  	v5 =	vld [tilespmem:s31+$0xFFFFFFD0]  }
0x41: {  	v6 =	vld.idx.msk [tilespmem:v2+s22+$0x0], $0xffff  }
0x42: {  	v7 =	vld.idx.msk [tilespmem:v1+s22+$0x0], $0xffff;
	_ =	sdelay $0x2  }
0x43: {  	v8 =	vunpack.i.u.bf16.f32 v5  }
0x44: {  	v5 =	vunpack.i.l.bf16.f32 v5;
	v6 =	vmul.f32 v6, v8  }
0x45: {  	s4 =	simm.s32 $0x6848;
	v5 =	vmul.f32 v7, v5  }
0x46: {  	[tilespmem:s4+$0xFFFFFFC8] =	vst v6  }
0x47: {  	[tilespmem:s4+$0xFFFFFFB8] =	vst v5  }
0x48: {  	v5 =	vld [tilespmem:s31+$0xFFFFFFE0]  }
0x49: {  	v6 =	vld.idx.msk [tilespmem:v3+s22+$0x0], $0xffff  }
0x4a: {  	v7 =	vld.idx.msk [tilespmem:v4+s22+$0x0], $0xffff;
	_ =	sdelay $0x2  }
0x4b: {  	v8 =	vunpack.i.l.bf16.f32 v5  }
0x4c: {  	v5 =	vunpack.i.u.bf16.f32 v5;
	v6 =	vmul.f32 v6, v8  }
0x4d: {  	v5 =	vmul.f32 v7, v5  }
0x4e: {  	[tilespmem:s4+$0xFFFFFFD8] =	vst v6  }
0x4f: {  	[tilespmem:s4+$0xFFFFFFE8] =	vst v5  }
0x50: {  	v5 =	vld [tilespmem:s31+$0x20]  }
0x51: {  	v6 =	vld [tilespmem:s0+$0x0];
	_ =	sdelay $0x3  }
0x52: {  	v5 =	vunpack.i.l.bf16.f32 v5  }
0x53: {  	v5 =	vadd.f32 v6, v5;
	_ =	sdelay $0x1  }
0x54: {  	v6 =	vmul.f32 $2.000000030e-01, v5;
	_ =	sdelay $0x1  }
0x55: {  	v5 =	vmax.f32 v5, v6  }
0x56: {  	v5 =	vmul.f32 $1.442695020e+00, v5  }
0x57: {  	s8 =	simm.s32 $0x1  }
0x58: {  	v6 =	vmov s8;
	(erf) = vpow2.f32 v5  }
0x59: {  	v5 =	vmul.u32 $0x48, v6;
	_ =	sdelay $0x1  }
0x5a: {  	v5 =	vadd.s32 $0x40, v5  }
0x5b: {  	v5 =	vbroadcast v5, $0x0;
	_ =	sdelay $0x1  }
0x5c: {  	v5 =	vor.u32 v0, v5;
	_ =	sdelay $0x2  }
0x5d: {  	v6 =	vpop (erf)  }
0x5e: {  	[tilespmem:$0xB000] =	vst v6  }
0x5f: {  	[tilespmem:v5+s21+$0x0] =	vst.idx.msk $0xff, v6  }
0x60: {  	v5 =	vld [tilespmem:s31+$0x0]  }
0x61: {  	v6 =	vld.idx.msk [tilespmem:v2+s22+$0x0], $0xffff  }
0x62: {  	v7 =	vld.idx.msk [tilespmem:v1+s22+$0x0], $0xffff;
	_ =	sdelay $0x2  }
0x63: {  	v8 =	vunpack.i.u.bf16.f32 v5  }
0x64: {  	v5 =	vunpack.i.l.bf16.f32 v5;
	v6 =	vmul.f32 v6, v8  }
0x65: {  	v5 =	vmul.f32 v7, v5  }
0x66: {  	[tilespmem:s4+$0x10] =	vst v6  }
0x67: {  	[tilespmem:s4+$0x0] =	vst v5  }
0x68: {  	v5 =	vld [tilespmem:s31+$0x10]  }
0x69: {  	s11 =	simm.s32 $0x2;
	s8 =	simm.s32 $0x6848;
	v6 =	vld.idx.msk [tilespmem:v4+s22+$0x0], $0xffff  }
.LBB2_4:
0x6a: {  	v7 =	vld.idx.msk [tilespmem:v3+s22+$0x0], $0xffff;
	s0 =	sadd.s32 $0x20, s0;
	s31 =	sadd.s32 $0x60, s31;
	s4 =	sadd.s32 $0x90, s4  }
0x6b: {  	p1 =	slt.u32 s11, $0x7E;
	s24 =	smov.u32 s11;
	s11 =	sadd.s32 $0x2, s11  }
0x6c: {  	_ =	sdelay $0x1  }
0x6d: {  	v8 =	vunpack.i.u.bf16.f32 v5;
	v5 =	vunpack.i.l.bf16.f32 v5  }
0x6e: {  	v6 =	vmul.f32 v6, v8  }
0x6f: {  	v5 =	vmul.f32 v7, v5  }
0x70: {  	[tilespmem:s8+$0x30] =	vst v6  }
0x71: {  	[tilespmem:s8+$0x20] =	vst v5;
	s8 =	smov.u32 s4  }
0x72: {  	v5 =	vld [tilespmem:s31+$0xFFFFFFF0]  }
0x73: {  	v6 =	vld [tilespmem:s0+$0xFFFFFFF0];
	_ =	sdelay $0x3  }
0x74: {  	v5 =	vunpack.i.l.bf16.f32 v5  }
0x75: {  	v5 =	vadd.f32 v6, v5;
	_ =	sdelay $0x1  }
0x76: {  	v6 =	vmul.f32 $2.000000030e-01, v5;
	_ =	sdelay $0x1  }
0x77: {  	v5 =	vmax.f32 v5, v6  }
0x78: {  	v5 =	vmul.f32 $1.442695020e+00, v5;
	_ =	sdelay $0x1  }
0x79: {  	v6 =	vmov s24;
	(erf) = vpow2.f32 v5  }
0x7a: {  	v5 =	vmul.u32 $0x48, v6;
	_ =	sdelay $0x1  }
0x7b: {  	v5 =	vadd.s32 $0x40, v5  }
0x7c: {  	v5 =	vbroadcast v5, $0x0;
	_ =	sdelay $0x1  }
0x7d: {  	v5 =	vor.u32 v0, v5;
	_ =	sdelay $0x2  }
0x7e: {  	v6 =	vpop (erf)  }
0x7f: {  	[tilespmem:$0xB000] =	vst v6  }
0x80: {  	[tilespmem:v5+s21+$0x0] =	vst.idx.msk $0xff, v6  }
0x81: {  	v5 =	vld.idx.msk [tilespmem:v2+s22+$0x0], $0xffff  }
0x82: {  	v6 =	vld [tilespmem:s31+$0xFFFFFFD0]  }
0x83: {  	v7 =	vld.idx.msk [tilespmem:v1+s22+$0x0], $0xffff;
	_ =	sdelay $0x3  }
0x84: {  	v8 =	vunpack.i.u.bf16.f32 v6;
	v6 =	vunpack.i.l.bf16.f32 v6  }
0x85: {  	v5 =	vmul.f32 v5, v8  }
0x86: {  	v6 =	vmul.f32 v7, v6  }
0x87: {  	[tilespmem:s4+$0xFFFFFFC8] =	vst v5  }
0x88: {  	[tilespmem:s4+$0xFFFFFFB8] =	vst v6  }
0x89: {  	v5 =	vld [tilespmem:s31+$0xFFFFFFE0]  }
0x8a: {  	v6 =	vld.idx.msk [tilespmem:v3+s22+$0x0], $0xffff  }
0x8b: {  	v7 =	vld.idx.msk [tilespmem:v4+s22+$0x0], $0xffff;
	_ =	sdelay $0x2  }
0x8c: {  	v8 =	vunpack.i.u.bf16.f32 v5  }
0x8d: {  	v5 =	vunpack.i.l.bf16.f32 v5  }
0x8e: {  	v5 =	vmul.f32 v6, v5  }
0x8f: {  	v6 =	vmul.f32 v7, v8  }
0x90: {  	[tilespmem:s4+$0xFFFFFFD8] =	vst v5  }
0x91: {  	[tilespmem:s4+$0xFFFFFFE8] =	vst v6  }
0x92: {  	v5 =	vld [tilespmem:s31+$0x20]  }
0x93: {  	v6 =	vld [tilespmem:s0+$0x0];
	_ =	sdelay $0x3  }
0x94: {  	v5 =	vunpack.i.l.bf16.f32 v5  }
0x95: {  	v5 =	vadd.f32 v6, v5;
	_ =	sdelay $0x1  }
0x96: {  	v6 =	vmul.f32 $2.000000030e-01, v5;
	_ =	sdelay $0x1  }
0x97: {  	v5 =	vmax.f32 v5, v6  }
0x98: {  	v5 =	vmul.f32 $1.442695020e+00, v5  }
0x99: {  	s24 =	sadd.s32 $0x1, s24  }
0x9a: {  	v6 =	vmov s24;
	(erf) = vpow2.f32 v5  }
0x9b: {  	v5 =	vmul.u32 $0x48, v6;
	_ =	sdelay $0x1  }
0x9c: {  	v5 =	vadd.s32 $0x40, v5  }
0x9d: {  	v5 =	vbroadcast v5, $0x0;
	_ =	sdelay $0x1  }
0x9e: {  	v5 =	vor.u32 v0, v5;
	_ =	sdelay $0x2  }
0x9f: {  	v6 =	vpop (erf)  }
0xa0: {  	[tilespmem:$0xB000] =	vst v6  }
0xa1: {  	[tilespmem:v5+s21+$0x0] =	vst.idx.msk $0xff, v6  }
0xa2: {  	v5 =	vld [tilespmem:s31+$0x0]  }
0xa3: {  	v6 =	vld.idx.msk [tilespmem:v2+s22+$0x0], $0xffff  }
0xa4: {  	v7 =	vld.idx.msk [tilespmem:v1+s22+$0x0], $0xffff;
	_ =	sdelay $0x3  }
0xa5: {  	v8 =	vunpack.i.u.bf16.f32 v5  }
0xa6: {  	v5 =	vunpack.i.l.bf16.f32 v5;
	v6 =	vmul.f32 v6, v8  }
.Ltmp0:
0xa7: {  	v5 =	vmul.f32 v7, v5;
	(pc) =	sbr.rel @p1 .LBB2_4-.Ltmp0, $4  }
0xa8: {  	[tilespmem:s4+$0x10] =	vst v6  }
0xa9: {  	[tilespmem:s4+$0x0] =	vst v5  }
0xaa: {  	v5 =	vld [tilespmem:s31+$0x10]  }
0xab: {  	v6 =	vld.idx.msk [tilespmem:v4+s22+$0x0], $0xffff  }
0xac: {  	_ =	sdelay $0x3  }
0xad: {  	v7 =	vld.idx.msk [tilespmem:v3+s22+$0x0], $0xffff;
	_ =	sdelay $0x2  }
0xae: {  	v8 =	vunpack.i.u.bf16.f32 v5  }
0xaf: {  	v5 =	vunpack.i.l.bf16.f32 v5;
	v6 =	vmul.f32 v6, v8  }
0xb0: {  	v5 =	vmul.f32 v7, v5  }
0xb1: {  	p1 =	seq.s32 s28, $0x13;
	[tilespmem:s8+$0x30] =	vst v6  }
0xb2: {  	s0 =	sadd.s32 @!p1 $0x100, s29;
	s4 =	simm.s32 @!p1 $0x80;
	[tilespmem:s8+$0x20] =	vst v5;
	s8 =	simm.s32 @!p1 $0x2800  }
0xb3: {  	[tilespmem:s8], [sflag:$0x1] =	stream.indirect.gather @!p1 [hbm4b:s6+s4], $0x30, s0, s4, $0xb8;
	[tilespmem:$0x16410] =	vst v63  }
0xb4: {  	s0 =	sadd.s32 @!p1 $0x1500, s29;
	s8 =	simm.s32 @!p1 $0x5800  }
0xb5: {  	[tilespmem:s8], [sflag:$0x1] =	stream.indirect.gather @!p1 [hbm4b:s7+s4], $0x10, s0, s4, $0xb8;
	[tilespmem:$0x16410] =	vst v63  }
0xb6: {  	s8 =	sand.u32 $0x3FFFFF00, s29  }
0xb7: {  	s0 =	sadd.s32 $0x1400, s8  }
0xb8: {  	[spmem:s1] =	stream.indirect.scatter.add.f32 [tilespmem:s21], [sflag:$0x3], $0x48, s0, s15, $0xb8;
	[tilespmem:$0x16410] =	vst v63  }
0xb9: {  	_ =	swait.ge [sflag:s13], $0x2400  }
0xba: {  	[sflag:s13] =	ssyncset.done $0x0  }
0xbb: {  	[sflag:s13] =	ssyncadd.s32 $0xFFFFDC00  }
0xbc: {  	_ =	swait.ge [sflag:s23], $0x1800  }
0xbd: {  	[sflag:s23] =	ssyncset.done $0x0  }
0xbe: {  	[sflag:s23] =	ssyncadd.s32 $0xFFFFE800  }
0xbf: {  	_ =	swait.ge [sflag:s23], $0x800  }
0xc0: {  	[sflag:s23] =	ssyncset.done $0x0  }
0xc1: {  	s31 =	simm.s32 $0x4030;
	[sflag:s23] =	ssyncadd.s32 $0xFFFFF800  }
0xc2: {  	s0 =	simm.s32 $0x6010;
	v5 =	vld [tilespmem:s31+$0xFFFFFFF0]  }
0xc3: {  	v6 =	vld [tilespmem:s0+$0xFFFFFFF0];
	_ =	sdelay $0x3  }
0xc4: {  	v5 =	vunpack.i.l.bf16.f32 v5  }
0xc5: {  	v5 =	vadd.f32 v6, v5;
	_ =	sdelay $0x1  }
0xc6: {  	v6 =	vmul.f32 $2.000000030e-01, v5;
	_ =	sdelay $0x1  }
0xc7: {  	v5 =	vmax.f32 v5, v6  }
0xc8: {  	v5 =	vmul.f32 $1.442695020e+00, v5  }
0xc9: {  	s11 =	simm.s32 $0x0  }
0xca: {  	v6 =	vmov s11;
	(erf) = vpow2.f32 v5  }
0xcb: {  	v5 =	vmul.u32 $0x48, v6;
	_ =	sdelay $0x1  }
0xcc: {  	v5 =	vadd.s32 $0x40, v5  }
0xcd: {  	v5 =	vbroadcast v5, $0x0;
	_ =	sdelay $0x1  }
0xce: {  	v5 =	vor.u32 v0, v5;
	_ =	sdelay $0x2  }
0xcf: {  	v6 =	vpop (erf)  }
0xd0: {  	[tilespmem:$0xB000] =	vst v6  }
0xd1: {  	[tilespmem:v5+s25+$0x0] =	vst.idx.msk $0xff, v6  }
0xd2: {  	v5 =	vld [tilespmem:s31+$0xFFFFFFD0]  }
0xd3: {  	v6 =	vld.idx.msk [tilespmem:v2+s22+$0x0], $0xffff  }
0xd4: {  	v7 =	vld.idx.msk [tilespmem:v1+s22+$0x0], $0xffff;
	_ =	sdelay $0x2  }
0xd5: {  	v8 =	vunpack.i.u.bf16.f32 v5  }
0xd6: {  	v5 =	vunpack.i.l.bf16.f32 v5;
	v6 =	vmul.f32 v6, v8  }
0xd7: {  	s4 =	simm.s32 $0x8C48;
	v5 =	vmul.f32 v7, v5  }
0xd8: {  	[tilespmem:s4+$0xFFFFFFC8] =	vst v6  }
0xd9: {  	[tilespmem:s4+$0xFFFFFFB8] =	vst v5  }
0xda: {  	v5 =	vld [tilespmem:s31+$0xFFFFFFE0]  }
0xdb: {  	v6 =	vld.idx.msk [tilespmem:v3+s22+$0x0], $0xffff  }
0xdc: {  	v7 =	vld.idx.msk [tilespmem:v4+s22+$0x0], $0xffff;
	_ =	sdelay $0x2  }
0xdd: {  	v8 =	vunpack.i.l.bf16.f32 v5  }
0xde: {  	v5 =	vunpack.i.u.bf16.f32 v5;
	v6 =	vmul.f32 v6, v8  }
0xdf: {  	v5 =	vmul.f32 v7, v5  }
0xe0: {  	[tilespmem:s4+$0xFFFFFFD8] =	vst v6  }
0xe1: {  	[tilespmem:s4+$0xFFFFFFE8] =	vst v5  }
0xe2: {  	v5 =	vld [tilespmem:s31+$0x20]  }
0xe3: {  	v6 =	vld [tilespmem:s0+$0x0];
	_ =	sdelay $0x3  }
0xe4: {  	v5 =	vunpack.i.l.bf16.f32 v5  }
0xe5: {  	v5 =	vadd.f32 v6, v5;
	_ =	sdelay $0x1  }
0xe6: {  	v6 =	vmul.f32 $2.000000030e-01, v5;
	_ =	sdelay $0x1  }
0xe7: {  	v5 =	vmax.f32 v5, v6  }
0xe8: {  	v5 =	vmul.f32 $1.442695020e+00, v5  }
0xe9: {  	s24 =	simm.s32 $0x1  }
0xea: {  	v6 =	vmov s24;
	(erf) = vpow2.f32 v5  }
0xeb: {  	v5 =	vmul.u32 $0x48, v6;
	_ =	sdelay $0x1  }
0xec: {  	v5 =	vadd.s32 $0x40, v5  }
0xed: {  	v5 =	vbroadcast v5, $0x0;
	_ =	sdelay $0x1  }
0xee: {  	v5 =	vor.u32 v0, v5;
	_ =	sdelay $0x2  }
0xef: {  	v6 =	vpop (erf)  }
0xf0: {  	[tilespmem:$0xB000] =	vst v6  }
0xf1: {  	[tilespmem:v5+s25+$0x0] =	vst.idx.msk $0xff, v6  }
0xf2: {  	v5 =	vld [tilespmem:s31+$0x0]  }
0xf3: {  	v6 =	vld.idx.msk [tilespmem:v2+s22+$0x0], $0xffff  }
0xf4: {  	v7 =	vld.idx.msk [tilespmem:v1+s22+$0x0], $0xffff;
	_ =	sdelay $0x2  }
0xf5: {  	v8 =	vunpack.i.u.bf16.f32 v5  }
0xf6: {  	v5 =	vunpack.i.l.bf16.f32 v5;
	v6 =	vmul.f32 v6, v8  }
0xf7: {  	v5 =	vmul.f32 v7, v5  }
0xf8: {  	[tilespmem:s4+$0x10] =	vst v6  }
0xf9: {  	[tilespmem:s4+$0x0] =	vst v5  }
0xfa: {  	v5 =	vld [tilespmem:s31+$0x10]  }
0xfb: {  	s8 =	simm.s32 $0x8C48;
	s11 =	simm.s32 $0x2;
	v6 =	vld.idx.msk [tilespmem:v4+s22+$0x0], $0xffff  }
.LBB2_6:
0xfc: {  	v7 =	vld.idx.msk [tilespmem:v3+s22+$0x0], $0xffff;
	s0 =	sadd.s32 $0x20, s0;
	s31 =	sadd.s32 $0x60, s31;
	s4 =	sadd.s32 $0x90, s4  }
0xfd: {  	p2 =	slt.u32 s11, $0x7E;
	s24 =	smov.u32 s11;
	s11 =	sadd.s32 $0x2, s11  }
0xfe: {  	_ =	sdelay $0x1  }
0xff: {  	v8 =	vunpack.i.u.bf16.f32 v5;
	v5 =	vunpack.i.l.bf16.f32 v5  }
0x100: {  	v6 =	vmul.f32 v6, v8  }
0x101: {  	v5 =	vmul.f32 v7, v5  }
0x102: {  	[tilespmem:s8+$0x30] =	vst v6  }
0x103: {  	[tilespmem:s8+$0x20] =	vst v5;
	s8 =	smov.u32 s4  }
0x104: {  	v5 =	vld [tilespmem:s31+$0xFFFFFFF0]  }
0x105: {  	v6 =	vld [tilespmem:s0+$0xFFFFFFF0];
	_ =	sdelay $0x3  }
0x106: {  	v5 =	vunpack.i.l.bf16.f32 v5  }
0x107: {  	v5 =	vadd.f32 v6, v5;
	_ =	sdelay $0x1  }
0x108: {  	v6 =	vmul.f32 $2.000000030e-01, v5;
	_ =	sdelay $0x1  }
0x109: {  	v5 =	vmax.f32 v5, v6  }
0x10a: {  	v5 =	vmul.f32 $1.442695020e+00, v5;
	_ =	sdelay $0x1  }
0x10b: {  	v6 =	vmov s24;
	(erf) = vpow2.f32 v5  }
0x10c: {  	v5 =	vmul.u32 $0x48, v6;
	_ =	sdelay $0x1  }
0x10d: {  	v5 =	vadd.s32 $0x40, v5  }
0x10e: {  	v5 =	vbroadcast v5, $0x0;
	_ =	sdelay $0x1  }
0x10f: {  	v5 =	vor.u32 v0, v5;
	_ =	sdelay $0x2  }
0x110: {  	v6 =	vpop (erf)  }
0x111: {  	[tilespmem:$0xB000] =	vst v6  }
0x112: {  	[tilespmem:v5+s25+$0x0] =	vst.idx.msk $0xff, v6  }
0x113: {  	v5 =	vld.idx.msk [tilespmem:v2+s22+$0x0], $0xffff  }
0x114: {  	v6 =	vld [tilespmem:s31+$0xFFFFFFD0]  }
0x115: {  	v7 =	vld.idx.msk [tilespmem:v1+s22+$0x0], $0xffff;
	_ =	sdelay $0x3  }
0x116: {  	v8 =	vunpack.i.u.bf16.f32 v6;
	v6 =	vunpack.i.l.bf16.f32 v6  }
0x117: {  	v5 =	vmul.f32 v5, v8  }
0x118: {  	v6 =	vmul.f32 v7, v6  }
0x119: {  	[tilespmem:s4+$0xFFFFFFC8] =	vst v5  }
0x11a: {  	[tilespmem:s4+$0xFFFFFFB8] =	vst v6  }
0x11b: {  	v5 =	vld [tilespmem:s31+$0xFFFFFFE0]  }
0x11c: {  	v6 =	vld.idx.msk [tilespmem:v3+s22+$0x0], $0xffff  }
0x11d: {  	v7 =	vld.idx.msk [tilespmem:v4+s22+$0x0], $0xffff;
	_ =	sdelay $0x2  }
0x11e: {  	v8 =	vunpack.i.u.bf16.f32 v5  }
0x11f: {  	v5 =	vunpack.i.l.bf16.f32 v5  }
0x120: {  	v5 =	vmul.f32 v6, v5  }
0x121: {  	v6 =	vmul.f32 v7, v8  }
0x122: {  	[tilespmem:s4+$0xFFFFFFD8] =	vst v5  }
0x123: {  	[tilespmem:s4+$0xFFFFFFE8] =	vst v6  }
0x124: {  	v5 =	vld [tilespmem:s31+$0x20]  }
0x125: {  	v6 =	vld [tilespmem:s0+$0x0];
	_ =	sdelay $0x3  }
0x126: {  	v5 =	vunpack.i.l.bf16.f32 v5  }
0x127: {  	v5 =	vadd.f32 v6, v5;
	_ =	sdelay $0x1  }
0x128: {  	v6 =	vmul.f32 $2.000000030e-01, v5;
	_ =	sdelay $0x1  }
0x129: {  	v5 =	vmax.f32 v5, v6  }
0x12a: {  	v5 =	vmul.f32 $1.442695020e+00, v5  }
0x12b: {  	s24 =	sadd.s32 $0x1, s24  }
0x12c: {  	v6 =	vmov s24;
	(erf) = vpow2.f32 v5  }
0x12d: {  	v5 =	vmul.u32 $0x48, v6;
	_ =	sdelay $0x1  }
0x12e: {  	v5 =	vadd.s32 $0x40, v5  }
0x12f: {  	v5 =	vbroadcast v5, $0x0;
	_ =	sdelay $0x1  }
0x130: {  	v5 =	vor.u32 v0, v5;
	_ =	sdelay $0x2  }
0x131: {  	v6 =	vpop (erf)  }
0x132: {  	[tilespmem:$0xB000] =	vst v6  }
0x133: {  	[tilespmem:v5+s25+$0x0] =	vst.idx.msk $0xff, v6  }
0x134: {  	v5 =	vld [tilespmem:s31+$0x0]  }
0x135: {  	v6 =	vld.idx.msk [tilespmem:v2+s22+$0x0], $0xffff  }
0x136: {  	v7 =	vld.idx.msk [tilespmem:v1+s22+$0x0], $0xffff;
	_ =	sdelay $0x3  }
0x137: {  	v8 =	vunpack.i.u.bf16.f32 v5  }
0x138: {  	v5 =	vunpack.i.l.bf16.f32 v5;
	v6 =	vmul.f32 v6, v8  }
.Ltmp1:
0x139: {  	v5 =	vmul.f32 v7, v5;
	(pc) =	sbr.rel @p2 .LBB2_6-.Ltmp1, $4  }
0x13a: {  	[tilespmem:s4+$0x10] =	vst v6  }
0x13b: {  	[tilespmem:s4+$0x0] =	vst v5  }
0x13c: {  	v5 =	vld [tilespmem:s31+$0x10]  }
0x13d: {  	v6 =	vld.idx.msk [tilespmem:v4+s22+$0x0], $0xffff  }
0x13e: {  	_ =	sdelay $0x3  }
0x13f: {  	v7 =	vld.idx.msk [tilespmem:v3+s22+$0x0], $0xffff;
	_ =	sdelay $0x2  }
0x140: {  	v8 =	vunpack.i.u.bf16.f32 v5  }
0x141: {  	v5 =	vunpack.i.l.bf16.f32 v5;
	v6 =	vmul.f32 v6, v8  }
0x142: {  	v5 =	vmul.f32 v7, v5  }
0x143: {  	[tilespmem:s8+$0x30] =	vst v6  }
0x144: {  	s0 =	sadd.s32 @!p1 $0x180, s29;
	s4 =	simm.s32 @!p1 $0x80;
	[tilespmem:s8+$0x20] =	vst v5;
	s8 =	simm.s32 @!p1 $0x4000  }
0x145: {  	[tilespmem:s8], [sflag:$0x2] =	stream.indirect.gather @!p1 [hbm4b:s6+s4], $0x30, s0, s4, $0xb8;
	[tilespmem:$0x16410] =	vst v63  }
0x146: {  	s28 =	sadd.s32 $0x1, s28;
	s0 =	sadd.s32 @!p1 $0x1580, s29;
	s8 =	simm.s32 @!p1 $0x6000  }
0x147: {  	[tilespmem:s8], [sflag:$0x2] =	stream.indirect.gather @!p1 [hbm4b:s7+s4], $0x10, s0, s4, $0xb8;
	[tilespmem:$0x16410] =	vst v63  }
0x148: {  	p1 =	sne.s32 s28, $0x14  }
.Ltmp2:
0x149: {  	_ = 	snop;
	(pc) =	sbr.rel @p1 .LBB2_3-.Ltmp2, $4  }
0x14a: {  	[spmem:s1] =	stream.indirect.scatter.add.f32 [tilespmem:s25], [sflag:$0x3], $0x48, s30, s15, $0xb8;
	[tilespmem:$0x16410] =	vst v63  }
0x14b: {  	_ =	swait.ge [sflag:s13], $0x2400  }
0x14c: {  	[sflag:s13] =	ssyncset.done $0x0  }
0x14d: {  	[sflag:s13] =	ssyncadd.s32 $0xFFFFDC00  }
.Ltmp3:
0x14e: {  	(pc) =	sbr.rel @p0 .LBB2_2-.Ltmp3, $2  }
0x14f: {  	_ =	sdelay $0x2  }
0x150: {  	s0 =	simm.s32 $0x28;
	p1 =	por $0x0, $0x0  }
0x151: {  	[bflag:$0x0] =	sbarrier.arrive $0xFFFF  }
0x152: {  	s0 =	rddreg [dreg:$0x6]  }
0x153: {  	[hbm:s0], [sflag:s9] =	dma.local [spmem:s12], $0x1680  }
0x154: {  	_ =	swait.ge [sflag:s13], $0x1680  }
0x155: {  	s2 =	sadd.s32 $0x1, s2;
	s31 =	rddreg [dreg:$0x5]  }
0x156: {  	p0 =	sne.s32 s2, s31  }
.Ltmp4:
0x157: {  	_ = 	snop;
	(pc) =	sbr.rel @p0 .LBB2_1-.Ltmp4, $3  }
0x158: {  	_ =	sdelay $0x1  }
0x159: {  	[sflag:s13] =	ssyncset.done $0x0  }
0x15a: {  	[sflag:s13] =	ssyncadd.s32 $0xFFFFE980  }
0x15b: {  	_ =	sfence.sel $0x180000  }
0x15c: {  	[bflag:$0x0] =	sbarrier.arrive $0xFFFF  }
0x15d: {  	_ =	strace $0x90000047  }
0x15e: {  	s0 =	stileid.u32;
	[bflag:$0x2] =	sbarrier.arrive $0xFFFF  }
0x15f: {  	p0 =	sne.s32 s0, $0x0;
	s0 =	rddreg [dreg:$0x3]  }
0x160: {  	s0 =	sadd.s32 @!p0 $0x100000, s0  }
0x161: {  	[sflag:s0] =	ssyncadd.tile.s32 @!p0 $0x1;
	_ =	shalt  }
.Lfunc_end2:
_tile_overlayer_lowered:
.L_overlay_start_2:
0x162: {  	(tag) =	ssettag $0x2  }
0x163: {  	s0 =	rddreg [dreg:$0x0];
	s2 =	stileid.u32  }
0x164: {  	s1 =	rddreg [dreg:$0x1];
	p0 =	sne.s32 s2, $0x0  }
0x165: {  	s3 =	rddreg [dreg:$0x2];
	[bflag:$0x3] =	sbarrier.arrive $0xFFFF;
	s2 =	simm.s32 @!p0 $0x1C03  }
0x166: {  	[timem:s3], [sflag:s2] =	dma.local @!p0 [hbm:s0], s1  }
0x167: {  	s0 =	simm.s32 @!p0 $0x3  }
0x168: {  	_ =	swait.ge @!p0 [sflag:s0], s1  }
0x169: {  	s1 =	ssub.s32 @!p0 $0x0, s1;
	[sflag:s0] =	ssyncset.done @!p0 $0x0  }
0x16a: {  	[sflag:s0] =	ssyncadd.s32 @!p0 s1  }
0x16b: {  	[bflag:$0x3] =	sbarrier.arrive $0xFFFF  }
0x16c: {  	_ =	shalt  }

</sc_bundles>
